<compile_context>
chip_gen: v7x
topology: tpu7x:2x2x1
jax: 0.10.2.dev20260603
libtpu: 0.0.44.dev20260713+nightly
codegen_flags: <defaults>
</compile_context>

<pallas_src>
import functools

import jax
import jax.numpy as jnp
from jax import lax
from jax.experimental import pallas as pl
from jax.experimental.pallas import tpu as pltpu
from jax.experimental.pallas import tpu_sc as plsc

N_NODES = 10000
E_EDGES = 320000
D = 128

NC, NS = 2, 16
NW = NC * NS
CH = 128
EPT = 10112
E_PAD = EPT * NW
NCHUNK = EPT // CH
CHM = 128
C0 = 95
C1 = 63
N_PAD = 10240
ROWS_PT = N_PAD // NS
RB = 1024
GRID = N_PAD // RB

_sc_mesh = plsc.VectorSubcoreMesh(core_axis_name="c", subcore_axis_name="s")


@functools.partial(
    pl.kernel,
    out_type=(
        jax.ShapeDtypeStruct((NC * 3 * N_PAD,), jnp.float32),
        jax.ShapeDtypeStruct((E_PAD,), jnp.int32),
    ),
    mesh=_sc_mesh,
    compiler_params=pltpu.CompilerParams(needs_layout_passes=False),
    scratch_types=(
        pltpu.VMEM((CH,), jnp.int32),
        pltpu.VMEM((CH,), jnp.int32),
        pltpu.VMEM((CH,), jnp.int32),
        pltpu.VMEM((N_PAD,), jnp.float32),
        pltpu.VMEM((N_PAD,), jnp.float32),
        pltpu.VMEM((N_PAD,), jnp.float32),
        pltpu.VMEM((NS * ROWS_PT,), jnp.float32),
        pltpu.VMEM((ROWS_PT,), jnp.float32),
        pltpu.VMEM_SHARED((NS * N_PAD,), jnp.float32),
        pltpu.VMEM_SHARED((NS * N_PAD,), jnp.float32),
        pltpu.VMEM_SHARED((NS * N_PAD,), jnp.float32),
    ),
)
def _sc_degree(srcp, dstp, zeros1, deg_out, mdst_out,
               sbuf, dbuf, mdbuf, hist0, hist1, hist2, cbuf, res,
               sh0, sh1, sh2):
    c = lax.axis_index("c")
    t = lax.axis_index("s")
    w = c * NS + t
    pltpu.sync_copy(zeros1, hist0)
    pltpu.sync_copy(zeros1, hist1)
    pltpu.sync_copy(zeros1, hist2)
    onev = jnp.ones((16,), jnp.float32)

    def body(j, carry):
        base = w * EPT + j * CH
        pltpu.sync_copy(srcp.at[pl.ds(base, CH)], sbuf)
        pltpu.sync_copy(dstp.at[pl.ds(base, CH)], dbuf)
        for v in range(CH // 16):
            sl = pl.ds(v * 16, 16)
            sv = sbuf[sl]
            dv = dbuf[sl]
            m = sv != dv
            msv = jnp.where(m, sv, N_NODES)
            mdv = jnp.where(m, dv, N_NODES)
            mdbuf[sl] = mdv
            plsc.addupdate_scatter(hist0, [dv], onev)
            plsc.addupdate_scatter(hist1, [msv], onev)
            plsc.addupdate_scatter(hist2, [mdv], onev)
        pltpu.sync_copy(mdbuf, mdst_out.at[pl.ds(base, CH)])
        return carry

    lax.fori_loop(0, NCHUNK, body, 0)

    pltpu.sync_copy(hist0, sh0.at[pl.ds(t * N_PAD, N_PAD)])
    pltpu.sync_copy(hist1, sh1.at[pl.ds(t * N_PAD, N_PAD)])
    pltpu.sync_copy(hist2, sh2.at[pl.ds(t * N_PAD, N_PAD)])
    plsc.subcore_barrier()
    for k, sh in enumerate((sh0, sh1, sh2)):
        for r in range(NS):
            pltpu.sync_copy(sh.at[pl.ds(r * N_PAD + t * ROWS_PT, ROWS_PT)],
                            cbuf.at[pl.ds(r * ROWS_PT, ROWS_PT)])

        def comb(i, carry):
            s = cbuf[pl.ds(i * 16, 16)]
            for r in range(1, NS):
                s = s + cbuf[pl.ds(r * ROWS_PT + i * 16, 16)]
            res[pl.ds(i * 16, 16)] = s
            return carry

        lax.fori_loop(0, ROWS_PT // 16, comb, 0)
        pltpu.sync_copy(
            res,
            deg_out.at[pl.ds((c * 3 + k) * N_PAD + t * ROWS_PT, ROWS_PT)])


@functools.partial(
    pl.kernel,
    out_type=jax.ShapeDtypeStruct((NC, N_PAD, D), jnp.float32),
    mesh=_sc_mesh,
    scratch_types=(
        pltpu.VMEM((CHM,), jnp.int32),
        pltpu.VMEM((CHM,), jnp.int32),
        pltpu.VMEM((CHM, D), jnp.float32),
        pltpu.VMEM_SHARED((N_PAD, D), jnp.float32),
        pltpu.SemaphoreType.DMA,
    ),
)
def _sc_scatter(feat, isrc, idst, zerosd, out, sbuf, dbuf, rows_v, acc, sem):
    c = lax.axis_index("c")
    t = lax.axis_index("s")
    rows = pl.ds(t * ROWS_PT, ROWS_PT)
    nch = jnp.where(c == 0, C0, C1)
    ebase = jnp.where(c == 0, t * (C0 * CHM),
                      NS * C0 * CHM + t * (C1 * CHM))
    pltpu.sync_copy(zerosd.at[rows], acc.at[rows])
    plsc.subcore_barrier()

    def body(j, carry):
        base = ebase + j * CHM
        pltpu.sync_copy(isrc.at[pl.ds(base, CHM)], sbuf)
        pltpu.sync_copy(idst.at[pl.ds(base, CHM)], dbuf)
        pltpu.async_copy(feat.at[sbuf], rows_v, sem).wait()
        pltpu.sync_copy(rows_v, acc.at[dbuf], add=True)
        return carry

    lax.fori_loop(0, nch, body, 0)
    plsc.subcore_barrier()
    pltpu.sync_copy(acc.at[rows], out.at[c, rows])


def _rspec(imap=None):
    return pl.BlockSpec((RB, D), imap or (lambda i: (i, 0)))


def _wspec(r, c=D):
    return pl.BlockSpec((r, c), lambda i: (0, 0))


def _bspec():
    return pl.BlockSpec((D,), lambda i: (0,))


def _aspec():
    return pl.BlockSpec((NC, RB, D), lambda i: (0, i, 0))


_F32 = functools.partial(jnp.dot, preferred_element_type=jnp.float32)


def _stem_body(x_ref, dinv_ref, nout_ref, w1_ref, b1_ref, w2_ref, b2_ref,
               wg1_ref, h_ref, hh1_ref, fg1_ref):
    x = x_ref[...]
    h1 = jnp.maximum(_F32(x, w1_ref[...]) + b1_ref[...], 0.0)
    h = jnp.maximum(_F32(h1, w2_ref[...]) + b2_ref[...], 0.0)
    h_ref[...] = h
    hh1_ref[...] = h * dinv_ref[...]
    fg1_ref[...] = _F32(x * nout_ref[...], wg1_ref[...])


def _mid1_body(h_ref, a_ref, dinv_ref, l1_ref, hh2_ref):
    dinv = dinv_ref[...]
    l1 = h_ref[...] - (a_ref[0] + a_ref[1]) * dinv
    l1_ref[...] = l1
    hh2_ref[...] = l1 * dinv


def _band_body(h_ref, l1_ref, a2_ref, dinv_ref, w3_ref, b3_ref, w4_ref,
               b4_ref, out_ref):
    l1 = l1_ref[...]
    l2 = l1 - (a2_ref[0] + a2_ref[1]) * dinv_ref[...]
    w3 = w3_ref[...]
    wa = 3.0 * w3[0:128]
    wb = -3.0 * w3[0:128] + 3.0 * w3[128:256] + w3[384:512]
    wc = (0.75 * w3[0:128] - 1.5 * w3[128:256] + 0.75 * w3[256:384]
          + w3[512:640])
    acc = _F32(h_ref[...], wa) + _F32(l1, wb) + _F32(l2, wc) + b3_ref[...]
    out_ref[...] = _F32(jnp.maximum(acc, 0.0), w4_ref[...]) + b4_ref[...]


def _gmid_body(g1_ref, nin_ref, nout_ref, bg1_ref, wg2_ref, fg2_ref):
    emb1 = jnp.maximum((g1_ref[0] + g1_ref[1]) * nin_ref[...] + bg1_ref[...],
                       0.0)
    fg2_ref[...] = _F32(emb1 * nout_ref[...], wg2_ref[...])


def _gout_body(g2_ref, nin_ref, bg2_ref, emb_ref):
    emb_ref[...] = (g2_ref[0] + g2_ref[1]) * nin_ref[...] + bg2_ref[...]


def _nd(n_out=1):
    shp = jax.ShapeDtypeStruct((N_PAD, D), jnp.float32)
    return shp if n_out == 1 else (shp,) * n_out


def kernel(in_feat, edge_index, W1, b1, W2, b2, W3, b3, W4, b4,
           Wg1, bg1, Wg2, bg2):
    pad_idx = jnp.full((E_PAD - E_EDGES,), N_NODES, jnp.int32)
    srcp = jnp.concatenate([edge_index[0], pad_idx])
    dstp = jnp.concatenate([edge_index[1], pad_idx])
    x_pad = jnp.pad(in_feat, ((0, N_PAD - N_NODES), (0, 0)))
    zeros1 = jnp.zeros((N_PAD,), jnp.float32)
    zerosd = jnp.zeros((N_PAD, D), jnp.float32)
    w4p = jnp.pad(W4, ((0, 0), (0, D - W4.shape[1])))
    b4p = jnp.pad(b4, (0, D - b4.shape[0]))

    deg_raw, mdst = _sc_degree(srcp, dstp, zeros1)
    deg = deg_raw.reshape(NC, 3, N_PAD).sum(axis=0)

    scale = lax.rsqrt(jnp.maximum(deg, 1.0))
    dinvb = jnp.broadcast_to(scale[0][:, None], (N_PAD, D))
    noutb = jnp.broadcast_to(scale[1][:, None], (N_PAD, D))
    ninb = jnp.broadcast_to(scale[2][:, None], (N_PAD, D))

    h, hh1, fg1 = pl.pallas_call(
        _stem_body,
        grid=(GRID,),
        in_specs=[_rspec(), _rspec(), _rspec(), _wspec(D), _bspec(),
                  _wspec(D), _bspec(), _wspec(D)],
        out_specs=[_rspec(), _rspec(), _rspec()],
        out_shape=[_nd(), _nd(), _nd()],
    )(x_pad, dinvb, noutb, W1, b1, W2, b2, Wg1)

    a1 = _sc_scatter(hh1, srcp, dstp, zerosd)
    l1, hh2 = pl.pallas_call(
        _mid1_body,
        grid=(GRID,),
        in_specs=[_rspec(), _aspec(), _rspec()],
        out_specs=[_rspec(), _rspec()],
        out_shape=[_nd(), _nd()],
    )(h, a1, dinvb)

    a2 = _sc_scatter(hh2, srcp, dstp, zerosd)
    band = pl.pallas_call(
        _band_body,
        grid=(GRID,),
        in_specs=[_rspec(), _rspec(), _aspec(), _rspec(),
                  pl.BlockSpec((5 * D, D), lambda i: (0, 0)), _bspec(),
                  _wspec(D), _bspec()],
        out_specs=_rspec(),
        out_shape=_nd(),
    )(h, l1, a2, dinvb, W3, b3, w4p, b4p)

    g1 = _sc_scatter(fg1, srcp, mdst, zerosd)
    fg2 = pl.pallas_call(
        _gmid_body,
        grid=(GRID,),
        in_specs=[_aspec(), _rspec(), _rspec(), _bspec(), _wspec(D)],
        out_specs=_rspec(),
        out_shape=_nd(),
    )(g1, ninb, noutb, bg1, Wg2)

    g2 = _sc_scatter(fg2, srcp, mdst, zerosd)
    emb = pl.pallas_call(
        _gout_body,
        grid=(GRID,),
        in_specs=[_aspec(), _rspec(), _bspec()],
        out_specs=_rspec(),
        out_shape=_nd(),
    )(g2, ninb, bg2)

    return band[:N_NODES, :2], emb[:N_NODES]

# --- scband reference (transcript-rebuilt; emitter-appended) ---
"""Pipeline reference for scband-secgfd-77584289235637 (READ-ONLY COPY).

The authoritative reference and input builder live on the scoring server;
editing this copy changes nothing except your own understanding.
"""

import jax, jax.numpy as jnp
import numpy as np

N = 10000
E = 320000
IN_DIM = 128
HID = 128
OUT = 2
# calculate_theta2(d=2) precomputed (Bernstein/beta polynomial coefficients)
THETAS = [[3.0, -3.0, 0.75], [0.0, 3.0, -1.5], [0.0, 0.0, 0.75]]
HIGH_ORDER = 2


def setup_inputs(seed: int = 0) -> dict:
    key = jax.random.key(seed)
    ks = jax.random.split(key, 16)
    inp = {}
    inp['in_feat'] = jax.random.normal(ks[0], (N, IN_DIM), dtype=jnp.float32)
    inp['edge_index'] = jax.random.randint(ks[1], (2, E), 0, N, dtype=jnp.int32)
    def lin(k, fan_in, fan_out):
        return jax.random.normal(k, (fan_in, fan_out), dtype=jnp.float32) / np.sqrt(fan_in)
    inp['W1'] = lin(ks[2], IN_DIM, HID); inp['b1'] = jnp.zeros((HID,), jnp.float32)
    inp['W2'] = lin(ks[3], HID, HID);    inp['b2'] = jnp.zeros((HID,), jnp.float32)
    n_conv = len(THETAS) + HIGH_ORDER
    inp['W3'] = lin(ks[4], HID * n_conv, HID); inp['b3'] = jnp.zeros((HID,), jnp.float32)
    inp['W4'] = lin(ks[5], HID, OUT);    inp['b4'] = jnp.zeros((OUT,), jnp.float32)
    inp['Wg1'] = lin(ks[6], IN_DIM, HID); inp['bg1'] = jnp.zeros((HID,), jnp.float32)
    inp['Wg2'] = lin(ks[7], HID, IN_DIM); inp['bg2'] = jnp.zeros((IN_DIM,), jnp.float32)
    return inp


def reference(in_feat, edge_index, W1, b1, W2, b2, W3, b3, W4, b4, Wg1, bg1, Wg2, bg2):
    x = in_feat
    src = edge_index[0]
    dst = edge_index[1]
    n = x.shape[0]

    # in-degrees on full graph (dgl: messages flow src -> dst)
    in_deg = jnp.zeros((n,), jnp.float32).at[dst].add(1.0)
    D_invsqrt = jnp.power(jnp.clip(in_deg, 1.0), -0.5)[:, None]

    def unnLaplacian(feat):
        hh = feat * D_invsqrt
        agg = jax.ops.segment_sum(hh[src], dst, num_segments=n)
        return feat - agg * D_invsqrt

    # shared MLP stem
    h = jax.nn.relu(x @ W1 + b1)
    h = jax.nn.relu(h @ W2 + b2)

    outs = []
    # BandConv branches (lin=False so no linear/activation applied)
    for theta in THETAS:
        feat = h
        acc = theta[0] * feat
        for k in range(1, len(theta)):
            feat = unnLaplacian(feat)
            acc = acc + theta[k] * feat
        outs.append(acc)
    # HighConv branches: repeated Laplacian
    for j in range(HIGH_ORDER):
        feat = h
        for _ in range(j + 1):
            feat = unnLaplacian(feat)
        outs.append(feat)

    h_final = jnp.concatenate(outs, axis=-1)
    hh = jax.nn.relu(h_final @ W3 + b3)
    hh = hh @ W4 + b4

    # GCN branch on graph with self-loops removed (mask self edges)
    w_edge = (src != dst).astype(jnp.float32)
    out_deg = jnp.zeros((n,), jnp.float32).at[src].add(w_edge)
    in_deg2 = jnp.zeros((n,), jnp.float32).at[dst].add(w_edge)
    norm_out = jnp.power(jnp.clip(out_deg, 1.0), -0.5)[:, None]
    norm_in = jnp.power(jnp.clip(in_deg2, 1.0), -0.5)[:, None]

    def graph_conv(feat, W, b):
        f = feat * norm_out
        f = f @ W
        msg = f[src] * w_edge[:, None]
        agg = jax.ops.segment_sum(msg, dst, num_segments=n)
        return agg * norm_in + b

    emb = jax.nn.relu(graph_conv(x, Wg1, bg1))
    emb = graph_conv(emb, Wg2, bg2)
    return (hh, emb)

if __name__ == "__main__":
    import jax
    _d = setup_inputs()
    print(jax.jit(kernel)(*tuple(_d.values())))

</pallas_src>

<mosaic_0001>
#map = affine_map<(d0, d1) -> (0)>
module attributes {stable_mosaic.version = 14 : i64} {
  func.func @_sc_degree(%arg0: i32, %arg1: i32, %arg2: memref<323584xi32, #tpu.memory_space<hbm>>, %arg3: memref<323584xi32, #tpu.memory_space<hbm>>, %arg4: memref<10240xf32, #tpu.memory_space<hbm>>, %arg5: memref<61440xf32, #tpu.memory_space<hbm>>, %arg6: memref<323584xi32, #tpu.memory_space<hbm>>, %arg7: memref<128xi32, #tpu.memory_space<vmem>>, %arg8: memref<128xi32, #tpu.memory_space<vmem>>, %arg9: memref<128xi32, #tpu.memory_space<vmem>>, %arg10: memref<10240xf32, #tpu.memory_space<vmem>>, %arg11: memref<10240xf32, #tpu.memory_space<vmem>>, %arg12: memref<10240xf32, #tpu.memory_space<vmem>>, %arg13: memref<10240xf32, #tpu.memory_space<vmem>>, %arg14: memref<640xf32, #tpu.memory_space<vmem>>, %arg15: memref<163840xf32, #tpu.memory_space<vmem_shared>>, %arg16: memref<163840xf32, #tpu.memory_space<vmem_shared>>, %arg17: memref<163840xf32, #tpu.memory_space<vmem_shared>>) attributes {dimension_semantics = [#tpu.dimension_semantics<core_parallel>, #tpu.dimension_semantics<subcore_parallel>], iteration_bounds = array<i64: 2, 16>, scalar_prefetch = 0 : i64, scratch_operands = 11 : i64, tpu.core_type = #tpu.core_type<sc_vector_subcore>, window_params = [{transform_indices = #map}, {transform_indices = #map}, {transform_indices = #map}, {transform_indices = #map}, {transform_indices = #map}]} {
    %mul3A = arith.constant 16 : i32
    %mul3A_0 = arith.muli %arg0, %mul3A : i32
    %add3A = arith.addi %mul3A_0, %arg1 : i32
    "tpu.region"() ({
      %run_scoped3A = tpu.sem_alloc : memref<!tpu.dma_semaphore, #tpu.memory_space<semaphore_mem>>
      tpu.enqueue_dma source(%arg4 : memref<10240xf32, #tpu.memory_space<hbm>>) target(%arg10 : memref<10240xf32, #tpu.memory_space<vmem>>) target_semaphore(%run_scoped3A : memref<!tpu.dma_semaphore, #tpu.memory_space<semaphore_mem>>)
      tpu.wait_dma2 semaphore(%run_scoped3A : memref<!tpu.dma_semaphore, #tpu.memory_space<semaphore_mem>>) src(%arg4 : memref<10240xf32, #tpu.memory_space<hbm>>) dst(%arg10 : memref<10240xf32, #tpu.memory_space<vmem>>)
      tpu.yield
    }) : () -> ()
    "tpu.region"() ({
      %run_scoped3A = tpu.sem_alloc : memref<!tpu.dma_semaphore, #tpu.memory_space<semaphore_mem>>
      tpu.enqueue_dma source(%arg4 : memref<10240xf32, #tpu.memory_space<hbm>>) target(%arg11 : memref<10240xf32, #tpu.memory_space<vmem>>) target_semaphore(%run_scoped3A : memref<!tpu.dma_semaphore, #tpu.memory_space<semaphore_mem>>)
      tpu.wait_dma2 semaphore(%run_scoped3A : memref<!tpu.dma_semaphore, #tpu.memory_space<semaphore_mem>>) src(%arg4 : memref<10240xf32, #tpu.memory_space<hbm>>) dst(%arg11 : memref<10240xf32, #tpu.memory_space<vmem>>)
      tpu.yield
    }) : () -> ()
    "tpu.region"() ({
      %run_scoped3A = tpu.sem_alloc : memref<!tpu.dma_semaphore, #tpu.memory_space<semaphore_mem>>
      tpu.enqueue_dma source(%arg4 : memref<10240xf32, #tpu.memory_space<hbm>>) target(%arg12 : memref<10240xf32, #tpu.memory_space<vmem>>) target_semaphore(%run_scoped3A : memref<!tpu.dma_semaphore, #tpu.memory_space<semaphore_mem>>)
      tpu.wait_dma2 semaphore(%run_scoped3A : memref<!tpu.dma_semaphore, #tpu.memory_space<semaphore_mem>>) src(%arg4 : memref<10240xf32, #tpu.memory_space<hbm>>) dst(%arg12 : memref<10240xf32, #tpu.memory_space<vmem>>)
      tpu.yield
    }) : () -> ()
    %broadcast_in_dim3A = arith.constant 1.000000e+00 : f32
    %broadcast_in_dim3A_1 = vector.broadcast %broadcast_in_dim3A : f32 to vector<16xf32>
    %scan3A = arith.constant 0 : i32
    %scan3A_2 = arith.constant 0 : i32
    %scan3A_3 = arith.constant 79 : i32
    %scan3A_4 = arith.addi %scan3A_2, %scan3A_3 : i32
    %scan3A_5 = arith.constant 1 : i32
    scf.for %scan3A_250 = %scan3A_2 to %scan3A_4 step %scan3A_5  : i32 {
      %mul3A_251 = arith.constant 10112 : i32
      %mul3A_252 = arith.muli %add3A, %mul3A_251 : i32
      %mul3A_253 = arith.constant 128 : i32
      %mul3A_254 = arith.muli %scan3A_250, %mul3A_253 : i32
      %add3A_255 = arith.addi %mul3A_252, %mul3A_254 : i32
      "tpu.region"() ({
        %run_scoped3A = tpu.sem_alloc : memref<!tpu.dma_semaphore, #tpu.memory_space<semaphore_mem>>
        %dma_start3A = tpu.memref_slice %arg2[%add3A_255] : memref<323584xi32, #tpu.memory_space<hbm>> -> memref<128xi32, #tpu.memory_space<hbm>>
        %dma_start3A_355 = tpu.memref_slice %arg2[%add3A_255] : memref<323584xi32, #tpu.memory_space<hbm>> -> memref<128xi32, #tpu.memory_space<hbm>>
        tpu.enqueue_dma source(%dma_start3A_355 : memref<128xi32, #tpu.memory_space<hbm>>) target(%arg7 : memref<128xi32, #tpu.memory_space<vmem>>) target_semaphore(%run_scoped3A : memref<!tpu.dma_semaphore, #tpu.memory_space<semaphore_mem>>)
        %dma_wait3A = tpu.memref_slice %arg2[%add3A_255] : memref<323584xi32, #tpu.memory_space<hbm>> -> memref<128xi32, #tpu.memory_space<hbm>>
        %dma_wait3A_356 = tpu.memref_slice %arg2[%add3A_255] : memref<323584xi32, #tpu.memory_space<hbm>> -> memref<128xi32, #tpu.memory_space<hbm>>
        tpu.wait_dma2 semaphore(%run_scoped3A : memref<!tpu.dma_semaphore, #tpu.memory_space<semaphore_mem>>) src(%dma_wait3A_356 : memref<128xi32, #tpu.memory_space<hbm>>) dst(%arg7 : memref<128xi32, #tpu.memory_space<vmem>>)
        tpu.yield
      }) : () -> ()
      "tpu.region"() ({
        %run_scoped3A = tpu.sem_alloc : memref<!tpu.dma_semaphore, #tpu.memory_space<semaphore_mem>>
        %dma_start3A = tpu.memref_slice %arg3[%add3A_255] : memref<323584xi32, #tpu.memory_space<hbm>> -> memref<128xi32, #tpu.memory_space<hbm>>
        %dma_start3A_355 = tpu.memref_slice %arg3[%add3A_255] : memref<323584xi32, #tpu.memory_space<hbm>> -> memref<128xi32, #tpu.memory_space<hbm>>
        tpu.enqueue_dma source(%dma_start3A_355 : memref<128xi32, #tpu.memory_space<hbm>>) target(%arg8 : memref<128xi32, #tpu.memory_space<vmem>>) target_semaphore(%run_scoped3A : memref<!tpu.dma_semaphore, #tpu.memory_space<semaphore_mem>>)
        %dma_wait3A = tpu.memref_slice %arg3[%add3A_255] : memref<323584xi32, #tpu.memory_space<hbm>> -> memref<128xi32, #tpu.memory_space<hbm>>
        %dma_wait3A_356 = tpu.memref_slice %arg3[%add3A_255] : memref<323584xi32, #tpu.memory_space<hbm>> -> memref<128xi32, #tpu.memory_space<hbm>>
        tpu.wait_dma2 semaphore(%run_scoped3A : memref<!tpu.dma_semaphore, #tpu.memory_space<semaphore_mem>>) src(%dma_wait3A_356 : memref<128xi32, #tpu.memory_space<hbm>>) dst(%arg8 : memref<128xi32, #tpu.memory_space<vmem>>)
        tpu.yield
      }) : () -> ()
      %get3A = arith.constant 0 : index
      %get3A_256 = tpu.vector_load %arg7[%get3A] {strides = array<i32>} : memref<128xi32, #tpu.memory_space<vmem>>, vector<16xi32>,
      %get3A_257 = arith.constant 0 : index
      %get3A_258 = tpu.vector_load %arg8[%get3A_257] {strides = array<i32>} : memref<128xi32, #tpu.memory_space<vmem>>, vector<16xi32>,
      %ne3A = arith.cmpi ne, %get3A_256, %get3A_258 : vector<16xi32>
      %jit3A = arith.constant 10000 : i32
      %broadcast_in_dim3A_259 = vector.broadcast %jit3A : i32 to vector<16xi32>
      %select_n3A = arith.select %ne3A, %get3A_256, %broadcast_in_dim3A_259 : vector<16xi1>, vector<16xi32>
      %jit3A_260 = arith.constant 10000 : i32
      %broadcast_in_dim3A_261 = vector.broadcast %jit3A_260 : i32 to vector<16xi32>
      %select_n3A_262 = arith.select %ne3A, %get3A_258, %broadcast_in_dim3A_261 : vector<16xi1>, vector<16xi32>
      %swap3A = arith.constant 0 : index
      %swap3A_263 = tpu.vector_load %arg9[%swap3A] {strides = array<i32>} : memref<128xi32, #tpu.memory_space<vmem>>, vector<16xi32>,
      tpu.vector_store %arg9[%swap3A], %select_n3A_262 {strides = array<i32>} : memref<128xi32, #tpu.memory_space<vmem>>, vector<16xi32>,
      tpu.vector_store_idx %arg10[%get3A_258], %broadcast_in_dim3A_1 {add = true} : memref<10240xf32, #tpu.memory_space<vmem>>[vector<16xi32>], vector<16xf32>,
      tpu.vector_store_idx %arg11[%select_n3A], %broadcast_in_dim3A_1 {add = true} : memref<10240xf32, #tpu.memory_space<vmem>>[vector<16xi32>], vector<16xf32>,
      tpu.vector_store_idx %arg12[%select_n3A_262], %broadcast_in_dim3A_1 {add = true} : memref<10240xf32, #tpu.memory_space<vmem>>[vector<16xi32>], vector<16xf32>,
      %get3A_264 = arith.constant 16 : index
      %get3A_265 = tpu.vector_load %arg7[%get3A_264] {strides = array<i32>} : memref<128xi32, #tpu.memory_space<vmem>>, vector<16xi32>,
      %get3A_266 = arith.constant 16 : index
      %get3A_267 = tpu.vector_load %arg8[%get3A_266] {strides = array<i32>} : memref<128xi32, #tpu.memory_space<vmem>>, vector<16xi32>,
      %ne3A_268 = arith.cmpi ne, %get3A_265, %get3A_267 : vector<16xi32>
      %jit3A_269 = arith.constant 10000 : i32
      %broadcast_in_dim3A_270 = vector.broadcast %jit3A_269 : i32 to vector<16xi32>
      %select_n3A_271 = arith.select %ne3A_268, %get3A_265, %broadcast_in_dim3A_270 : vector<16xi1>, vector<16xi32>
      %jit3A_272 = arith.constant 10000 : i32
      %broadcast_in_dim3A_273 = vector.broadcast %jit3A_272 : i32 to vector<16xi32>
      %select_n3A_274 = arith.select %ne3A_268, %get3A_267, %broadcast_in_dim3A_273 : vector<16xi1>, vector<16xi32>
      %swap3A_275 = arith.constant 16 : index
      %swap3A_276 = tpu.vector_load %arg9[%swap3A_275] {strides = array<i32>} : memref<128xi32, #tpu.memory_space<vmem>>, vector<16xi32>,
      tpu.vector_store %arg9[%swap3A_275], %select_n3A_274 {strides = array<i32>} : memref<128xi32, #tpu.memory_space<vmem>>, vector<16xi32>,
      tpu.vector_store_idx %arg10[%get3A_267], %broadcast_in_dim3A_1 {add = true} : memref<10240xf32, #tpu.memory_space<vmem>>[vector<16xi32>], vector<16xf32>,
      tpu.vector_store_idx %arg11[%select_n3A_271], %broadcast_in_dim3A_1 {add = true} : memref<10240xf32, #tpu.memory_space<vmem>>[vector<16xi32>], vector<16xf32>,
      tpu.vector_store_idx %arg12[%select_n3A_274], %broadcast_in_dim3A_1 {add = true} : memref<10240xf32, #tpu.memory_space<vmem>>[vector<16xi32>], vector<16xf32>,
      %get3A_277 = arith.constant 32 : index
      %get3A_278 = tpu.vector_load %arg7[%get3A_277] {strides = array<i32>} : memref<128xi32, #tpu.memory_space<vmem>>, vector<16xi32>,
      %get3A_279 = arith.constant 32 : index
      %get3A_280 = tpu.vector_load %arg8[%get3A_279] {strides = array<i32>} : memref<128xi32, #tpu.memory_space<vmem>>, vector<16xi32>,
      %ne3A_281 = arith.cmpi ne, %get3A_278, %get3A_280 : vector<16xi32>
      %jit3A_282 = arith.constant 10000 : i32
      %broadcast_in_dim3A_283 = vector.broadcast %jit3A_282 : i32 to vector<16xi32>
      %select_n3A_284 = arith.select %ne3A_281, %get3A_278, %broadcast_in_dim3A_283 : vector<16xi1>, vector<16xi32>
      %jit3A_285 = arith.constant 10000 : i32
      %broadcast_in_dim3A_286 = vector.broadcast %jit3A_285 : i32 to vector<16xi32>
      %select_n3A_287 = arith.select %ne3A_281, %get3A_280, %broadcast_in_dim3A_286 : vector<16xi1>, vector<16xi32>
      %swap3A_288 = arith.constant 32 : index
      %swap3A_289 = tpu.vector_load %arg9[%swap3A_288] {strides = array<i32>} : memref<128xi32, #tpu.memory_space<vmem>>, vector<16xi32>,
      tpu.vector_store %arg9[%swap3A_288], %select_n3A_287 {strides = array<i32>} : memref<128xi32, #tpu.memory_space<vmem>>, vector<16xi32>,
      tpu.vector_store_idx %arg10[%get3A_280], %broadcast_in_dim3A_1 {add = true} : memref<10240xf32, #tpu.memory_space<vmem>>[vector<16xi32>], vector<16xf32>,
      tpu.vector_store_idx %arg11[%select_n3A_284], %broadcast_in_dim3A_1 {add = true} : memref<10240xf32, #tpu.memory_space<vmem>>[vector<16xi32>], vector<16xf32>,
      tpu.vector_store_idx %arg12[%select_n3A_287], %broadcast_in_dim3A_1 {add = true} : memref<10240xf32, #tpu.memory_space<vmem>>[vector<16xi32>], vector<16xf32>,
      %get3A_290 = arith.constant 48 : index
      %get3A_291 = tpu.vector_load %arg7[%get3A_290] {strides = array<i32>} : memref<128xi32, #tpu.memory_space<vmem>>, vector<16xi32>,
      %get3A_292 = arith.constant 48 : index
      %get3A_293 = tpu.vector_load %arg8[%get3A_292] {strides = array<i32>} : memref<128xi32, #tpu.memory_space<vmem>>, vector<16xi32>,
      %ne3A_294 = arith.cmpi ne, %get3A_291, %get3A_293 : vector<16xi32>
      %jit3A_295 = arith.constant 10000 : i32
      %broadcast_in_dim3A_296 = vector.broadcast %jit3A_295 : i32 to vector<16xi32>
      %select_n3A_297 = arith.select %ne3A_294, %get3A_291, %broadcast_in_dim3A_296 : vector<16xi1>, vector<16xi32>
      %jit3A_298 = arith.constant 10000 : i32
      %broadcast_in_dim3A_299 = vector.broadcast %jit3A_298 : i32 to vector<16xi32>
      %select_n3A_300 = arith.select %ne3A_294, %get3A_293, %broadcast_in_dim3A_299 : vector<16xi1>, vector<16xi32>
      %swap3A_301 = arith.constant 48 : index
      %swap3A_302 = tpu.vector_load %arg9[%swap3A_301] {strides = array<i32>} : memref<128xi32, #tpu.memory_space<vmem>>, vector<16xi32>,
      tpu.vector_store %arg9[%swap3A_301], %select_n3A_300 {strides = array<i32>} : memref<128xi32, #tpu.memory_space<vmem>>, vector<16xi32>,
      tpu.vector_store_idx %arg10[%get3A_293], %broadcast_in_dim3A_1 {add = true} : memref<10240xf32, #tpu.memory_space<vmem>>[vector<16xi32>], vector<16xf32>,
      tpu.vector_store_idx %arg11[%select_n3A_297], %broadcast_in_dim3A_1 {add = true} : memref<10240xf32, #tpu.memory_space<vmem>>[vector<16xi32>], vector<16xf32>,
      tpu.vector_store_idx %arg12[%select_n3A_300], %broadcast_in_dim3A_1 {add = true} : memref<10240xf32, #tpu.memory_space<vmem>>[vector<16xi32>], vector<16xf32>,
      %get3A_303 = arith.constant 64 : index
      %get3A_304 = tpu.vector_load %arg7[%get3A_303] {strides = array<i32>} : memref<128xi32, #tpu.memory_space<vmem>>, vector<16xi32>,
      %get3A_305 = arith.constant 64 : index
      %get3A_306 = tpu.vector_load %arg8[%get3A_305] {strides = array<i32>} : memref<128xi32, #tpu.memory_space<vmem>>, vector<16xi32>,
      %ne3A_307 = arith.cmpi ne, %get3A_304, %get3A_306 : vector<16xi32>
      %jit3A_308 = arith.constant 10000 : i32
      %broadcast_in_dim3A_309 = vector.broadcast %jit3A_308 : i32 to vector<16xi32>
      %select_n3A_310 = arith.select %ne3A_307, %get3A_304, %broadcast_in_dim3A_309 : vector<16xi1>, vector<16xi32>
      %jit3A_311 = arith.constant 10000 : i32
      %broadcast_in_dim3A_312 = vector.broadcast %jit3A_311 : i32 to vector<16xi32>
      %select_n3A_313 = arith.select %ne3A_307, %get3A_306, %broadcast_in_dim3A_312 : vector<16xi1>, vector<16xi32>
      %swap3A_314 = arith.constant 64 : index
      %swap3A_315 = tpu.vector_load %arg9[%swap3A_314] {strides = array<i32>} : memref<128xi32, #tpu.memory_space<vmem>>, vector<16xi32>,
      tpu.vector_store %arg9[%swap3A_314], %select_n3A_313 {strides = array<i32>} : memref<128xi32, #tpu.memory_space<vmem>>, vector<16xi32>,
      tpu.vector_store_idx %arg10[%get3A_306], %broadcast_in_dim3A_1 {add = true} : memref<10240xf32, #tpu.memory_space<vmem>>[vector<16xi32>], vector<16xf32>,
      tpu.vector_store_idx %arg11[%select_n3A_310], %broadcast_in_dim3A_1 {add = true} : memref<10240xf32, #tpu.memory_space<vmem>>[vector<16xi32>], vector<16xf32>,
      tpu.vector_store_idx %arg12[%select_n3A_313], %broadcast_in_dim3A_1 {add = true} : memref<10240xf32, #tpu.memory_space<vmem>>[vector<16xi32>], vector<16xf32>,
      %get3A_316 = arith.constant 80 : index
      %get3A_317 = tpu.vector_load %arg7[%get3A_316] {strides = array<i32>} : memref<128xi32, #tpu.memory_space<vmem>>, vector<16xi32>,
      %get3A_318 = arith.constant 80 : index
      %get3A_319 = tpu.vector_load %arg8[%get3A_318] {strides = array<i32>} : memref<128xi32, #tpu.memory_space<vmem>>, vector<16xi32>,
      %ne3A_320 = arith.cmpi ne, %get3A_317, %get3A_319 : vector<16xi32>
      %jit3A_321 = arith.constant 10000 : i32
      %broadcast_in_dim3A_322 = vector.broadcast %jit3A_321 : i32 to vector<16xi32>
      %select_n3A_323 = arith.select %ne3A_320, %get3A_317, %broadcast_in_dim3A_322 : vector<16xi1>, vector<16xi32>
      %jit3A_324 = arith.constant 10000 : i32
      %broadcast_in_dim3A_325 = vector.broadcast %jit3A_324 : i32 to vector<16xi32>
      %select_n3A_326 = arith.select %ne3A_320, %get3A_319, %broadcast_in_dim3A_325 : vector<16xi1>, vector<16xi32>
      %swap3A_327 = arith.constant 80 : index
      %swap3A_328 = tpu.vector_load %arg9[%swap3A_327] {strides = array<i32>} : memref<128xi32, #tpu.memory_space<vmem>>, vector<16xi32>,
      tpu.vector_store %arg9[%swap3A_327], %select_n3A_326 {strides = array<i32>} : memref<128xi32, #tpu.memory_space<vmem>>, vector<16xi32>,
      tpu.vector_store_idx %arg10[%get3A_319], %broadcast_in_dim3A_1 {add = true} : memref<10240xf32, #tpu.memory_space<vmem>>[vector<16xi32>], vector<16xf32>,
      tpu.vector_store_idx %arg11[%select_n3A_323], %broadcast_in_dim3A_1 {add = true} : memref<10240xf32, #tpu.memory_space<vmem>>[vector<16xi32>], vector<16xf32>,
      tpu.vector_store_idx %arg12[%select_n3A_326], %broadcast_in_dim3A_1 {add = true} : memref<10240xf32, #tpu.memory_space<vmem>>[vector<16xi32>], vector<16xf32>,
      %get3A_329 = arith.constant 96 : index
      %get3A_330 = tpu.vector_load %arg7[%get3A_329] {strides = array<i32>} : memref<128xi32, #tpu.memory_space<vmem>>, vector<16xi32>,
      %get3A_331 = arith.constant 96 : index
      %get3A_332 = tpu.vector_load %arg8[%get3A_331] {strides = array<i32>} : memref<128xi32, #tpu.memory_space<vmem>>, vector<16xi32>,
      %ne3A_333 = arith.cmpi ne, %get3A_330, %get3A_332 : vector<16xi32>
      %jit3A_334 = arith.constant 10000 : i32
      %broadcast_in_dim3A_335 = vector.broadcast %jit3A_334 : i32 to vector<16xi32>
      %select_n3A_336 = arith.select %ne3A_333, %get3A_330, %broadcast_in_dim3A_335 : vector<16xi1>, vector<16xi32>
      %jit3A_337 = arith.constant 10000 : i32
      %broadcast_in_dim3A_338 = vector.broadcast %jit3A_337 : i32 to vector<16xi32>
      %select_n3A_339 = arith.select %ne3A_333, %get3A_332, %broadcast_in_dim3A_338 : vector<16xi1>, vector<16xi32>
      %swap3A_340 = arith.constant 96 : index
      %swap3A_341 = tpu.vector_load %arg9[%swap3A_340] {strides = array<i32>} : memref<128xi32, #tpu.memory_space<vmem>>, vector<16xi32>,
      tpu.vector_store %arg9[%swap3A_340], %select_n3A_339 {strides = array<i32>} : memref<128xi32, #tpu.memory_space<vmem>>, vector<16xi32>,
      tpu.vector_store_idx %arg10[%get3A_332], %broadcast_in_dim3A_1 {add = true} : memref<10240xf32, #tpu.memory_space<vmem>>[vector<16xi32>], vector<16xf32>,
      tpu.vector_store_idx %arg11[%select_n3A_336], %broadcast_in_dim3A_1 {add = true} : memref<10240xf32, #tpu.memory_space<vmem>>[vector<16xi32>], vector<16xf32>,
      tpu.vector_store_idx %arg12[%select_n3A_339], %broadcast_in_dim3A_1 {add = true} : memref<10240xf32, #tpu.memory_space<vmem>>[vector<16xi32>], vector<16xf32>,
      %get3A_342 = arith.constant 112 : index
      %get3A_343 = tpu.vector_load %arg7[%get3A_342] {strides = array<i32>} : memref<128xi32, #tpu.memory_space<vmem>>, vector<16xi32>,
      %get3A_344 = arith.constant 112 : index
      %get3A_345 = tpu.vector_load %arg8[%get3A_344] {strides = array<i32>} : memref<128xi32, #tpu.memory_space<vmem>>, vector<16xi32>,
      %ne3A_346 = arith.cmpi ne, %get3A_343, %get3A_345 : vector<16xi32>
      %jit3A_347 = arith.constant 10000 : i32
      %broadcast_in_dim3A_348 = vector.broadcast %jit3A_347 : i32 to vector<16xi32>
      %select_n3A_349 = arith.select %ne3A_346, %get3A_343, %broadcast_in_dim3A_348 : vector<16xi1>, vector<16xi32>
      %jit3A_350 = arith.constant 10000 : i32
      %broadcast_in_dim3A_351 = vector.broadcast %jit3A_350 : i32 to vector<16xi32>
      %select_n3A_352 = arith.select %ne3A_346, %get3A_345, %broadcast_in_dim3A_351 : vector<16xi1>, vector<16xi32>
      %swap3A_353 = arith.constant 112 : index
      %swap3A_354 = tpu.vector_load %arg9[%swap3A_353] {strides = array<i32>} : memref<128xi32, #tpu.memory_space<vmem>>, vector<16xi32>,
      tpu.vector_store %arg9[%swap3A_353], %select_n3A_352 {strides = array<i32>} : memref<128xi32, #tpu.memory_space<vmem>>, vector<16xi32>,
      tpu.vector_store_idx %arg10[%get3A_345], %broadcast_in_dim3A_1 {add = true} : memref<10240xf32, #tpu.memory_space<vmem>>[vector<16xi32>], vector<16xf32>,
      tpu.vector_store_idx %arg11[%select_n3A_349], %broadcast_in_dim3A_1 {add = true} : memref<10240xf32, #tpu.memory_space<vmem>>[vector<16xi32>], vector<16xf32>,
      tpu.vector_store_idx %arg12[%select_n3A_352], %broadcast_in_dim3A_1 {add = true} : memref<10240xf32, #tpu.memory_space<vmem>>[vector<16xi32>], vector<16xf32>,
      "tpu.region"() ({
        %run_scoped3A = tpu.sem_alloc : memref<!tpu.dma_semaphore, #tpu.memory_space<semaphore_mem>>
        %dma_start3A = tpu.memref_slice %arg6[%add3A_255] : memref<323584xi32, #tpu.memory_space<hbm>> -> memref<128xi32, #tpu.memory_space<hbm>>
        %dma_start3A_355 = tpu.memref_slice %arg6[%add3A_255] : memref<323584xi32, #tpu.memory_space<hbm>> -> memref<128xi32, #tpu.memory_space<hbm>>
        tpu.enqueue_dma source(%arg9 : memref<128xi32, #tpu.memory_space<vmem>>) target(%dma_start3A_355 : memref<128xi32, #tpu.memory_space<hbm>>) target_semaphore(%run_scoped3A : memref<!tpu.dma_semaphore, #tpu.memory_space<semaphore_mem>>)
        %dma_wait3A = tpu.memref_slice %arg6[%add3A_255] : memref<323584xi32, #tpu.memory_space<hbm>> -> memref<128xi32, #tpu.memory_space<hbm>>
        %dma_wait3A_356 = tpu.memref_slice %arg6[%add3A_255] : memref<323584xi32, #tpu.memory_space<hbm>> -> memref<128xi32, #tpu.memory_space<hbm>>
        tpu.wait_dma2 semaphore(%run_scoped3A : memref<!tpu.dma_semaphore, #tpu.memory_space<semaphore_mem>>) src(%arg9 : memref<128xi32, #tpu.memory_space<vmem>>) dst(%dma_wait3A_356 : memref<128xi32, #tpu.memory_space<hbm>>)
        tpu.yield
      }) : () -> ()
    }
    %scan3A_6 = arith.constant 79 : i32
    %mul3A_7 = arith.constant 10240 : i32
    %mul3A_8 = arith.muli %arg1, %mul3A_7 : i32
    "tpu.region"() ({
      %run_scoped3A = tpu.sem_alloc : memref<!tpu.dma_semaphore, #tpu.memory_space<semaphore_mem>>
      %dma_start3A = tpu.memref_slice %arg15[%mul3A_8] : memref<163840xf32, #tpu.memory_space<vmem_shared>> -> memref<10240xf32, #tpu.memory_space<vmem_shared>>
      %dma_start3A_250 = tpu.memref_slice %arg15[%mul3A_8] : memref<163840xf32, #tpu.memory_space<vmem_shared>> -> memref<10240xf32, #tpu.memory_space<vmem_shared>>
      tpu.enqueue_dma source(%arg10 : memref<10240xf32, #tpu.memory_space<vmem>>) target(%dma_start3A_250 : memref<10240xf32, #tpu.memory_space<vmem_shared>>) target_semaphore(%run_scoped3A : memref<!tpu.dma_semaphore, #tpu.memory_space<semaphore_mem>>)
      %dma_wait3A = tpu.memref_slice %arg15[%mul3A_8] : memref<163840xf32, #tpu.memory_space<vmem_shared>> -> memref<10240xf32, #tpu.memory_space<vmem_shared>>
      %dma_wait3A_251 = tpu.memref_slice %arg15[%mul3A_8] : memref<163840xf32, #tpu.memory_space<vmem_shared>> -> memref<10240xf32, #tpu.memory_space<vmem_shared>>
      tpu.wait_dma2 semaphore(%run_scoped3A : memref<!tpu.dma_semaphore, #tpu.memory_space<semaphore_mem>>) src(%arg10 : memref<10240xf32, #tpu.memory_space<vmem>>) dst(%dma_wait3A_251 : memref<10240xf32, #tpu.memory_space<vmem_shared>>)
      tpu.yield
    }) : () -> ()
    %mul3A_9 = arith.constant 10240 : i32
    %mul3A_10 = arith.muli %arg1, %mul3A_9 : i32
    "tpu.region"() ({
      %run_scoped3A = tpu.sem_alloc : memref<!tpu.dma_semaphore, #tpu.memory_space<semaphore_mem>>
      %dma_start3A = tpu.memref_slice %arg16[%mul3A_10] : memref<163840xf32, #tpu.memory_space<vmem_shared>> -> memref<10240xf32, #tpu.memory_space<vmem_shared>>
      %dma_start3A_250 = tpu.memref_slice %arg16[%mul3A_10] : memref<163840xf32, #tpu.memory_space<vmem_shared>> -> memref<10240xf32, #tpu.memory_space<vmem_shared>>
      tpu.enqueue_dma source(%arg11 : memref<10240xf32, #tpu.memory_space<vmem>>) target(%dma_start3A_250 : memref<10240xf32, #tpu.memory_space<vmem_shared>>) target_semaphore(%run_scoped3A : memref<!tpu.dma_semaphore, #tpu.memory_space<semaphore_mem>>)
      %dma_wait3A = tpu.memref_slice %arg16[%mul3A_10] : memref<163840xf32, #tpu.memory_space<vmem_shared>> -> memref<10240xf32, #tpu.memory_space<vmem_shared>>
      %dma_wait3A_251 = tpu.memref_slice %arg16[%mul3A_10] : memref<163840xf32, #tpu.memory_space<vmem_shared>> -> memref<10240xf32, #tpu.memory_space<vmem_shared>>
      tpu.wait_dma2 semaphore(%run_scoped3A : memref<!tpu.dma_semaphore, #tpu.memory_space<semaphore_mem>>) src(%arg11 : memref<10240xf32, #tpu.memory_space<vmem>>) dst(%dma_wait3A_251 : memref<10240xf32, #tpu.memory_space<vmem_shared>>)
      tpu.yield
    }) : () -> ()
    %mul3A_11 = arith.constant 10240 : i32
    %mul3A_12 = arith.muli %arg1, %mul3A_11 : i32
    "tpu.region"() ({
      %run_scoped3A = tpu.sem_alloc : memref<!tpu.dma_semaphore, #tpu.memory_space<semaphore_mem>>
      %dma_start3A = tpu.memref_slice %arg17[%mul3A_12] : memref<163840xf32, #tpu.memory_space<vmem_shared>> -> memref<10240xf32, #tpu.memory_space<vmem_shared>>
      %dma_start3A_250 = tpu.memref_slice %arg17[%mul3A_12] : memref<163840xf32, #tpu.memory_space<vmem_shared>> -> memref<10240xf32, #tpu.memory_space<vmem_shared>>
      tpu.enqueue_dma source(%arg12 : memref<10240xf32, #tpu.memory_space<vmem>>) target(%dma_start3A_250 : memref<10240xf32, #tpu.memory_space<vmem_shared>>) target_semaphore(%run_scoped3A : memref<!tpu.dma_semaphore, #tpu.memory_space<semaphore_mem>>)
      %dma_wait3A = tpu.memref_slice %arg17[%mul3A_12] : memref<163840xf32, #tpu.memory_space<vmem_shared>> -> memref<10240xf32, #tpu.memory_space<vmem_shared>>
      %dma_wait3A_251 = tpu.memref_slice %arg17[%mul3A_12] : memref<163840xf32, #tpu.memory_space<vmem_shared>> -> memref<10240xf32, #tpu.memory_space<vmem_shared>>
      tpu.wait_dma2 semaphore(%run_scoped3A : memref<!tpu.dma_semaphore, #tpu.memory_space<semaphore_mem>>) src(%arg12 : memref<10240xf32, #tpu.memory_space<vmem>>) dst(%dma_wait3A_251 : memref<10240xf32, #tpu.memory_space<vmem_shared>>)
      tpu.yield
    }) : () -> ()
    %barrier3A = arith.constant 0 : index
    tpu.barrier barrier_id(%barrier3A)
    %mul3A_13 = arith.constant 640 : i32
    %mul3A_14 = arith.muli %arg1, %mul3A_13 : i32
    %add3A_15 = arith.constant 0 : i32
    %add3A_16 = arith.addi %add3A_15, %mul3A_14 : i32
    "tpu.region"() ({
      %run_scoped3A = tpu.sem_alloc : memref<!tpu.dma_semaphore, #tpu.memory_space<semaphore_mem>>
      %dma_start3A = arith.constant 0 : i32
      %dma_start3A_250 = tpu.memref_slice %arg13[%dma_start3A] : memref<10240xf32, #tpu.memory_space<vmem>> -> memref<640xf32, #tpu.memory_space<vmem>>
      %dma_start3A_251 = tpu.memref_slice %arg15[%add3A_16] : memref<163840xf32, #tpu.memory_space<vmem_shared>> -> memref<640xf32, #tpu.memory_space<vmem_shared>>
      %dma_start3A_252 = arith.constant 0 : i32
      %dma_start3A_253 = tpu.memref_slice %arg13[%dma_start3A_252] : memref<10240xf32, #tpu.memory_space<vmem>> -> memref<640xf32, #tpu.memory_space<vmem>>
      %dma_start3A_254 = tpu.memref_slice %arg15[%add3A_16] : memref<163840xf32, #tpu.memory_space<vmem_shared>> -> memref<640xf32, #tpu.memory_space<vmem_shared>>
      tpu.enqueue_dma source(%dma_start3A_254 : memref<640xf32, #tpu.memory_space<vmem_shared>>) target(%dma_start3A_253 : memref<640xf32, #tpu.memory_space<vmem>>) target_semaphore(%run_scoped3A : memref<!tpu.dma_semaphore, #tpu.memory_space<semaphore_mem>>)
      %dma_wait3A = arith.constant 0 : i32
      %dma_wait3A_255 = tpu.memref_slice %arg13[%dma_wait3A] : memref<10240xf32, #tpu.memory_space<vmem>> -> memref<640xf32, #tpu.memory_space<vmem>>
      %dma_wait3A_256 = tpu.memref_slice %arg15[%add3A_16] : memref<163840xf32, #tpu.memory_space<vmem_shared>> -> memref<640xf32, #tpu.memory_space<vmem_shared>>
      %dma_wait3A_257 = arith.constant 0 : i32
      %dma_wait3A_258 = tpu.memref_slice %arg13[%dma_wait3A_257] : memref<10240xf32, #tpu.memory_space<vmem>> -> memref<640xf32, #tpu.memory_space<vmem>>
      %dma_wait3A_259 = tpu.memref_slice %arg15[%add3A_16] : memref<163840xf32, #tpu.memory_space<vmem_shared>> -> memref<640xf32, #tpu.memory_space<vmem_shared>>
      tpu.wait_dma2 semaphore(%run_scoped3A : memref<!tpu.dma_semaphore, #tpu.memory_space<semaphore_mem>>) src(%dma_wait3A_259 : memref<640xf32, #tpu.memory_space<vmem_shared>>) dst(%dma_wait3A_258 : memref<640xf32, #tpu.memory_space<vmem>>)
      tpu.yield
    }) : () -> ()
    %mul3A_17 = arith.constant 640 : i32
    %mul3A_18 = arith.muli %arg1, %mul3A_17 : i32
    %add3A_19 = arith.constant 10240 : i32
    %add3A_20 = arith.addi %add3A_19, %mul3A_18 : i32
    "tpu.region"() ({
      %run_scoped3A = tpu.sem_alloc : memref<!tpu.dma_semaphore, #tpu.memory_space<semaphore_mem>>
      %dma_start3A = arith.constant 640 : i32
      %dma_start3A_250 = tpu.memref_slice %arg13[%dma_start3A] : memref<10240xf32, #tpu.memory_space<vmem>> -> memref<640xf32, #tpu.memory_space<vmem>>
      %dma_start3A_251 = tpu.memref_slice %arg15[%add3A_20] : memref<163840xf32, #tpu.memory_space<vmem_shared>> -> memref<640xf32, #tpu.memory_space<vmem_shared>>
      %dma_start3A_252 = arith.constant 640 : i32
      %dma_start3A_253 = tpu.memref_slice %arg13[%dma_start3A_252] : memref<10240xf32, #tpu.memory_space<vmem>> -> memref<640xf32, #tpu.memory_space<vmem>>
      %dma_start3A_254 = tpu.memref_slice %arg15[%add3A_20] : memref<163840xf32, #tpu.memory_space<vmem_shared>> -> memref<640xf32, #tpu.memory_space<vmem_shared>>
      tpu.enqueue_dma source(%dma_start3A_254 : memref<640xf32, #tpu.memory_space<vmem_shared>>) target(%dma_start3A_253 : memref<640xf32, #tpu.memory_space<vmem>>) target_semaphore(%run_scoped3A : memref<!tpu.dma_semaphore, #tpu.memory_space<semaphore_mem>>)
      %dma_wait3A = arith.constant 640 : i32
      %dma_wait3A_255 = tpu.memref_slice %arg13[%dma_wait3A] : memref<10240xf32, #tpu.memory_space<vmem>> -> memref<640xf32, #tpu.memory_space<vmem>>
      %dma_wait3A_256 = tpu.memref_slice %arg15[%add3A_20] : memref<163840xf32, #tpu.memory_space<vmem_shared>> -> memref<640xf32, #tpu.memory_space<vmem_shared>>
      %dma_wait3A_257 = arith.constant 640 : i32
      %dma_wait3A_258 = tpu.memref_slice %arg13[%dma_wait3A_257] : memref<10240xf32, #tpu.memory_space<vmem>> -> memref<640xf32, #tpu.memory_space<vmem>>
      %dma_wait3A_259 = tpu.memref_slice %arg15[%add3A_20] : memref<163840xf32, #tpu.memory_space<vmem_shared>> -> memref<640xf32, #tpu.memory_space<vmem_shared>>
      tpu.wait_dma2 semaphore(%run_scoped3A : memref<!tpu.dma_semaphore, #tpu.memory_space<semaphore_mem>>) src(%dma_wait3A_259 : memref<640xf32, #tpu.memory_space<vmem_shared>>) dst(%dma_wait3A_258 : memref<640xf32, #tpu.memory_space<vmem>>)
      tpu.yield
    }) : () -> ()
    %mul3A_21 = arith.constant 640 : i32
    %mul3A_22 = arith.muli %arg1, %mul3A_21 : i32
    %add3A_23 = arith.constant 20480 : i32
    %add3A_24 = arith.addi %add3A_23, %mul3A_22 : i32
    "tpu.region"() ({
      %run_scoped3A = tpu.sem_alloc : memref<!tpu.dma_semaphore, #tpu.memory_space<semaphore_mem>>
      %dma_start3A = arith.constant 1280 : i32
      %dma_start3A_250 = tpu.memref_slice %arg13[%dma_start3A] : memref<10240xf32, #tpu.memory_space<vmem>> -> memref<640xf32, #tpu.memory_space<vmem>>
      %dma_start3A_251 = tpu.memref_slice %arg15[%add3A_24] : memref<163840xf32, #tpu.memory_space<vmem_shared>> -> memref<640xf32, #tpu.memory_space<vmem_shared>>
      %dma_start3A_252 = arith.constant 1280 : i32
      %dma_start3A_253 = tpu.memref_slice %arg13[%dma_start3A_252] : memref<10240xf32, #tpu.memory_space<vmem>> -> memref<640xf32, #tpu.memory_space<vmem>>
      %dma_start3A_254 = tpu.memref_slice %arg15[%add3A_24] : memref<163840xf32, #tpu.memory_space<vmem_shared>> -> memref<640xf32, #tpu.memory_space<vmem_shared>>
      tpu.enqueue_dma source(%dma_start3A_254 : memref<640xf32, #tpu.memory_space<vmem_shared>>) target(%dma_start3A_253 : memref<640xf32, #tpu.memory_space<vmem>>) target_semaphore(%run_scoped3A : memref<!tpu.dma_semaphore, #tpu.memory_space<semaphore_mem>>)
      %dma_wait3A = arith.constant 1280 : i32
      %dma_wait3A_255 = tpu.memref_slice %arg13[%dma_wait3A] : memref<10240xf32, #tpu.memory_space<vmem>> -> memref<640xf32, #tpu.memory_space<vmem>>
      %dma_wait3A_256 = tpu.memref_slice %arg15[%add3A_24] : memref<163840xf32, #tpu.memory_space<vmem_shared>> -> memref<640xf32, #tpu.memory_space<vmem_shared>>
      %dma_wait3A_257 = arith.constant 1280 : i32
      %dma_wait3A_258 = tpu.memref_slice %arg13[%dma_wait3A_257] : memref<10240xf32, #tpu.memory_space<vmem>> -> memref<640xf32, #tpu.memory_space<vmem>>
      %dma_wait3A_259 = tpu.memref_slice %arg15[%add3A_24] : memref<163840xf32, #tpu.memory_space<vmem_shared>> -> memref<640xf32, #tpu.memory_space<vmem_shared>>
      tpu.wait_dma2 semaphore(%run_scoped3A : memref<!tpu.dma_semaphore, #tpu.memory_space<semaphore_mem>>) src(%dma_wait3A_259 : memref<640xf32, #tpu.memory_space<vmem_shared>>) dst(%dma_wait3A_258 : memref<640xf32, #tpu.memory_space<vmem>>)
      tpu.yield
    }) : () -> ()
    %mul3A_25 = arith.constant 640 : i32
    %mul3A_26 = arith.muli %arg1, %mul3A_25 : i32
    %add3A_27 = arith.constant 30720 : i32
    %add3A_28 = arith.addi %add3A_27, %mul3A_26 : i32
    "tpu.region"() ({
      %run_scoped3A = tpu.sem_alloc : memref<!tpu.dma_semaphore, #tpu.memory_space<semaphore_mem>>
      %dma_start3A = arith.constant 1920 : i32
      %dma_start3A_250 = tpu.memref_slice %arg13[%dma_start3A] : memref<10240xf32, #tpu.memory_space<vmem>> -> memref<640xf32, #tpu.memory_space<vmem>>
      %dma_start3A_251 = tpu.memref_slice %arg15[%add3A_28] : memref<163840xf32, #tpu.memory_space<vmem_shared>> -> memref<640xf32, #tpu.memory_space<vmem_shared>>
      %dma_start3A_252 = arith.constant 1920 : i32
      %dma_start3A_253 = tpu.memref_slice %arg13[%dma_start3A_252] : memref<10240xf32, #tpu.memory_space<vmem>> -> memref<640xf32, #tpu.memory_space<vmem>>
      %dma_start3A_254 = tpu.memref_slice %arg15[%add3A_28] : memref<163840xf32, #tpu.memory_space<vmem_shared>> -> memref<640xf32, #tpu.memory_space<vmem_shared>>
      tpu.enqueue_dma source(%dma_start3A_254 : memref<640xf32, #tpu.memory_space<vmem_shared>>) target(%dma_start3A_253 : memref<640xf32, #tpu.memory_space<vmem>>) target_semaphore(%run_scoped3A : memref<!tpu.dma_semaphore, #tpu.memory_space<semaphore_mem>>)
      %dma_wait3A = arith.constant 1920 : i32
      %dma_wait3A_255 = tpu.memref_slice %arg13[%dma_wait3A] : memref<10240xf32, #tpu.memory_space<vmem>> -> memref<640xf32, #tpu.memory_space<vmem>>
      %dma_wait3A_256 = tpu.memref_slice %arg15[%add3A_28] : memref<163840xf32, #tpu.memory_space<vmem_shared>> -> memref<640xf32, #tpu.memory_space<vmem_shared>>
      %dma_wait3A_257 = arith.constant 1920 : i32
      %dma_wait3A_258 = tpu.memref_slice %arg13[%dma_wait3A_257] : memref<10240xf32, #tpu.memory_space<vmem>> -> memref<640xf32, #tpu.memory_space<vmem>>
      %dma_wait3A_259 = tpu.memref_slice %arg15[%add3A_28] : memref<163840xf32, #tpu.memory_space<vmem_shared>> -> memref<640xf32, #tpu.memory_space<vmem_shared>>
      tpu.wait_dma2 semaphore(%run_scoped3A : memref<!tpu.dma_semaphore, #tpu.memory_space<semaphore_mem>>) src(%dma_wait3A_259 : memref<640xf32, #tpu.memory_space<vmem_shared>>) dst(%dma_wait3A_258 : memref<640xf32, #tpu.memory_space<vmem>>)
      tpu.yield
    }) : () -> ()
    %mul3A_29 = arith.constant 640 : i32
    %mul3A_30 = arith.muli %arg1, %mul3A_29 : i32
    %add3A_31 = arith.constant 40960 : i32
    %add3A_32 = arith.addi %add3A_31, %mul3A_30 : i32
    "tpu.region"() ({
      %run_scoped3A = tpu.sem_alloc : memref<!tpu.dma_semaphore, #tpu.memory_space<semaphore_mem>>
      %dma_start3A = arith.constant 2560 : i32
      %dma_start3A_250 = tpu.memref_slice %arg13[%dma_start3A] : memref<10240xf32, #tpu.memory_space<vmem>> -> memref<640xf32, #tpu.memory_space<vmem>>
      %dma_start3A_251 = tpu.memref_slice %arg15[%add3A_32] : memref<163840xf32, #tpu.memory_space<vmem_shared>> -> memref<640xf32, #tpu.memory_space<vmem_shared>>
      %dma_start3A_252 = arith.constant 2560 : i32
      %dma_start3A_253 = tpu.memref_slice %arg13[%dma_start3A_252] : memref<10240xf32, #tpu.memory_space<vmem>> -> memref<640xf32, #tpu.memory_space<vmem>>
      %dma_start3A_254 = tpu.memref_slice %arg15[%add3A_32] : memref<163840xf32, #tpu.memory_space<vmem_shared>> -> memref<640xf32, #tpu.memory_space<vmem_shared>>
      tpu.enqueue_dma source(%dma_start3A_254 : memref<640xf32, #tpu.memory_space<vmem_shared>>) target(%dma_start3A_253 : memref<640xf32, #tpu.memory_space<vmem>>) target_semaphore(%run_scoped3A : memref<!tpu.dma_semaphore, #tpu.memory_space<semaphore_mem>>)
      %dma_wait3A = arith.constant 2560 : i32
      %dma_wait3A_255 = tpu.memref_slice %arg13[%dma_wait3A] : memref<10240xf32, #tpu.memory_space<vmem>> -> memref<640xf32, #tpu.memory_space<vmem>>
      %dma_wait3A_256 = tpu.memref_slice %arg15[%add3A_32] : memref<163840xf32, #tpu.memory_space<vmem_shared>> -> memref<640xf32, #tpu.memory_space<vmem_shared>>
      %dma_wait3A_257 = arith.constant 2560 : i32
      %dma_wait3A_258 = tpu.memref_slice %arg13[%dma_wait3A_257] : memref<10240xf32, #tpu.memory_space<vmem>> -> memref<640xf32, #tpu.memory_space<vmem>>
      %dma_wait3A_259 = tpu.memref_slice %arg15[%add3A_32] : memref<163840xf32, #tpu.memory_space<vmem_shared>> -> memref<640xf32, #tpu.memory_space<vmem_shared>>
      tpu.wait_dma2 semaphore(%run_scoped3A : memref<!tpu.dma_semaphore, #tpu.memory_space<semaphore_mem>>) src(%dma_wait3A_259 : memref<640xf32, #tpu.memory_space<vmem_shared>>) dst(%dma_wait3A_258 : memref<640xf32, #tpu.memory_space<vmem>>)
      tpu.yield
    }) : () -> ()
    %mul3A_33 = arith.constant 640 : i32
    %mul3A_34 = arith.muli %arg1, %mul3A_33 : i32
    %add3A_35 = arith.constant 51200 : i32
    %add3A_36 = arith.addi %add3A_35, %mul3A_34 : i32
    "tpu.region"() ({
      %run_scoped3A = tpu.sem_alloc : memref<!tpu.dma_semaphore, #tpu.memory_space<semaphore_mem>>
      %dma_start3A = arith.constant 3200 : i32
      %dma_start3A_250 = tpu.memref_slice %arg13[%dma_start3A] : memref<10240xf32, #tpu.memory_space<vmem>> -> memref<640xf32, #tpu.memory_space<vmem>>
      %dma_start3A_251 = tpu.memref_slice %arg15[%add3A_36] : memref<163840xf32, #tpu.memory_space<vmem_shared>> -> memref<640xf32, #tpu.memory_space<vmem_shared>>
      %dma_start3A_252 = arith.constant 3200 : i32
      %dma_start3A_253 = tpu.memref_slice %arg13[%dma_start3A_252] : memref<10240xf32, #tpu.memory_space<vmem>> -> memref<640xf32, #tpu.memory_space<vmem>>
      %dma_start3A_254 = tpu.memref_slice %arg15[%add3A_36] : memref<163840xf32, #tpu.memory_space<vmem_shared>> -> memref<640xf32, #tpu.memory_space<vmem_shared>>
      tpu.enqueue_dma source(%dma_start3A_254 : memref<640xf32, #tpu.memory_space<vmem_shared>>) target(%dma_start3A_253 : memref<640xf32, #tpu.memory_space<vmem>>) target_semaphore(%run_scoped3A : memref<!tpu.dma_semaphore, #tpu.memory_space<semaphore_mem>>)
      %dma_wait3A = arith.constant 3200 : i32
      %dma_wait3A_255 = tpu.memref_slice %arg13[%dma_wait3A] : memref<10240xf32, #tpu.memory_space<vmem>> -> memref<640xf32, #tpu.memory_space<vmem>>
      %dma_wait3A_256 = tpu.memref_slice %arg15[%add3A_36] : memref<163840xf32, #tpu.memory_space<vmem_shared>> -> memref<640xf32, #tpu.memory_space<vmem_shared>>
      %dma_wait3A_257 = arith.constant 3200 : i32
      %dma_wait3A_258 = tpu.memref_slice %arg13[%dma_wait3A_257] : memref<10240xf32, #tpu.memory_space<vmem>> -> memref<640xf32, #tpu.memory_space<vmem>>
      %dma_wait3A_259 = tpu.memref_slice %arg15[%add3A_36] : memref<163840xf32, #tpu.memory_space<vmem_shared>> -> memref<640xf32, #tpu.memory_space<vmem_shared>>
      tpu.wait_dma2 semaphore(%run_scoped3A : memref<!tpu.dma_semaphore, #tpu.memory_space<semaphore_mem>>) src(%dma_wait3A_259 : memref<640xf32, #tpu.memory_space<vmem_shared>>) dst(%dma_wait3A_258 : memref<640xf32, #tpu.memory_space<vmem>>)
      tpu.yield
    }) : () -> ()
    %mul3A_37 = arith.constant 640 : i32
    %mul3A_38 = arith.muli %arg1, %mul3A_37 : i32
    %add3A_39 = arith.constant 61440 : i32
    %add3A_40 = arith.addi %add3A_39, %mul3A_38 : i32
    "tpu.region"() ({
      %run_scoped3A = tpu.sem_alloc : memref<!tpu.dma_semaphore, #tpu.memory_space<semaphore_mem>>
      %dma_start3A = arith.constant 3840 : i32
      %dma_start3A_250 = tpu.memref_slice %arg13[%dma_start3A] : memref<10240xf32, #tpu.memory_space<vmem>> -> memref<640xf32, #tpu.memory_space<vmem>>
      %dma_start3A_251 = tpu.memref_slice %arg15[%add3A_40] : memref<163840xf32, #tpu.memory_space<vmem_shared>> -> memref<640xf32, #tpu.memory_space<vmem_shared>>
      %dma_start3A_252 = arith.constant 3840 : i32
      %dma_start3A_253 = tpu.memref_slice %arg13[%dma_start3A_252] : memref<10240xf32, #tpu.memory_space<vmem>> -> memref<640xf32, #tpu.memory_space<vmem>>
      %dma_start3A_254 = tpu.memref_slice %arg15[%add3A_40] : memref<163840xf32, #tpu.memory_space<vmem_shared>> -> memref<640xf32, #tpu.memory_space<vmem_shared>>
      tpu.enqueue_dma source(%dma_start3A_254 : memref<640xf32, #tpu.memory_space<vmem_shared>>) target(%dma_start3A_253 : memref<640xf32, #tpu.memory_space<vmem>>) target_semaphore(%run_scoped3A : memref<!tpu.dma_semaphore, #tpu.memory_space<semaphore_mem>>)
      %dma_wait3A = arith.constant 3840 : i32
      %dma_wait3A_255 = tpu.memref_slice %arg13[%dma_wait3A] : memref<10240xf32, #tpu.memory_space<vmem>> -> memref<640xf32, #tpu.memory_space<vmem>>
      %dma_wait3A_256 = tpu.memref_slice %arg15[%add3A_40] : memref<163840xf32, #tpu.memory_space<vmem_shared>> -> memref<640xf32, #tpu.memory_space<vmem_shared>>
      %dma_wait3A_257 = arith.constant 3840 : i32
      %dma_wait3A_258 = tpu.memref_slice %arg13[%dma_wait3A_257] : memref<10240xf32, #tpu.memory_space<vmem>> -> memref<640xf32, #tpu.memory_space<vmem>>
      %dma_wait3A_259 = tpu.memref_slice %arg15[%add3A_40] : memref<163840xf32, #tpu.memory_space<vmem_shared>> -> memref<640xf32, #tpu.memory_space<vmem_shared>>
      tpu.wait_dma2 semaphore(%run_scoped3A : memref<!tpu.dma_semaphore, #tpu.memory_space<semaphore_mem>>) src(%dma_wait3A_259 : memref<640xf32, #tpu.memory_space<vmem_shared>>) dst(%dma_wait3A_258 : memref<640xf32, #tpu.memory_space<vmem>>)
      tpu.yield
    }) : () -> ()
    %mul3A_41 = arith.constant 640 : i32
    %mul3A_42 = arith.muli %arg1, %mul3A_41 : i32
    %add3A_43 = arith.constant 71680 : i32
    %add3A_44 = arith.addi %add3A_43, %mul3A_42 : i32
    "tpu.region"() ({
      %run_scoped3A = tpu.sem_alloc : memref<!tpu.dma_semaphore, #tpu.memory_space<semaphore_mem>>
      %dma_start3A = arith.constant 4480 : i32
      %dma_start3A_250 = tpu.memref_slice %arg13[%dma_start3A] : memref<10240xf32, #tpu.memory_space<vmem>> -> memref<640xf32, #tpu.memory_space<vmem>>
      %dma_start3A_251 = tpu.memref_slice %arg15[%add3A_44] : memref<163840xf32, #tpu.memory_space<vmem_shared>> -> memref<640xf32, #tpu.memory_space<vmem_shared>>
      %dma_start3A_252 = arith.constant 4480 : i32
      %dma_start3A_253 = tpu.memref_slice %arg13[%dma_start3A_252] : memref<10240xf32, #tpu.memory_space<vmem>> -> memref<640xf32, #tpu.memory_space<vmem>>
      %dma_start3A_254 = tpu.memref_slice %arg15[%add3A_44] : memref<163840xf32, #tpu.memory_space<vmem_shared>> -> memref<640xf32, #tpu.memory_space<vmem_shared>>
      tpu.enqueue_dma source(%dma_start3A_254 : memref<640xf32, #tpu.memory_space<vmem_shared>>) target(%dma_start3A_253 : memref<640xf32, #tpu.memory_space<vmem>>) target_semaphore(%run_scoped3A : memref<!tpu.dma_semaphore, #tpu.memory_space<semaphore_mem>>)
      %dma_wait3A = arith.constant 4480 : i32
      %dma_wait3A_255 = tpu.memref_slice %arg13[%dma_wait3A] : memref<10240xf32, #tpu.memory_space<vmem>> -> memref<640xf32, #tpu.memory_space<vmem>>
      %dma_wait3A_256 = tpu.memref_slice %arg15[%add3A_44] : memref<163840xf32, #tpu.memory_space<vmem_shared>> -> memref<640xf32, #tpu.memory_space<vmem_shared>>
      %dma_wait3A_257 = arith.constant 4480 : i32
      %dma_wait3A_258 = tpu.memref_slice %arg13[%dma_wait3A_257] : memref<10240xf32, #tpu.memory_space<vmem>> -> memref<640xf32, #tpu.memory_space<vmem>>
      %dma_wait3A_259 = tpu.memref_slice %arg15[%add3A_44] : memref<163840xf32, #tpu.memory_space<vmem_shared>> -> memref<640xf32, #tpu.memory_space<vmem_shared>>
      tpu.wait_dma2 semaphore(%run_scoped3A : memref<!tpu.dma_semaphore, #tpu.memory_space<semaphore_mem>>) src(%dma_wait3A_259 : memref<640xf32, #tpu.memory_space<vmem_shared>>) dst(%dma_wait3A_258 : memref<640xf32, #tpu.memory_space<vmem>>)
      tpu.yield
    }) : () -> ()
    %mul3A_45 = arith.constant 640 : i32
    %mul3A_46 = arith.muli %arg1, %mul3A_45 : i32
    %add3A_47 = arith.constant 81920 : i32
    %add3A_48 = arith.addi %add3A_47, %mul3A_46 : i32
    "tpu.region"() ({
      %run_scoped3A = tpu.sem_alloc : memref<!tpu.dma_semaphore, #tpu.memory_space<semaphore_mem>>
      %dma_start3A = arith.constant 5120 : i32
      %dma_start3A_250 = tpu.memref_slice %arg13[%dma_start3A] : memref<10240xf32, #tpu.memory_space<vmem>> -> memref<640xf32, #tpu.memory_space<vmem>>
      %dma_start3A_251 = tpu.memref_slice %arg15[%add3A_48] : memref<163840xf32, #tpu.memory_space<vmem_shared>> -> memref<640xf32, #tpu.memory_space<vmem_shared>>
      %dma_start3A_252 = arith.constant 5120 : i32
      %dma_start3A_253 = tpu.memref_slice %arg13[%dma_start3A_252] : memref<10240xf32, #tpu.memory_space<vmem>> -> memref<640xf32, #tpu.memory_space<vmem>>
      %dma_start3A_254 = tpu.memref_slice %arg15[%add3A_48] : memref<163840xf32, #tpu.memory_space<vmem_shared>> -> memref<640xf32, #tpu.memory_space<vmem_shared>>
      tpu.enqueue_dma source(%dma_start3A_254 : memref<640xf32, #tpu.memory_space<vmem_shared>>) target(%dma_start3A_253 : memref<640xf32, #tpu.memory_space<vmem>>) target_semaphore(%run_scoped3A : memref<!tpu.dma_semaphore, #tpu.memory_space<semaphore_mem>>)
      %dma_wait3A = arith.constant 5120 : i32
      %dma_wait3A_255 = tpu.memref_slice %arg13[%dma_wait3A] : memref<10240xf32, #tpu.memory_space<vmem>> -> memref<640xf32, #tpu.memory_space<vmem>>
      %dma_wait3A_256 = tpu.memref_slice %arg15[%add3A_48] : memref<163840xf32, #tpu.memory_space<vmem_shared>> -> memref<640xf32, #tpu.memory_space<vmem_shared>>
      %dma_wait3A_257 = arith.constant 5120 : i32
      %dma_wait3A_258 = tpu.memref_slice %arg13[%dma_wait3A_257] : memref<10240xf32, #tpu.memory_space<vmem>> -> memref<640xf32, #tpu.memory_space<vmem>>
      %dma_wait3A_259 = tpu.memref_slice %arg15[%add3A_48] : memref<163840xf32, #tpu.memory_space<vmem_shared>> -> memref<640xf32, #tpu.memory_space<vmem_shared>>
      tpu.wait_dma2 semaphore(%run_scoped3A : memref<!tpu.dma_semaphore, #tpu.memory_space<semaphore_mem>>) src(%dma_wait3A_259 : memref<640xf32, #tpu.memory_space<vmem_shared>>) dst(%dma_wait3A_258 : memref<640xf32, #tpu.memory_space<vmem>>)
      tpu.yield
    }) : () -> ()
    %mul3A_49 = arith.constant 640 : i32
    %mul3A_50 = arith.muli %arg1, %mul3A_49 : i32
    %add3A_51 = arith.constant 92160 : i32
    %add3A_52 = arith.addi %add3A_51, %mul3A_50 : i32
    "tpu.region"() ({
      %run_scoped3A = tpu.sem_alloc : memref<!tpu.dma_semaphore, #tpu.memory_space<semaphore_mem>>
      %dma_start3A = arith.constant 5760 : i32
      %dma_start3A_250 = tpu.memref_slice %arg13[%dma_start3A] : memref<10240xf32, #tpu.memory_space<vmem>> -> memref<640xf32, #tpu.memory_space<vmem>>
      %dma_start3A_251 = tpu.memref_slice %arg15[%add3A_52] : memref<163840xf32, #tpu.memory_space<vmem_shared>> -> memref<640xf32, #tpu.memory_space<vmem_shared>>
      %dma_start3A_252 = arith.constant 5760 : i32
      %dma_start3A_253 = tpu.memref_slice %arg13[%dma_start3A_252] : memref<10240xf32, #tpu.memory_space<vmem>> -> memref<640xf32, #tpu.memory_space<vmem>>
      %dma_start3A_254 = tpu.memref_slice %arg15[%add3A_52] : memref<163840xf32, #tpu.memory_space<vmem_shared>> -> memref<640xf32, #tpu.memory_space<vmem_shared>>
      tpu.enqueue_dma source(%dma_start3A_254 : memref<640xf32, #tpu.memory_space<vmem_shared>>) target(%dma_start3A_253 : memref<640xf32, #tpu.memory_space<vmem>>) target_semaphore(%run_scoped3A : memref<!tpu.dma_semaphore, #tpu.memory_space<semaphore_mem>>)
      %dma_wait3A = arith.constant 5760 : i32
      %dma_wait3A_255 = tpu.memref_slice %arg13[%dma_wait3A] : memref<10240xf32, #tpu.memory_space<vmem>> -> memref<640xf32, #tpu.memory_space<vmem>>
      %dma_wait3A_256 = tpu.memref_slice %arg15[%add3A_52] : memref<163840xf32, #tpu.memory_space<vmem_shared>> -> memref<640xf32, #tpu.memory_space<vmem_shared>>
      %dma_wait3A_257 = arith.constant 5760 : i32
      %dma_wait3A_258 = tpu.memref_slice %arg13[%dma_wait3A_257] : memref<10240xf32, #tpu.memory_space<vmem>> -> memref<640xf32, #tpu.memory_space<vmem>>
      %dma_wait3A_259 = tpu.memref_slice %arg15[%add3A_52] : memref<163840xf32, #tpu.memory_space<vmem_shared>> -> memref<640xf32, #tpu.memory_space<vmem_shared>>
      tpu.wait_dma2 semaphore(%run_scoped3A : memref<!tpu.dma_semaphore, #tpu.memory_space<semaphore_mem>>) src(%dma_wait3A_259 : memref<640xf32, #tpu.memory_space<vmem_shared>>) dst(%dma_wait3A_258 : memref<640xf32, #tpu.memory_space<vmem>>)
      tpu.yield
    }) : () -> ()
    %mul3A_53 = arith.constant 640 : i32
    %mul3A_54 = arith.muli %arg1, %mul3A_53 : i32
    %add3A_55 = arith.constant 102400 : i32
    %add3A_56 = arith.addi %add3A_55, %mul3A_54 : i32
    "tpu.region"() ({
      %run_scoped3A = tpu.sem_alloc : memref<!tpu.dma_semaphore, #tpu.memory_space<semaphore_mem>>
      %dma_start3A = arith.constant 6400 : i32
      %dma_start3A_250 = tpu.memref_slice %arg13[%dma_start3A] : memref<10240xf32, #tpu.memory_space<vmem>> -> memref<640xf32, #tpu.memory_space<vmem>>
      %dma_start3A_251 = tpu.memref_slice %arg15[%add3A_56] : memref<163840xf32, #tpu.memory_space<vmem_shared>> -> memref<640xf32, #tpu.memory_space<vmem_shared>>
      %dma_start3A_252 = arith.constant 6400 : i32
      %dma_start3A_253 = tpu.memref_slice %arg13[%dma_start3A_252] : memref<10240xf32, #tpu.memory_space<vmem>> -> memref<640xf32, #tpu.memory_space<vmem>>
      %dma_start3A_254 = tpu.memref_slice %arg15[%add3A_56] : memref<163840xf32, #tpu.memory_space<vmem_shared>> -> memref<640xf32, #tpu.memory_space<vmem_shared>>
      tpu.enqueue_dma source(%dma_start3A_254 : memref<640xf32, #tpu.memory_space<vmem_shared>>) target(%dma_start3A_253 : memref<640xf32, #tpu.memory_space<vmem>>) target_semaphore(%run_scoped3A : memref<!tpu.dma_semaphore, #tpu.memory_space<semaphore_mem>>)
      %dma_wait3A = arith.constant 6400 : i32
      %dma_wait3A_255 = tpu.memref_slice %arg13[%dma_wait3A] : memref<10240xf32, #tpu.memory_space<vmem>> -> memref<640xf32, #tpu.memory_space<vmem>>
      %dma_wait3A_256 = tpu.memref_slice %arg15[%add3A_56] : memref<163840xf32, #tpu.memory_space<vmem_shared>> -> memref<640xf32, #tpu.memory_space<vmem_shared>>
      %dma_wait3A_257 = arith.constant 6400 : i32
      %dma_wait3A_258 = tpu.memref_slice %arg13[%dma_wait3A_257] : memref<10240xf32, #tpu.memory_space<vmem>> -> memref<640xf32, #tpu.memory_space<vmem>>
      %dma_wait3A_259 = tpu.memref_slice %arg15[%add3A_56] : memref<163840xf32, #tpu.memory_space<vmem_shared>> -> memref<640xf32, #tpu.memory_space<vmem_shared>>
      tpu.wait_dma2 semaphore(%run_scoped3A : memref<!tpu.dma_semaphore, #tpu.memory_space<semaphore_mem>>) src(%dma_wait3A_259 : memref<640xf32, #tpu.memory_space<vmem_shared>>) dst(%dma_wait3A_258 : memref<640xf32, #tpu.memory_space<vmem>>)
      tpu.yield
    }) : () -> ()
    %mul3A_57 = arith.constant 640 : i32
    %mul3A_58 = arith.muli %arg1, %mul3A_57 : i32
    %add3A_59 = arith.constant 112640 : i32
    %add3A_60 = arith.addi %add3A_59, %mul3A_58 : i32
    "tpu.region"() ({
      %run_scoped3A = tpu.sem_alloc : memref<!tpu.dma_semaphore, #tpu.memory_space<semaphore_mem>>
      %dma_start3A = arith.constant 7040 : i32
      %dma_start3A_250 = tpu.memref_slice %arg13[%dma_start3A] : memref<10240xf32, #tpu.memory_space<vmem>> -> memref<640xf32, #tpu.memory_space<vmem>>
      %dma_start3A_251 = tpu.memref_slice %arg15[%add3A_60] : memref<163840xf32, #tpu.memory_space<vmem_shared>> -> memref<640xf32, #tpu.memory_space<vmem_shared>>
      %dma_start3A_252 = arith.constant 7040 : i32
      %dma_start3A_253 = tpu.memref_slice %arg13[%dma_start3A_252] : memref<10240xf32, #tpu.memory_space<vmem>> -> memref<640xf32, #tpu.memory_space<vmem>>
      %dma_start3A_254 = tpu.memref_slice %arg15[%add3A_60] : memref<163840xf32, #tpu.memory_space<vmem_shared>> -> memref<640xf32, #tpu.memory_space<vmem_shared>>
      tpu.enqueue_dma source(%dma_start3A_254 : memref<640xf32, #tpu.memory_space<vmem_shared>>) target(%dma_start3A_253 : memref<640xf32, #tpu.memory_space<vmem>>) target_semaphore(%run_scoped3A : memref<!tpu.dma_semaphore, #tpu.memory_space<semaphore_mem>>)
      %dma_wait3A = arith.constant 7040 : i32
      %dma_wait3A_255 = tpu.memref_slice %arg13[%dma_wait3A] : memref<10240xf32, #tpu.memory_space<vmem>> -> memref<640xf32, #tpu.memory_space<vmem>>
      %dma_wait3A_256 = tpu.memref_slice %arg15[%add3A_60] : memref<163840xf32, #tpu.memory_space<vmem_shared>> -> memref<640xf32, #tpu.memory_space<vmem_shared>>
      %dma_wait3A_257 = arith.constant 7040 : i32
      %dma_wait3A_258 = tpu.memref_slice %arg13[%dma_wait3A_257] : memref<10240xf32, #tpu.memory_space<vmem>> -> memref<640xf32, #tpu.memory_space<vmem>>
      %dma_wait3A_259 = tpu.memref_slice %arg15[%add3A_60] : memref<163840xf32, #tpu.memory_space<vmem_shared>> -> memref<640xf32, #tpu.memory_space<vmem_shared>>
      tpu.wait_dma2 semaphore(%run_scoped3A : memref<!tpu.dma_semaphore, #tpu.memory_space<semaphore_mem>>) src(%dma_wait3A_259 : memref<640xf32, #tpu.memory_space<vmem_shared>>) dst(%dma_wait3A_258 : memref<640xf32, #tpu.memory_space<vmem>>)
      tpu.yield
    }) : () -> ()
    %mul3A_61 = arith.constant 640 : i32
    %mul3A_62 = arith.muli %arg1, %mul3A_61 : i32
    %add3A_63 = arith.constant 122880 : i32
    %add3A_64 = arith.addi %add3A_63, %mul3A_62 : i32
    "tpu.region"() ({
      %run_scoped3A = tpu.sem_alloc : memref<!tpu.dma_semaphore, #tpu.memory_space<semaphore_mem>>
      %dma_start3A = arith.constant 7680 : i32
      %dma_start3A_250 = tpu.memref_slice %arg13[%dma_start3A] : memref<10240xf32, #tpu.memory_space<vmem>> -> memref<640xf32, #tpu.memory_space<vmem>>
      %dma_start3A_251 = tpu.memref_slice %arg15[%add3A_64] : memref<163840xf32, #tpu.memory_space<vmem_shared>> -> memref<640xf32, #tpu.memory_space<vmem_shared>>
      %dma_start3A_252 = arith.constant 7680 : i32
      %dma_start3A_253 = tpu.memref_slice %arg13[%dma_start3A_252] : memref<10240xf32, #tpu.memory_space<vmem>> -> memref<640xf32, #tpu.memory_space<vmem>>
      %dma_start3A_254 = tpu.memref_slice %arg15[%add3A_64] : memref<163840xf32, #tpu.memory_space<vmem_shared>> -> memref<640xf32, #tpu.memory_space<vmem_shared>>
      tpu.enqueue_dma source(%dma_start3A_254 : memref<640xf32, #tpu.memory_space<vmem_shared>>) target(%dma_start3A_253 : memref<640xf32, #tpu.memory_space<vmem>>) target_semaphore(%run_scoped3A : memref<!tpu.dma_semaphore, #tpu.memory_space<semaphore_mem>>)
      %dma_wait3A = arith.constant 7680 : i32
      %dma_wait3A_255 = tpu.memref_slice %arg13[%dma_wait3A] : memref<10240xf32, #tpu.memory_space<vmem>> -> memref<640xf32, #tpu.memory_space<vmem>>
      %dma_wait3A_256 = tpu.memref_slice %arg15[%add3A_64] : memref<163840xf32, #tpu.memory_space<vmem_shared>> -> memref<640xf32, #tpu.memory_space<vmem_shared>>
      %dma_wait3A_257 = arith.constant 7680 : i32
      %dma_wait3A_258 = tpu.memref_slice %arg13[%dma_wait3A_257] : memref<10240xf32, #tpu.memory_space<vmem>> -> memref<640xf32, #tpu.memory_space<vmem>>
      %dma_wait3A_259 = tpu.memref_slice %arg15[%add3A_64] : memref<163840xf32, #tpu.memory_space<vmem_shared>> -> memref<640xf32, #tpu.memory_space<vmem_shared>>
      tpu.wait_dma2 semaphore(%run_scoped3A : memref<!tpu.dma_semaphore, #tpu.memory_space<semaphore_mem>>) src(%dma_wait3A_259 : memref<640xf32, #tpu.memory_space<vmem_shared>>) dst(%dma_wait3A_258 : memref<640xf32, #tpu.memory_space<vmem>>)
      tpu.yield
    }) : () -> ()
    %mul3A_65 = arith.constant 640 : i32
    %mul3A_66 = arith.muli %arg1, %mul3A_65 : i32
    %add3A_67 = arith.constant 133120 : i32
    %add3A_68 = arith.addi %add3A_67, %mul3A_66 : i32
    "tpu.region"() ({
      %run_scoped3A = tpu.sem_alloc : memref<!tpu.dma_semaphore, #tpu.memory_space<semaphore_mem>>
      %dma_start3A = arith.constant 8320 : i32
      %dma_start3A_250 = tpu.memref_slice %arg13[%dma_start3A] : memref<10240xf32, #tpu.memory_space<vmem>> -> memref<640xf32, #tpu.memory_space<vmem>>
      %dma_start3A_251 = tpu.memref_slice %arg15[%add3A_68] : memref<163840xf32, #tpu.memory_space<vmem_shared>> -> memref<640xf32, #tpu.memory_space<vmem_shared>>
      %dma_start3A_252 = arith.constant 8320 : i32
      %dma_start3A_253 = tpu.memref_slice %arg13[%dma_start3A_252] : memref<10240xf32, #tpu.memory_space<vmem>> -> memref<640xf32, #tpu.memory_space<vmem>>
      %dma_start3A_254 = tpu.memref_slice %arg15[%add3A_68] : memref<163840xf32, #tpu.memory_space<vmem_shared>> -> memref<640xf32, #tpu.memory_space<vmem_shared>>
      tpu.enqueue_dma source(%dma_start3A_254 : memref<640xf32, #tpu.memory_space<vmem_shared>>) target(%dma_start3A_253 : memref<640xf32, #tpu.memory_space<vmem>>) target_semaphore(%run_scoped3A : memref<!tpu.dma_semaphore, #tpu.memory_space<semaphore_mem>>)
      %dma_wait3A = arith.constant 8320 : i32
      %dma_wait3A_255 = tpu.memref_slice %arg13[%dma_wait3A] : memref<10240xf32, #tpu.memory_space<vmem>> -> memref<640xf32, #tpu.memory_space<vmem>>
      %dma_wait3A_256 = tpu.memref_slice %arg15[%add3A_68] : memref<163840xf32, #tpu.memory_space<vmem_shared>> -> memref<640xf32, #tpu.memory_space<vmem_shared>>
      %dma_wait3A_257 = arith.constant 8320 : i32
      %dma_wait3A_258 = tpu.memref_slice %arg13[%dma_wait3A_257] : memref<10240xf32, #tpu.memory_space<vmem>> -> memref<640xf32, #tpu.memory_space<vmem>>
      %dma_wait3A_259 = tpu.memref_slice %arg15[%add3A_68] : memref<163840xf32, #tpu.memory_space<vmem_shared>> -> memref<640xf32, #tpu.memory_space<vmem_shared>>
      tpu.wait_dma2 semaphore(%run_scoped3A : memref<!tpu.dma_semaphore, #tpu.memory_space<semaphore_mem>>) src(%dma_wait3A_259 : memref<640xf32, #tpu.memory_space<vmem_shared>>) dst(%dma_wait3A_258 : memref<640xf32, #tpu.memory_space<vmem>>)
      tpu.yield
    }) : () -> ()
    %mul3A_69 = arith.constant 640 : i32
    %mul3A_70 = arith.muli %arg1, %mul3A_69 : i32
    %add3A_71 = arith.constant 143360 : i32
    %add3A_72 = arith.addi %add3A_71, %mul3A_70 : i32
    "tpu.region"() ({
      %run_scoped3A = tpu.sem_alloc : memref<!tpu.dma_semaphore, #tpu.memory_space<semaphore_mem>>
      %dma_start3A = arith.constant 8960 : i32
      %dma_start3A_250 = tpu.memref_slice %arg13[%dma_start3A] : memref<10240xf32, #tpu.memory_space<vmem>> -> memref<640xf32, #tpu.memory_space<vmem>>
      %dma_start3A_251 = tpu.memref_slice %arg15[%add3A_72] : memref<163840xf32, #tpu.memory_space<vmem_shared>> -> memref<640xf32, #tpu.memory_space<vmem_shared>>
      %dma_start3A_252 = arith.constant 8960 : i32
      %dma_start3A_253 = tpu.memref_slice %arg13[%dma_start3A_252] : memref<10240xf32, #tpu.memory_space<vmem>> -> memref<640xf32, #tpu.memory_space<vmem>>
      %dma_start3A_254 = tpu.memref_slice %arg15[%add3A_72] : memref<163840xf32, #tpu.memory_space<vmem_shared>> -> memref<640xf32, #tpu.memory_space<vmem_shared>>
      tpu.enqueue_dma source(%dma_start3A_254 : memref<640xf32, #tpu.memory_space<vmem_shared>>) target(%dma_start3A_253 : memref<640xf32, #tpu.memory_space<vmem>>) target_semaphore(%run_scoped3A : memref<!tpu.dma_semaphore, #tpu.memory_space<semaphore_mem>>)
      %dma_wait3A = arith.constant 8960 : i32
      %dma_wait3A_255 = tpu.memref_slice %arg13[%dma_wait3A] : memref<10240xf32, #tpu.memory_space<vmem>> -> memref<640xf32, #tpu.memory_space<vmem>>
      %dma_wait3A_256 = tpu.memref_slice %arg15[%add3A_72] : memref<163840xf32, #tpu.memory_space<vmem_shared>> -> memref<640xf32, #tpu.memory_space<vmem_shared>>
      %dma_wait3A_257 = arith.constant 8960 : i32
      %dma_wait3A_258 = tpu.memref_slice %arg13[%dma_wait3A_257] : memref<10240xf32, #tpu.memory_space<vmem>> -> memref<640xf32, #tpu.memory_space<vmem>>
      %dma_wait3A_259 = tpu.memref_slice %arg15[%add3A_72] : memref<163840xf32, #tpu.memory_space<vmem_shared>> -> memref<640xf32, #tpu.memory_space<vmem_shared>>
      tpu.wait_dma2 semaphore(%run_scoped3A : memref<!tpu.dma_semaphore, #tpu.memory_space<semaphore_mem>>) src(%dma_wait3A_259 : memref<640xf32, #tpu.memory_space<vmem_shared>>) dst(%dma_wait3A_258 : memref<640xf32, #tpu.memory_space<vmem>>)
      tpu.yield
    }) : () -> ()
    %mul3A_73 = arith.constant 640 : i32
    %mul3A_74 = arith.muli %arg1, %mul3A_73 : i32
    %add3A_75 = arith.constant 153600 : i32
    %add3A_76 = arith.addi %add3A_75, %mul3A_74 : i32
    "tpu.region"() ({
      %run_scoped3A = tpu.sem_alloc : memref<!tpu.dma_semaphore, #tpu.memory_space<semaphore_mem>>
      %dma_start3A = arith.constant 9600 : i32
      %dma_start3A_250 = tpu.memref_slice %arg13[%dma_start3A] : memref<10240xf32, #tpu.memory_space<vmem>> -> memref<640xf32, #tpu.memory_space<vmem>>
      %dma_start3A_251 = tpu.memref_slice %arg15[%add3A_76] : memref<163840xf32, #tpu.memory_space<vmem_shared>> -> memref<640xf32, #tpu.memory_space<vmem_shared>>
      %dma_start3A_252 = arith.constant 9600 : i32
      %dma_start3A_253 = tpu.memref_slice %arg13[%dma_start3A_252] : memref<10240xf32, #tpu.memory_space<vmem>> -> memref<640xf32, #tpu.memory_space<vmem>>
      %dma_start3A_254 = tpu.memref_slice %arg15[%add3A_76] : memref<163840xf32, #tpu.memory_space<vmem_shared>> -> memref<640xf32, #tpu.memory_space<vmem_shared>>
      tpu.enqueue_dma source(%dma_start3A_254 : memref<640xf32, #tpu.memory_space<vmem_shared>>) target(%dma_start3A_253 : memref<640xf32, #tpu.memory_space<vmem>>) target_semaphore(%run_scoped3A : memref<!tpu.dma_semaphore, #tpu.memory_space<semaphore_mem>>)
      %dma_wait3A = arith.constant 9600 : i32
      %dma_wait3A_255 = tpu.memref_slice %arg13[%dma_wait3A] : memref<10240xf32, #tpu.memory_space<vmem>> -> memref<640xf32, #tpu.memory_space<vmem>>
      %dma_wait3A_256 = tpu.memref_slice %arg15[%add3A_76] : memref<163840xf32, #tpu.memory_space<vmem_shared>> -> memref<640xf32, #tpu.memory_space<vmem_shared>>
      %dma_wait3A_257 = arith.constant 9600 : i32
      %dma_wait3A_258 = tpu.memref_slice %arg13[%dma_wait3A_257] : memref<10240xf32, #tpu.memory_space<vmem>> -> memref<640xf32, #tpu.memory_space<vmem>>
      %dma_wait3A_259 = tpu.memref_slice %arg15[%add3A_76] : memref<163840xf32, #tpu.memory_space<vmem_shared>> -> memref<640xf32, #tpu.memory_space<vmem_shared>>
      tpu.wait_dma2 semaphore(%run_scoped3A : memref<!tpu.dma_semaphore, #tpu.memory_space<semaphore_mem>>) src(%dma_wait3A_259 : memref<640xf32, #tpu.memory_space<vmem_shared>>) dst(%dma_wait3A_258 : memref<640xf32, #tpu.memory_space<vmem>>)
      tpu.yield
    }) : () -> ()
    %scan3A_77 = arith.constant 0 : i32
    %scan3A_78 = arith.constant 0 : i32
    %scan3A_79 = arith.constant 40 : i32
    %scan3A_80 = arith.addi %scan3A_78, %scan3A_79 : i32
    %scan3A_81 = arith.constant 1 : i32
    scf.for %scan3A_250 = %scan3A_78 to %scan3A_80 step %scan3A_81  : i32 {
      %mul3A_251 = arith.constant 16 : i32
      %mul3A_252 = arith.muli %scan3A_250, %mul3A_251 : i32
      %get3A = arith.index_cast %mul3A_252 : i32 to index
      %get3A_253 = tpu.vector_load %arg13[%get3A] {strides = array<i32>} : memref<10240xf32, #tpu.memory_space<vmem>>, vector<16xf32>,
      %mul3A_254 = arith.constant 16 : i32
      %mul3A_255 = arith.muli %scan3A_250, %mul3A_254 : i32
      %add3A_256 = arith.constant 640 : i32
      %add3A_257 = arith.addi %add3A_256, %mul3A_255 : i32
      %get3A_258 = arith.index_cast %add3A_257 : i32 to index
      %get3A_259 = tpu.vector_load %arg13[%get3A_258] {strides = array<i32>} : memref<10240xf32, #tpu.memory_space<vmem>>, vector<16xf32>,
      %add3A_260 = arith.addf %get3A_253, %get3A_259 : vector<16xf32>
      %mul3A_261 = arith.constant 16 : i32
      %mul3A_262 = arith.muli %scan3A_250, %mul3A_261 : i32
      %add3A_263 = arith.constant 1280 : i32
      %add3A_264 = arith.addi %add3A_263, %mul3A_262 : i32
      %get3A_265 = arith.index_cast %add3A_264 : i32 to index
      %get3A_266 = tpu.vector_load %arg13[%get3A_265] {strides = array<i32>} : memref<10240xf32, #tpu.memory_space<vmem>>, vector<16xf32>,
      %add3A_267 = arith.addf %add3A_260, %get3A_266 : vector<16xf32>
      %mul3A_268 = arith.constant 16 : i32
      %mul3A_269 = arith.muli %scan3A_250, %mul3A_268 : i32
      %add3A_270 = arith.constant 1920 : i32
      %add3A_271 = arith.addi %add3A_270, %mul3A_269 : i32
      %get3A_272 = arith.index_cast %add3A_271 : i32 to index
      %get3A_273 = tpu.vector_load %arg13[%get3A_272] {strides = array<i32>} : memref<10240xf32, #tpu.memory_space<vmem>>, vector<16xf32>,
      %add3A_274 = arith.addf %add3A_267, %get3A_273 : vector<16xf32>
      %mul3A_275 = arith.constant 16 : i32
      %mul3A_276 = arith.muli %scan3A_250, %mul3A_275 : i32
      %add3A_277 = arith.constant 2560 : i32
      %add3A_278 = arith.addi %add3A_277, %mul3A_276 : i32
      %get3A_279 = arith.index_cast %add3A_278 : i32 to index
      %get3A_280 = tpu.vector_load %arg13[%get3A_279] {strides = array<i32>} : memref<10240xf32, #tpu.memory_space<vmem>>, vector<16xf32>,
      %add3A_281 = arith.addf %add3A_274, %get3A_280 : vector<16xf32>
      %mul3A_282 = arith.constant 16 : i32
      %mul3A_283 = arith.muli %scan3A_250, %mul3A_282 : i32
      %add3A_284 = arith.constant 3200 : i32
      %add3A_285 = arith.addi %add3A_284, %mul3A_283 : i32
      %get3A_286 = arith.index_cast %add3A_285 : i32 to index
      %get3A_287 = tpu.vector_load %arg13[%get3A_286] {strides = array<i32>} : memref<10240xf32, #tpu.memory_space<vmem>>, vector<16xf32>,
      %add3A_288 = arith.addf %add3A_281, %get3A_287 : vector<16xf32>
      %mul3A_289 = arith.constant 16 : i32
      %mul3A_290 = arith.muli %scan3A_250, %mul3A_289 : i32
      %add3A_291 = arith.constant 3840 : i32
      %add3A_292 = arith.addi %add3A_291, %mul3A_290 : i32
      %get3A_293 = arith.index_cast %add3A_292 : i32 to index
      %get3A_294 = tpu.vector_load %arg13[%get3A_293] {strides = array<i32>} : memref<10240xf32, #tpu.memory_space<vmem>>, vector<16xf32>,
      %add3A_295 = arith.addf %add3A_288, %get3A_294 : vector<16xf32>
      %mul3A_296 = arith.constant 16 : i32
      %mul3A_297 = arith.muli %scan3A_250, %mul3A_296 : i32
      %add3A_298 = arith.constant 4480 : i32
      %add3A_299 = arith.addi %add3A_298, %mul3A_297 : i32
      %get3A_300 = arith.index_cast %add3A_299 : i32 to index
      %get3A_301 = tpu.vector_load %arg13[%get3A_300] {strides = array<i32>} : memref<10240xf32, #tpu.memory_space<vmem>>, vector<16xf32>,
      %add3A_302 = arith.addf %add3A_295, %get3A_301 : vector<16xf32>
      %mul3A_303 = arith.constant 16 : i32
      %mul3A_304 = arith.muli %scan3A_250, %mul3A_303 : i32
      %add3A_305 = arith.constant 5120 : i32
      %add3A_306 = arith.addi %add3A_305, %mul3A_304 : i32
      %get3A_307 = arith.index_cast %add3A_306 : i32 to index
      %get3A_308 = tpu.vector_load %arg13[%get3A_307] {strides = array<i32>} : memref<10240xf32, #tpu.memory_space<vmem>>, vector<16xf32>,
      %add3A_309 = arith.addf %add3A_302, %get3A_308 : vector<16xf32>
      %mul3A_310 = arith.constant 16 : i32
      %mul3A_311 = arith.muli %scan3A_250, %mul3A_310 : i32
      %add3A_312 = arith.constant 5760 : i32
      %add3A_313 = arith.addi %add3A_312, %mul3A_311 : i32
      %get3A_314 = arith.index_cast %add3A_313 : i32 to index
      %get3A_315 = tpu.vector_load %arg13[%get3A_314] {strides = array<i32>} : memref<10240xf32, #tpu.memory_space<vmem>>, vector<16xf32>,
      %add3A_316 = arith.addf %add3A_309, %get3A_315 : vector<16xf32>
      %mul3A_317 = arith.constant 16 : i32
      %mul3A_318 = arith.muli %scan3A_250, %mul3A_317 : i32
      %add3A_319 = arith.constant 6400 : i32
      %add3A_320 = arith.addi %add3A_319, %mul3A_318 : i32
      %get3A_321 = arith.index_cast %add3A_320 : i32 to index
      %get3A_322 = tpu.vector_load %arg13[%get3A_321] {strides = array<i32>} : memref<10240xf32, #tpu.memory_space<vmem>>, vector<16xf32>,
      %add3A_323 = arith.addf %add3A_316, %get3A_322 : vector<16xf32>
      %mul3A_324 = arith.constant 16 : i32
      %mul3A_325 = arith.muli %scan3A_250, %mul3A_324 : i32
      %add3A_326 = arith.constant 7040 : i32
      %add3A_327 = arith.addi %add3A_326, %mul3A_325 : i32
      %get3A_328 = arith.index_cast %add3A_327 : i32 to index
      %get3A_329 = tpu.vector_load %arg13[%get3A_328] {strides = array<i32>} : memref<10240xf32, #tpu.memory_space<vmem>>, vector<16xf32>,
      %add3A_330 = arith.addf %add3A_323, %get3A_329 : vector<16xf32>
      %mul3A_331 = arith.constant 16 : i32
      %mul3A_332 = arith.muli %scan3A_250, %mul3A_331 : i32
      %add3A_333 = arith.constant 7680 : i32
      %add3A_334 = arith.addi %add3A_333, %mul3A_332 : i32
      %get3A_335 = arith.index_cast %add3A_334 : i32 to index
      %get3A_336 = tpu.vector_load %arg13[%get3A_335] {strides = array<i32>} : memref<10240xf32, #tpu.memory_space<vmem>>, vector<16xf32>,
      %add3A_337 = arith.addf %add3A_330, %get3A_336 : vector<16xf32>
      %mul3A_338 = arith.constant 16 : i32
      %mul3A_339 = arith.muli %scan3A_250, %mul3A_338 : i32
      %add3A_340 = arith.constant 8320 : i32
      %add3A_341 = arith.addi %add3A_340, %mul3A_339 : i32
      %get3A_342 = arith.index_cast %add3A_341 : i32 to index
      %get3A_343 = tpu.vector_load %arg13[%get3A_342] {strides = array<i32>} : memref<10240xf32, #tpu.memory_space<vmem>>, vector<16xf32>,
      %add3A_344 = arith.addf %add3A_337, %get3A_343 : vector<16xf32>
      %mul3A_345 = arith.constant 16 : i32
      %mul3A_346 = arith.muli %scan3A_250, %mul3A_345 : i32
      %add3A_347 = arith.constant 8960 : i32
      %add3A_348 = arith.addi %add3A_347, %mul3A_346 : i32
      %get3A_349 = arith.index_cast %add3A_348 : i32 to index
      %get3A_350 = tpu.vector_load %arg13[%get3A_349] {strides = array<i32>} : memref<10240xf32, #tpu.memory_space<vmem>>, vector<16xf32>,
      %add3A_351 = arith.addf %add3A_344, %get3A_350 : vector<16xf32>
      %mul3A_352 = arith.constant 16 : i32
      %mul3A_353 = arith.muli %scan3A_250, %mul3A_352 : i32
      %add3A_354 = arith.constant 9600 : i32
      %add3A_355 = arith.addi %add3A_354, %mul3A_353 : i32
      %get3A_356 = arith.index_cast %add3A_355 : i32 to index
      %get3A_357 = tpu.vector_load %arg13[%get3A_356] {strides = array<i32>} : memref<10240xf32, #tpu.memory_space<vmem>>, vector<16xf32>,
      %add3A_358 = arith.addf %add3A_351, %get3A_357 : vector<16xf32>
      %mul3A_359 = arith.constant 16 : i32
      %mul3A_360 = arith.muli %scan3A_250, %mul3A_359 : i32
      %swap3A = arith.index_cast %mul3A_360 : i32 to index
      %swap3A_361 = tpu.vector_load %arg14[%swap3A] {strides = array<i32>} : memref<640xf32, #tpu.memory_space<vmem>>, vector<16xf32>,
      tpu.vector_store %arg14[%swap3A], %add3A_358 {strides = array<i32>} : memref<640xf32, #tpu.memory_space<vmem>>, vector<16xf32>,
    }
    %scan3A_82 = arith.constant 40 : i32
    %mul3A_83 = arith.constant 3 : i32
    %mul3A_84 = arith.muli %arg0, %mul3A_83 : i32
    %add3A_85 = arith.constant 0 : i32
    %add3A_86 = arith.addi %mul3A_84, %add3A_85 : i32
    %mul3A_87 = arith.constant 10240 : i32
    %mul3A_88 = arith.muli %add3A_86, %mul3A_87 : i32
    %mul3A_89 = arith.constant 640 : i32
    %mul3A_90 = arith.muli %arg1, %mul3A_89 : i32
    %add3A_91 = arith.addi %mul3A_88, %mul3A_90 : i32
    "tpu.region"() ({
      %run_scoped3A = tpu.sem_alloc : memref<!tpu.dma_semaphore, #tpu.memory_space<semaphore_mem>>
      %dma_start3A = tpu.memref_slice %arg5[%add3A_91] : memref<61440xf32, #tpu.memory_space<hbm>> -> memref<640xf32, #tpu.memory_space<hbm>>
      %dma_start3A_250 = tpu.memref_slice %arg5[%add3A_91] : memref<61440xf32, #tpu.memory_space<hbm>> -> memref<640xf32, #tpu.memory_space<hbm>>
      tpu.enqueue_dma source(%arg14 : memref<640xf32, #tpu.memory_space<vmem>>) target(%dma_start3A_250 : memref<640xf32, #tpu.memory_space<hbm>>) target_semaphore(%run_scoped3A : memref<!tpu.dma_semaphore, #tpu.memory_space<semaphore_mem>>)
      %dma_wait3A = tpu.memref_slice %arg5[%add3A_91] : memref<61440xf32, #tpu.memory_space<hbm>> -> memref<640xf32, #tpu.memory_space<hbm>>
      %dma_wait3A_251 = tpu.memref_slice %arg5[%add3A_91] : memref<61440xf32, #tpu.memory_space<hbm>> -> memref<640xf32, #tpu.memory_space<hbm>>
      tpu.wait_dma2 semaphore(%run_scoped3A : memref<!tpu.dma_semaphore, #tpu.memory_space<semaphore_mem>>) src(%arg14 : memref<640xf32, #tpu.memory_space<vmem>>) dst(%dma_wait3A_251 : memref<640xf32, #tpu.memory_space<hbm>>)
      tpu.yield
    }) : () -> ()
    %mul3A_92 = arith.constant 640 : i32
    %mul3A_93 = arith.muli %arg1, %mul3A_92 : i32
    %add3A_94 = arith.constant 0 : i32
    %add3A_95 = arith.addi %add3A_94, %mul3A_93 : i32
    "tpu.region"() ({
      %run_scoped3A = tpu.sem_alloc : memref<!tpu.dma_semaphore, #tpu.memory_space<semaphore_mem>>
      %dma_start3A = arith.constant 0 : i32
      %dma_start3A_250 = tpu.memref_slice %arg13[%dma_start3A] : memref<10240xf32, #tpu.memory_space<vmem>> -> memref<640xf32, #tpu.memory_space<vmem>>
      %dma_start3A_251 = tpu.memref_slice %arg16[%add3A_95] : memref<163840xf32, #tpu.memory_space<vmem_shared>> -> memref<640xf32, #tpu.memory_space<vmem_shared>>
      %dma_start3A_252 = arith.constant 0 : i32
      %dma_start3A_253 = tpu.memref_slice %arg13[%dma_start3A_252] : memref<10240xf32, #tpu.memory_space<vmem>> -> memref<640xf32, #tpu.memory_space<vmem>>
      %dma_start3A_254 = tpu.memref_slice %arg16[%add3A_95] : memref<163840xf32, #tpu.memory_space<vmem_shared>> -> memref<640xf32, #tpu.memory_space<vmem_shared>>
      tpu.enqueue_dma source(%dma_start3A_254 : memref<640xf32, #tpu.memory_space<vmem_shared>>) target(%dma_start3A_253 : memref<640xf32, #tpu.memory_space<vmem>>) target_semaphore(%run_scoped3A : memref<!tpu.dma_semaphore, #tpu.memory_space<semaphore_mem>>)
      %dma_wait3A = arith.constant 0 : i32
      %dma_wait3A_255 = tpu.memref_slice %arg13[%dma_wait3A] : memref<10240xf32, #tpu.memory_space<vmem>> -> memref<640xf32, #tpu.memory_space<vmem>>
      %dma_wait3A_256 = tpu.memref_slice %arg16[%add3A_95] : memref<163840xf32, #tpu.memory_space<vmem_shared>> -> memref<640xf32, #tpu.memory_space<vmem_shared>>
      %dma_wait3A_257 = arith.constant 0 : i32
      %dma_wait3A_258 = tpu.memref_slice %arg13[%dma_wait3A_257] : memref<10240xf32, #tpu.memory_space<vmem>> -> memref<640xf32, #tpu.memory_space<vmem>>
      %dma_wait3A_259 = tpu.memref_slice %arg16[%add3A_95] : memref<163840xf32, #tpu.memory_space<vmem_shared>> -> memref<640xf32, #tpu.memory_space<vmem_shared>>
      tpu.wait_dma2 semaphore(%run_scoped3A : memref<!tpu.dma_semaphore, #tpu.memory_space<semaphore_mem>>) src(%dma_wait3A_259 : memref<640xf32, #tpu.memory_space<vmem_shared>>) dst(%dma_wait3A_258 : memref<640xf32, #tpu.memory_space<vmem>>)
      tpu.yield
    }) : () -> ()
    %mul3A_96 = arith.constant 640 : i32
    %mul3A_97 = arith.muli %arg1, %mul3A_96 : i32
    %add3A_98 = arith.constant 10240 : i32
    %add3A_99 = arith.addi %add3A_98, %mul3A_97 : i32
    "tpu.region"() ({
      %run_scoped3A = tpu.sem_alloc : memref<!tpu.dma_semaphore, #tpu.memory_space<semaphore_mem>>
      %dma_start3A = arith.constant 640 : i32
      %dma_start3A_250 = tpu.memref_slice %arg13[%dma_start3A] : memref<10240xf32, #tpu.memory_space<vmem>> -> memref<640xf32, #tpu.memory_space<vmem>>
      %dma_start3A_251 = tpu.memref_slice %arg16[%add3A_99] : memref<163840xf32, #tpu.memory_space<vmem_shared>> -> memref<640xf32, #tpu.memory_space<vmem_shared>>
      %dma_start3A_252 = arith.constant 640 : i32
      %dma_start3A_253 = tpu.memref_slice %arg13[%dma_start3A_252] : memref<10240xf32, #tpu.memory_space<vmem>> -> memref<640xf32, #tpu.memory_space<vmem>>
      %dma_start3A_254 = tpu.memref_slice %arg16[%add3A_99] : memref<163840xf32, #tpu.memory_space<vmem_shared>> -> memref<640xf32, #tpu.memory_space<vmem_shared>>
      tpu.enqueue_dma source(%dma_start3A_254 : memref<640xf32, #tpu.memory_space<vmem_shared>>) target(%dma_start3A_253 : memref<640xf32, #tpu.memory_space<vmem>>) target_semaphore(%run_scoped3A : memref<!tpu.dma_semaphore, #tpu.memory_space<semaphore_mem>>)
      %dma_wait3A = arith.constant 640 : i32
      %dma_wait3A_255 = tpu.memref_slice %arg13[%dma_wait3A] : memref<10240xf32, #tpu.memory_space<vmem>> -> memref<640xf32, #tpu.memory_space<vmem>>
      %dma_wait3A_256 = tpu.memref_slice %arg16[%add3A_99] : memref<163840xf32, #tpu.memory_space<vmem_shared>> -> memref<640xf32, #tpu.memory_space<vmem_shared>>
      %dma_wait3A_257 = arith.constant 640 : i32
      %dma_wait3A_258 = tpu.memref_slice %arg13[%dma_wait3A_257] : memref<10240xf32, #tpu.memory_space<vmem>> -> memref<640xf32, #tpu.memory_space<vmem>>
      %dma_wait3A_259 = tpu.memref_slice %arg16[%add3A_99] : memref<163840xf32, #tpu.memory_space<vmem_shared>> -> memref<640xf32, #tpu.memory_space<vmem_shared>>
      tpu.wait_dma2 semaphore(%run_scoped3A : memref<!tpu.dma_semaphore, #tpu.memory_space<semaphore_mem>>) src(%dma_wait3A_259 : memref<640xf32, #tpu.memory_space<vmem_shared>>) dst(%dma_wait3A_258 : memref<640xf32, #tpu.memory_space<vmem>>)
      tpu.yield
    }) : () -> ()
    %mul3A_100 = arith.constant 640 : i32
    %mul3A_101 = arith.muli %arg1, %mul3A_100 : i32
    %add3A_102 = arith.constant 20480 : i32
    %add3A_103 = arith.addi %add3A_102, %mul3A_101 : i32
    "tpu.region"() ({
      %run_scoped3A = tpu.sem_alloc : memref<!tpu.dma_semaphore, #tpu.memory_space<semaphore_mem>>
      %dma_start3A = arith.constant 1280 : i32
      %dma_start3A_250 = tpu.memref_slice %arg13[%dma_start3A] : memref<10240xf32, #tpu.memory_space<vmem>> -> memref<640xf32, #tpu.memory_space<vmem>>
      %dma_start3A_251 = tpu.memref_slice %arg16[%add3A_103] : memref<163840xf32, #tpu.memory_space<vmem_shared>> -> memref<640xf32, #tpu.memory_space<vmem_shared>>
      %dma_start3A_252 = arith.constant 1280 : i32
      %dma_start3A_253 = tpu.memref_slice %arg13[%dma_start3A_252] : memref<10240xf32, #tpu.memory_space<vmem>> -> memref<640xf32, #tpu.memory_space<vmem>>
      %dma_start3A_254 = tpu.memref_slice %arg16[%add3A_103] : memref<163840xf32, #tpu.memory_space<vmem_shared>> -> memref<640xf32, #tpu.memory_space<vmem_shared>>
      tpu.enqueue_dma source(%dma_start3A_254 : memref<640xf32, #tpu.memory_space<vmem_shared>>) target(%dma_start3A_253 : memref<640xf32, #tpu.memory_space<vmem>>) target_semaphore(%run_scoped3A : memref<!tpu.dma_semaphore, #tpu.memory_space<semaphore_mem>>)
      %dma_wait3A = arith.constant 1280 : i32
      %dma_wait3A_255 = tpu.memref_slice %arg13[%dma_wait3A] : memref<10240xf32, #tpu.memory_space<vmem>> -> memref<640xf32, #tpu.memory_space<vmem>>
      %dma_wait3A_256 = tpu.memref_slice %arg16[%add3A_103] : memref<163840xf32, #tpu.memory_space<vmem_shared>> -> memref<640xf32, #tpu.memory_space<vmem_shared>>
      %dma_wait3A_257 = arith.constant 1280 : i32
      %dma_wait3A_258 = tpu.memref_slice %arg13[%dma_wait3A_257] : memref<10240xf32, #tpu.memory_space<vmem>> -> memref<640xf32, #tpu.memory_space<vmem>>
      %dma_wait3A_259 = tpu.memref_slice %arg16[%add3A_103] : memref<163840xf32, #tpu.memory_space<vmem_shared>> -> memref<640xf32, #tpu.memory_space<vmem_shared>>
      tpu.wait_dma2 semaphore(%run_scoped3A : memref<!tpu.dma_semaphore, #tpu.memory_space<semaphore_mem>>) src(%dma_wait3A_259 : memref<640xf32, #tpu.memory_space<vmem_shared>>) dst(%dma_wait3A_258 : memref<640xf32, #tpu.memory_space<vmem>>)
      tpu.yield
    }) : () -> ()
    %mul3A_104 = arith.constant 640 : i32
    %mul3A_105 = arith.muli %arg1, %mul3A_104 : i32
    %add3A_106 = arith.constant 30720 : i32
    %add3A_107 = arith.addi %add3A_106, %mul3A_105 : i32
    "tpu.region"() ({
      %run_scoped3A = tpu.sem_alloc : memref<!tpu.dma_semaphore, #tpu.memory_space<semaphore_mem>>
      %dma_start3A = arith.constant 1920 : i32
      %dma_start3A_250 = tpu.memref_slice %arg13[%dma_start3A] : memref<10240xf32, #tpu.memory_space<vmem>> -> memref<640xf32, #tpu.memory_space<vmem>>
      %dma_start3A_251 = tpu.memref_slice %arg16[%add3A_107] : memref<163840xf32, #tpu.memory_space<vmem_shared>> -> memref<640xf32, #tpu.memory_space<vmem_shared>>
      %dma_start3A_252 = arith.constant 1920 : i32
      %dma_start3A_253 = tpu.memref_slice %arg13[%dma_start3A_252] : memref<10240xf32, #tpu.memory_space<vmem>> -> memref<640xf32, #tpu.memory_space<vmem>>
      %dma_start3A_254 = tpu.memref_slice %arg16[%add3A_107] : memref<163840xf32, #tpu.memory_space<vmem_shared>> -> memref<640xf32, #tpu.memory_space<vmem_shared>>
      tpu.enqueue_dma source(%dma_start3A_254 : memref<640xf32, #tpu.memory_space<vmem_shared>>) target(%dma_start3A_253 : memref<640xf32, #tpu.memory_space<vmem>>) target_semaphore(%run_scoped3A : memref<!tpu.dma_semaphore, #tpu.memory_space<semaphore_mem>>)
      %dma_wait3A = arith.constant 1920 : i32
      %dma_wait3A_255 = tpu.memref_slice %arg13[%dma_wait3A] : memref<10240xf32, #tpu.memory_space<vmem>> -> memref<640xf32, #tpu.memory_space<vmem>>
      %dma_wait3A_256 = tpu.memref_slice %arg16[%add3A_107] : memref<163840xf32, #tpu.memory_space<vmem_shared>> -> memref<640xf32, #tpu.memory_space<vmem_shared>>
      %dma_wait3A_257 = arith.constant 1920 : i32
      %dma_wait3A_258 = tpu.memref_slice %arg13[%dma_wait3A_257] : memref<10240xf32, #tpu.memory_space<vmem>> -> memref<640xf32, #tpu.memory_space<vmem>>
      %dma_wait3A_259 = tpu.memref_slice %arg16[%add3A_107] : memref<163840xf32, #tpu.memory_space<vmem_shared>> -> memref<640xf32, #tpu.memory_space<vmem_shared>>
      tpu.wait_dma2 semaphore(%run_scoped3A : memref<!tpu.dma_semaphore, #tpu.memory_space<semaphore_mem>>) src(%dma_wait3A_259 : memref<640xf32, #tpu.memory_space<vmem_shared>>) dst(%dma_wait3A_258 : memref<640xf32, #tpu.memory_space<vmem>>)
      tpu.yield
    }) : () -> ()
    %mul3A_108 = arith.constant 640 : i32
    %mul3A_109 = arith.muli %arg1, %mul3A_108 : i32
    %add3A_110 = arith.constant 40960 : i32
    %add3A_111 = arith.addi %add3A_110, %mul3A_109 : i32
    "tpu.region"() ({
      %run_scoped3A = tpu.sem_alloc : memref<!tpu.dma_semaphore, #tpu.memory_space<semaphore_mem>>
      %dma_start3A = arith.constant 2560 : i32
      %dma_start3A_250 = tpu.memref_slice %arg13[%dma_start3A] : memref<10240xf32, #tpu.memory_space<vmem>> -> memref<640xf32, #tpu.memory_space<vmem>>
      %dma_start3A_251 = tpu.memref_slice %arg16[%add3A_111] : memref<163840xf32, #tpu.memory_space<vmem_shared>> -> memref<640xf32, #tpu.memory_space<vmem_shared>>
      %dma_start3A_252 = arith.constant 2560 : i32
      %dma_start3A_253 = tpu.memref_slice %arg13[%dma_start3A_252] : memref<10240xf32, #tpu.memory_space<vmem>> -> memref<640xf32, #tpu.memory_space<vmem>>
      %dma_start3A_254 = tpu.memref_slice %arg16[%add3A_111] : memref<163840xf32, #tpu.memory_space<vmem_shared>> -> memref<640xf32, #tpu.memory_space<vmem_shared>>
      tpu.enqueue_dma source(%dma_start3A_254 : memref<640xf32, #tpu.memory_space<vmem_shared>>) target(%dma_start3A_253 : memref<640xf32, #tpu.memory_space<vmem>>) target_semaphore(%run_scoped3A : memref<!tpu.dma_semaphore, #tpu.memory_space<semaphore_mem>>)
      %dma_wait3A = arith.constant 2560 : i32
      %dma_wait3A_255 = tpu.memref_slice %arg13[%dma_wait3A] : memref<10240xf32, #tpu.memory_space<vmem>> -> memref<640xf32, #tpu.memory_space<vmem>>
      %dma_wait3A_256 = tpu.memref_slice %arg16[%add3A_111] : memref<163840xf32, #tpu.memory_space<vmem_shared>> -> memref<640xf32, #tpu.memory_space<vmem_shared>>
      %dma_wait3A_257 = arith.constant 2560 : i32
      %dma_wait3A_258 = tpu.memref_slice %arg13[%dma_wait3A_257] : memref<10240xf32, #tpu.memory_space<vmem>> -> memref<640xf32, #tpu.memory_space<vmem>>
      %dma_wait3A_259 = tpu.memref_slice %arg16[%add3A_111] : memref<163840xf32, #tpu.memory_space<vmem_shared>> -> memref<640xf32, #tpu.memory_space<vmem_shared>>
      tpu.wait_dma2 semaphore(%run_scoped3A : memref<!tpu.dma_semaphore, #tpu.memory_space<semaphore_mem>>) src(%dma_wait3A_259 : memref<640xf32, #tpu.memory_space<vmem_shared>>) dst(%dma_wait3A_258 : memref<640xf32, #tpu.memory_space<vmem>>)
      tpu.yield
    }) : () -> ()
    %mul3A_112 = arith.constant 640 : i32
    %mul3A_113 = arith.muli %arg1, %mul3A_112 : i32
    %add3A_114 = arith.constant 51200 : i32
    %add3A_115 = arith.addi %add3A_114, %mul3A_113 : i32
    "tpu.region"() ({
      %run_scoped3A = tpu.sem_alloc : memref<!tpu.dma_semaphore, #tpu.memory_space<semaphore_mem>>
      %dma_start3A = arith.constant 3200 : i32
      %dma_start3A_250 = tpu.memref_slice %arg13[%dma_start3A] : memref<10240xf32, #tpu.memory_space<vmem>> -> memref<640xf32, #tpu.memory_space<vmem>>
      %dma_start3A_251 = tpu.memref_slice %arg16[%add3A_115] : memref<163840xf32, #tpu.memory_space<vmem_shared>> -> memref<640xf32, #tpu.memory_space<vmem_shared>>
      %dma_start3A_252 = arith.constant 3200 : i32
      %dma_start3A_253 = tpu.memref_slice %arg13[%dma_start3A_252] : memref<10240xf32, #tpu.memory_space<vmem>> -> memref<640xf32, #tpu.memory_space<vmem>>
      %dma_start3A_254 = tpu.memref_slice %arg16[%add3A_115] : memref<163840xf32, #tpu.memory_space<vmem_shared>> -> memref<640xf32, #tpu.memory_space<vmem_shared>>
      tpu.enqueue_dma source(%dma_start3A_254 : memref<640xf32, #tpu.memory_space<vmem_shared>>) target(%dma_start3A_253 : memref<640xf32, #tpu.memory_space<vmem>>) target_semaphore(%run_scoped3A : memref<!tpu.dma_semaphore, #tpu.memory_space<semaphore_mem>>)
      %dma_wait3A = arith.constant 3200 : i32
      %dma_wait3A_255 = tpu.memref_slice %arg13[%dma_wait3A] : memref<10240xf32, #tpu.memory_space<vmem>> -> memref<640xf32, #tpu.memory_space<vmem>>
      %dma_wait3A_256 = tpu.memref_slice %arg16[%add3A_115] : memref<163840xf32, #tpu.memory_space<vmem_shared>> -> memref<640xf32, #tpu.memory_space<vmem_shared>>
      %dma_wait3A_257 = arith.constant 3200 : i32
      %dma_wait3A_258 = tpu.memref_slice %arg13[%dma_wait3A_257] : memref<10240xf32, #tpu.memory_space<vmem>> -> memref<640xf32, #tpu.memory_space<vmem>>
      %dma_wait3A_259 = tpu.memref_slice %arg16[%add3A_115] : memref<163840xf32, #tpu.memory_space<vmem_shared>> -> memref<640xf32, #tpu.memory_space<vmem_shared>>
      tpu.wait_dma2 semaphore(%run_scoped3A : memref<!tpu.dma_semaphore, #tpu.memory_space<semaphore_mem>>) src(%dma_wait3A_259 : memref<640xf32, #tpu.memory_space<vmem_shared>>) dst(%dma_wait3A_258 : memref<640xf32, #tpu.memory_space<vmem>>)
      tpu.yield
    }) : () -> ()
    %mul3A_116 = arith.constant 640 : i32
    %mul3A_117 = arith.muli %arg1, %mul3A_116 : i32
    %add3A_118 = arith.constant 61440 : i32
    %add3A_119 = arith.addi %add3A_118, %mul3A_117 : i32
    "tpu.region"() ({
      %run_scoped3A = tpu.sem_alloc : memref<!tpu.dma_semaphore, #tpu.memory_space<semaphore_mem>>
      %dma_start3A = arith.constant 3840 : i32
      %dma_start3A_250 = tpu.memref_slice %arg13[%dma_start3A] : memref<10240xf32, #tpu.memory_space<vmem>> -> memref<640xf32, #tpu.memory_space<vmem>>
      %dma_start3A_251 = tpu.memref_slice %arg16[%add3A_119] : memref<163840xf32, #tpu.memory_space<vmem_shared>> -> memref<640xf32, #tpu.memory_space<vmem_shared>>
      %dma_start3A_252 = arith.constant 3840 : i32
      %dma_start3A_253 = tpu.memref_slice %arg13[%dma_start3A_252] : memref<10240xf32, #tpu.memory_space<vmem>> -> memref<640xf32, #tpu.memory_space<vmem>>
      %dma_start3A_254 = tpu.memref_slice %arg16[%add3A_119] : memref<163840xf32, #tpu.memory_space<vmem_shared>> -> memref<640xf32, #tpu.memory_space<vmem_shared>>
      tpu.enqueue_dma source(%dma_start3A_254 : memref<640xf32, #tpu.memory_space<vmem_shared>>) target(%dma_start3A_253 : memref<640xf32, #tpu.memory_space<vmem>>) target_semaphore(%run_scoped3A : memref<!tpu.dma_semaphore, #tpu.memory_space<semaphore_mem>>)
      %dma_wait3A = arith.constant 3840 : i32
      %dma_wait3A_255 = tpu.memref_slice %arg13[%dma_wait3A] : memref<10240xf32, #tpu.memory_space<vmem>> -> memref<640xf32, #tpu.memory_space<vmem>>
      %dma_wait3A_256 = tpu.memref_slice %arg16[%add3A_119] : memref<163840xf32, #tpu.memory_space<vmem_shared>> -> memref<640xf32, #tpu.memory_space<vmem_shared>>
      %dma_wait3A_257 = arith.constant 3840 : i32
      %dma_wait3A_258 = tpu.memref_slice %arg13[%dma_wait3A_257] : memref<10240xf32, #tpu.memory_space<vmem>> -> memref<640xf32, #tpu.memory_space<vmem>>
      %dma_wait3A_259 = tpu.memref_slice %arg16[%add3A_119] : memref<163840xf32, #tpu.memory_space<vmem_shared>> -> memref<640xf32, #tpu.memory_space<vmem_shared>>
      tpu.wait_dma2 semaphore(%run_scoped3A : memref<!tpu.dma_semaphore, #tpu.memory_space<semaphore_mem>>) src(%dma_wait3A_259 : memref<640xf32, #tpu.memory_space<vmem_shared>>) dst(%dma_wait3A_258 : memref<640xf32, #tpu.memory_space<vmem>>)
      tpu.yield
    }) : () -> ()
    %mul3A_120 = arith.constant 640 : i32
    %mul3A_121 = arith.muli %arg1, %mul3A_120 : i32
    %add3A_122 = arith.constant 71680 : i32
    %add3A_123 = arith.addi %add3A_122, %mul3A_121 : i32
    "tpu.region"() ({
      %run_scoped3A = tpu.sem_alloc : memref<!tpu.dma_semaphore, #tpu.memory_space<semaphore_mem>>
      %dma_start3A = arith.constant 4480 : i32
      %dma_start3A_250 = tpu.memref_slice %arg13[%dma_start3A] : memref<10240xf32, #tpu.memory_space<vmem>> -> memref<640xf32, #tpu.memory_space<vmem>>
      %dma_start3A_251 = tpu.memref_slice %arg16[%add3A_123] : memref<163840xf32, #tpu.memory_space<vmem_shared>> -> memref<640xf32, #tpu.memory_space<vmem_shared>>
      %dma_start3A_252 = arith.constant 4480 : i32
      %dma_start3A_253 = tpu.memref_slice %arg13[%dma_start3A_252] : memref<10240xf32, #tpu.memory_space<vmem>> -> memref<640xf32, #tpu.memory_space<vmem>>
      %dma_start3A_254 = tpu.memref_slice %arg16[%add3A_123] : memref<163840xf32, #tpu.memory_space<vmem_shared>> -> memref<640xf32, #tpu.memory_space<vmem_shared>>
      tpu.enqueue_dma source(%dma_start3A_254 : memref<640xf32, #tpu.memory_space<vmem_shared>>) target(%dma_start3A_253 : memref<640xf32, #tpu.memory_space<vmem>>) target_semaphore(%run_scoped3A : memref<!tpu.dma_semaphore, #tpu.memory_space<semaphore_mem>>)
      %dma_wait3A = arith.constant 4480 : i32
      %dma_wait3A_255 = tpu.memref_slice %arg13[%dma_wait3A] : memref<10240xf32, #tpu.memory_space<vmem>> -> memref<640xf32, #tpu.memory_space<vmem>>
      %dma_wait3A_256 = tpu.memref_slice %arg16[%add3A_123] : memref<163840xf32, #tpu.memory_space<vmem_shared>> -> memref<640xf32, #tpu.memory_space<vmem_shared>>
      %dma_wait3A_257 = arith.constant 4480 : i32
      %dma_wait3A_258 = tpu.memref_slice %arg13[%dma_wait3A_257] : memref<10240xf32, #tpu.memory_space<vmem>> -> memref<640xf32, #tpu.memory_space<vmem>>
      %dma_wait3A_259 = tpu.memref_slice %arg16[%add3A_123] : memref<163840xf32, #tpu.memory_space<vmem_shared>> -> memref<640xf32, #tpu.memory_space<vmem_shared>>
      tpu.wait_dma2 semaphore(%run_scoped3A : memref<!tpu.dma_semaphore, #tpu.memory_space<semaphore_mem>>) src(%dma_wait3A_259 : memref<640xf32, #tpu.memory_space<vmem_shared>>) dst(%dma_wait3A_258 : memref<640xf32, #tpu.memory_space<vmem>>)
      tpu.yield
    }) : () -> ()
    %mul3A_124 = arith.constant 640 : i32
    %mul3A_125 = arith.muli %arg1, %mul3A_124 : i32
    %add3A_126 = arith.constant 81920 : i32
    %add3A_127 = arith.addi %add3A_126, %mul3A_125 : i32
    "tpu.region"() ({
      %run_scoped3A = tpu.sem_alloc : memref<!tpu.dma_semaphore, #tpu.memory_space<semaphore_mem>>
      %dma_start3A = arith.constant 5120 : i32
      %dma_start3A_250 = tpu.memref_slice %arg13[%dma_start3A] : memref<10240xf32, #tpu.memory_space<vmem>> -> memref<640xf32, #tpu.memory_space<vmem>>
      %dma_start3A_251 = tpu.memref_slice %arg16[%add3A_127] : memref<163840xf32, #tpu.memory_space<vmem_shared>> -> memref<640xf32, #tpu.memory_space<vmem_shared>>
      %dma_start3A_252 = arith.constant 5120 : i32
      %dma_start3A_253 = tpu.memref_slice %arg13[%dma_start3A_252] : memref<10240xf32, #tpu.memory_space<vmem>> -> memref<640xf32, #tpu.memory_space<vmem>>
      %dma_start3A_254 = tpu.memref_slice %arg16[%add3A_127] : memref<163840xf32, #tpu.memory_space<vmem_shared>> -> memref<640xf32, #tpu.memory_space<vmem_shared>>
      tpu.enqueue_dma source(%dma_start3A_254 : memref<640xf32, #tpu.memory_space<vmem_shared>>) target(%dma_start3A_253 : memref<640xf32, #tpu.memory_space<vmem>>) target_semaphore(%run_scoped3A : memref<!tpu.dma_semaphore, #tpu.memory_space<semaphore_mem>>)
      %dma_wait3A = arith.constant 5120 : i32
      %dma_wait3A_255 = tpu.memref_slice %arg13[%dma_wait3A] : memref<10240xf32, #tpu.memory_space<vmem>> -> memref<640xf32, #tpu.memory_space<vmem>>
      %dma_wait3A_256 = tpu.memref_slice %arg16[%add3A_127] : memref<163840xf32, #tpu.memory_space<vmem_shared>> -> memref<640xf32, #tpu.memory_space<vmem_shared>>
      %dma_wait3A_257 = arith.constant 5120 : i32
      %dma_wait3A_258 = tpu.memref_slice %arg13[%dma_wait3A_257] : memref<10240xf32, #tpu.memory_space<vmem>> -> memref<640xf32, #tpu.memory_space<vmem>>
      %dma_wait3A_259 = tpu.memref_slice %arg16[%add3A_127] : memref<163840xf32, #tpu.memory_space<vmem_shared>> -> memref<640xf32, #tpu.memory_space<vmem_shared>>
      tpu.wait_dma2 semaphore(%run_scoped3A : memref<!tpu.dma_semaphore, #tpu.memory_space<semaphore_mem>>) src(%dma_wait3A_259 : memref<640xf32, #tpu.memory_space<vmem_shared>>) dst(%dma_wait3A_258 : memref<640xf32, #tpu.memory_space<vmem>>)
      tpu.yield
    }) : () -> ()
    %mul3A_128 = arith.constant 640 : i32
    %mul3A_129 = arith.muli %arg1, %mul3A_128 : i32
    %add3A_130 = arith.constant 92160 : i32
    %add3A_131 = arith.addi %add3A_130, %mul3A_129 : i32
    "tpu.region"() ({
      %run_scoped3A = tpu.sem_alloc : memref<!tpu.dma_semaphore, #tpu.memory_space<semaphore_mem>>
      %dma_start3A = arith.constant 5760 : i32
      %dma_start3A_250 = tpu.memref_slice %arg13[%dma_start3A] : memref<10240xf32, #tpu.memory_space<vmem>> -> memref<640xf32, #tpu.memory_space<vmem>>
      %dma_start3A_251 = tpu.memref_slice %arg16[%add3A_131] : memref<163840xf32, #tpu.memory_space<vmem_shared>> -> memref<640xf32, #tpu.memory_space<vmem_shared>>
      %dma_start3A_252 = arith.constant 5760 : i32
      %dma_start3A_253 = tpu.memref_slice %arg13[%dma_start3A_252] : memref<10240xf32, #tpu.memory_space<vmem>> -> memref<640xf32, #tpu.memory_space<vmem>>
      %dma_start3A_254 = tpu.memref_slice %arg16[%add3A_131] : memref<163840xf32, #tpu.memory_space<vmem_shared>> -> memref<640xf32, #tpu.memory_space<vmem_shared>>
      tpu.enqueue_dma source(%dma_start3A_254 : memref<640xf32, #tpu.memory_space<vmem_shared>>) target(%dma_start3A_253 : memref<640xf32, #tpu.memory_space<vmem>>) target_semaphore(%run_scoped3A : memref<!tpu.dma_semaphore, #tpu.memory_space<semaphore_mem>>)
      %dma_wait3A = arith.constant 5760 : i32
      %dma_wait3A_255 = tpu.memref_slice %arg13[%dma_wait3A] : memref<10240xf32, #tpu.memory_space<vmem>> -> memref<640xf32, #tpu.memory_space<vmem>>
      %dma_wait3A_256 = tpu.memref_slice %arg16[%add3A_131] : memref<163840xf32, #tpu.memory_space<vmem_shared>> -> memref<640xf32, #tpu.memory_space<vmem_shared>>
      %dma_wait3A_257 = arith.constant 5760 : i32
      %dma_wait3A_258 = tpu.memref_slice %arg13[%dma_wait3A_257] : memref<10240xf32, #tpu.memory_space<vmem>> -> memref<640xf32, #tpu.memory_space<vmem>>
      %dma_wait3A_259 = tpu.memref_slice %arg16[%add3A_131] : memref<163840xf32, #tpu.memory_space<vmem_shared>> -> memref<640xf32, #tpu.memory_space<vmem_shared>>
      tpu.wait_dma2 semaphore(%run_scoped3A : memref<!tpu.dma_semaphore, #tpu.memory_space<semaphore_mem>>) src(%dma_wait3A_259 : memref<640xf32, #tpu.memory_space<vmem_shared>>) dst(%dma_wait3A_258 : memref<640xf32, #tpu.memory_space<vmem>>)
      tpu.yield
    }) : () -> ()
    %mul3A_132 = arith.constant 640 : i32
    %mul3A_133 = arith.muli %arg1, %mul3A_132 : i32
    %add3A_134 = arith.constant 102400 : i32
    %add3A_135 = arith.addi %add3A_134, %mul3A_133 : i32
    "tpu.region"() ({
      %run_scoped3A = tpu.sem_alloc : memref<!tpu.dma_semaphore, #tpu.memory_space<semaphore_mem>>
      %dma_start3A = arith.constant 6400 : i32
      %dma_start3A_250 = tpu.memref_slice %arg13[%dma_start3A] : memref<10240xf32, #tpu.memory_space<vmem>> -> memref<640xf32, #tpu.memory_space<vmem>>
      %dma_start3A_251 = tpu.memref_slice %arg16[%add3A_135] : memref<163840xf32, #tpu.memory_space<vmem_shared>> -> memref<640xf32, #tpu.memory_space<vmem_shared>>
      %dma_start3A_252 = arith.constant 6400 : i32
      %dma_start3A_253 = tpu.memref_slice %arg13[%dma_start3A_252] : memref<10240xf32, #tpu.memory_space<vmem>> -> memref<640xf32, #tpu.memory_space<vmem>>
      %dma_start3A_254 = tpu.memref_slice %arg16[%add3A_135] : memref<163840xf32, #tpu.memory_space<vmem_shared>> -> memref<640xf32, #tpu.memory_space<vmem_shared>>
      tpu.enqueue_dma source(%dma_start3A_254 : memref<640xf32, #tpu.memory_space<vmem_shared>>) target(%dma_start3A_253 : memref<640xf32, #tpu.memory_space<vmem>>) target_semaphore(%run_scoped3A : memref<!tpu.dma_semaphore, #tpu.memory_space<semaphore_mem>>)
      %dma_wait3A = arith.constant 6400 : i32
      %dma_wait3A_255 = tpu.memref_slice %arg13[%dma_wait3A] : memref<10240xf32, #tpu.memory_space<vmem>> -> memref<640xf32, #tpu.memory_space<vmem>>
      %dma_wait3A_256 = tpu.memref_slice %arg16[%add3A_135] : memref<163840xf32, #tpu.memory_space<vmem_shared>> -> memref<640xf32, #tpu.memory_space<vmem_shared>>
      %dma_wait3A_257 = arith.constant 6400 : i32
      %dma_wait3A_258 = tpu.memref_slice %arg13[%dma_wait3A_257] : memref<10240xf32, #tpu.memory_space<vmem>> -> memref<640xf32, #tpu.memory_space<vmem>>
      %dma_wait3A_259 = tpu.memref_slice %arg16[%add3A_135] : memref<163840xf32, #tpu.memory_space<vmem_shared>> -> memref<640xf32, #tpu.memory_space<vmem_shared>>
      tpu.wait_dma2 semaphore(%run_scoped3A : memref<!tpu.dma_semaphore, #tpu.memory_space<semaphore_mem>>) src(%dma_wait3A_259 : memref<640xf32, #tpu.memory_space<vmem_shared>>) dst(%dma_wait3A_258 : memref<640xf32, #tpu.memory_space<vmem>>)
      tpu.yield
    }) : () -> ()
    %mul3A_136 = arith.constant 640 : i32
    %mul3A_137 = arith.muli %arg1, %mul3A_136 : i32
    %add3A_138 = arith.constant 112640 : i32
    %add3A_139 = arith.addi %add3A_138, %mul3A_137 : i32
    "tpu.region"() ({
      %run_scoped3A = tpu.sem_alloc : memref<!tpu.dma_semaphore, #tpu.memory_space<semaphore_mem>>
      %dma_start3A = arith.constant 7040 : i32
      %dma_start3A_250 = tpu.memref_slice %arg13[%dma_start3A] : memref<10240xf32, #tpu.memory_space<vmem>> -> memref<640xf32, #tpu.memory_space<vmem>>
      %dma_start3A_251 = tpu.memref_slice %arg16[%add3A_139] : memref<163840xf32, #tpu.memory_space<vmem_shared>> -> memref<640xf32, #tpu.memory_space<vmem_shared>>
      %dma_start3A_252 = arith.constant 7040 : i32
      %dma_start3A_253 = tpu.memref_slice %arg13[%dma_start3A_252] : memref<10240xf32, #tpu.memory_space<vmem>> -> memref<640xf32, #tpu.memory_space<vmem>>
      %dma_start3A_254 = tpu.memref_slice %arg16[%add3A_139] : memref<163840xf32, #tpu.memory_space<vmem_shared>> -> memref<640xf32, #tpu.memory_space<vmem_shared>>
      tpu.enqueue_dma source(%dma_start3A_254 : memref<640xf32, #tpu.memory_space<vmem_shared>>) target(%dma_start3A_253 : memref<640xf32, #tpu.memory_space<vmem>>) target_semaphore(%run_scoped3A : memref<!tpu.dma_semaphore, #tpu.memory_space<semaphore_mem>>)
      %dma_wait3A = arith.constant 7040 : i32
      %dma_wait3A_255 = tpu.memref_slice %arg13[%dma_wait3A] : memref<10240xf32, #tpu.memory_space<vmem>> -> memref<640xf32, #tpu.memory_space<vmem>>
      %dma_wait3A_256 = tpu.memref_slice %arg16[%add3A_139] : memref<163840xf32, #tpu.memory_space<vmem_shared>> -> memref<640xf32, #tpu.memory_space<vmem_shared>>
      %dma_wait3A_257 = arith.constant 7040 : i32
      %dma_wait3A_258 = tpu.memref_slice %arg13[%dma_wait3A_257] : memref<10240xf32, #tpu.memory_space<vmem>> -> memref<640xf32, #tpu.memory_space<vmem>>
      %dma_wait3A_259 = tpu.memref_slice %arg16[%add3A_139] : memref<163840xf32, #tpu.memory_space<vmem_shared>> -> memref<640xf32, #tpu.memory_space<vmem_shared>>
      tpu.wait_dma2 semaphore(%run_scoped3A : memref<!tpu.dma_semaphore, #tpu.memory_space<semaphore_mem>>) src(%dma_wait3A_259 : memref<640xf32, #tpu.memory_space<vmem_shared>>) dst(%dma_wait3A_258 : memref<640xf32, #tpu.memory_space<vmem>>)
      tpu.yield
    }) : () -> ()
    %mul3A_140 = arith.constant 640 : i32
    %mul3A_141 = arith.muli %arg1, %mul3A_140 : i32
    %add3A_142 = arith.constant 122880 : i32
    %add3A_143 = arith.addi %add3A_142, %mul3A_141 : i32
    "tpu.region"() ({
      %run_scoped3A = tpu.sem_alloc : memref<!tpu.dma_semaphore, #tpu.memory_space<semaphore_mem>>
      %dma_start3A = arith.constant 7680 : i32
      %dma_start3A_250 = tpu.memref_slice %arg13[%dma_start3A] : memref<10240xf32, #tpu.memory_space<vmem>> -> memref<640xf32, #tpu.memory_space<vmem>>
      %dma_start3A_251 = tpu.memref_slice %arg16[%add3A_143] : memref<163840xf32, #tpu.memory_space<vmem_shared>> -> memref<640xf32, #tpu.memory_space<vmem_shared>>
      %dma_start3A_252 = arith.constant 7680 : i32
      %dma_start3A_253 = tpu.memref_slice %arg13[%dma_start3A_252] : memref<10240xf32, #tpu.memory_space<vmem>> -> memref<640xf32, #tpu.memory_space<vmem>>
      %dma_start3A_254 = tpu.memref_slice %arg16[%add3A_143] : memref<163840xf32, #tpu.memory_space<vmem_shared>> -> memref<640xf32, #tpu.memory_space<vmem_shared>>
      tpu.enqueue_dma source(%dma_start3A_254 : memref<640xf32, #tpu.memory_space<vmem_shared>>) target(%dma_start3A_253 : memref<640xf32, #tpu.memory_space<vmem>>) target_semaphore(%run_scoped3A : memref<!tpu.dma_semaphore, #tpu.memory_space<semaphore_mem>>)
      %dma_wait3A = arith.constant 7680 : i32
      %dma_wait3A_255 = tpu.memref_slice %arg13[%dma_wait3A] : memref<10240xf32, #tpu.memory_space<vmem>> -> memref<640xf32, #tpu.memory_space<vmem>>
      %dma_wait3A_256 = tpu.memref_slice %arg16[%add3A_143] : memref<163840xf32, #tpu.memory_space<vmem_shared>> -> memref<640xf32, #tpu.memory_space<vmem_shared>>
      %dma_wait3A_257 = arith.constant 7680 : i32
      %dma_wait3A_258 = tpu.memref_slice %arg13[%dma_wait3A_257] : memref<10240xf32, #tpu.memory_space<vmem>> -> memref<640xf32, #tpu.memory_space<vmem>>
      %dma_wait3A_259 = tpu.memref_slice %arg16[%add3A_143] : memref<163840xf32, #tpu.memory_space<vmem_shared>> -> memref<640xf32, #tpu.memory_space<vmem_shared>>
      tpu.wait_dma2 semaphore(%run_scoped3A : memref<!tpu.dma_semaphore, #tpu.memory_space<semaphore_mem>>) src(%dma_wait3A_259 : memref<640xf32, #tpu.memory_space<vmem_shared>>) dst(%dma_wait3A_258 : memref<640xf32, #tpu.memory_space<vmem>>)
      tpu.yield
    }) : () -> ()
    %mul3A_144 = arith.constant 640 : i32
    %mul3A_145 = arith.muli %arg1, %mul3A_144 : i32
    %add3A_146 = arith.constant 133120 : i32
    %add3A_147 = arith.addi %add3A_146, %mul3A_145 : i32
    "tpu.region"() ({
      %run_scoped3A = tpu.sem_alloc : memref<!tpu.dma_semaphore, #tpu.memory_space<semaphore_mem>>
      %dma_start3A = arith.constant 8320 : i32
      %dma_start3A_250 = tpu.memref_slice %arg13[%dma_start3A] : memref<10240xf32, #tpu.memory_space<vmem>> -> memref<640xf32, #tpu.memory_space<vmem>>
      %dma_start3A_251 = tpu.memref_slice %arg16[%add3A_147] : memref<163840xf32, #tpu.memory_space<vmem_shared>> -> memref<640xf32, #tpu.memory_space<vmem_shared>>
      %dma_start3A_252 = arith.constant 8320 : i32
      %dma_start3A_253 = tpu.memref_slice %arg13[%dma_start3A_252] : memref<10240xf32, #tpu.memory_space<vmem>> -> memref<640xf32, #tpu.memory_space<vmem>>
      %dma_start3A_254 = tpu.memref_slice %arg16[%add3A_147] : memref<163840xf32, #tpu.memory_space<vmem_shared>> -> memref<640xf32, #tpu.memory_space<vmem_shared>>
      tpu.enqueue_dma source(%dma_start3A_254 : memref<640xf32, #tpu.memory_space<vmem_shared>>) target(%dma_start3A_253 : memref<640xf32, #tpu.memory_space<vmem>>) target_semaphore(%run_scoped3A : memref<!tpu.dma_semaphore, #tpu.memory_space<semaphore_mem>>)
      %dma_wait3A = arith.constant 8320 : i32
      %dma_wait3A_255 = tpu.memref_slice %arg13[%dma_wait3A] : memref<10240xf32, #tpu.memory_space<vmem>> -> memref<640xf32, #tpu.memory_space<vmem>>
      %dma_wait3A_256 = tpu.memref_slice %arg16[%add3A_147] : memref<163840xf32, #tpu.memory_space<vmem_shared>> -> memref<640xf32, #tpu.memory_space<vmem_shared>>
      %dma_wait3A_257 = arith.constant 8320 : i32
      %dma_wait3A_258 = tpu.memref_slice %arg13[%dma_wait3A_257] : memref<10240xf32, #tpu.memory_space<vmem>> -> memref<640xf32, #tpu.memory_space<vmem>>
      %dma_wait3A_259 = tpu.memref_slice %arg16[%add3A_147] : memref<163840xf32, #tpu.memory_space<vmem_shared>> -> memref<640xf32, #tpu.memory_space<vmem_shared>>
      tpu.wait_dma2 semaphore(%run_scoped3A : memref<!tpu.dma_semaphore, #tpu.memory_space<semaphore_mem>>) src(%dma_wait3A_259 : memref<640xf32, #tpu.memory_space<vmem_shared>>) dst(%dma_wait3A_258 : memref<640xf32, #tpu.memory_space<vmem>>)
      tpu.yield
    }) : () -> ()
    %mul3A_148 = arith.constant 640 : i32
    %mul3A_149 = arith.muli %arg1, %mul3A_148 : i32
    %add3A_150 = arith.constant 143360 : i32
    %add3A_151 = arith.addi %add3A_150, %mul3A_149 : i32
    "tpu.region"() ({
      %run_scoped3A = tpu.sem_alloc : memref<!tpu.dma_semaphore, #tpu.memory_space<semaphore_mem>>
      %dma_start3A = arith.constant 8960 : i32
      %dma_start3A_250 = tpu.memref_slice %arg13[%dma_start3A] : memref<10240xf32, #tpu.memory_space<vmem>> -> memref<640xf32, #tpu.memory_space<vmem>>
      %dma_start3A_251 = tpu.memref_slice %arg16[%add3A_151] : memref<163840xf32, #tpu.memory_space<vmem_shared>> -> memref<640xf32, #tpu.memory_space<vmem_shared>>
      %dma_start3A_252 = arith.constant 8960 : i32
      %dma_start3A_253 = tpu.memref_slice %arg13[%dma_start3A_252] : memref<10240xf32, #tpu.memory_space<vmem>> -> memref<640xf32, #tpu.memory_space<vmem>>
      %dma_start3A_254 = tpu.memref_slice %arg16[%add3A_151] : memref<163840xf32, #tpu.memory_space<vmem_shared>> -> memref<640xf32, #tpu.memory_space<vmem_shared>>
      tpu.enqueue_dma source(%dma_start3A_254 : memref<640xf32, #tpu.memory_space<vmem_shared>>) target(%dma_start3A_253 : memref<640xf32, #tpu.memory_space<vmem>>) target_semaphore(%run_scoped3A : memref<!tpu.dma_semaphore, #tpu.memory_space<semaphore_mem>>)
      %dma_wait3A = arith.constant 8960 : i32
      %dma_wait3A_255 = tpu.memref_slice %arg13[%dma_wait3A] : memref<10240xf32, #tpu.memory_space<vmem>> -> memref<640xf32, #tpu.memory_space<vmem>>
      %dma_wait3A_256 = tpu.memref_slice %arg16[%add3A_151] : memref<163840xf32, #tpu.memory_space<vmem_shared>> -> memref<640xf32, #tpu.memory_space<vmem_shared>>
      %dma_wait3A_257 = arith.constant 8960 : i32
      %dma_wait3A_258 = tpu.memref_slice %arg13[%dma_wait3A_257] : memref<10240xf32, #tpu.memory_space<vmem>> -> memref<640xf32, #tpu.memory_space<vmem>>
      %dma_wait3A_259 = tpu.memref_slice %arg16[%add3A_151] : memref<163840xf32, #tpu.memory_space<vmem_shared>> -> memref<640xf32, #tpu.memory_space<vmem_shared>>
      tpu.wait_dma2 semaphore(%run_scoped3A : memref<!tpu.dma_semaphore, #tpu.memory_space<semaphore_mem>>) src(%dma_wait3A_259 : memref<640xf32, #tpu.memory_space<vmem_shared>>) dst(%dma_wait3A_258 : memref<640xf32, #tpu.memory_space<vmem>>)
      tpu.yield
    }) : () -> ()
    %mul3A_152 = arith.constant 640 : i32
    %mul3A_153 = arith.muli %arg1, %mul3A_152 : i32
    %add3A_154 = arith.constant 153600 : i32
    %add3A_155 = arith.addi %add3A_154, %mul3A_153 : i32
    "tpu.region"() ({
      %run_scoped3A = tpu.sem_alloc : memref<!tpu.dma_semaphore, #tpu.memory_space<semaphore_mem>>
      %dma_start3A = arith.constant 9600 : i32
      %dma_start3A_250 = tpu.memref_slice %arg13[%dma_start3A] : memref<10240xf32, #tpu.memory_space<vmem>> -> memref<640xf32, #tpu.memory_space<vmem>>
      %dma_start3A_251 = tpu.memref_slice %arg16[%add3A_155] : memref<163840xf32, #tpu.memory_space<vmem_shared>> -> memref<640xf32, #tpu.memory_space<vmem_shared>>
      %dma_start3A_252 = arith.constant 9600 : i32
      %dma_start3A_253 = tpu.memref_slice %arg13[%dma_start3A_252] : memref<10240xf32, #tpu.memory_space<vmem>> -> memref<640xf32, #tpu.memory_space<vmem>>
      %dma_start3A_254 = tpu.memref_slice %arg16[%add3A_155] : memref<163840xf32, #tpu.memory_space<vmem_shared>> -> memref<640xf32, #tpu.memory_space<vmem_shared>>
      tpu.enqueue_dma source(%dma_start3A_254 : memref<640xf32, #tpu.memory_space<vmem_shared>>) target(%dma_start3A_253 : memref<640xf32, #tpu.memory_space<vmem>>) target_semaphore(%run_scoped3A : memref<!tpu.dma_semaphore, #tpu.memory_space<semaphore_mem>>)
      %dma_wait3A = arith.constant 9600 : i32
      %dma_wait3A_255 = tpu.memref_slice %arg13[%dma_wait3A] : memref<10240xf32, #tpu.memory_space<vmem>> -> memref<640xf32, #tpu.memory_space<vmem>>
      %dma_wait3A_256 = tpu.memref_slice %arg16[%add3A_155] : memref<163840xf32, #tpu.memory_space<vmem_shared>> -> memref<640xf32, #tpu.memory_space<vmem_shared>>
      %dma_wait3A_257 = arith.constant 9600 : i32
      %dma_wait3A_258 = tpu.memref_slice %arg13[%dma_wait3A_257] : memref<10240xf32, #tpu.memory_space<vmem>> -> memref<640xf32, #tpu.memory_space<vmem>>
      %dma_wait3A_259 = tpu.memref_slice %arg16[%add3A_155] : memref<163840xf32, #tpu.memory_space<vmem_shared>> -> memref<640xf32, #tpu.memory_space<vmem_shared>>
      tpu.wait_dma2 semaphore(%run_scoped3A : memref<!tpu.dma_semaphore, #tpu.memory_space<semaphore_mem>>) src(%dma_wait3A_259 : memref<640xf32, #tpu.memory_space<vmem_shared>>) dst(%dma_wait3A_258 : memref<640xf32, #tpu.memory_space<vmem>>)
      tpu.yield
    }) : () -> ()
    %scan3A_156 = arith.constant 0 : i32
    %scan3A_157 = arith.constant 0 : i32
    %scan3A_158 = arith.constant 40 : i32
    %scan3A_159 = arith.addi %scan3A_157, %scan3A_158 : i32
    %scan3A_160 = arith.constant 1 : i32
    scf.for %scan3A_250 = %scan3A_157 to %scan3A_159 step %scan3A_160  : i32 {
      %mul3A_251 = arith.constant 16 : i32
      %mul3A_252 = arith.muli %scan3A_250, %mul3A_251 : i32
      %get3A = arith.index_cast %mul3A_252 : i32 to index
      %get3A_253 = tpu.vector_load %arg13[%get3A] {strides = array<i32>} : memref<10240xf32, #tpu.memory_space<vmem>>, vector<16xf32>,
      %mul3A_254 = arith.constant 16 : i32
      %mul3A_255 = arith.muli %scan3A_250, %mul3A_254 : i32
      %add3A_256 = arith.constant 640 : i32
      %add3A_257 = arith.addi %add3A_256, %mul3A_255 : i32
      %get3A_258 = arith.index_cast %add3A_257 : i32 to index
      %get3A_259 = tpu.vector_load %arg13[%get3A_258] {strides = array<i32>} : memref<10240xf32, #tpu.memory_space<vmem>>, vector<16xf32>,
      %add3A_260 = arith.addf %get3A_253, %get3A_259 : vector<16xf32>
      %mul3A_261 = arith.constant 16 : i32
      %mul3A_262 = arith.muli %scan3A_250, %mul3A_261 : i32
      %add3A_263 = arith.constant 1280 : i32
      %add3A_264 = arith.addi %add3A_263, %mul3A_262 : i32
      %get3A_265 = arith.index_cast %add3A_264 : i32 to index
      %get3A_266 = tpu.vector_load %arg13[%get3A_265] {strides = array<i32>} : memref<10240xf32, #tpu.memory_space<vmem>>, vector<16xf32>,
      %add3A_267 = arith.addf %add3A_260, %get3A_266 : vector<16xf32>
      %mul3A_268 = arith.constant 16 : i32
      %mul3A_269 = arith.muli %scan3A_250, %mul3A_268 : i32
      %add3A_270 = arith.constant 1920 : i32
      %add3A_271 = arith.addi %add3A_270, %mul3A_269 : i32
      %get3A_272 = arith.index_cast %add3A_271 : i32 to index
      %get3A_273 = tpu.vector_load %arg13[%get3A_272] {strides = array<i32>} : memref<10240xf32, #tpu.memory_space<vmem>>, vector<16xf32>,
      %add3A_274 = arith.addf %add3A_267, %get3A_273 : vector<16xf32>
      %mul3A_275 = arith.constant 16 : i32
      %mul3A_276 = arith.muli %scan3A_250, %mul3A_275 : i32
      %add3A_277 = arith.constant 2560 : i32
      %add3A_278 = arith.addi %add3A_277, %mul3A_276 : i32
      %get3A_279 = arith.index_cast %add3A_278 : i32 to index
      %get3A_280 = tpu.vector_load %arg13[%get3A_279] {strides = array<i32>} : memref<10240xf32, #tpu.memory_space<vmem>>, vector<16xf32>,
      %add3A_281 = arith.addf %add3A_274, %get3A_280 : vector<16xf32>
      %mul3A_282 = arith.constant 16 : i32
      %mul3A_283 = arith.muli %scan3A_250, %mul3A_282 : i32
      %add3A_284 = arith.constant 3200 : i32
      %add3A_285 = arith.addi %add3A_284, %mul3A_283 : i32
      %get3A_286 = arith.index_cast %add3A_285 : i32 to index
      %get3A_287 = tpu.vector_load %arg13[%get3A_286] {strides = array<i32>} : memref<10240xf32, #tpu.memory_space<vmem>>, vector<16xf32>,
      %add3A_288 = arith.addf %add3A_281, %get3A_287 : vector<16xf32>
      %mul3A_289 = arith.constant 16 : i32
      %mul3A_290 = arith.muli %scan3A_250, %mul3A_289 : i32
      %add3A_291 = arith.constant 3840 : i32
      %add3A_292 = arith.addi %add3A_291, %mul3A_290 : i32
      %get3A_293 = arith.index_cast %add3A_292 : i32 to index
      %get3A_294 = tpu.vector_load %arg13[%get3A_293] {strides = array<i32>} : memref<10240xf32, #tpu.memory_space<vmem>>, vector<16xf32>,
      %add3A_295 = arith.addf %add3A_288, %get3A_294 : vector<16xf32>
      %mul3A_296 = arith.constant 16 : i32
      %mul3A_297 = arith.muli %scan3A_250, %mul3A_296 : i32
      %add3A_298 = arith.constant 4480 : i32
      %add3A_299 = arith.addi %add3A_298, %mul3A_297 : i32
      %get3A_300 = arith.index_cast %add3A_299 : i32 to index
      %get3A_301 = tpu.vector_load %arg13[%get3A_300] {strides = array<i32>} : memref<10240xf32, #tpu.memory_space<vmem>>, vector<16xf32>,
      %add3A_302 = arith.addf %add3A_295, %get3A_301 : vector<16xf32>
      %mul3A_303 = arith.constant 16 : i32
      %mul3A_304 = arith.muli %scan3A_250, %mul3A_303 : i32
      %add3A_305 = arith.constant 5120 : i32
      %add3A_306 = arith.addi %add3A_305, %mul3A_304 : i32
      %get3A_307 = arith.index_cast %add3A_306 : i32 to index
      %get3A_308 = tpu.vector_load %arg13[%get3A_307] {strides = array<i32>} : memref<10240xf32, #tpu.memory_space<vmem>>, vector<16xf32>,
      %add3A_309 = arith.addf %add3A_302, %get3A_308 : vector<16xf32>
      %mul3A_310 = arith.constant 16 : i32
      %mul3A_311 = arith.muli %scan3A_250, %mul3A_310 : i32
      %add3A_312 = arith.constant 5760 : i32
      %add3A_313 = arith.addi %add3A_312, %mul3A_311 : i32
      %get3A_314 = arith.index_cast %add3A_313 : i32 to index
      %get3A_315 = tpu.vector_load %arg13[%get3A_314] {strides = array<i32>} : memref<10240xf32, #tpu.memory_space<vmem>>, vector<16xf32>,
      %add3A_316 = arith.addf %add3A_309, %get3A_315 : vector<16xf32>
      %mul3A_317 = arith.constant 16 : i32
      %mul3A_318 = arith.muli %scan3A_250, %mul3A_317 : i32
      %add3A_319 = arith.constant 6400 : i32
      %add3A_320 = arith.addi %add3A_319, %mul3A_318 : i32
      %get3A_321 = arith.index_cast %add3A_320 : i32 to index
      %get3A_322 = tpu.vector_load %arg13[%get3A_321] {strides = array<i32>} : memref<10240xf32, #tpu.memory_space<vmem>>, vector<16xf32>,
      %add3A_323 = arith.addf %add3A_316, %get3A_322 : vector<16xf32>
      %mul3A_324 = arith.constant 16 : i32
      %mul3A_325 = arith.muli %scan3A_250, %mul3A_324 : i32
      %add3A_326 = arith.constant 7040 : i32
      %add3A_327 = arith.addi %add3A_326, %mul3A_325 : i32
      %get3A_328 = arith.index_cast %add3A_327 : i32 to index
      %get3A_329 = tpu.vector_load %arg13[%get3A_328] {strides = array<i32>} : memref<10240xf32, #tpu.memory_space<vmem>>, vector<16xf32>,
      %add3A_330 = arith.addf %add3A_323, %get3A_329 : vector<16xf32>
      %mul3A_331 = arith.constant 16 : i32
      %mul3A_332 = arith.muli %scan3A_250, %mul3A_331 : i32
      %add3A_333 = arith.constant 7680 : i32
      %add3A_334 = arith.addi %add3A_333, %mul3A_332 : i32
      %get3A_335 = arith.index_cast %add3A_334 : i32 to index
      %get3A_336 = tpu.vector_load %arg13[%get3A_335] {strides = array<i32>} : memref<10240xf32, #tpu.memory_space<vmem>>, vector<16xf32>,
      %add3A_337 = arith.addf %add3A_330, %get3A_336 : vector<16xf32>
      %mul3A_338 = arith.constant 16 : i32
      %mul3A_339 = arith.muli %scan3A_250, %mul3A_338 : i32
      %add3A_340 = arith.constant 8320 : i32
      %add3A_341 = arith.addi %add3A_340, %mul3A_339 : i32
      %get3A_342 = arith.index_cast %add3A_341 : i32 to index
      %get3A_343 = tpu.vector_load %arg13[%get3A_342] {strides = array<i32>} : memref<10240xf32, #tpu.memory_space<vmem>>, vector<16xf32>,
      %add3A_344 = arith.addf %add3A_337, %get3A_343 : vector<16xf32>
      %mul3A_345 = arith.constant 16 : i32
      %mul3A_346 = arith.muli %scan3A_250, %mul3A_345 : i32
      %add3A_347 = arith.constant 8960 : i32
      %add3A_348 = arith.addi %add3A_347, %mul3A_346 : i32
      %get3A_349 = arith.index_cast %add3A_348 : i32 to index
      %get3A_350 = tpu.vector_load %arg13[%get3A_349] {strides = array<i32>} : memref<10240xf32, #tpu.memory_space<vmem>>, vector<16xf32>,
      %add3A_351 = arith.addf %add3A_344, %get3A_350 : vector<16xf32>
      %mul3A_352 = arith.constant 16 : i32
      %mul3A_353 = arith.muli %scan3A_250, %mul3A_352 : i32
      %add3A_354 = arith.constant 9600 : i32
      %add3A_355 = arith.addi %add3A_354, %mul3A_353 : i32
      %get3A_356 = arith.index_cast %add3A_355 : i32 to index
      %get3A_357 = tpu.vector_load %arg13[%get3A_356] {strides = array<i32>} : memref<10240xf32, #tpu.memory_space<vmem>>, vector<16xf32>,
      %add3A_358 = arith.addf %add3A_351, %get3A_357 : vector<16xf32>
      %mul3A_359 = arith.constant 16 : i32
      %mul3A_360 = arith.muli %scan3A_250, %mul3A_359 : i32
      %swap3A = arith.index_cast %mul3A_360 : i32 to index
      %swap3A_361 = tpu.vector_load %arg14[%swap3A] {strides = array<i32>} : memref<640xf32, #tpu.memory_space<vmem>>, vector<16xf32>,
      tpu.vector_store %arg14[%swap3A], %add3A_358 {strides = array<i32>} : memref<640xf32, #tpu.memory_space<vmem>>, vector<16xf32>,
    }
    %scan3A_161 = arith.constant 40 : i32
    %mul3A_162 = arith.constant 3 : i32
    %mul3A_163 = arith.muli %arg0, %mul3A_162 : i32
    %add3A_164 = arith.constant 1 : i32
    %add3A_165 = arith.addi %mul3A_163, %add3A_164 : i32
    %mul3A_166 = arith.constant 10240 : i32
    %mul3A_167 = arith.muli %add3A_165, %mul3A_166 : i32
    %mul3A_168 = arith.constant 640 : i32
    %mul3A_169 = arith.muli %arg1, %mul3A_168 : i32
    %add3A_170 = arith.addi %mul3A_167, %mul3A_169 : i32
    "tpu.region"() ({
      %run_scoped3A = tpu.sem_alloc : memref<!tpu.dma_semaphore, #tpu.memory_space<semaphore_mem>>
      %dma_start3A = tpu.memref_slice %arg5[%add3A_170] : memref<61440xf32, #tpu.memory_space<hbm>> -> memref<640xf32, #tpu.memory_space<hbm>>
      %dma_start3A_250 = tpu.memref_slice %arg5[%add3A_170] : memref<61440xf32, #tpu.memory_space<hbm>> -> memref<640xf32, #tpu.memory_space<hbm>>
      tpu.enqueue_dma source(%arg14 : memref<640xf32, #tpu.memory_space<vmem>>) target(%dma_start3A_250 : memref<640xf32, #tpu.memory_space<hbm>>) target_semaphore(%run_scoped3A : memref<!tpu.dma_semaphore, #tpu.memory_space<semaphore_mem>>)
      %dma_wait3A = tpu.memref_slice %arg5[%add3A_170] : memref<61440xf32, #tpu.memory_space<hbm>> -> memref<640xf32, #tpu.memory_space<hbm>>
      %dma_wait3A_251 = tpu.memref_slice %arg5[%add3A_170] : memref<61440xf32, #tpu.memory_space<hbm>> -> memref<640xf32, #tpu.memory_space<hbm>>
      tpu.wait_dma2 semaphore(%run_scoped3A : memref<!tpu.dma_semaphore, #tpu.memory_space<semaphore_mem>>) src(%arg14 : memref<640xf32, #tpu.memory_space<vmem>>) dst(%dma_wait3A_251 : memref<640xf32, #tpu.memory_space<hbm>>)
      tpu.yield
    }) : () -> ()
    %mul3A_171 = arith.constant 640 : i32
    %mul3A_172 = arith.muli %arg1, %mul3A_171 : i32
    %add3A_173 = arith.constant 0 : i32
    %add3A_174 = arith.addi %add3A_173, %mul3A_172 : i32
    "tpu.region"() ({
      %run_scoped3A = tpu.sem_alloc : memref<!tpu.dma_semaphore, #tpu.memory_space<semaphore_mem>>
      %dma_start3A = arith.constant 0 : i32
      %dma_start3A_250 = tpu.memref_slice %arg13[%dma_start3A] : memref<10240xf32, #tpu.memory_space<vmem>> -> memref<640xf32, #tpu.memory_space<vmem>>
      %dma_start3A_251 = tpu.memref_slice %arg17[%add3A_174] : memref<163840xf32, #tpu.memory_space<vmem_shared>> -> memref<640xf32, #tpu.memory_space<vmem_shared>>
      %dma_start3A_252 = arith.constant 0 : i32
      %dma_start3A_253 = tpu.memref_slice %arg13[%dma_start3A_252] : memref<10240xf32, #tpu.memory_space<vmem>> -> memref<640xf32, #tpu.memory_space<vmem>>
      %dma_start3A_254 = tpu.memref_slice %arg17[%add3A_174] : memref<163840xf32, #tpu.memory_space<vmem_shared>> -> memref<640xf32, #tpu.memory_space<vmem_shared>>
      tpu.enqueue_dma source(%dma_start3A_254 : memref<640xf32, #tpu.memory_space<vmem_shared>>) target(%dma_start3A_253 : memref<640xf32, #tpu.memory_space<vmem>>) target_semaphore(%run_scoped3A : memref<!tpu.dma_semaphore, #tpu.memory_space<semaphore_mem>>)
      %dma_wait3A = arith.constant 0 : i32
      %dma_wait3A_255 = tpu.memref_slice %arg13[%dma_wait3A] : memref<10240xf32, #tpu.memory_space<vmem>> -> memref<640xf32, #tpu.memory_space<vmem>>
      %dma_wait3A_256 = tpu.memref_slice %arg17[%add3A_174] : memref<163840xf32, #tpu.memory_space<vmem_shared>> -> memref<640xf32, #tpu.memory_space<vmem_shared>>
      %dma_wait3A_257 = arith.constant 0 : i32
      %dma_wait3A_258 = tpu.memref_slice %arg13[%dma_wait3A_257] : memref<10240xf32, #tpu.memory_space<vmem>> -> memref<640xf32, #tpu.memory_space<vmem>>
      %dma_wait3A_259 = tpu.memref_slice %arg17[%add3A_174] : memref<163840xf32, #tpu.memory_space<vmem_shared>> -> memref<640xf32, #tpu.memory_space<vmem_shared>>
      tpu.wait_dma2 semaphore(%run_scoped3A : memref<!tpu.dma_semaphore, #tpu.memory_space<semaphore_mem>>) src(%dma_wait3A_259 : memref<640xf32, #tpu.memory_space<vmem_shared>>) dst(%dma_wait3A_258 : memref<640xf32, #tpu.memory_space<vmem>>)
      tpu.yield
    }) : () -> ()
    %mul3A_175 = arith.constant 640 : i32
    %mul3A_176 = arith.muli %arg1, %mul3A_175 : i32
    %add3A_177 = arith.constant 10240 : i32
    %add3A_178 = arith.addi %add3A_177, %mul3A_176 : i32
    "tpu.region"() ({
      %run_scoped3A = tpu.sem_alloc : memref<!tpu.dma_semaphore, #tpu.memory_space<semaphore_mem>>
      %dma_start3A = arith.constant 640 : i32
      %dma_start3A_250 = tpu.memref_slice %arg13[%dma_start3A] : memref<10240xf32, #tpu.memory_space<vmem>> -> memref<640xf32, #tpu.memory_space<vmem>>
      %dma_start3A_251 = tpu.memref_slice %arg17[%add3A_178] : memref<163840xf32, #tpu.memory_space<vmem_shared>> -> memref<640xf32, #tpu.memory_space<vmem_shared>>
      %dma_start3A_252 = arith.constant 640 : i32
      %dma_start3A_253 = tpu.memref_slice %arg13[%dma_start3A_252] : memref<10240xf32, #tpu.memory_space<vmem>> -> memref<640xf32, #tpu.memory_space<vmem>>
      %dma_start3A_254 = tpu.memref_slice %arg17[%add3A_178] : memref<163840xf32, #tpu.memory_space<vmem_shared>> -> memref<640xf32, #tpu.memory_space<vmem_shared>>
      tpu.enqueue_dma source(%dma_start3A_254 : memref<640xf32, #tpu.memory_space<vmem_shared>>) target(%dma_start3A_253 : memref<640xf32, #tpu.memory_space<vmem>>) target_semaphore(%run_scoped3A : memref<!tpu.dma_semaphore, #tpu.memory_space<semaphore_mem>>)
      %dma_wait3A = arith.constant 640 : i32
      %dma_wait3A_255 = tpu.memref_slice %arg13[%dma_wait3A] : memref<10240xf32, #tpu.memory_space<vmem>> -> memref<640xf32, #tpu.memory_space<vmem>>
      %dma_wait3A_256 = tpu.memref_slice %arg17[%add3A_178] : memref<163840xf32, #tpu.memory_space<vmem_shared>> -> memref<640xf32, #tpu.memory_space<vmem_shared>>
      %dma_wait3A_257 = arith.constant 640 : i32
      %dma_wait3A_258 = tpu.memref_slice %arg13[%dma_wait3A_257] : memref<10240xf32, #tpu.memory_space<vmem>> -> memref<640xf32, #tpu.memory_space<vmem>>
      %dma_wait3A_259 = tpu.memref_slice %arg17[%add3A_178] : memref<163840xf32, #tpu.memory_space<vmem_shared>> -> memref<640xf32, #tpu.memory_space<vmem_shared>>
      tpu.wait_dma2 semaphore(%run_scoped3A : memref<!tpu.dma_semaphore, #tpu.memory_space<semaphore_mem>>) src(%dma_wait3A_259 : memref<640xf32, #tpu.memory_space<vmem_shared>>) dst(%dma_wait3A_258 : memref<640xf32, #tpu.memory_space<vmem>>)
      tpu.yield
    }) : () -> ()
    %mul3A_179 = arith.constant 640 : i32
    %mul3A_180 = arith.muli %arg1, %mul3A_179 : i32
    %add3A_181 = arith.constant 20480 : i32
    %add3A_182 = arith.addi %add3A_181, %mul3A_180 : i32
    "tpu.region"() ({
      %run_scoped3A = tpu.sem_alloc : memref<!tpu.dma_semaphore, #tpu.memory_space<semaphore_mem>>
      %dma_start3A = arith.constant 1280 : i32
      %dma_start3A_250 = tpu.memref_slice %arg13[%dma_start3A] : memref<10240xf32, #tpu.memory_space<vmem>> -> memref<640xf32, #tpu.memory_space<vmem>>
      %dma_start3A_251 = tpu.memref_slice %arg17[%add3A_182] : memref<163840xf32, #tpu.memory_space<vmem_shared>> -> memref<640xf32, #tpu.memory_space<vmem_shared>>
      %dma_start3A_252 = arith.constant 1280 : i32
      %dma_start3A_253 = tpu.memref_slice %arg13[%dma_start3A_252] : memref<10240xf32, #tpu.memory_space<vmem>> -> memref<640xf32, #tpu.memory_space<vmem>>
      %dma_start3A_254 = tpu.memref_slice %arg17[%add3A_182] : memref<163840xf32, #tpu.memory_space<vmem_shared>> -> memref<640xf32, #tpu.memory_space<vmem_shared>>
      tpu.enqueue_dma source(%dma_start3A_254 : memref<640xf32, #tpu.memory_space<vmem_shared>>) target(%dma_start3A_253 : memref<640xf32, #tpu.memory_space<vmem>>) target_semaphore(%run_scoped3A : memref<!tpu.dma_semaphore, #tpu.memory_space<semaphore_mem>>)
      %dma_wait3A = arith.constant 1280 : i32
      %dma_wait3A_255 = tpu.memref_slice %arg13[%dma_wait3A] : memref<10240xf32, #tpu.memory_space<vmem>> -> memref<640xf32, #tpu.memory_space<vmem>>
      %dma_wait3A_256 = tpu.memref_slice %arg17[%add3A_182] : memref<163840xf32, #tpu.memory_space<vmem_shared>> -> memref<640xf32, #tpu.memory_space<vmem_shared>>
      %dma_wait3A_257 = arith.constant 1280 : i32
      %dma_wait3A_258 = tpu.memref_slice %arg13[%dma_wait3A_257] : memref<10240xf32, #tpu.memory_space<vmem>> -> memref<640xf32, #tpu.memory_space<vmem>>
      %dma_wait3A_259 = tpu.memref_slice %arg17[%add3A_182] : memref<163840xf32, #tpu.memory_space<vmem_shared>> -> memref<640xf32, #tpu.memory_space<vmem_shared>>
      tpu.wait_dma2 semaphore(%run_scoped3A : memref<!tpu.dma_semaphore, #tpu.memory_space<semaphore_mem>>) src(%dma_wait3A_259 : memref<640xf32, #tpu.memory_space<vmem_shared>>) dst(%dma_wait3A_258 : memref<640xf32, #tpu.memory_space<vmem>>)
      tpu.yield
    }) : () -> ()
    %mul3A_183 = arith.constant 640 : i32
    %mul3A_184 = arith.muli %arg1, %mul3A_183 : i32
    %add3A_185 = arith.constant 30720 : i32
    %add3A_186 = arith.addi %add3A_185, %mul3A_184 : i32
    "tpu.region"() ({
      %run_scoped3A = tpu.sem_alloc : memref<!tpu.dma_semaphore, #tpu.memory_space<semaphore_mem>>
      %dma_start3A = arith.constant 1920 : i32
      %dma_start3A_250 = tpu.memref_slice %arg13[%dma_start3A] : memref<10240xf32, #tpu.memory_space<vmem>> -> memref<640xf32, #tpu.memory_space<vmem>>
      %dma_start3A_251 = tpu.memref_slice %arg17[%add3A_186] : memref<163840xf32, #tpu.memory_space<vmem_shared>> -> memref<640xf32, #tpu.memory_space<vmem_shared>>
      %dma_start3A_252 = arith.constant 1920 : i32
      %dma_start3A_253 = tpu.memref_slice %arg13[%dma_start3A_252] : memref<10240xf32, #tpu.memory_space<vmem>> -> memref<640xf32, #tpu.memory_space<vmem>>
      %dma_start3A_254 = tpu.memref_slice %arg17[%add3A_186] : memref<163840xf32, #tpu.memory_space<vmem_shared>> -> memref<640xf32, #tpu.memory_space<vmem_shared>>
      tpu.enqueue_dma source(%dma_start3A_254 : memref<640xf32, #tpu.memory_space<vmem_shared>>) target(%dma_start3A_253 : memref<640xf32, #tpu.memory_space<vmem>>) target_semaphore(%run_scoped3A : memref<!tpu.dma_semaphore, #tpu.memory_space<semaphore_mem>>)
      %dma_wait3A = arith.constant 1920 : i32
      %dma_wait3A_255 = tpu.memref_slice %arg13[%dma_wait3A] : memref<10240xf32, #tpu.memory_space<vmem>> -> memref<640xf32, #tpu.memory_space<vmem>>
      %dma_wait3A_256 = tpu.memref_slice %arg17[%add3A_186] : memref<163840xf32, #tpu.memory_space<vmem_shared>> -> memref<640xf32, #tpu.memory_space<vmem_shared>>
      %dma_wait3A_257 = arith.constant 1920 : i32
      %dma_wait3A_258 = tpu.memref_slice %arg13[%dma_wait3A_257] : memref<10240xf32, #tpu.memory_space<vmem>> -> memref<640xf32, #tpu.memory_space<vmem>>
      %dma_wait3A_259 = tpu.memref_slice %arg17[%add3A_186] : memref<163840xf32, #tpu.memory_space<vmem_shared>> -> memref<640xf32, #tpu.memory_space<vmem_shared>>
      tpu.wait_dma2 semaphore(%run_scoped3A : memref<!tpu.dma_semaphore, #tpu.memory_space<semaphore_mem>>) src(%dma_wait3A_259 : memref<640xf32, #tpu.memory_space<vmem_shared>>) dst(%dma_wait3A_258 : memref<640xf32, #tpu.memory_space<vmem>>)
      tpu.yield
    }) : () -> ()
    %mul3A_187 = arith.constant 640 : i32
    %mul3A_188 = arith.muli %arg1, %mul3A_187 : i32
    %add3A_189 = arith.constant 40960 : i32
    %add3A_190 = arith.addi %add3A_189, %mul3A_188 : i32
    "tpu.region"() ({
      %run_scoped3A = tpu.sem_alloc : memref<!tpu.dma_semaphore, #tpu.memory_space<semaphore_mem>>
      %dma_start3A = arith.constant 2560 : i32
      %dma_start3A_250 = tpu.memref_slice %arg13[%dma_start3A] : memref<10240xf32, #tpu.memory_space<vmem>> -> memref<640xf32, #tpu.memory_space<vmem>>
      %dma_start3A_251 = tpu.memref_slice %arg17[%add3A_190] : memref<163840xf32, #tpu.memory_space<vmem_shared>> -> memref<640xf32, #tpu.memory_space<vmem_shared>>
      %dma_start3A_252 = arith.constant 2560 : i32
      %dma_start3A_253 = tpu.memref_slice %arg13[%dma_start3A_252] : memref<10240xf32, #tpu.memory_space<vmem>> -> memref<640xf32, #tpu.memory_space<vmem>>
      %dma_start3A_254 = tpu.memref_slice %arg17[%add3A_190] : memref<163840xf32, #tpu.memory_space<vmem_shared>> -> memref<640xf32, #tpu.memory_space<vmem_shared>>
      tpu.enqueue_dma source(%dma_start3A_254 : memref<640xf32, #tpu.memory_space<vmem_shared>>) target(%dma_start3A_253 : memref<640xf32, #tpu.memory_space<vmem>>) target_semaphore(%run_scoped3A : memref<!tpu.dma_semaphore, #tpu.memory_space<semaphore_mem>>)
      %dma_wait3A = arith.constant 2560 : i32
      %dma_wait3A_255 = tpu.memref_slice %arg13[%dma_wait3A] : memref<10240xf32, #tpu.memory_space<vmem>> -> memref<640xf32, #tpu.memory_space<vmem>>
      %dma_wait3A_256 = tpu.memref_slice %arg17[%add3A_190] : memref<163840xf32, #tpu.memory_space<vmem_shared>> -> memref<640xf32, #tpu.memory_space<vmem_shared>>
      %dma_wait3A_257 = arith.constant 2560 : i32
      %dma_wait3A_258 = tpu.memref_slice %arg13[%dma_wait3A_257] : memref<10240xf32, #tpu.memory_space<vmem>> -> memref<640xf32, #tpu.memory_space<vmem>>
      %dma_wait3A_259 = tpu.memref_slice %arg17[%add3A_190] : memref<163840xf32, #tpu.memory_space<vmem_shared>> -> memref<640xf32, #tpu.memory_space<vmem_shared>>
      tpu.wait_dma2 semaphore(%run_scoped3A : memref<!tpu.dma_semaphore, #tpu.memory_space<semaphore_mem>>) src(%dma_wait3A_259 : memref<640xf32, #tpu.memory_space<vmem_shared>>) dst(%dma_wait3A_258 : memref<640xf32, #tpu.memory_space<vmem>>)
      tpu.yield
    }) : () -> ()
    %mul3A_191 = arith.constant 640 : i32
    %mul3A_192 = arith.muli %arg1, %mul3A_191 : i32
    %add3A_193 = arith.constant 51200 : i32
    %add3A_194 = arith.addi %add3A_193, %mul3A_192 : i32
    "tpu.region"() ({
      %run_scoped3A = tpu.sem_alloc : memref<!tpu.dma_semaphore, #tpu.memory_space<semaphore_mem>>
      %dma_start3A = arith.constant 3200 : i32
      %dma_start3A_250 = tpu.memref_slice %arg13[%dma_start3A] : memref<10240xf32, #tpu.memory_space<vmem>> -> memref<640xf32, #tpu.memory_space<vmem>>
      %dma_start3A_251 = tpu.memref_slice %arg17[%add3A_194] : memref<163840xf32, #tpu.memory_space<vmem_shared>> -> memref<640xf32, #tpu.memory_space<vmem_shared>>
      %dma_start3A_252 = arith.constant 3200 : i32
      %dma_start3A_253 = tpu.memref_slice %arg13[%dma_start3A_252] : memref<10240xf32, #tpu.memory_space<vmem>> -> memref<640xf32, #tpu.memory_space<vmem>>
      %dma_start3A_254 = tpu.memref_slice %arg17[%add3A_194] : memref<163840xf32, #tpu.memory_space<vmem_shared>> -> memref<640xf32, #tpu.memory_space<vmem_shared>>
      tpu.enqueue_dma source(%dma_start3A_254 : memref<640xf32, #tpu.memory_space<vmem_shared>>) target(%dma_start3A_253 : memref<640xf32, #tpu.memory_space<vmem>>) target_semaphore(%run_scoped3A : memref<!tpu.dma_semaphore, #tpu.memory_space<semaphore_mem>>)
      %dma_wait3A = arith.constant 3200 : i32
      %dma_wait3A_255 = tpu.memref_slice %arg13[%dma_wait3A] : memref<10240xf32, #tpu.memory_space<vmem>> -> memref<640xf32, #tpu.memory_space<vmem>>
      %dma_wait3A_256 = tpu.memref_slice %arg17[%add3A_194] : memref<163840xf32, #tpu.memory_space<vmem_shared>> -> memref<640xf32, #tpu.memory_space<vmem_shared>>
      %dma_wait3A_257 = arith.constant 3200 : i32
      %dma_wait3A_258 = tpu.memref_slice %arg13[%dma_wait3A_257] : memref<10240xf32, #tpu.memory_space<vmem>> -> memref<640xf32, #tpu.memory_space<vmem>>
      %dma_wait3A_259 = tpu.memref_slice %arg17[%add3A_194] : memref<163840xf32, #tpu.memory_space<vmem_shared>> -> memref<640xf32, #tpu.memory_space<vmem_shared>>
      tpu.wait_dma2 semaphore(%run_scoped3A : memref<!tpu.dma_semaphore, #tpu.memory_space<semaphore_mem>>) src(%dma_wait3A_259 : memref<640xf32, #tpu.memory_space<vmem_shared>>) dst(%dma_wait3A_258 : memref<640xf32, #tpu.memory_space<vmem>>)
      tpu.yield
    }) : () -> ()
    %mul3A_195 = arith.constant 640 : i32
    %mul3A_196 = arith.muli %arg1, %mul3A_195 : i32
    %add3A_197 = arith.constant 61440 : i32
    %add3A_198 = arith.addi %add3A_197, %mul3A_196 : i32
    "tpu.region"() ({
      %run_scoped3A = tpu.sem_alloc : memref<!tpu.dma_semaphore, #tpu.memory_space<semaphore_mem>>
      %dma_start3A = arith.constant 3840 : i32
      %dma_start3A_250 = tpu.memref_slice %arg13[%dma_start3A] : memref<10240xf32, #tpu.memory_space<vmem>> -> memref<640xf32, #tpu.memory_space<vmem>>
      %dma_start3A_251 = tpu.memref_slice %arg17[%add3A_198] : memref<163840xf32, #tpu.memory_space<vmem_shared>> -> memref<640xf32, #tpu.memory_space<vmem_shared>>
      %dma_start3A_252 = arith.constant 3840 : i32
      %dma_start3A_253 = tpu.memref_slice %arg13[%dma_start3A_252] : memref<10240xf32, #tpu.memory_space<vmem>> -> memref<640xf32, #tpu.memory_space<vmem>>
      %dma_start3A_254 = tpu.memref_slice %arg17[%add3A_198] : memref<163840xf32, #tpu.memory_space<vmem_shared>> -> memref<640xf32, #tpu.memory_space<vmem_shared>>
      tpu.enqueue_dma source(%dma_start3A_254 : memref<640xf32, #tpu.memory_space<vmem_shared>>) target(%dma_start3A_253 : memref<640xf32, #tpu.memory_space<vmem>>) target_semaphore(%run_scoped3A : memref<!tpu.dma_semaphore, #tpu.memory_space<semaphore_mem>>)
      %dma_wait3A = arith.constant 3840 : i32
      %dma_wait3A_255 = tpu.memref_slice %arg13[%dma_wait3A] : memref<10240xf32, #tpu.memory_space<vmem>> -> memref<640xf32, #tpu.memory_space<vmem>>
      %dma_wait3A_256 = tpu.memref_slice %arg17[%add3A_198] : memref<163840xf32, #tpu.memory_space<vmem_shared>> -> memref<640xf32, #tpu.memory_space<vmem_shared>>
      %dma_wait3A_257 = arith.constant 3840 : i32
      %dma_wait3A_258 = tpu.memref_slice %arg13[%dma_wait3A_257] : memref<10240xf32, #tpu.memory_space<vmem>> -> memref<640xf32, #tpu.memory_space<vmem>>
      %dma_wait3A_259 = tpu.memref_slice %arg17[%add3A_198] : memref<163840xf32, #tpu.memory_space<vmem_shared>> -> memref<640xf32, #tpu.memory_space<vmem_shared>>
      tpu.wait_dma2 semaphore(%run_scoped3A : memref<!tpu.dma_semaphore, #tpu.memory_space<semaphore_mem>>) src(%dma_wait3A_259 : memref<640xf32, #tpu.memory_space<vmem_shared>>) dst(%dma_wait3A_258 : memref<640xf32, #tpu.memory_space<vmem>>)
      tpu.yield
    }) : () -> ()
    %mul3A_199 = arith.constant 640 : i32
    %mul3A_200 = arith.muli %arg1, %mul3A_199 : i32
    %add3A_201 = arith.constant 71680 : i32
    %add3A_202 = arith.addi %add3A_201, %mul3A_200 : i32
    "tpu.region"() ({
      %run_scoped3A = tpu.sem_alloc : memref<!tpu.dma_semaphore, #tpu.memory_space<semaphore_mem>>
      %dma_start3A = arith.constant 4480 : i32
      %dma_start3A_250 = tpu.memref_slice %arg13[%dma_start3A] : memref<10240xf32, #tpu.memory_space<vmem>> -> memref<640xf32, #tpu.memory_space<vmem>>
      %dma_start3A_251 = tpu.memref_slice %arg17[%add3A_202] : memref<163840xf32, #tpu.memory_space<vmem_shared>> -> memref<640xf32, #tpu.memory_space<vmem_shared>>
      %dma_start3A_252 = arith.constant 4480 : i32
      %dma_start3A_253 = tpu.memref_slice %arg13[%dma_start3A_252] : memref<10240xf32, #tpu.memory_space<vmem>> -> memref<640xf32, #tpu.memory_space<vmem>>
      %dma_start3A_254 = tpu.memref_slice %arg17[%add3A_202] : memref<163840xf32, #tpu.memory_space<vmem_shared>> -> memref<640xf32, #tpu.memory_space<vmem_shared>>
      tpu.enqueue_dma source(%dma_start3A_254 : memref<640xf32, #tpu.memory_space<vmem_shared>>) target(%dma_start3A_253 : memref<640xf32, #tpu.memory_space<vmem>>) target_semaphore(%run_scoped3A : memref<!tpu.dma_semaphore, #tpu.memory_space<semaphore_mem>>)
      %dma_wait3A = arith.constant 4480 : i32
      %dma_wait3A_255 = tpu.memref_slice %arg13[%dma_wait3A] : memref<10240xf32, #tpu.memory_space<vmem>> -> memref<640xf32, #tpu.memory_space<vmem>>
      %dma_wait3A_256 = tpu.memref_slice %arg17[%add3A_202] : memref<163840xf32, #tpu.memory_space<vmem_shared>> -> memref<640xf32, #tpu.memory_space<vmem_shared>>
      %dma_wait3A_257 = arith.constant 4480 : i32
      %dma_wait3A_258 = tpu.memref_slice %arg13[%dma_wait3A_257] : memref<10240xf32, #tpu.memory_space<vmem>> -> memref<640xf32, #tpu.memory_space<vmem>>
      %dma_wait3A_259 = tpu.memref_slice %arg17[%add3A_202] : memref<163840xf32, #tpu.memory_space<vmem_shared>> -> memref<640xf32, #tpu.memory_space<vmem_shared>>
      tpu.wait_dma2 semaphore(%run_scoped3A : memref<!tpu.dma_semaphore, #tpu.memory_space<semaphore_mem>>) src(%dma_wait3A_259 : memref<640xf32, #tpu.memory_space<vmem_shared>>) dst(%dma_wait3A_258 : memref<640xf32, #tpu.memory_space<vmem>>)
      tpu.yield
    }) : () -> ()
    %mul3A_203 = arith.constant 640 : i32
    %mul3A_204 = arith.muli %arg1, %mul3A_203 : i32
    %add3A_205 = arith.constant 81920 : i32
    %add3A_206 = arith.addi %add3A_205, %mul3A_204 : i32
    "tpu.region"() ({
      %run_scoped3A = tpu.sem_alloc : memref<!tpu.dma_semaphore, #tpu.memory_space<semaphore_mem>>
      %dma_start3A = arith.constant 5120 : i32
      %dma_start3A_250 = tpu.memref_slice %arg13[%dma_start3A] : memref<10240xf32, #tpu.memory_space<vmem>> -> memref<640xf32, #tpu.memory_space<vmem>>
      %dma_start3A_251 = tpu.memref_slice %arg17[%add3A_206] : memref<163840xf32, #tpu.memory_space<vmem_shared>> -> memref<640xf32, #tpu.memory_space<vmem_shared>>
      %dma_start3A_252 = arith.constant 5120 : i32
      %dma_start3A_253 = tpu.memref_slice %arg13[%dma_start3A_252] : memref<10240xf32, #tpu.memory_space<vmem>> -> memref<640xf32, #tpu.memory_space<vmem>>
      %dma_start3A_254 = tpu.memref_slice %arg17[%add3A_206] : memref<163840xf32, #tpu.memory_space<vmem_shared>> -> memref<640xf32, #tpu.memory_space<vmem_shared>>
      tpu.enqueue_dma source(%dma_start3A_254 : memref<640xf32, #tpu.memory_space<vmem_shared>>) target(%dma_start3A_253 : memref<640xf32, #tpu.memory_space<vmem>>) target_semaphore(%run_scoped3A : memref<!tpu.dma_semaphore, #tpu.memory_space<semaphore_mem>>)
      %dma_wait3A = arith.constant 5120 : i32
      %dma_wait3A_255 = tpu.memref_slice %arg13[%dma_wait3A] : memref<10240xf32, #tpu.memory_space<vmem>> -> memref<640xf32, #tpu.memory_space<vmem>>
      %dma_wait3A_256 = tpu.memref_slice %arg17[%add3A_206] : memref<163840xf32, #tpu.memory_space<vmem_shared>> -> memref<640xf32, #tpu.memory_space<vmem_shared>>
      %dma_wait3A_257 = arith.constant 5120 : i32
      %dma_wait3A_258 = tpu.memref_slice %arg13[%dma_wait3A_257] : memref<10240xf32, #tpu.memory_space<vmem>> -> memref<640xf32, #tpu.memory_space<vmem>>
      %dma_wait3A_259 = tpu.memref_slice %arg17[%add3A_206] : memref<163840xf32, #tpu.memory_space<vmem_shared>> -> memref<640xf32, #tpu.memory_space<vmem_shared>>
      tpu.wait_dma2 semaphore(%run_scoped3A : memref<!tpu.dma_semaphore, #tpu.memory_space<semaphore_mem>>) src(%dma_wait3A_259 : memref<640xf32, #tpu.memory_space<vmem_shared>>) dst(%dma_wait3A_258 : memref<640xf32, #tpu.memory_space<vmem>>)
      tpu.yield
    }) : () -> ()
    %mul3A_207 = arith.constant 640 : i32
    %mul3A_208 = arith.muli %arg1, %mul3A_207 : i32
    %add3A_209 = arith.constant 92160 : i32
    %add3A_210 = arith.addi %add3A_209, %mul3A_208 : i32
    "tpu.region"() ({
      %run_scoped3A = tpu.sem_alloc : memref<!tpu.dma_semaphore, #tpu.memory_space<semaphore_mem>>
      %dma_start3A = arith.constant 5760 : i32
      %dma_start3A_250 = tpu.memref_slice %arg13[%dma_start3A] : memref<10240xf32, #tpu.memory_space<vmem>> -> memref<640xf32, #tpu.memory_space<vmem>>
      %dma_start3A_251 = tpu.memref_slice %arg17[%add3A_210] : memref<163840xf32, #tpu.memory_space<vmem_shared>> -> memref<640xf32, #tpu.memory_space<vmem_shared>>
      %dma_start3A_252 = arith.constant 5760 : i32
      %dma_start3A_253 = tpu.memref_slice %arg13[%dma_start3A_252] : memref<10240xf32, #tpu.memory_space<vmem>> -> memref<640xf32, #tpu.memory_space<vmem>>
      %dma_start3A_254 = tpu.memref_slice %arg17[%add3A_210] : memref<163840xf32, #tpu.memory_space<vmem_shared>> -> memref<640xf32, #tpu.memory_space<vmem_shared>>
      tpu.enqueue_dma source(%dma_start3A_254 : memref<640xf32, #tpu.memory_space<vmem_shared>>) target(%dma_start3A_253 : memref<640xf32, #tpu.memory_space<vmem>>) target_semaphore(%run_scoped3A : memref<!tpu.dma_semaphore, #tpu.memory_space<semaphore_mem>>)
      %dma_wait3A = arith.constant 5760 : i32
      %dma_wait3A_255 = tpu.memref_slice %arg13[%dma_wait3A] : memref<10240xf32, #tpu.memory_space<vmem>> -> memref<640xf32, #tpu.memory_space<vmem>>
      %dma_wait3A_256 = tpu.memref_slice %arg17[%add3A_210] : memref<163840xf32, #tpu.memory_space<vmem_shared>> -> memref<640xf32, #tpu.memory_space<vmem_shared>>
      %dma_wait3A_257 = arith.constant 5760 : i32
      %dma_wait3A_258 = tpu.memref_slice %arg13[%dma_wait3A_257] : memref<10240xf32, #tpu.memory_space<vmem>> -> memref<640xf32, #tpu.memory_space<vmem>>
      %dma_wait3A_259 = tpu.memref_slice %arg17[%add3A_210] : memref<163840xf32, #tpu.memory_space<vmem_shared>> -> memref<640xf32, #tpu.memory_space<vmem_shared>>
      tpu.wait_dma2 semaphore(%run_scoped3A : memref<!tpu.dma_semaphore, #tpu.memory_space<semaphore_mem>>) src(%dma_wait3A_259 : memref<640xf32, #tpu.memory_space<vmem_shared>>) dst(%dma_wait3A_258 : memref<640xf32, #tpu.memory_space<vmem>>)
      tpu.yield
    }) : () -> ()
    %mul3A_211 = arith.constant 640 : i32
    %mul3A_212 = arith.muli %arg1, %mul3A_211 : i32
    %add3A_213 = arith.constant 102400 : i32
    %add3A_214 = arith.addi %add3A_213, %mul3A_212 : i32
    "tpu.region"() ({
      %run_scoped3A = tpu.sem_alloc : memref<!tpu.dma_semaphore, #tpu.memory_space<semaphore_mem>>
      %dma_start3A = arith.constant 6400 : i32
      %dma_start3A_250 = tpu.memref_slice %arg13[%dma_start3A] : memref<10240xf32, #tpu.memory_space<vmem>> -> memref<640xf32, #tpu.memory_space<vmem>>
      %dma_start3A_251 = tpu.memref_slice %arg17[%add3A_214] : memref<163840xf32, #tpu.memory_space<vmem_shared>> -> memref<640xf32, #tpu.memory_space<vmem_shared>>
      %dma_start3A_252 = arith.constant 6400 : i32
      %dma_start3A_253 = tpu.memref_slice %arg13[%dma_start3A_252] : memref<10240xf32, #tpu.memory_space<vmem>> -> memref<640xf32, #tpu.memory_space<vmem>>
      %dma_start3A_254 = tpu.memref_slice %arg17[%add3A_214] : memref<163840xf32, #tpu.memory_space<vmem_shared>> -> memref<640xf32, #tpu.memory_space<vmem_shared>>
      tpu.enqueue_dma source(%dma_start3A_254 : memref<640xf32, #tpu.memory_space<vmem_shared>>) target(%dma_start3A_253 : memref<640xf32, #tpu.memory_space<vmem>>) target_semaphore(%run_scoped3A : memref<!tpu.dma_semaphore, #tpu.memory_space<semaphore_mem>>)
      %dma_wait3A = arith.constant 6400 : i32
      %dma_wait3A_255 = tpu.memref_slice %arg13[%dma_wait3A] : memref<10240xf32, #tpu.memory_space<vmem>> -> memref<640xf32, #tpu.memory_space<vmem>>
      %dma_wait3A_256 = tpu.memref_slice %arg17[%add3A_214] : memref<163840xf32, #tpu.memory_space<vmem_shared>> -> memref<640xf32, #tpu.memory_space<vmem_shared>>
      %dma_wait3A_257 = arith.constant 6400 : i32
      %dma_wait3A_258 = tpu.memref_slice %arg13[%dma_wait3A_257] : memref<10240xf32, #tpu.memory_space<vmem>> -> memref<640xf32, #tpu.memory_space<vmem>>
      %dma_wait3A_259 = tpu.memref_slice %arg17[%add3A_214] : memref<163840xf32, #tpu.memory_space<vmem_shared>> -> memref<640xf32, #tpu.memory_space<vmem_shared>>
      tpu.wait_dma2 semaphore(%run_scoped3A : memref<!tpu.dma_semaphore, #tpu.memory_space<semaphore_mem>>) src(%dma_wait3A_259 : memref<640xf32, #tpu.memory_space<vmem_shared>>) dst(%dma_wait3A_258 : memref<640xf32, #tpu.memory_space<vmem>>)
      tpu.yield
    }) : () -> ()
    %mul3A_215 = arith.constant 640 : i32
    %mul3A_216 = arith.muli %arg1, %mul3A_215 : i32
    %add3A_217 = arith.constant 112640 : i32
    %add3A_218 = arith.addi %add3A_217, %mul3A_216 : i32
    "tpu.region"() ({
      %run_scoped3A = tpu.sem_alloc : memref<!tpu.dma_semaphore, #tpu.memory_space<semaphore_mem>>
      %dma_start3A = arith.constant 7040 : i32
      %dma_start3A_250 = tpu.memref_slice %arg13[%dma_start3A] : memref<10240xf32, #tpu.memory_space<vmem>> -> memref<640xf32, #tpu.memory_space<vmem>>
      %dma_start3A_251 = tpu.memref_slice %arg17[%add3A_218] : memref<163840xf32, #tpu.memory_space<vmem_shared>> -> memref<640xf32, #tpu.memory_space<vmem_shared>>
      %dma_start3A_252 = arith.constant 7040 : i32
      %dma_start3A_253 = tpu.memref_slice %arg13[%dma_start3A_252] : memref<10240xf32, #tpu.memory_space<vmem>> -> memref<640xf32, #tpu.memory_space<vmem>>
      %dma_start3A_254 = tpu.memref_slice %arg17[%add3A_218] : memref<163840xf32, #tpu.memory_space<vmem_shared>> -> memref<640xf32, #tpu.memory_space<vmem_shared>>
      tpu.enqueue_dma source(%dma_start3A_254 : memref<640xf32, #tpu.memory_space<vmem_shared>>) target(%dma_start3A_253 : memref<640xf32, #tpu.memory_space<vmem>>) target_semaphore(%run_scoped3A : memref<!tpu.dma_semaphore, #tpu.memory_space<semaphore_mem>>)
      %dma_wait3A = arith.constant 7040 : i32
      %dma_wait3A_255 = tpu.memref_slice %arg13[%dma_wait3A] : memref<10240xf32, #tpu.memory_space<vmem>> -> memref<640xf32, #tpu.memory_space<vmem>>
      %dma_wait3A_256 = tpu.memref_slice %arg17[%add3A_218] : memref<163840xf32, #tpu.memory_space<vmem_shared>> -> memref<640xf32, #tpu.memory_space<vmem_shared>>
      %dma_wait3A_257 = arith.constant 7040 : i32
      %dma_wait3A_258 = tpu.memref_slice %arg13[%dma_wait3A_257] : memref<10240xf32, #tpu.memory_space<vmem>> -> memref<640xf32, #tpu.memory_space<vmem>>
      %dma_wait3A_259 = tpu.memref_slice %arg17[%add3A_218] : memref<163840xf32, #tpu.memory_space<vmem_shared>> -> memref<640xf32, #tpu.memory_space<vmem_shared>>
      tpu.wait_dma2 semaphore(%run_scoped3A : memref<!tpu.dma_semaphore, #tpu.memory_space<semaphore_mem>>) src(%dma_wait3A_259 : memref<640xf32, #tpu.memory_space<vmem_shared>>) dst(%dma_wait3A_258 : memref<640xf32, #tpu.memory_space<vmem>>)
      tpu.yield
    }) : () -> ()
    %mul3A_219 = arith.constant 640 : i32
    %mul3A_220 = arith.muli %arg1, %mul3A_219 : i32
    %add3A_221 = arith.constant 122880 : i32
    %add3A_222 = arith.addi %add3A_221, %mul3A_220 : i32
    "tpu.region"() ({
      %run_scoped3A = tpu.sem_alloc : memref<!tpu.dma_semaphore, #tpu.memory_space<semaphore_mem>>
      %dma_start3A = arith.constant 7680 : i32
      %dma_start3A_250 = tpu.memref_slice %arg13[%dma_start3A] : memref<10240xf32, #tpu.memory_space<vmem>> -> memref<640xf32, #tpu.memory_space<vmem>>
      %dma_start3A_251 = tpu.memref_slice %arg17[%add3A_222] : memref<163840xf32, #tpu.memory_space<vmem_shared>> -> memref<640xf32, #tpu.memory_space<vmem_shared>>
      %dma_start3A_252 = arith.constant 7680 : i32
      %dma_start3A_253 = tpu.memref_slice %arg13[%dma_start3A_252] : memref<10240xf32, #tpu.memory_space<vmem>> -> memref<640xf32, #tpu.memory_space<vmem>>
      %dma_start3A_254 = tpu.memref_slice %arg17[%add3A_222] : memref<163840xf32, #tpu.memory_space<vmem_shared>> -> memref<640xf32, #tpu.memory_space<vmem_shared>>
      tpu.enqueue_dma source(%dma_start3A_254 : memref<640xf32, #tpu.memory_space<vmem_shared>>) target(%dma_start3A_253 : memref<640xf32, #tpu.memory_space<vmem>>) target_semaphore(%run_scoped3A : memref<!tpu.dma_semaphore, #tpu.memory_space<semaphore_mem>>)
      %dma_wait3A = arith.constant 7680 : i32
      %dma_wait3A_255 = tpu.memref_slice %arg13[%dma_wait3A] : memref<10240xf32, #tpu.memory_space<vmem>> -> memref<640xf32, #tpu.memory_space<vmem>>
      %dma_wait3A_256 = tpu.memref_slice %arg17[%add3A_222] : memref<163840xf32, #tpu.memory_space<vmem_shared>> -> memref<640xf32, #tpu.memory_space<vmem_shared>>
      %dma_wait3A_257 = arith.constant 7680 : i32
      %dma_wait3A_258 = tpu.memref_slice %arg13[%dma_wait3A_257] : memref<10240xf32, #tpu.memory_space<vmem>> -> memref<640xf32, #tpu.memory_space<vmem>>
      %dma_wait3A_259 = tpu.memref_slice %arg17[%add3A_222] : memref<163840xf32, #tpu.memory_space<vmem_shared>> -> memref<640xf32, #tpu.memory_space<vmem_shared>>
      tpu.wait_dma2 semaphore(%run_scoped3A : memref<!tpu.dma_semaphore, #tpu.memory_space<semaphore_mem>>) src(%dma_wait3A_259 : memref<640xf32, #tpu.memory_space<vmem_shared>>) dst(%dma_wait3A_258 : memref<640xf32, #tpu.memory_space<vmem>>)
      tpu.yield
    }) : () -> ()
    %mul3A_223 = arith.constant 640 : i32
    %mul3A_224 = arith.muli %arg1, %mul3A_223 : i32
    %add3A_225 = arith.constant 133120 : i32
    %add3A_226 = arith.addi %add3A_225, %mul3A_224 : i32
    "tpu.region"() ({
      %run_scoped3A = tpu.sem_alloc : memref<!tpu.dma_semaphore, #tpu.memory_space<semaphore_mem>>
      %dma_start3A = arith.constant 8320 : i32
      %dma_start3A_250 = tpu.memref_slice %arg13[%dma_start3A] : memref<10240xf32, #tpu.memory_space<vmem>> -> memref<640xf32, #tpu.memory_space<vmem>>
      %dma_start3A_251 = tpu.memref_slice %arg17[%add3A_226] : memref<163840xf32, #tpu.memory_space<vmem_shared>> -> memref<640xf32, #tpu.memory_space<vmem_shared>>
      %dma_start3A_252 = arith.constant 8320 : i32
      %dma_start3A_253 = tpu.memref_slice %arg13[%dma_start3A_252] : memref<10240xf32, #tpu.memory_space<vmem>> -> memref<640xf32, #tpu.memory_space<vmem>>
      %dma_start3A_254 = tpu.memref_slice %arg17[%add3A_226] : memref<163840xf32, #tpu.memory_space<vmem_shared>> -> memref<640xf32, #tpu.memory_space<vmem_shared>>
      tpu.enqueue_dma source(%dma_start3A_254 : memref<640xf32, #tpu.memory_space<vmem_shared>>) target(%dma_start3A_253 : memref<640xf32, #tpu.memory_space<vmem>>) target_semaphore(%run_scoped3A : memref<!tpu.dma_semaphore, #tpu.memory_space<semaphore_mem>>)
      %dma_wait3A = arith.constant 8320 : i32
      %dma_wait3A_255 = tpu.memref_slice %arg13[%dma_wait3A] : memref<10240xf32, #tpu.memory_space<vmem>> -> memref<640xf32, #tpu.memory_space<vmem>>
      %dma_wait3A_256 = tpu.memref_slice %arg17[%add3A_226] : memref<163840xf32, #tpu.memory_space<vmem_shared>> -> memref<640xf32, #tpu.memory_space<vmem_shared>>
      %dma_wait3A_257 = arith.constant 8320 : i32
      %dma_wait3A_258 = tpu.memref_slice %arg13[%dma_wait3A_257] : memref<10240xf32, #tpu.memory_space<vmem>> -> memref<640xf32, #tpu.memory_space<vmem>>
      %dma_wait3A_259 = tpu.memref_slice %arg17[%add3A_226] : memref<163840xf32, #tpu.memory_space<vmem_shared>> -> memref<640xf32, #tpu.memory_space<vmem_shared>>
      tpu.wait_dma2 semaphore(%run_scoped3A : memref<!tpu.dma_semaphore, #tpu.memory_space<semaphore_mem>>) src(%dma_wait3A_259 : memref<640xf32, #tpu.memory_space<vmem_shared>>) dst(%dma_wait3A_258 : memref<640xf32, #tpu.memory_space<vmem>>)
      tpu.yield
    }) : () -> ()
    %mul3A_227 = arith.constant 640 : i32
    %mul3A_228 = arith.muli %arg1, %mul3A_227 : i32
    %add3A_229 = arith.constant 143360 : i32
    %add3A_230 = arith.addi %add3A_229, %mul3A_228 : i32
    "tpu.region"() ({
      %run_scoped3A = tpu.sem_alloc : memref<!tpu.dma_semaphore, #tpu.memory_space<semaphore_mem>>
      %dma_start3A = arith.constant 8960 : i32
      %dma_start3A_250 = tpu.memref_slice %arg13[%dma_start3A] : memref<10240xf32, #tpu.memory_space<vmem>> -> memref<640xf32, #tpu.memory_space<vmem>>
      %dma_start3A_251 = tpu.memref_slice %arg17[%add3A_230] : memref<163840xf32, #tpu.memory_space<vmem_shared>> -> memref<640xf32, #tpu.memory_space<vmem_shared>>
      %dma_start3A_252 = arith.constant 8960 : i32
      %dma_start3A_253 = tpu.memref_slice %arg13[%dma_start3A_252] : memref<10240xf32, #tpu.memory_space<vmem>> -> memref<640xf32, #tpu.memory_space<vmem>>
      %dma_start3A_254 = tpu.memref_slice %arg17[%add3A_230] : memref<163840xf32, #tpu.memory_space<vmem_shared>> -> memref<640xf32, #tpu.memory_space<vmem_shared>>
      tpu.enqueue_dma source(%dma_start3A_254 : memref<640xf32, #tpu.memory_space<vmem_shared>>) target(%dma_start3A_253 : memref<640xf32, #tpu.memory_space<vmem>>) target_semaphore(%run_scoped3A : memref<!tpu.dma_semaphore, #tpu.memory_space<semaphore_mem>>)
      %dma_wait3A = arith.constant 8960 : i32
      %dma_wait3A_255 = tpu.memref_slice %arg13[%dma_wait3A] : memref<10240xf32, #tpu.memory_space<vmem>> -> memref<640xf32, #tpu.memory_space<vmem>>
      %dma_wait3A_256 = tpu.memref_slice %arg17[%add3A_230] : memref<163840xf32, #tpu.memory_space<vmem_shared>> -> memref<640xf32, #tpu.memory_space<vmem_shared>>
      %dma_wait3A_257 = arith.constant 8960 : i32
      %dma_wait3A_258 = tpu.memref_slice %arg13[%dma_wait3A_257] : memref<10240xf32, #tpu.memory_space<vmem>> -> memref<640xf32, #tpu.memory_space<vmem>>
      %dma_wait3A_259 = tpu.memref_slice %arg17[%add3A_230] : memref<163840xf32, #tpu.memory_space<vmem_shared>> -> memref<640xf32, #tpu.memory_space<vmem_shared>>
      tpu.wait_dma2 semaphore(%run_scoped3A : memref<!tpu.dma_semaphore, #tpu.memory_space<semaphore_mem>>) src(%dma_wait3A_259 : memref<640xf32, #tpu.memory_space<vmem_shared>>) dst(%dma_wait3A_258 : memref<640xf32, #tpu.memory_space<vmem>>)
      tpu.yield
    }) : () -> ()
    %mul3A_231 = arith.constant 640 : i32
    %mul3A_232 = arith.muli %arg1, %mul3A_231 : i32
    %add3A_233 = arith.constant 153600 : i32
    %add3A_234 = arith.addi %add3A_233, %mul3A_232 : i32
    "tpu.region"() ({
      %run_scoped3A = tpu.sem_alloc : memref<!tpu.dma_semaphore, #tpu.memory_space<semaphore_mem>>
      %dma_start3A = arith.constant 9600 : i32
      %dma_start3A_250 = tpu.memref_slice %arg13[%dma_start3A] : memref<10240xf32, #tpu.memory_space<vmem>> -> memref<640xf32, #tpu.memory_space<vmem>>
      %dma_start3A_251 = tpu.memref_slice %arg17[%add3A_234] : memref<163840xf32, #tpu.memory_space<vmem_shared>> -> memref<640xf32, #tpu.memory_space<vmem_shared>>
      %dma_start3A_252 = arith.constant 9600 : i32
      %dma_start3A_253 = tpu.memref_slice %arg13[%dma_start3A_252] : memref<10240xf32, #tpu.memory_space<vmem>> -> memref<640xf32, #tpu.memory_space<vmem>>
      %dma_start3A_254 = tpu.memref_slice %arg17[%add3A_234] : memref<163840xf32, #tpu.memory_space<vmem_shared>> -> memref<640xf32, #tpu.memory_space<vmem_shared>>
      tpu.enqueue_dma source(%dma_start3A_254 : memref<640xf32, #tpu.memory_space<vmem_shared>>) target(%dma_start3A_253 : memref<640xf32, #tpu.memory_space<vmem>>) target_semaphore(%run_scoped3A : memref<!tpu.dma_semaphore, #tpu.memory_space<semaphore_mem>>)
      %dma_wait3A = arith.constant 9600 : i32
      %dma_wait3A_255 = tpu.memref_slice %arg13[%dma_wait3A] : memref<10240xf32, #tpu.memory_space<vmem>> -> memref<640xf32, #tpu.memory_space<vmem>>
      %dma_wait3A_256 = tpu.memref_slice %arg17[%add3A_234] : memref<163840xf32, #tpu.memory_space<vmem_shared>> -> memref<640xf32, #tpu.memory_space<vmem_shared>>
      %dma_wait3A_257 = arith.constant 9600 : i32
      %dma_wait3A_258 = tpu.memref_slice %arg13[%dma_wait3A_257] : memref<10240xf32, #tpu.memory_space<vmem>> -> memref<640xf32, #tpu.memory_space<vmem>>
      %dma_wait3A_259 = tpu.memref_slice %arg17[%add3A_234] : memref<163840xf32, #tpu.memory_space<vmem_shared>> -> memref<640xf32, #tpu.memory_space<vmem_shared>>
      tpu.wait_dma2 semaphore(%run_scoped3A : memref<!tpu.dma_semaphore, #tpu.memory_space<semaphore_mem>>) src(%dma_wait3A_259 : memref<640xf32, #tpu.memory_space<vmem_shared>>) dst(%dma_wait3A_258 : memref<640xf32, #tpu.memory_space<vmem>>)
      tpu.yield
    }) : () -> ()
    %scan3A_235 = arith.constant 0 : i32
    %scan3A_236 = arith.constant 0 : i32
    %scan3A_237 = arith.constant 40 : i32
    %scan3A_238 = arith.addi %scan3A_236, %scan3A_237 : i32
    %scan3A_239 = arith.constant 1 : i32
    scf.for %scan3A_250 = %scan3A_236 to %scan3A_238 step %scan3A_239  : i32 {
      %mul3A_251 = arith.constant 16 : i32
      %mul3A_252 = arith.muli %scan3A_250, %mul3A_251 : i32
      %get3A = arith.index_cast %mul3A_252 : i32 to index
      %get3A_253 = tpu.vector_load %arg13[%get3A] {strides = array<i32>} : memref<10240xf32, #tpu.memory_space<vmem>>, vector<16xf32>,
      %mul3A_254 = arith.constant 16 : i32
      %mul3A_255 = arith.muli %scan3A_250, %mul3A_254 : i32
      %add3A_256 = arith.constant 640 : i32
      %add3A_257 = arith.addi %add3A_256, %mul3A_255 : i32
      %get3A_258 = arith.index_cast %add3A_257 : i32 to index
      %get3A_259 = tpu.vector_load %arg13[%get3A_258] {strides = array<i32>} : memref<10240xf32, #tpu.memory_space<vmem>>, vector<16xf32>,
      %add3A_260 = arith.addf %get3A_253, %get3A_259 : vector<16xf32>
      %mul3A_261 = arith.constant 16 : i32
      %mul3A_262 = arith.muli %scan3A_250, %mul3A_261 : i32
      %add3A_263 = arith.constant 1280 : i32
      %add3A_264 = arith.addi %add3A_263, %mul3A_262 : i32
      %get3A_265 = arith.index_cast %add3A_264 : i32 to index
      %get3A_266 = tpu.vector_load %arg13[%get3A_265] {strides = array<i32>} : memref<10240xf32, #tpu.memory_space<vmem>>, vector<16xf32>,
      %add3A_267 = arith.addf %add3A_260, %get3A_266 : vector<16xf32>
      %mul3A_268 = arith.constant 16 : i32
      %mul3A_269 = arith.muli %scan3A_250, %mul3A_268 : i32
      %add3A_270 = arith.constant 1920 : i32
      %add3A_271 = arith.addi %add3A_270, %mul3A_269 : i32
      %get3A_272 = arith.index_cast %add3A_271 : i32 to index
      %get3A_273 = tpu.vector_load %arg13[%get3A_272] {strides = array<i32>} : memref<10240xf32, #tpu.memory_space<vmem>>, vector<16xf32>,
      %add3A_274 = arith.addf %add3A_267, %get3A_273 : vector<16xf32>
      %mul3A_275 = arith.constant 16 : i32
      %mul3A_276 = arith.muli %scan3A_250, %mul3A_275 : i32
      %add3A_277 = arith.constant 2560 : i32
      %add3A_278 = arith.addi %add3A_277, %mul3A_276 : i32
      %get3A_279 = arith.index_cast %add3A_278 : i32 to index
      %get3A_280 = tpu.vector_load %arg13[%get3A_279] {strides = array<i32>} : memref<10240xf32, #tpu.memory_space<vmem>>, vector<16xf32>,
      %add3A_281 = arith.addf %add3A_274, %get3A_280 : vector<16xf32>
      %mul3A_282 = arith.constant 16 : i32
      %mul3A_283 = arith.muli %scan3A_250, %mul3A_282 : i32
      %add3A_284 = arith.constant 3200 : i32
      %add3A_285 = arith.addi %add3A_284, %mul3A_283 : i32
      %get3A_286 = arith.index_cast %add3A_285 : i32 to index
      %get3A_287 = tpu.vector_load %arg13[%get3A_286] {strides = array<i32>} : memref<10240xf32, #tpu.memory_space<vmem>>, vector<16xf32>,
      %add3A_288 = arith.addf %add3A_281, %get3A_287 : vector<16xf32>
      %mul3A_289 = arith.constant 16 : i32
      %mul3A_290 = arith.muli %scan3A_250, %mul3A_289 : i32
      %add3A_291 = arith.constant 3840 : i32
      %add3A_292 = arith.addi %add3A_291, %mul3A_290 : i32
      %get3A_293 = arith.index_cast %add3A_292 : i32 to index
      %get3A_294 = tpu.vector_load %arg13[%get3A_293] {strides = array<i32>} : memref<10240xf32, #tpu.memory_space<vmem>>, vector<16xf32>,
      %add3A_295 = arith.addf %add3A_288, %get3A_294 : vector<16xf32>
      %mul3A_296 = arith.constant 16 : i32
      %mul3A_297 = arith.muli %scan3A_250, %mul3A_296 : i32
      %add3A_298 = arith.constant 4480 : i32
      %add3A_299 = arith.addi %add3A_298, %mul3A_297 : i32
      %get3A_300 = arith.index_cast %add3A_299 : i32 to index
      %get3A_301 = tpu.vector_load %arg13[%get3A_300] {strides = array<i32>} : memref<10240xf32, #tpu.memory_space<vmem>>, vector<16xf32>,
      %add3A_302 = arith.addf %add3A_295, %get3A_301 : vector<16xf32>
      %mul3A_303 = arith.constant 16 : i32
      %mul3A_304 = arith.muli %scan3A_250, %mul3A_303 : i32
      %add3A_305 = arith.constant 5120 : i32
      %add3A_306 = arith.addi %add3A_305, %mul3A_304 : i32
      %get3A_307 = arith.index_cast %add3A_306 : i32 to index
      %get3A_308 = tpu.vector_load %arg13[%get3A_307] {strides = array<i32>} : memref<10240xf32, #tpu.memory_space<vmem>>, vector<16xf32>,
      %add3A_309 = arith.addf %add3A_302, %get3A_308 : vector<16xf32>
      %mul3A_310 = arith.constant 16 : i32
      %mul3A_311 = arith.muli %scan3A_250, %mul3A_310 : i32
      %add3A_312 = arith.constant 5760 : i32
      %add3A_313 = arith.addi %add3A_312, %mul3A_311 : i32
      %get3A_314 = arith.index_cast %add3A_313 : i32 to index
      %get3A_315 = tpu.vector_load %arg13[%get3A_314] {strides = array<i32>} : memref<10240xf32, #tpu.memory_space<vmem>>, vector<16xf32>,
      %add3A_316 = arith.addf %add3A_309, %get3A_315 : vector<16xf32>
      %mul3A_317 = arith.constant 16 : i32
      %mul3A_318 = arith.muli %scan3A_250, %mul3A_317 : i32
      %add3A_319 = arith.constant 6400 : i32
      %add3A_320 = arith.addi %add3A_319, %mul3A_318 : i32
      %get3A_321 = arith.index_cast %add3A_320 : i32 to index
      %get3A_322 = tpu.vector_load %arg13[%get3A_321] {strides = array<i32>} : memref<10240xf32, #tpu.memory_space<vmem>>, vector<16xf32>,
      %add3A_323 = arith.addf %add3A_316, %get3A_322 : vector<16xf32>
      %mul3A_324 = arith.constant 16 : i32
      %mul3A_325 = arith.muli %scan3A_250, %mul3A_324 : i32
      %add3A_326 = arith.constant 7040 : i32
      %add3A_327 = arith.addi %add3A_326, %mul3A_325 : i32
      %get3A_328 = arith.index_cast %add3A_327 : i32 to index
      %get3A_329 = tpu.vector_load %arg13[%get3A_328] {strides = array<i32>} : memref<10240xf32, #tpu.memory_space<vmem>>, vector<16xf32>,
      %add3A_330 = arith.addf %add3A_323, %get3A_329 : vector<16xf32>
      %mul3A_331 = arith.constant 16 : i32
      %mul3A_332 = arith.muli %scan3A_250, %mul3A_331 : i32
      %add3A_333 = arith.constant 7680 : i32
      %add3A_334 = arith.addi %add3A_333, %mul3A_332 : i32
      %get3A_335 = arith.index_cast %add3A_334 : i32 to index
      %get3A_336 = tpu.vector_load %arg13[%get3A_335] {strides = array<i32>} : memref<10240xf32, #tpu.memory_space<vmem>>, vector<16xf32>,
      %add3A_337 = arith.addf %add3A_330, %get3A_336 : vector<16xf32>
      %mul3A_338 = arith.constant 16 : i32
      %mul3A_339 = arith.muli %scan3A_250, %mul3A_338 : i32
      %add3A_340 = arith.constant 8320 : i32
      %add3A_341 = arith.addi %add3A_340, %mul3A_339 : i32
      %get3A_342 = arith.index_cast %add3A_341 : i32 to index
      %get3A_343 = tpu.vector_load %arg13[%get3A_342] {strides = array<i32>} : memref<10240xf32, #tpu.memory_space<vmem>>, vector<16xf32>,
      %add3A_344 = arith.addf %add3A_337, %get3A_343 : vector<16xf32>
      %mul3A_345 = arith.constant 16 : i32
      %mul3A_346 = arith.muli %scan3A_250, %mul3A_345 : i32
      %add3A_347 = arith.constant 8960 : i32
      %add3A_348 = arith.addi %add3A_347, %mul3A_346 : i32
      %get3A_349 = arith.index_cast %add3A_348 : i32 to index
      %get3A_350 = tpu.vector_load %arg13[%get3A_349] {strides = array<i32>} : memref<10240xf32, #tpu.memory_space<vmem>>, vector<16xf32>,
      %add3A_351 = arith.addf %add3A_344, %get3A_350 : vector<16xf32>
      %mul3A_352 = arith.constant 16 : i32
      %mul3A_353 = arith.muli %scan3A_250, %mul3A_352 : i32
      %add3A_354 = arith.constant 9600 : i32
      %add3A_355 = arith.addi %add3A_354, %mul3A_353 : i32
      %get3A_356 = arith.index_cast %add3A_355 : i32 to index
      %get3A_357 = tpu.vector_load %arg13[%get3A_356] {strides = array<i32>} : memref<10240xf32, #tpu.memory_space<vmem>>, vector<16xf32>,
      %add3A_358 = arith.addf %add3A_351, %get3A_357 : vector<16xf32>
      %mul3A_359 = arith.constant 16 : i32
      %mul3A_360 = arith.muli %scan3A_250, %mul3A_359 : i32
      %swap3A = arith.index_cast %mul3A_360 : i32 to index
      %swap3A_361 = tpu.vector_load %arg14[%swap3A] {strides = array<i32>} : memref<640xf32, #tpu.memory_space<vmem>>, vector<16xf32>,
      tpu.vector_store %arg14[%swap3A], %add3A_358 {strides = array<i32>} : memref<640xf32, #tpu.memory_space<vmem>>, vector<16xf32>,
    }
    %scan3A_240 = arith.constant 40 : i32
    %mul3A_241 = arith.constant 3 : i32
    %mul3A_242 = arith.muli %arg0, %mul3A_241 : i32
    %add3A_243 = arith.constant 2 : i32
    %add3A_244 = arith.addi %mul3A_242, %add3A_243 : i32
    %mul3A_245 = arith.constant 10240 : i32
    %mul3A_246 = arith.muli %add3A_244, %mul3A_245 : i32
    %mul3A_247 = arith.constant 640 : i32
    %mul3A_248 = arith.muli %arg1, %mul3A_247 : i32
    %add3A_249 = arith.addi %mul3A_246, %mul3A_248 : i32
    "tpu.region"() ({
      %run_scoped3A = tpu.sem_alloc : memref<!tpu.dma_semaphore, #tpu.memory_space<semaphore_mem>>
      %dma_start3A = tpu.memref_slice %arg5[%add3A_249] : memref<61440xf32, #tpu.memory_space<hbm>> -> memref<640xf32, #tpu.memory_space<hbm>>
      %dma_start3A_250 = tpu.memref_slice %arg5[%add3A_249] : memref<61440xf32, #tpu.memory_space<hbm>> -> memref<640xf32, #tpu.memory_space<hbm>>
      tpu.enqueue_dma source(%arg14 : memref<640xf32, #tpu.memory_space<vmem>>) target(%dma_start3A_250 : memref<640xf32, #tpu.memory_space<hbm>>) target_semaphore(%run_scoped3A : memref<!tpu.dma_semaphore, #tpu.memory_space<semaphore_mem>>)
      %dma_wait3A = tpu.memref_slice %arg5[%add3A_249] : memref<61440xf32, #tpu.memory_space<hbm>> -> memref<640xf32, #tpu.memory_space<hbm>>
      %dma_wait3A_251 = tpu.memref_slice %arg5[%add3A_249] : memref<61440xf32, #tpu.memory_space<hbm>> -> memref<640xf32, #tpu.memory_space<hbm>>
      tpu.wait_dma2 semaphore(%run_scoped3A : memref<!tpu.dma_semaphore, #tpu.memory_space<semaphore_mem>>) src(%arg14 : memref<640xf32, #tpu.memory_space<vmem>>) dst(%dma_wait3A_251 : memref<640xf32, #tpu.memory_space<hbm>>)
      tpu.yield
    }) : () -> ()
    return
  }
}

#map = affine_map<(d0, d1) -> (0, 0)>
#map1 = affine_map<(d0, d1) -> (0)>
#map2 = affine_map<(d0, d1) -> (0, 0, 0)>
module attributes {stable_mosaic.version = 14 : i64} {
  func.func @_sc_scatter(%arg0: i32, %arg1: i32, %arg2: memref<10240x128xf32, #tpu.memory_space<hbm>>, %arg3: memref<323584xi32, #tpu.memory_space<hbm>>, %arg4: memref<323584xi32, #tpu.memory_space<hbm>>, %arg5: memref<10240x128xf32, #tpu.memory_space<hbm>>, %arg6: memref<2x10240x128xf32, #tpu.memory_space<hbm>>, %arg7: memref<128xi32, #tpu.memory_space<vmem>>, %arg8: memref<128xi32, #tpu.memory_space<vmem>>, %arg9: memref<128x128xf32, #tpu.memory_space<vmem>>, %arg10: memref<10240x128xf32, #tpu.memory_space<vmem_shared>>, %arg11: memref<!tpu.dma_semaphore, #tpu.memory_space<semaphore_mem>>) attributes {dimension_semantics = [#tpu.dimension_semantics<core_parallel>, #tpu.dimension_semantics<subcore_parallel>], iteration_bounds = array<i64: 2, 16>, scalar_prefetch = 0 : i64, scratch_operands = 5 : i64, tpu.core_type = #tpu.core_type<sc_vector_subcore>, window_params = [{transform_indices = #map}, {transform_indices = #map1}, {transform_indices = #map1}, {transform_indices = #map}, {transform_indices = #map2}]} {
    %mul3A = arith.constant 640 : i32
    %mul3A_0 = arith.muli %arg1, %mul3A : i32
    %eq3A = arith.constant 0 : i32
    %eq3A_1 = arith.cmpi eq, %arg0, %eq3A : i32
    %jit3A = arith.constant 95 : i32
    %jit3A_2 = arith.constant 63 : i32
    %select_n3A = arith.select %eq3A_1, %jit3A, %jit3A_2 : i32
    %eq3A_3 = arith.constant 0 : i32
    %eq3A_4 = arith.cmpi eq, %arg0, %eq3A_3 : i32
    %mul3A_5 = arith.constant 12160 : i32
    %mul3A_6 = arith.muli %arg1, %mul3A_5 : i32
    %mul3A_7 = arith.constant 8064 : i32
    %mul3A_8 = arith.muli %arg1, %mul3A_7 : i32
    %add3A = arith.constant 194560 : i32
    %add3A_9 = arith.addi %add3A, %mul3A_8 : i32
    %select_n3A_10 = arith.select %eq3A_4, %mul3A_6, %add3A_9 : i32
    "tpu.region"() ({
      %run_scoped3A = tpu.sem_alloc : memref<!tpu.dma_semaphore, #tpu.memory_space<semaphore_mem>>
      %dma_start3A = arith.constant 0 : i32
      %dma_start3A_21 = tpu.memref_slice %arg10[%mul3A_0, %dma_start3A] : memref<10240x128xf32, #tpu.memory_space<vmem_shared>> -> memref<640x128xf32, #tpu.memory_space<vmem_shared>>
      %dma_start3A_22 = arith.constant 0 : i32
      %dma_start3A_23 = tpu.memref_slice %arg5[%mul3A_0, %dma_start3A_22] : memref<10240x128xf32, #tpu.memory_space<hbm>> -> memref<640x128xf32, #tpu.memory_space<hbm>>
      tpu.enqueue_dma source(%dma_start3A_23 : memref<640x128xf32, #tpu.memory_space<hbm>>) target(%dma_start3A_21 : memref<640x128xf32, #tpu.memory_space<vmem_shared>>) target_semaphore(%run_scoped3A : memref<!tpu.dma_semaphore, #tpu.memory_space<semaphore_mem>>)
      %dma_wait3A = arith.constant 0 : i32
      %dma_wait3A_24 = tpu.memref_slice %arg10[%mul3A_0, %dma_wait3A] : memref<10240x128xf32, #tpu.memory_space<vmem_shared>> -> memref<640x128xf32, #tpu.memory_space<vmem_shared>>
      %dma_wait3A_25 = arith.constant 0 : i32
      %dma_wait3A_26 = tpu.memref_slice %arg5[%mul3A_0, %dma_wait3A_25] : memref<10240x128xf32, #tpu.memory_space<hbm>> -> memref<640x128xf32, #tpu.memory_space<hbm>>
      tpu.wait_dma2 semaphore(%run_scoped3A : memref<!tpu.dma_semaphore, #tpu.memory_space<semaphore_mem>>) src(%dma_wait3A_26 : memref<640x128xf32, #tpu.memory_space<hbm>>) dst(%dma_wait3A_24 : memref<640x128xf32, #tpu.memory_space<vmem_shared>>)
      tpu.yield
    }) : () -> ()
    %barrier3A = arith.constant 0 : index
    tpu.barrier barrier_id(%barrier3A)
    %while3A = arith.constant 0 : i32
    %while3A_11 = arith.constant 0 : i32
    %while3A_12 = arith.subi %select_n3A, %while3A_11 : i32
    %while3A_13 = arith.addi %while3A_11, %while3A_12 : i32
    %while3A_14 = arith.constant 1 : i32
    %while3A_15 = arith.divsi %while3A_12, %while3A_14 : i32
    %while3A_16 = arith.muli %while3A_15, %while3A_14 : i32
    %while3A_17 = arith.addi %while3A_11, %while3A_16 : i32
    %while3A_18 = arith.constant 1 : i32
    scf.for %while3A_21 = %while3A_11 to %while3A_17 step %while3A_18  : i32 {
      %mul3A_22 = arith.constant 128 : i32
      %mul3A_23 = arith.muli %while3A_21, %mul3A_22 : i32
      %add3A_24 = arith.addi %select_n3A_10, %mul3A_23 : i32
      "tpu.region"() ({
        %run_scoped3A = tpu.sem_alloc : memref<!tpu.dma_semaphore, #tpu.memory_space<semaphore_mem>>
        %dma_start3A_29 = tpu.memref_slice %arg3[%add3A_24] : memref<323584xi32, #tpu.memory_space<hbm>> -> memref<128xi32, #tpu.memory_space<hbm>>
        %dma_start3A_30 = tpu.memref_slice %arg3[%add3A_24] : memref<323584xi32, #tpu.memory_space<hbm>> -> memref<128xi32, #tpu.memory_space<hbm>>
        tpu.enqueue_dma source(%dma_start3A_30 : memref<128xi32, #tpu.memory_space<hbm>>) target(%arg7 : memref<128xi32, #tpu.memory_space<vmem>>) target_semaphore(%run_scoped3A : memref<!tpu.dma_semaphore, #tpu.memory_space<semaphore_mem>>)
        %dma_wait3A_31 = tpu.memref_slice %arg3[%add3A_24] : memref<323584xi32, #tpu.memory_space<hbm>> -> memref<128xi32, #tpu.memory_space<hbm>>
        %dma_wait3A_32 = tpu.memref_slice %arg3[%add3A_24] : memref<323584xi32, #tpu.memory_space<hbm>> -> memref<128xi32, #tpu.memory_space<hbm>>
        tpu.wait_dma2 semaphore(%run_scoped3A : memref<!tpu.dma_semaphore, #tpu.memory_space<semaphore_mem>>) src(%dma_wait3A_32 : memref<128xi32, #tpu.memory_space<hbm>>) dst(%arg7 : memref<128xi32, #tpu.memory_space<vmem>>)
        tpu.yield
      }) : () -> ()
      "tpu.region"() ({
        %run_scoped3A = tpu.sem_alloc : memref<!tpu.dma_semaphore, #tpu.memory_space<semaphore_mem>>
        %dma_start3A_29 = tpu.memref_slice %arg4[%add3A_24] : memref<323584xi32, #tpu.memory_space<hbm>> -> memref<128xi32, #tpu.memory_space<hbm>>
        %dma_start3A_30 = tpu.memref_slice %arg4[%add3A_24] : memref<323584xi32, #tpu.memory_space<hbm>> -> memref<128xi32, #tpu.memory_space<hbm>>
        tpu.enqueue_dma source(%dma_start3A_30 : memref<128xi32, #tpu.memory_space<hbm>>) target(%arg8 : memref<128xi32, #tpu.memory_space<vmem>>) target_semaphore(%run_scoped3A : memref<!tpu.dma_semaphore, #tpu.memory_space<semaphore_mem>>)
        %dma_wait3A_31 = tpu.memref_slice %arg4[%add3A_24] : memref<323584xi32, #tpu.memory_space<hbm>> -> memref<128xi32, #tpu.memory_space<hbm>>
        %dma_wait3A_32 = tpu.memref_slice %arg4[%add3A_24] : memref<323584xi32, #tpu.memory_space<hbm>> -> memref<128xi32, #tpu.memory_space<hbm>>
        tpu.wait_dma2 semaphore(%run_scoped3A : memref<!tpu.dma_semaphore, #tpu.memory_space<semaphore_mem>>) src(%dma_wait3A_32 : memref<128xi32, #tpu.memory_space<hbm>>) dst(%arg8 : memref<128xi32, #tpu.memory_space<vmem>>)
        tpu.yield
      }) : () -> ()
      %dma_start3A = arith.constant 0 : i32
      %dma_start3A_25 = arith.constant 0 : i32
      %dma_start3A_26 = tpu.memref_slice %arg2[%dma_start3A, %dma_start3A_25] : memref<10240x128xf32, #tpu.memory_space<hbm>> -> memref<10240x128xf32, #tpu.memory_space<hbm>>
      tpu.enqueue_indirect_dma source(%dma_start3A_26 : memref<10240x128xf32, #tpu.memory_space<hbm>>) target(%arg9 : memref<128x128xf32, #tpu.memory_space<vmem>>) offsets(%arg7 : memref<128xi32, #tpu.memory_space<vmem>>) semaphore(%arg11 : memref<!tpu.dma_semaphore, #tpu.memory_space<semaphore_mem>>)
      %dma_wait3A = arith.constant 0 : i32
      %dma_wait3A_27 = arith.constant 0 : i32
      %dma_wait3A_28 = tpu.memref_slice %arg2[%dma_wait3A, %dma_wait3A_27] : memref<10240x128xf32, #tpu.memory_space<hbm>> -> memref<10240x128xf32, #tpu.memory_space<hbm>>
      tpu.wait_indirect_dma semaphore(%arg11 : memref<!tpu.dma_semaphore, #tpu.memory_space<semaphore_mem>>) src(%dma_wait3A_28 : memref<10240x128xf32, #tpu.memory_space<hbm>>) dst(%arg9 : memref<128x128xf32, #tpu.memory_space<vmem>>)
      "tpu.region"() ({
        %run_scoped3A = tpu.sem_alloc : memref<!tpu.dma_semaphore, #tpu.memory_space<semaphore_mem>>
        %dma_start3A_29 = arith.constant 0 : i32
        %dma_start3A_30 = arith.constant 0 : i32
        %dma_start3A_31 = tpu.memref_slice %arg10[%dma_start3A_29, %dma_start3A_30] : memref<10240x128xf32, #tpu.memory_space<vmem_shared>> -> memref<10240x128xf32, #tpu.memory_space<vmem_shared>>
        tpu.enqueue_indirect_dma source(%arg9 : memref<128x128xf32, #tpu.memory_space<vmem>>) target(%dma_start3A_31 : memref<10240x128xf32, #tpu.memory_space<vmem_shared>>) offsets(%arg8 : memref<128xi32, #tpu.memory_space<vmem>>) semaphore(%run_scoped3A : memref<!tpu.dma_semaphore, #tpu.memory_space<semaphore_mem>>) {add = true}
        %dma_wait3A_32 = arith.constant 0 : i32
        %dma_wait3A_33 = arith.constant 0 : i32
        %dma_wait3A_34 = tpu.memref_slice %arg10[%dma_wait3A_32, %dma_wait3A_33] : memref<10240x128xf32, #tpu.memory_space<vmem_shared>> -> memref<10240x128xf32, #tpu.memory_space<vmem_shared>>
        tpu.wait_indirect_dma semaphore(%run_scoped3A : memref<!tpu.dma_semaphore, #tpu.memory_space<semaphore_mem>>) src(%arg9 : memref<128x128xf32, #tpu.memory_space<vmem>>) dst(%dma_wait3A_34 : memref<10240x128xf32, #tpu.memory_space<vmem_shared>>)
        tpu.yield
      }) : () -> ()
    }
    %while3A_19 = arith.constant 1 : i32
    scf.for %while3A_21 = %while3A_17 to %while3A_13 step %while3A_19  : i32 {
      %mul3A_22 = arith.constant 128 : i32
      %mul3A_23 = arith.muli %while3A_21, %mul3A_22 : i32
      %add3A_24 = arith.addi %select_n3A_10, %mul3A_23 : i32
      "tpu.region"() ({
        %run_scoped3A = tpu.sem_alloc : memref<!tpu.dma_semaphore, #tpu.memory_space<semaphore_mem>>
        %dma_start3A_29 = tpu.memref_slice %arg3[%add3A_24] : memref<323584xi32, #tpu.memory_space<hbm>> -> memref<128xi32, #tpu.memory_space<hbm>>
        %dma_start3A_30 = tpu.memref_slice %arg3[%add3A_24] : memref<323584xi32, #tpu.memory_space<hbm>> -> memref<128xi32, #tpu.memory_space<hbm>>
        tpu.enqueue_dma source(%dma_start3A_30 : memref<128xi32, #tpu.memory_space<hbm>>) target(%arg7 : memref<128xi32, #tpu.memory_space<vmem>>) target_semaphore(%run_scoped3A : memref<!tpu.dma_semaphore, #tpu.memory_space<semaphore_mem>>)
        %dma_wait3A_31 = tpu.memref_slice %arg3[%add3A_24] : memref<323584xi32, #tpu.memory_space<hbm>> -> memref<128xi32, #tpu.memory_space<hbm>>
        %dma_wait3A_32 = tpu.memref_slice %arg3[%add3A_24] : memref<323584xi32, #tpu.memory_space<hbm>> -> memref<128xi32, #tpu.memory_space<hbm>>
        tpu.wait_dma2 semaphore(%run_scoped3A : memref<!tpu.dma_semaphore, #tpu.memory_space<semaphore_mem>>) src(%dma_wait3A_32 : memref<128xi32, #tpu.memory_space<hbm>>) dst(%arg7 : memref<128xi32, #tpu.memory_space<vmem>>)
        tpu.yield
      }) : () -> ()
      "tpu.region"() ({
        %run_scoped3A = tpu.sem_alloc : memref<!tpu.dma_semaphore, #tpu.memory_space<semaphore_mem>>
        %dma_start3A_29 = tpu.memref_slice %arg4[%add3A_24] : memref<323584xi32, #tpu.memory_space<hbm>> -> memref<128xi32, #tpu.memory_space<hbm>>
        %dma_start3A_30 = tpu.memref_slice %arg4[%add3A_24] : memref<323584xi32, #tpu.memory_space<hbm>> -> memref<128xi32, #tpu.memory_space<hbm>>
        tpu.enqueue_dma source(%dma_start3A_30 : memref<128xi32, #tpu.memory_space<hbm>>) target(%arg8 : memref<128xi32, #tpu.memory_space<vmem>>) target_semaphore(%run_scoped3A : memref<!tpu.dma_semaphore, #tpu.memory_space<semaphore_mem>>)
        %dma_wait3A_31 = tpu.memref_slice %arg4[%add3A_24] : memref<323584xi32, #tpu.memory_space<hbm>> -> memref<128xi32, #tpu.memory_space<hbm>>
        %dma_wait3A_32 = tpu.memref_slice %arg4[%add3A_24] : memref<323584xi32, #tpu.memory_space<hbm>> -> memref<128xi32, #tpu.memory_space<hbm>>
        tpu.wait_dma2 semaphore(%run_scoped3A : memref<!tpu.dma_semaphore, #tpu.memory_space<semaphore_mem>>) src(%dma_wait3A_32 : memref<128xi32, #tpu.memory_space<hbm>>) dst(%arg8 : memref<128xi32, #tpu.memory_space<vmem>>)
        tpu.yield
      }) : () -> ()
      %dma_start3A = arith.constant 0 : i32
      %dma_start3A_25 = arith.constant 0 : i32
      %dma_start3A_26 = tpu.memref_slice %arg2[%dma_start3A, %dma_start3A_25] : memref<10240x128xf32, #tpu.memory_space<hbm>> -> memref<10240x128xf32, #tpu.memory_space<hbm>>
      tpu.enqueue_indirect_dma source(%dma_start3A_26 : memref<10240x128xf32, #tpu.memory_space<hbm>>) target(%arg9 : memref<128x128xf32, #tpu.memory_space<vmem>>) offsets(%arg7 : memref<128xi32, #tpu.memory_space<vmem>>) semaphore(%arg11 : memref<!tpu.dma_semaphore, #tpu.memory_space<semaphore_mem>>)
      %dma_wait3A = arith.constant 0 : i32
      %dma_wait3A_27 = arith.constant 0 : i32
      %dma_wait3A_28 = tpu.memref_slice %arg2[%dma_wait3A, %dma_wait3A_27] : memref<10240x128xf32, #tpu.memory_space<hbm>> -> memref<10240x128xf32, #tpu.memory_space<hbm>>
      tpu.wait_indirect_dma semaphore(%arg11 : memref<!tpu.dma_semaphore, #tpu.memory_space<semaphore_mem>>) src(%dma_wait3A_28 : memref<10240x128xf32, #tpu.memory_space<hbm>>) dst(%arg9 : memref<128x128xf32, #tpu.memory_space<vmem>>)
      "tpu.region"() ({
        %run_scoped3A = tpu.sem_alloc : memref<!tpu.dma_semaphore, #tpu.memory_space<semaphore_mem>>
        %dma_start3A_29 = arith.constant 0 : i32
        %dma_start3A_30 = arith.constant 0 : i32
        %dma_start3A_31 = tpu.memref_slice %arg10[%dma_start3A_29, %dma_start3A_30] : memref<10240x128xf32, #tpu.memory_space<vmem_shared>> -> memref<10240x128xf32, #tpu.memory_space<vmem_shared>>
        tpu.enqueue_indirect_dma source(%arg9 : memref<128x128xf32, #tpu.memory_space<vmem>>) target(%dma_start3A_31 : memref<10240x128xf32, #tpu.memory_space<vmem_shared>>) offsets(%arg8 : memref<128xi32, #tpu.memory_space<vmem>>) semaphore(%run_scoped3A : memref<!tpu.dma_semaphore, #tpu.memory_space<semaphore_mem>>) {add = true}
        %dma_wait3A_32 = arith.constant 0 : i32
        %dma_wait3A_33 = arith.constant 0 : i32
        %dma_wait3A_34 = tpu.memref_slice %arg10[%dma_wait3A_32, %dma_wait3A_33] : memref<10240x128xf32, #tpu.memory_space<vmem_shared>> -> memref<10240x128xf32, #tpu.memory_space<vmem_shared>>
        tpu.wait_indirect_dma semaphore(%run_scoped3A : memref<!tpu.dma_semaphore, #tpu.memory_space<semaphore_mem>>) src(%arg9 : memref<128x128xf32, #tpu.memory_space<vmem>>) dst(%dma_wait3A_34 : memref<10240x128xf32, #tpu.memory_space<vmem_shared>>)
        tpu.yield
      }) : () -> ()
    }
    %barrier3A_20 = arith.constant 0 : index
    tpu.barrier barrier_id(%barrier3A_20)
    "tpu.region"() ({
      %run_scoped3A = tpu.sem_alloc : memref<!tpu.dma_semaphore, #tpu.memory_space<semaphore_mem>>
      %dma_start3A = arith.constant 0 : i32
      %dma_start3A_21 = tpu.memref_slice %arg6[%arg0, %mul3A_0, %dma_start3A] : memref<2x10240x128xf32, #tpu.memory_space<hbm>> -> memref<1x640x128xf32, #tpu.memory_space<hbm>>
      %dma_start3A_22 = tpu.memref_squeeze %dma_start3A_21 : memref<1x640x128xf32, #tpu.memory_space<hbm>> -> memref<640x128xf32, #tpu.memory_space<hbm>>
      %dma_start3A_23 = arith.constant 0 : i32
      %dma_start3A_24 = tpu.memref_slice %arg10[%mul3A_0, %dma_start3A_23] : memref<10240x128xf32, #tpu.memory_space<vmem_shared>> -> memref<640x128xf32, #tpu.memory_space<vmem_shared>>
      tpu.enqueue_dma source(%dma_start3A_24 : memref<640x128xf32, #tpu.memory_space<vmem_shared>>) target(%dma_start3A_22 : memref<640x128xf32, #tpu.memory_space<hbm>>) target_semaphore(%run_scoped3A : memref<!tpu.dma_semaphore, #tpu.memory_space<semaphore_mem>>)
      %dma_wait3A = arith.constant 0 : i32
      %dma_wait3A_25 = tpu.memref_slice %arg6[%arg0, %mul3A_0, %dma_wait3A] : memref<2x10240x128xf32, #tpu.memory_space<hbm>> -> memref<1x640x128xf32, #tpu.memory_space<hbm>>
      %dma_wait3A_26 = tpu.memref_squeeze %dma_wait3A_25 : memref<1x640x128xf32, #tpu.memory_space<hbm>> -> memref<640x128xf32, #tpu.memory_space<hbm>>
      %dma_wait3A_27 = arith.constant 0 : i32
      %dma_wait3A_28 = tpu.memref_slice %arg10[%mul3A_0, %dma_wait3A_27] : memref<10240x128xf32, #tpu.memory_space<vmem_shared>> -> memref<640x128xf32, #tpu.memory_space<vmem_shared>>
      tpu.wait_dma2 semaphore(%run_scoped3A : memref<!tpu.dma_semaphore, #tpu.memory_space<semaphore_mem>>) src(%dma_wait3A_28 : memref<640x128xf32, #tpu.memory_space<vmem_shared>>) dst(%dma_wait3A_26 : memref<640x128xf32, #tpu.memory_space<hbm>>)
      tpu.yield
    }) : () -> ()
    return
  }
}

#map = affine_map<(d0, d1) -> (0, 0)>
#map1 = affine_map<(d0, d1) -> (0)>
#map2 = affine_map<(d0, d1) -> (0, 0, 0)>
module attributes {stable_mosaic.version = 14 : i64} {
  func.func @_sc_scatter(%arg0: i32, %arg1: i32, %arg2: memref<10240x128xf32, #tpu.memory_space<hbm>>, %arg3: memref<323584xi32, #tpu.memory_space<hbm>>, %arg4: memref<323584xi32, #tpu.memory_space<hbm>>, %arg5: memref<10240x128xf32, #tpu.memory_space<hbm>>, %arg6: memref<2x10240x128xf32, #tpu.memory_space<hbm>>, %arg7: memref<128xi32, #tpu.memory_space<vmem>>, %arg8: memref<128xi32, #tpu.memory_space<vmem>>, %arg9: memref<128x128xf32, #tpu.memory_space<vmem>>, %arg10: memref<10240x128xf32, #tpu.memory_space<vmem_shared>>, %arg11: memref<!tpu.dma_semaphore, #tpu.memory_space<semaphore_mem>>) attributes {dimension_semantics = [#tpu.dimension_semantics<core_parallel>, #tpu.dimension_semantics<subcore_parallel>], iteration_bounds = array<i64: 2, 16>, scalar_prefetch = 0 : i64, scratch_operands = 5 : i64, tpu.core_type = #tpu.core_type<sc_vector_subcore>, window_params = [{transform_indices = #map}, {transform_indices = #map1}, {transform_indices = #map1}, {transform_indices = #map}, {transform_indices = #map2}]} {
    %mul3A = arith.constant 640 : i32
    %mul3A_0 = arith.muli %arg1, %mul3A : i32
    %eq3A = arith.constant 0 : i32
    %eq3A_1 = arith.cmpi eq, %arg0, %eq3A : i32
    %jit3A = arith.constant 95 : i32
    %jit3A_2 = arith.constant 63 : i32
    %select_n3A = arith.select %eq3A_1, %jit3A, %jit3A_2 : i32
    %eq3A_3 = arith.constant 0 : i32
    %eq3A_4 = arith.cmpi eq, %arg0, %eq3A_3 : i32
    %mul3A_5 = arith.constant 12160 : i32
    %mul3A_6 = arith.muli %arg1, %mul3A_5 : i32
    %mul3A_7 = arith.constant 8064 : i32
    %mul3A_8 = arith.muli %arg1, %mul3A_7 : i32
    %add3A = arith.constant 194560 : i32
    %add3A_9 = arith.addi %add3A, %mul3A_8 : i32
    %select_n3A_10 = arith.select %eq3A_4, %mul3A_6, %add3A_9 : i32
    "tpu.region"() ({
      %run_scoped3A = tpu.sem_alloc : memref<!tpu.dma_semaphore, #tpu.memory_space<semaphore_mem>>
      %dma_start3A = arith.constant 0 : i32
      %dma_start3A_21 = tpu.memref_slice %arg10[%mul3A_0, %dma_start3A] : memref<10240x128xf32, #tpu.memory_space<vmem_shared>> -> memref<640x128xf32, #tpu.memory_space<vmem_shared>>
      %dma_start3A_22 = arith.constant 0 : i32
      %dma_start3A_23 = tpu.memref_slice %arg5[%mul3A_0, %dma_start3A_22] : memref<10240x128xf32, #tpu.memory_space<hbm>> -> memref<640x128xf32, #tpu.memory_space<hbm>>
      tpu.enqueue_dma source(%dma_start3A_23 : memref<640x128xf32, #tpu.memory_space<hbm>>) target(%dma_start3A_21 : memref<640x128xf32, #tpu.memory_space<vmem_shared>>) target_semaphore(%run_scoped3A : memref<!tpu.dma_semaphore, #tpu.memory_space<semaphore_mem>>)
      %dma_wait3A = arith.constant 0 : i32
      %dma_wait3A_24 = tpu.memref_slice %arg10[%mul3A_0, %dma_wait3A] : memref<10240x128xf32, #tpu.memory_space<vmem_shared>> -> memref<640x128xf32, #tpu.memory_space<vmem_shared>>
      %dma_wait3A_25 = arith.constant 0 : i32
      %dma_wait3A_26 = tpu.memref_slice %arg5[%mul3A_0, %dma_wait3A_25] : memref<10240x128xf32, #tpu.memory_space<hbm>> -> memref<640x128xf32, #tpu.memory_space<hbm>>
      tpu.wait_dma2 semaphore(%run_scoped3A : memref<!tpu.dma_semaphore, #tpu.memory_space<semaphore_mem>>) src(%dma_wait3A_26 : memref<640x128xf32, #tpu.memory_space<hbm>>) dst(%dma_wait3A_24 : memref<640x128xf32, #tpu.memory_space<vmem_shared>>)
      tpu.yield
    }) : () -> ()
    %barrier3A = arith.constant 0 : index
    tpu.barrier barrier_id(%barrier3A)
    %while3A = arith.constant 0 : i32
    %while3A_11 = arith.constant 0 : i32
    %while3A_12 = arith.subi %select_n3A, %while3A_11 : i32
    %while3A_13 = arith.addi %while3A_11, %while3A_12 : i32
    %while3A_14 = arith.constant 1 : i32
    %while3A_15 = arith.divsi %while3A_12, %while3A_14 : i32
    %while3A_16 = arith.muli %while3A_15, %while3A_14 : i32
    %while3A_17 = arith.addi %while3A_11, %while3A_16 : i32
    %while3A_18 = arith.constant 1 : i32
    scf.for %while3A_21 = %while3A_11 to %while3A_17 step %while3A_18  : i32 {
      %mul3A_22 = arith.constant 128 : i32
      %mul3A_23 = arith.muli %while3A_21, %mul3A_22 : i32
      %add3A_24 = arith.addi %select_n3A_10, %mul3A_23 : i32
      "tpu.region"() ({
        %run_scoped3A = tpu.sem_alloc : memref<!tpu.dma_semaphore, #tpu.memory_space<semaphore_mem>>
        %dma_start3A_29 = tpu.memref_slice %arg3[%add3A_24] : memref<323584xi32, #tpu.memory_space<hbm>> -> memref<128xi32, #tpu.memory_space<hbm>>
        %dma_start3A_30 = tpu.memref_slice %arg3[%add3A_24] : memref<323584xi32, #tpu.memory_space<hbm>> -> memref<128xi32, #tpu.memory_space<hbm>>
        tpu.enqueue_dma source(%dma_start3A_30 : memref<128xi32, #tpu.memory_space<hbm>>) target(%arg7 : memref<128xi32, #tpu.memory_space<vmem>>) target_semaphore(%run_scoped3A : memref<!tpu.dma_semaphore, #tpu.memory_space<semaphore_mem>>)
        %dma_wait3A_31 = tpu.memref_slice %arg3[%add3A_24] : memref<323584xi32, #tpu.memory_space<hbm>> -> memref<128xi32, #tpu.memory_space<hbm>>
        %dma_wait3A_32 = tpu.memref_slice %arg3[%add3A_24] : memref<323584xi32, #tpu.memory_space<hbm>> -> memref<128xi32, #tpu.memory_space<hbm>>
        tpu.wait_dma2 semaphore(%run_scoped3A : memref<!tpu.dma_semaphore, #tpu.memory_space<semaphore_mem>>) src(%dma_wait3A_32 : memref<128xi32, #tpu.memory_space<hbm>>) dst(%arg7 : memref<128xi32, #tpu.memory_space<vmem>>)
        tpu.yield
      }) : () -> ()
      "tpu.region"() ({
        %run_scoped3A = tpu.sem_alloc : memref<!tpu.dma_semaphore, #tpu.memory_space<semaphore_mem>>
        %dma_start3A_29 = tpu.memref_slice %arg4[%add3A_24] : memref<323584xi32, #tpu.memory_space<hbm>> -> memref<128xi32, #tpu.memory_space<hbm>>
        %dma_start3A_30 = tpu.memref_slice %arg4[%add3A_24] : memref<323584xi32, #tpu.memory_space<hbm>> -> memref<128xi32, #tpu.memory_space<hbm>>
        tpu.enqueue_dma source(%dma_start3A_30 : memref<128xi32, #tpu.memory_space<hbm>>) target(%arg8 : memref<128xi32, #tpu.memory_space<vmem>>) target_semaphore(%run_scoped3A : memref<!tpu.dma_semaphore, #tpu.memory_space<semaphore_mem>>)
        %dma_wait3A_31 = tpu.memref_slice %arg4[%add3A_24] : memref<323584xi32, #tpu.memory_space<hbm>> -> memref<128xi32, #tpu.memory_space<hbm>>
        %dma_wait3A_32 = tpu.memref_slice %arg4[%add3A_24] : memref<323584xi32, #tpu.memory_space<hbm>> -> memref<128xi32, #tpu.memory_space<hbm>>
        tpu.wait_dma2 semaphore(%run_scoped3A : memref<!tpu.dma_semaphore, #tpu.memory_space<semaphore_mem>>) src(%dma_wait3A_32 : memref<128xi32, #tpu.memory_space<hbm>>) dst(%arg8 : memref<128xi32, #tpu.memory_space<vmem>>)
        tpu.yield
      }) : () -> ()
      %dma_start3A = arith.constant 0 : i32
      %dma_start3A_25 = arith.constant 0 : i32
      %dma_start3A_26 = tpu.memref_slice %arg2[%dma_start3A, %dma_start3A_25] : memref<10240x128xf32, #tpu.memory_space<hbm>> -> memref<10240x128xf32, #tpu.memory_space<hbm>>
      tpu.enqueue_indirect_dma source(%dma_start3A_26 : memref<10240x128xf32, #tpu.memory_space<hbm>>) target(%arg9 : memref<128x128xf32, #tpu.memory_space<vmem>>) offsets(%arg7 : memref<128xi32, #tpu.memory_space<vmem>>) semaphore(%arg11 : memref<!tpu.dma_semaphore, #tpu.memory_space<semaphore_mem>>)
      %dma_wait3A = arith.constant 0 : i32
      %dma_wait3A_27 = arith.constant 0 : i32
      %dma_wait3A_28 = tpu.memref_slice %arg2[%dma_wait3A, %dma_wait3A_27] : memref<10240x128xf32, #tpu.memory_space<hbm>> -> memref<10240x128xf32, #tpu.memory_space<hbm>>
      tpu.wait_indirect_dma semaphore(%arg11 : memref<!tpu.dma_semaphore, #tpu.memory_space<semaphore_mem>>) src(%dma_wait3A_28 : memref<10240x128xf32, #tpu.memory_space<hbm>>) dst(%arg9 : memref<128x128xf32, #tpu.memory_space<vmem>>)
      "tpu.region"() ({
        %run_scoped3A = tpu.sem_alloc : memref<!tpu.dma_semaphore, #tpu.memory_space<semaphore_mem>>
        %dma_start3A_29 = arith.constant 0 : i32
        %dma_start3A_30 = arith.constant 0 : i32
        %dma_start3A_31 = tpu.memref_slice %arg10[%dma_start3A_29, %dma_start3A_30] : memref<10240x128xf32, #tpu.memory_space<vmem_shared>> -> memref<10240x128xf32, #tpu.memory_space<vmem_shared>>
        tpu.enqueue_indirect_dma source(%arg9 : memref<128x128xf32, #tpu.memory_space<vmem>>) target(%dma_start3A_31 : memref<10240x128xf32, #tpu.memory_space<vmem_shared>>) offsets(%arg8 : memref<128xi32, #tpu.memory_space<vmem>>) semaphore(%run_scoped3A : memref<!tpu.dma_semaphore, #tpu.memory_space<semaphore_mem>>) {add = true}
        %dma_wait3A_32 = arith.constant 0 : i32
        %dma_wait3A_33 = arith.constant 0 : i32
        %dma_wait3A_34 = tpu.memref_slice %arg10[%dma_wait3A_32, %dma_wait3A_33] : memref<10240x128xf32, #tpu.memory_space<vmem_shared>> -> memref<10240x128xf32, #tpu.memory_space<vmem_shared>>
        tpu.wait_indirect_dma semaphore(%run_scoped3A : memref<!tpu.dma_semaphore, #tpu.memory_space<semaphore_mem>>) src(%arg9 : memref<128x128xf32, #tpu.memory_space<vmem>>) dst(%dma_wait3A_34 : memref<10240x128xf32, #tpu.memory_space<vmem_shared>>)
        tpu.yield
      }) : () -> ()
    }
    %while3A_19 = arith.constant 1 : i32
    scf.for %while3A_21 = %while3A_17 to %while3A_13 step %while3A_19  : i32 {
      %mul3A_22 = arith.constant 128 : i32
      %mul3A_23 = arith.muli %while3A_21, %mul3A_22 : i32
      %add3A_24 = arith.addi %select_n3A_10, %mul3A_23 : i32
      "tpu.region"() ({
        %run_scoped3A = tpu.sem_alloc : memref<!tpu.dma_semaphore, #tpu.memory_space<semaphore_mem>>
        %dma_start3A_29 = tpu.memref_slice %arg3[%add3A_24] : memref<323584xi32, #tpu.memory_space<hbm>> -> memref<128xi32, #tpu.memory_space<hbm>>
        %dma_start3A_30 = tpu.memref_slice %arg3[%add3A_24] : memref<323584xi32, #tpu.memory_space<hbm>> -> memref<128xi32, #tpu.memory_space<hbm>>
        tpu.enqueue_dma source(%dma_start3A_30 : memref<128xi32, #tpu.memory_space<hbm>>) target(%arg7 : memref<128xi32, #tpu.memory_space<vmem>>) target_semaphore(%run_scoped3A : memref<!tpu.dma_semaphore, #tpu.memory_space<semaphore_mem>>)
        %dma_wait3A_31 = tpu.memref_slice %arg3[%add3A_24] : memref<323584xi32, #tpu.memory_space<hbm>> -> memref<128xi32, #tpu.memory_space<hbm>>
        %dma_wait3A_32 = tpu.memref_slice %arg3[%add3A_24] : memref<323584xi32, #tpu.memory_space<hbm>> -> memref<128xi32, #tpu.memory_space<hbm>>
        tpu.wait_dma2 semaphore(%run_scoped3A : memref<!tpu.dma_semaphore, #tpu.memory_space<semaphore_mem>>) src(%dma_wait3A_32 : memref<128xi32, #tpu.memory_space<hbm>>) dst(%arg7 : memref<128xi32, #tpu.memory_space<vmem>>)
        tpu.yield
      }) : () -> ()
      "tpu.region"() ({
        %run_scoped3A = tpu.sem_alloc : memref<!tpu.dma_semaphore, #tpu.memory_space<semaphore_mem>>
        %dma_start3A_29 = tpu.memref_slice %arg4[%add3A_24] : memref<323584xi32, #tpu.memory_space<hbm>> -> memref<128xi32, #tpu.memory_space<hbm>>
        %dma_start3A_30 = tpu.memref_slice %arg4[%add3A_24] : memref<323584xi32, #tpu.memory_space<hbm>> -> memref<128xi32, #tpu.memory_space<hbm>>
        tpu.enqueue_dma source(%dma_start3A_30 : memref<128xi32, #tpu.memory_space<hbm>>) target(%arg8 : memref<128xi32, #tpu.memory_space<vmem>>) target_semaphore(%run_scoped3A : memref<!tpu.dma_semaphore, #tpu.memory_space<semaphore_mem>>)
        %dma_wait3A_31 = tpu.memref_slice %arg4[%add3A_24] : memref<323584xi32, #tpu.memory_space<hbm>> -> memref<128xi32, #tpu.memory_space<hbm>>
        %dma_wait3A_32 = tpu.memref_slice %arg4[%add3A_24] : memref<323584xi32, #tpu.memory_space<hbm>> -> memref<128xi32, #tpu.memory_space<hbm>>
        tpu.wait_dma2 semaphore(%run_scoped3A : memref<!tpu.dma_semaphore, #tpu.memory_space<semaphore_mem>>) src(%dma_wait3A_32 : memref<128xi32, #tpu.memory_space<hbm>>) dst(%arg8 : memref<128xi32, #tpu.memory_space<vmem>>)
        tpu.yield
      }) : () -> ()
      %dma_start3A = arith.constant 0 : i32
      %dma_start3A_25 = arith.constant 0 : i32
      %dma_start3A_26 = tpu.memref_slice %arg2[%dma_start3A, %dma_start3A_25] : memref<10240x128xf32, #tpu.memory_space<hbm>> -> memref<10240x128xf32, #tpu.memory_space<hbm>>
      tpu.enqueue_indirect_dma source(%dma_start3A_26 : memref<10240x128xf32, #tpu.memory_space<hbm>>) target(%arg9 : memref<128x128xf32, #tpu.memory_space<vmem>>) offsets(%arg7 : memref<128xi32, #tpu.memory_space<vmem>>) semaphore(%arg11 : memref<!tpu.dma_semaphore, #tpu.memory_space<semaphore_mem>>)
      %dma_wait3A = arith.constant 0 : i32
      %dma_wait3A_27 = arith.constant 0 : i32
      %dma_wait3A_28 = tpu.memref_slice %arg2[%dma_wait3A, %dma_wait3A_27] : memref<10240x128xf32, #tpu.memory_space<hbm>> -> memref<10240x128xf32, #tpu.memory_space<hbm>>
      tpu.wait_indirect_dma semaphore(%arg11 : memref<!tpu.dma_semaphore, #tpu.memory_space<semaphore_mem>>) src(%dma_wait3A_28 : memref<10240x128xf32, #tpu.memory_space<hbm>>) dst(%arg9 : memref<128x128xf32, #tpu.memory_space<vmem>>)
      "tpu.region"() ({
        %run_scoped3A = tpu.sem_alloc : memref<!tpu.dma_semaphore, #tpu.memory_space<semaphore_mem>>
        %dma_start3A_29 = arith.constant 0 : i32
        %dma_start3A_30 = arith.constant 0 : i32
        %dma_start3A_31 = tpu.memref_slice %arg10[%dma_start3A_29, %dma_start3A_30] : memref<10240x128xf32, #tpu.memory_space<vmem_shared>> -> memref<10240x128xf32, #tpu.memory_space<vmem_shared>>
        tpu.enqueue_indirect_dma source(%arg9 : memref<128x128xf32, #tpu.memory_space<vmem>>) target(%dma_start3A_31 : memref<10240x128xf32, #tpu.memory_space<vmem_shared>>) offsets(%arg8 : memref<128xi32, #tpu.memory_space<vmem>>) semaphore(%run_scoped3A : memref<!tpu.dma_semaphore, #tpu.memory_space<semaphore_mem>>) {add = true}
        %dma_wait3A_32 = arith.constant 0 : i32
        %dma_wait3A_33 = arith.constant 0 : i32
        %dma_wait3A_34 = tpu.memref_slice %arg10[%dma_wait3A_32, %dma_wait3A_33] : memref<10240x128xf32, #tpu.memory_space<vmem_shared>> -> memref<10240x128xf32, #tpu.memory_space<vmem_shared>>
        tpu.wait_indirect_dma semaphore(%run_scoped3A : memref<!tpu.dma_semaphore, #tpu.memory_space<semaphore_mem>>) src(%arg9 : memref<128x128xf32, #tpu.memory_space<vmem>>) dst(%dma_wait3A_34 : memref<10240x128xf32, #tpu.memory_space<vmem_shared>>)
        tpu.yield
      }) : () -> ()
    }
    %barrier3A_20 = arith.constant 0 : index
    tpu.barrier barrier_id(%barrier3A_20)
    "tpu.region"() ({
      %run_scoped3A = tpu.sem_alloc : memref<!tpu.dma_semaphore, #tpu.memory_space<semaphore_mem>>
      %dma_start3A = arith.constant 0 : i32
      %dma_start3A_21 = tpu.memref_slice %arg6[%arg0, %mul3A_0, %dma_start3A] : memref<2x10240x128xf32, #tpu.memory_space<hbm>> -> memref<1x640x128xf32, #tpu.memory_space<hbm>>
      %dma_start3A_22 = tpu.memref_squeeze %dma_start3A_21 : memref<1x640x128xf32, #tpu.memory_space<hbm>> -> memref<640x128xf32, #tpu.memory_space<hbm>>
      %dma_start3A_23 = arith.constant 0 : i32
      %dma_start3A_24 = tpu.memref_slice %arg10[%mul3A_0, %dma_start3A_23] : memref<10240x128xf32, #tpu.memory_space<vmem_shared>> -> memref<640x128xf32, #tpu.memory_space<vmem_shared>>
      tpu.enqueue_dma source(%dma_start3A_24 : memref<640x128xf32, #tpu.memory_space<vmem_shared>>) target(%dma_start3A_22 : memref<640x128xf32, #tpu.memory_space<hbm>>) target_semaphore(%run_scoped3A : memref<!tpu.dma_semaphore, #tpu.memory_space<semaphore_mem>>)
      %dma_wait3A = arith.constant 0 : i32
      %dma_wait3A_25 = tpu.memref_slice %arg6[%arg0, %mul3A_0, %dma_wait3A] : memref<2x10240x128xf32, #tpu.memory_space<hbm>> -> memref<1x640x128xf32, #tpu.memory_space<hbm>>
      %dma_wait3A_26 = tpu.memref_squeeze %dma_wait3A_25 : memref<1x640x128xf32, #tpu.memory_space<hbm>> -> memref<640x128xf32, #tpu.memory_space<hbm>>
      %dma_wait3A_27 = arith.constant 0 : i32
      %dma_wait3A_28 = tpu.memref_slice %arg10[%mul3A_0, %dma_wait3A_27] : memref<10240x128xf32, #tpu.memory_space<vmem_shared>> -> memref<640x128xf32, #tpu.memory_space<vmem_shared>>
      tpu.wait_dma2 semaphore(%run_scoped3A : memref<!tpu.dma_semaphore, #tpu.memory_space<semaphore_mem>>) src(%dma_wait3A_28 : memref<640x128xf32, #tpu.memory_space<vmem_shared>>) dst(%dma_wait3A_26 : memref<640x128xf32, #tpu.memory_space<hbm>>)
      tpu.yield
    }) : () -> ()
    return
  }
}

#map = affine_map<(d0, d1) -> (0, 0)>
#map1 = affine_map<(d0, d1) -> (0)>
#map2 = affine_map<(d0, d1) -> (0, 0, 0)>
module attributes {stable_mosaic.version = 14 : i64} {
  func.func @_sc_scatter(%arg0: i32, %arg1: i32, %arg2: memref<10240x128xf32, #tpu.memory_space<hbm>>, %arg3: memref<323584xi32, #tpu.memory_space<hbm>>, %arg4: memref<323584xi32, #tpu.memory_space<hbm>>, %arg5: memref<10240x128xf32, #tpu.memory_space<hbm>>, %arg6: memref<2x10240x128xf32, #tpu.memory_space<hbm>>, %arg7: memref<128xi32, #tpu.memory_space<vmem>>, %arg8: memref<128xi32, #tpu.memory_space<vmem>>, %arg9: memref<128x128xf32, #tpu.memory_space<vmem>>, %arg10: memref<10240x128xf32, #tpu.memory_space<vmem_shared>>, %arg11: memref<!tpu.dma_semaphore, #tpu.memory_space<semaphore_mem>>) attributes {dimension_semantics = [#tpu.dimension_semantics<core_parallel>, #tpu.dimension_semantics<subcore_parallel>], iteration_bounds = array<i64: 2, 16>, scalar_prefetch = 0 : i64, scratch_operands = 5 : i64, tpu.core_type = #tpu.core_type<sc_vector_subcore>, window_params = [{transform_indices = #map}, {transform_indices = #map1}, {transform_indices = #map1}, {transform_indices = #map}, {transform_indices = #map2}]} {
    %mul3A = arith.constant 640 : i32
    %mul3A_0 = arith.muli %arg1, %mul3A : i32
    %eq3A = arith.constant 0 : i32
    %eq3A_1 = arith.cmpi eq, %arg0, %eq3A : i32
    %jit3A = arith.constant 95 : i32
    %jit3A_2 = arith.constant 63 : i32
    %select_n3A = arith.select %eq3A_1, %jit3A, %jit3A_2 : i32
    %eq3A_3 = arith.constant 0 : i32
    %eq3A_4 = arith.cmpi eq, %arg0, %eq3A_3 : i32
    %mul3A_5 = arith.constant 12160 : i32
    %mul3A_6 = arith.muli %arg1, %mul3A_5 : i32
    %mul3A_7 = arith.constant 8064 : i32
    %mul3A_8 = arith.muli %arg1, %mul3A_7 : i32
    %add3A = arith.constant 194560 : i32
    %add3A_9 = arith.addi %add3A, %mul3A_8 : i32
    %select_n3A_10 = arith.select %eq3A_4, %mul3A_6, %add3A_9 : i32
    "tpu.region"() ({
      %run_scoped3A = tpu.sem_alloc : memref<!tpu.dma_semaphore, #tpu.memory_space<semaphore_mem>>
      %dma_start3A = arith.constant 0 : i32
      %dma_start3A_21 = tpu.memref_slice %arg10[%mul3A_0, %dma_start3A] : memref<10240x128xf32, #tpu.memory_space<vmem_shared>> -> memref<640x128xf32, #tpu.memory_space<vmem_shared>>
      %dma_start3A_22 = arith.constant 0 : i32
      %dma_start3A_23 = tpu.memref_slice %arg5[%mul3A_0, %dma_start3A_22] : memref<10240x128xf32, #tpu.memory_space<hbm>> -> memref<640x128xf32, #tpu.memory_space<hbm>>
      tpu.enqueue_dma source(%dma_start3A_23 : memref<640x128xf32, #tpu.memory_space<hbm>>) target(%dma_start3A_21 : memref<640x128xf32, #tpu.memory_space<vmem_shared>>) target_semaphore(%run_scoped3A : memref<!tpu.dma_semaphore, #tpu.memory_space<semaphore_mem>>)
      %dma_wait3A = arith.constant 0 : i32
      %dma_wait3A_24 = tpu.memref_slice %arg10[%mul3A_0, %dma_wait3A] : memref<10240x128xf32, #tpu.memory_space<vmem_shared>> -> memref<640x128xf32, #tpu.memory_space<vmem_shared>>
      %dma_wait3A_25 = arith.constant 0 : i32
      %dma_wait3A_26 = tpu.memref_slice %arg5[%mul3A_0, %dma_wait3A_25] : memref<10240x128xf32, #tpu.memory_space<hbm>> -> memref<640x128xf32, #tpu.memory_space<hbm>>
      tpu.wait_dma2 semaphore(%run_scoped3A : memref<!tpu.dma_semaphore, #tpu.memory_space<semaphore_mem>>) src(%dma_wait3A_26 : memref<640x128xf32, #tpu.memory_space<hbm>>) dst(%dma_wait3A_24 : memref<640x128xf32, #tpu.memory_space<vmem_shared>>)
      tpu.yield
    }) : () -> ()
    %barrier3A = arith.constant 0 : index
    tpu.barrier barrier_id(%barrier3A)
    %while3A = arith.constant 0 : i32
    %while3A_11 = arith.constant 0 : i32
    %while3A_12 = arith.subi %select_n3A, %while3A_11 : i32
    %while3A_13 = arith.addi %while3A_11, %while3A_12 : i32
    %while3A_14 = arith.constant 1 : i32
    %while3A_15 = arith.divsi %while3A_12, %while3A_14 : i32
    %while3A_16 = arith.muli %while3A_15, %while3A_14 : i32
    %while3A_17 = arith.addi %while3A_11, %while3A_16 : i32
    %while3A_18 = arith.constant 1 : i32
    scf.for %while3A_21 = %while3A_11 to %while3A_17 step %while3A_18  : i32 {
      %mul3A_22 = arith.constant 128 : i32
      %mul3A_23 = arith.muli %while3A_21, %mul3A_22 : i32
      %add3A_24 = arith.addi %select_n3A_10, %mul3A_23 : i32
      "tpu.region"() ({
        %run_scoped3A = tpu.sem_alloc : memref<!tpu.dma_semaphore, #tpu.memory_space<semaphore_mem>>
        %dma_start3A_29 = tpu.memref_slice %arg3[%add3A_24] : memref<323584xi32, #tpu.memory_space<hbm>> -> memref<128xi32, #tpu.memory_space<hbm>>
        %dma_start3A_30 = tpu.memref_slice %arg3[%add3A_24] : memref<323584xi32, #tpu.memory_space<hbm>> -> memref<128xi32, #tpu.memory_space<hbm>>
        tpu.enqueue_dma source(%dma_start3A_30 : memref<128xi32, #tpu.memory_space<hbm>>) target(%arg7 : memref<128xi32, #tpu.memory_space<vmem>>) target_semaphore(%run_scoped3A : memref<!tpu.dma_semaphore, #tpu.memory_space<semaphore_mem>>)
        %dma_wait3A_31 = tpu.memref_slice %arg3[%add3A_24] : memref<323584xi32, #tpu.memory_space<hbm>> -> memref<128xi32, #tpu.memory_space<hbm>>
        %dma_wait3A_32 = tpu.memref_slice %arg3[%add3A_24] : memref<323584xi32, #tpu.memory_space<hbm>> -> memref<128xi32, #tpu.memory_space<hbm>>
        tpu.wait_dma2 semaphore(%run_scoped3A : memref<!tpu.dma_semaphore, #tpu.memory_space<semaphore_mem>>) src(%dma_wait3A_32 : memref<128xi32, #tpu.memory_space<hbm>>) dst(%arg7 : memref<128xi32, #tpu.memory_space<vmem>>)
        tpu.yield
      }) : () -> ()
      "tpu.region"() ({
        %run_scoped3A = tpu.sem_alloc : memref<!tpu.dma_semaphore, #tpu.memory_space<semaphore_mem>>
        %dma_start3A_29 = tpu.memref_slice %arg4[%add3A_24] : memref<323584xi32, #tpu.memory_space<hbm>> -> memref<128xi32, #tpu.memory_space<hbm>>
        %dma_start3A_30 = tpu.memref_slice %arg4[%add3A_24] : memref<323584xi32, #tpu.memory_space<hbm>> -> memref<128xi32, #tpu.memory_space<hbm>>
        tpu.enqueue_dma source(%dma_start3A_30 : memref<128xi32, #tpu.memory_space<hbm>>) target(%arg8 : memref<128xi32, #tpu.memory_space<vmem>>) target_semaphore(%run_scoped3A : memref<!tpu.dma_semaphore, #tpu.memory_space<semaphore_mem>>)
        %dma_wait3A_31 = tpu.memref_slice %arg4[%add3A_24] : memref<323584xi32, #tpu.memory_space<hbm>> -> memref<128xi32, #tpu.memory_space<hbm>>
        %dma_wait3A_32 = tpu.memref_slice %arg4[%add3A_24] : memref<323584xi32, #tpu.memory_space<hbm>> -> memref<128xi32, #tpu.memory_space<hbm>>
        tpu.wait_dma2 semaphore(%run_scoped3A : memref<!tpu.dma_semaphore, #tpu.memory_space<semaphore_mem>>) src(%dma_wait3A_32 : memref<128xi32, #tpu.memory_space<hbm>>) dst(%arg8 : memref<128xi32, #tpu.memory_space<vmem>>)
        tpu.yield
      }) : () -> ()
      %dma_start3A = arith.constant 0 : i32
      %dma_start3A_25 = arith.constant 0 : i32
      %dma_start3A_26 = tpu.memref_slice %arg2[%dma_start3A, %dma_start3A_25] : memref<10240x128xf32, #tpu.memory_space<hbm>> -> memref<10240x128xf32, #tpu.memory_space<hbm>>
      tpu.enqueue_indirect_dma source(%dma_start3A_26 : memref<10240x128xf32, #tpu.memory_space<hbm>>) target(%arg9 : memref<128x128xf32, #tpu.memory_space<vmem>>) offsets(%arg7 : memref<128xi32, #tpu.memory_space<vmem>>) semaphore(%arg11 : memref<!tpu.dma_semaphore, #tpu.memory_space<semaphore_mem>>)
      %dma_wait3A = arith.constant 0 : i32
      %dma_wait3A_27 = arith.constant 0 : i32
      %dma_wait3A_28 = tpu.memref_slice %arg2[%dma_wait3A, %dma_wait3A_27] : memref<10240x128xf32, #tpu.memory_space<hbm>> -> memref<10240x128xf32, #tpu.memory_space<hbm>>
      tpu.wait_indirect_dma semaphore(%arg11 : memref<!tpu.dma_semaphore, #tpu.memory_space<semaphore_mem>>) src(%dma_wait3A_28 : memref<10240x128xf32, #tpu.memory_space<hbm>>) dst(%arg9 : memref<128x128xf32, #tpu.memory_space<vmem>>)
      "tpu.region"() ({
        %run_scoped3A = tpu.sem_alloc : memref<!tpu.dma_semaphore, #tpu.memory_space<semaphore_mem>>
        %dma_start3A_29 = arith.constant 0 : i32
        %dma_start3A_30 = arith.constant 0 : i32
        %dma_start3A_31 = tpu.memref_slice %arg10[%dma_start3A_29, %dma_start3A_30] : memref<10240x128xf32, #tpu.memory_space<vmem_shared>> -> memref<10240x128xf32, #tpu.memory_space<vmem_shared>>
        tpu.enqueue_indirect_dma source(%arg9 : memref<128x128xf32, #tpu.memory_space<vmem>>) target(%dma_start3A_31 : memref<10240x128xf32, #tpu.memory_space<vmem_shared>>) offsets(%arg8 : memref<128xi32, #tpu.memory_space<vmem>>) semaphore(%run_scoped3A : memref<!tpu.dma_semaphore, #tpu.memory_space<semaphore_mem>>) {add = true}
        %dma_wait3A_32 = arith.constant 0 : i32
        %dma_wait3A_33 = arith.constant 0 : i32
        %dma_wait3A_34 = tpu.memref_slice %arg10[%dma_wait3A_32, %dma_wait3A_33] : memref<10240x128xf32, #tpu.memory_space<vmem_shared>> -> memref<10240x128xf32, #tpu.memory_space<vmem_shared>>
        tpu.wait_indirect_dma semaphore(%run_scoped3A : memref<!tpu.dma_semaphore, #tpu.memory_space<semaphore_mem>>) src(%arg9 : memref<128x128xf32, #tpu.memory_space<vmem>>) dst(%dma_wait3A_34 : memref<10240x128xf32, #tpu.memory_space<vmem_shared>>)
        tpu.yield
      }) : () -> ()
    }
    %while3A_19 = arith.constant 1 : i32
    scf.for %while3A_21 = %while3A_17 to %while3A_13 step %while3A_19  : i32 {
      %mul3A_22 = arith.constant 128 : i32
      %mul3A_23 = arith.muli %while3A_21, %mul3A_22 : i32
      %add3A_24 = arith.addi %select_n3A_10, %mul3A_23 : i32
      "tpu.region"() ({
        %run_scoped3A = tpu.sem_alloc : memref<!tpu.dma_semaphore, #tpu.memory_space<semaphore_mem>>
        %dma_start3A_29 = tpu.memref_slice %arg3[%add3A_24] : memref<323584xi32, #tpu.memory_space<hbm>> -> memref<128xi32, #tpu.memory_space<hbm>>
        %dma_start3A_30 = tpu.memref_slice %arg3[%add3A_24] : memref<323584xi32, #tpu.memory_space<hbm>> -> memref<128xi32, #tpu.memory_space<hbm>>
        tpu.enqueue_dma source(%dma_start3A_30 : memref<128xi32, #tpu.memory_space<hbm>>) target(%arg7 : memref<128xi32, #tpu.memory_space<vmem>>) target_semaphore(%run_scoped3A : memref<!tpu.dma_semaphore, #tpu.memory_space<semaphore_mem>>)
        %dma_wait3A_31 = tpu.memref_slice %arg3[%add3A_24] : memref<323584xi32, #tpu.memory_space<hbm>> -> memref<128xi32, #tpu.memory_space<hbm>>
        %dma_wait3A_32 = tpu.memref_slice %arg3[%add3A_24] : memref<323584xi32, #tpu.memory_space<hbm>> -> memref<128xi32, #tpu.memory_space<hbm>>
        tpu.wait_dma2 semaphore(%run_scoped3A : memref<!tpu.dma_semaphore, #tpu.memory_space<semaphore_mem>>) src(%dma_wait3A_32 : memref<128xi32, #tpu.memory_space<hbm>>) dst(%arg7 : memref<128xi32, #tpu.memory_space<vmem>>)
        tpu.yield
      }) : () -> ()
      "tpu.region"() ({
        %run_scoped3A = tpu.sem_alloc : memref<!tpu.dma_semaphore, #tpu.memory_space<semaphore_mem>>
        %dma_start3A_29 = tpu.memref_slice %arg4[%add3A_24] : memref<323584xi32, #tpu.memory_space<hbm>> -> memref<128xi32, #tpu.memory_space<hbm>>
        %dma_start3A_30 = tpu.memref_slice %arg4[%add3A_24] : memref<323584xi32, #tpu.memory_space<hbm>> -> memref<128xi32, #tpu.memory_space<hbm>>
        tpu.enqueue_dma source(%dma_start3A_30 : memref<128xi32, #tpu.memory_space<hbm>>) target(%arg8 : memref<128xi32, #tpu.memory_space<vmem>>) target_semaphore(%run_scoped3A : memref<!tpu.dma_semaphore, #tpu.memory_space<semaphore_mem>>)
        %dma_wait3A_31 = tpu.memref_slice %arg4[%add3A_24] : memref<323584xi32, #tpu.memory_space<hbm>> -> memref<128xi32, #tpu.memory_space<hbm>>
        %dma_wait3A_32 = tpu.memref_slice %arg4[%add3A_24] : memref<323584xi32, #tpu.memory_space<hbm>> -> memref<128xi32, #tpu.memory_space<hbm>>
        tpu.wait_dma2 semaphore(%run_scoped3A : memref<!tpu.dma_semaphore, #tpu.memory_space<semaphore_mem>>) src(%dma_wait3A_32 : memref<128xi32, #tpu.memory_space<hbm>>) dst(%arg8 : memref<128xi32, #tpu.memory_space<vmem>>)
        tpu.yield
      }) : () -> ()
      %dma_start3A = arith.constant 0 : i32
      %dma_start3A_25 = arith.constant 0 : i32
      %dma_start3A_26 = tpu.memref_slice %arg2[%dma_start3A, %dma_start3A_25] : memref<10240x128xf32, #tpu.memory_space<hbm>> -> memref<10240x128xf32, #tpu.memory_space<hbm>>
      tpu.enqueue_indirect_dma source(%dma_start3A_26 : memref<10240x128xf32, #tpu.memory_space<hbm>>) target(%arg9 : memref<128x128xf32, #tpu.memory_space<vmem>>) offsets(%arg7 : memref<128xi32, #tpu.memory_space<vmem>>) semaphore(%arg11 : memref<!tpu.dma_semaphore, #tpu.memory_space<semaphore_mem>>)
      %dma_wait3A = arith.constant 0 : i32
      %dma_wait3A_27 = arith.constant 0 : i32
      %dma_wait3A_28 = tpu.memref_slice %arg2[%dma_wait3A, %dma_wait3A_27] : memref<10240x128xf32, #tpu.memory_space<hbm>> -> memref<10240x128xf32, #tpu.memory_space<hbm>>
      tpu.wait_indirect_dma semaphore(%arg11 : memref<!tpu.dma_semaphore, #tpu.memory_space<semaphore_mem>>) src(%dma_wait3A_28 : memref<10240x128xf32, #tpu.memory_space<hbm>>) dst(%arg9 : memref<128x128xf32, #tpu.memory_space<vmem>>)
      "tpu.region"() ({
        %run_scoped3A = tpu.sem_alloc : memref<!tpu.dma_semaphore, #tpu.memory_space<semaphore_mem>>
        %dma_start3A_29 = arith.constant 0 : i32
        %dma_start3A_30 = arith.constant 0 : i32
        %dma_start3A_31 = tpu.memref_slice %arg10[%dma_start3A_29, %dma_start3A_30] : memref<10240x128xf32, #tpu.memory_space<vmem_shared>> -> memref<10240x128xf32, #tpu.memory_space<vmem_shared>>
        tpu.enqueue_indirect_dma source(%arg9 : memref<128x128xf32, #tpu.memory_space<vmem>>) target(%dma_start3A_31 : memref<10240x128xf32, #tpu.memory_space<vmem_shared>>) offsets(%arg8 : memref<128xi32, #tpu.memory_space<vmem>>) semaphore(%run_scoped3A : memref<!tpu.dma_semaphore, #tpu.memory_space<semaphore_mem>>) {add = true}
        %dma_wait3A_32 = arith.constant 0 : i32
        %dma_wait3A_33 = arith.constant 0 : i32
        %dma_wait3A_34 = tpu.memref_slice %arg10[%dma_wait3A_32, %dma_wait3A_33] : memref<10240x128xf32, #tpu.memory_space<vmem_shared>> -> memref<10240x128xf32, #tpu.memory_space<vmem_shared>>
        tpu.wait_indirect_dma semaphore(%run_scoped3A : memref<!tpu.dma_semaphore, #tpu.memory_space<semaphore_mem>>) src(%arg9 : memref<128x128xf32, #tpu.memory_space<vmem>>) dst(%dma_wait3A_34 : memref<10240x128xf32, #tpu.memory_space<vmem_shared>>)
        tpu.yield
      }) : () -> ()
    }
    %barrier3A_20 = arith.constant 0 : index
    tpu.barrier barrier_id(%barrier3A_20)
    "tpu.region"() ({
      %run_scoped3A = tpu.sem_alloc : memref<!tpu.dma_semaphore, #tpu.memory_space<semaphore_mem>>
      %dma_start3A = arith.constant 0 : i32
      %dma_start3A_21 = tpu.memref_slice %arg6[%arg0, %mul3A_0, %dma_start3A] : memref<2x10240x128xf32, #tpu.memory_space<hbm>> -> memref<1x640x128xf32, #tpu.memory_space<hbm>>
      %dma_start3A_22 = tpu.memref_squeeze %dma_start3A_21 : memref<1x640x128xf32, #tpu.memory_space<hbm>> -> memref<640x128xf32, #tpu.memory_space<hbm>>
      %dma_start3A_23 = arith.constant 0 : i32
      %dma_start3A_24 = tpu.memref_slice %arg10[%mul3A_0, %dma_start3A_23] : memref<10240x128xf32, #tpu.memory_space<vmem_shared>> -> memref<640x128xf32, #tpu.memory_space<vmem_shared>>
      tpu.enqueue_dma source(%dma_start3A_24 : memref<640x128xf32, #tpu.memory_space<vmem_shared>>) target(%dma_start3A_22 : memref<640x128xf32, #tpu.memory_space<hbm>>) target_semaphore(%run_scoped3A : memref<!tpu.dma_semaphore, #tpu.memory_space<semaphore_mem>>)
      %dma_wait3A = arith.constant 0 : i32
      %dma_wait3A_25 = tpu.memref_slice %arg6[%arg0, %mul3A_0, %dma_wait3A] : memref<2x10240x128xf32, #tpu.memory_space<hbm>> -> memref<1x640x128xf32, #tpu.memory_space<hbm>>
      %dma_wait3A_26 = tpu.memref_squeeze %dma_wait3A_25 : memref<1x640x128xf32, #tpu.memory_space<hbm>> -> memref<640x128xf32, #tpu.memory_space<hbm>>
      %dma_wait3A_27 = arith.constant 0 : i32
      %dma_wait3A_28 = tpu.memref_slice %arg10[%mul3A_0, %dma_wait3A_27] : memref<10240x128xf32, #tpu.memory_space<vmem_shared>> -> memref<640x128xf32, #tpu.memory_space<vmem_shared>>
      tpu.wait_dma2 semaphore(%run_scoped3A : memref<!tpu.dma_semaphore, #tpu.memory_space<semaphore_mem>>) src(%dma_wait3A_28 : memref<640x128xf32, #tpu.memory_space<vmem_shared>>) dst(%dma_wait3A_26 : memref<640x128xf32, #tpu.memory_space<hbm>>)
      tpu.yield
    }) : () -> ()
    return
  }
}

#map = affine_map<(d0, d1) -> (0, 0)>
#map1 = affine_map<(d0, d1) -> (0)>
#map2 = affine_map<(d0, d1) -> (0, 0, 0)>
module attributes {stable_mosaic.version = 14 : i64} {
  func.func @_sc_scatter(%arg0: i32, %arg1: i32, %arg2: memref<10240x128xf32, #tpu.memory_space<hbm>>, %arg3: memref<323584xi32, #tpu.memory_space<hbm>>, %arg4: memref<323584xi32, #tpu.memory_space<hbm>>, %arg5: memref<10240x128xf32, #tpu.memory_space<hbm>>, %arg6: memref<2x10240x128xf32, #tpu.memory_space<hbm>>, %arg7: memref<128xi32, #tpu.memory_space<vmem>>, %arg8: memref<128xi32, #tpu.memory_space<vmem>>, %arg9: memref<128x128xf32, #tpu.memory_space<vmem>>, %arg10: memref<10240x128xf32, #tpu.memory_space<vmem_shared>>, %arg11: memref<!tpu.dma_semaphore, #tpu.memory_space<semaphore_mem>>) attributes {dimension_semantics = [#tpu.dimension_semantics<core_parallel>, #tpu.dimension_semantics<subcore_parallel>], iteration_bounds = array<i64: 2, 16>, scalar_prefetch = 0 : i64, scratch_operands = 5 : i64, tpu.core_type = #tpu.core_type<sc_vector_subcore>, window_params = [{transform_indices = #map}, {transform_indices = #map1}, {transform_indices = #map1}, {transform_indices = #map}, {transform_indices = #map2}]} {
    %mul3A = arith.constant 640 : i32
    %mul3A_0 = arith.muli %arg1, %mul3A : i32
    %eq3A = arith.constant 0 : i32
    %eq3A_1 = arith.cmpi eq, %arg0, %eq3A : i32
    %jit3A = arith.constant 95 : i32
    %jit3A_2 = arith.constant 63 : i32
    %select_n3A = arith.select %eq3A_1, %jit3A, %jit3A_2 : i32
    %eq3A_3 = arith.constant 0 : i32
    %eq3A_4 = arith.cmpi eq, %arg0, %eq3A_3 : i32
    %mul3A_5 = arith.constant 12160 : i32
    %mul3A_6 = arith.muli %arg1, %mul3A_5 : i32
    %mul3A_7 = arith.constant 8064 : i32
    %mul3A_8 = arith.muli %arg1, %mul3A_7 : i32
    %add3A = arith.constant 194560 : i32
    %add3A_9 = arith.addi %add3A, %mul3A_8 : i32
    %select_n3A_10 = arith.select %eq3A_4, %mul3A_6, %add3A_9 : i32
    "tpu.region"() ({
      %run_scoped3A = tpu.sem_alloc : memref<!tpu.dma_semaphore, #tpu.memory_space<semaphore_mem>>
      %dma_start3A = arith.constant 0 : i32
      %dma_start3A_21 = tpu.memref_slice %arg10[%mul3A_0, %dma_start3A] : memref<10240x128xf32, #tpu.memory_space<vmem_shared>> -> memref<640x128xf32, #tpu.memory_space<vmem_shared>>
      %dma_start3A_22 = arith.constant 0 : i32
      %dma_start3A_23 = tpu.memref_slice %arg5[%mul3A_0, %dma_start3A_22] : memref<10240x128xf32, #tpu.memory_space<hbm>> -> memref<640x128xf32, #tpu.memory_space<hbm>>
      tpu.enqueue_dma source(%dma_start3A_23 : memref<640x128xf32, #tpu.memory_space<hbm>>) target(%dma_start3A_21 : memref<640x128xf32, #tpu.memory_space<vmem_shared>>) target_semaphore(%run_scoped3A : memref<!tpu.dma_semaphore, #tpu.memory_space<semaphore_mem>>)
      %dma_wait3A = arith.constant 0 : i32
      %dma_wait3A_24 = tpu.memref_slice %arg10[%mul3A_0, %dma_wait3A] : memref<10240x128xf32, #tpu.memory_space<vmem_shared>> -> memref<640x128xf32, #tpu.memory_space<vmem_shared>>
      %dma_wait3A_25 = arith.constant 0 : i32
      %dma_wait3A_26 = tpu.memref_slice %arg5[%mul3A_0, %dma_wait3A_25] : memref<10240x128xf32, #tpu.memory_space<hbm>> -> memref<640x128xf32, #tpu.memory_space<hbm>>
      tpu.wait_dma2 semaphore(%run_scoped3A : memref<!tpu.dma_semaphore, #tpu.memory_space<semaphore_mem>>) src(%dma_wait3A_26 : memref<640x128xf32, #tpu.memory_space<hbm>>) dst(%dma_wait3A_24 : memref<640x128xf32, #tpu.memory_space<vmem_shared>>)
      tpu.yield
    }) : () -> ()
    %barrier3A = arith.constant 0 : index
    tpu.barrier barrier_id(%barrier3A)
    %while3A = arith.constant 0 : i32
    %while3A_11 = arith.constant 0 : i32
    %while3A_12 = arith.subi %select_n3A, %while3A_11 : i32
    %while3A_13 = arith.addi %while3A_11, %while3A_12 : i32
    %while3A_14 = arith.constant 1 : i32
    %while3A_15 = arith.divsi %while3A_12, %while3A_14 : i32
    %while3A_16 = arith.muli %while3A_15, %while3A_14 : i32
    %while3A_17 = arith.addi %while3A_11, %while3A_16 : i32
    %while3A_18 = arith.constant 1 : i32
    scf.for %while3A_21 = %while3A_11 to %while3A_17 step %while3A_18  : i32 {
      %mul3A_22 = arith.constant 128 : i32
      %mul3A_23 = arith.muli %while3A_21, %mul3A_22 : i32
      %add3A_24 = arith.addi %select_n3A_10, %mul3A_23 : i32
      "tpu.region"() ({
        %run_scoped3A = tpu.sem_alloc : memref<!tpu.dma_semaphore, #tpu.memory_space<semaphore_mem>>
        %dma_start3A_29 = tpu.memref_slice %arg3[%add3A_24] : memref<323584xi32, #tpu.memory_space<hbm>> -> memref<128xi32, #tpu.memory_space<hbm>>
        %dma_start3A_30 = tpu.memref_slice %arg3[%add3A_24] : memref<323584xi32, #tpu.memory_space<hbm>> -> memref<128xi32, #tpu.memory_space<hbm>>
        tpu.enqueue_dma source(%dma_start3A_30 : memref<128xi32, #tpu.memory_space<hbm>>) target(%arg7 : memref<128xi32, #tpu.memory_space<vmem>>) target_semaphore(%run_scoped3A : memref<!tpu.dma_semaphore, #tpu.memory_space<semaphore_mem>>)
        %dma_wait3A_31 = tpu.memref_slice %arg3[%add3A_24] : memref<323584xi32, #tpu.memory_space<hbm>> -> memref<128xi32, #tpu.memory_space<hbm>>
        %dma_wait3A_32 = tpu.memref_slice %arg3[%add3A_24] : memref<323584xi32, #tpu.memory_space<hbm>> -> memref<128xi32, #tpu.memory_space<hbm>>
        tpu.wait_dma2 semaphore(%run_scoped3A : memref<!tpu.dma_semaphore, #tpu.memory_space<semaphore_mem>>) src(%dma_wait3A_32 : memref<128xi32, #tpu.memory_space<hbm>>) dst(%arg7 : memref<128xi32, #tpu.memory_space<vmem>>)
        tpu.yield
      }) : () -> ()
      "tpu.region"() ({
        %run_scoped3A = tpu.sem_alloc : memref<!tpu.dma_semaphore, #tpu.memory_space<semaphore_mem>>
        %dma_start3A_29 = tpu.memref_slice %arg4[%add3A_24] : memref<323584xi32, #tpu.memory_space<hbm>> -> memref<128xi32, #tpu.memory_space<hbm>>
        %dma_start3A_30 = tpu.memref_slice %arg4[%add3A_24] : memref<323584xi32, #tpu.memory_space<hbm>> -> memref<128xi32, #tpu.memory_space<hbm>>
        tpu.enqueue_dma source(%dma_start3A_30 : memref<128xi32, #tpu.memory_space<hbm>>) target(%arg8 : memref<128xi32, #tpu.memory_space<vmem>>) target_semaphore(%run_scoped3A : memref<!tpu.dma_semaphore, #tpu.memory_space<semaphore_mem>>)
        %dma_wait3A_31 = tpu.memref_slice %arg4[%add3A_24] : memref<323584xi32, #tpu.memory_space<hbm>> -> memref<128xi32, #tpu.memory_space<hbm>>
        %dma_wait3A_32 = tpu.memref_slice %arg4[%add3A_24] : memref<323584xi32, #tpu.memory_space<hbm>> -> memref<128xi32, #tpu.memory_space<hbm>>
        tpu.wait_dma2 semaphore(%run_scoped3A : memref<!tpu.dma_semaphore, #tpu.memory_space<semaphore_mem>>) src(%dma_wait3A_32 : memref<128xi32, #tpu.memory_space<hbm>>) dst(%arg8 : memref<128xi32, #tpu.memory_space<vmem>>)
        tpu.yield
      }) : () -> ()
      %dma_start3A = arith.constant 0 : i32
      %dma_start3A_25 = arith.constant 0 : i32
      %dma_start3A_26 = tpu.memref_slice %arg2[%dma_start3A, %dma_start3A_25] : memref<10240x128xf32, #tpu.memory_space<hbm>> -> memref<10240x128xf32, #tpu.memory_space<hbm>>
      tpu.enqueue_indirect_dma source(%dma_start3A_26 : memref<10240x128xf32, #tpu.memory_space<hbm>>) target(%arg9 : memref<128x128xf32, #tpu.memory_space<vmem>>) offsets(%arg7 : memref<128xi32, #tpu.memory_space<vmem>>) semaphore(%arg11 : memref<!tpu.dma_semaphore, #tpu.memory_space<semaphore_mem>>)
      %dma_wait3A = arith.constant 0 : i32
      %dma_wait3A_27 = arith.constant 0 : i32
      %dma_wait3A_28 = tpu.memref_slice %arg2[%dma_wait3A, %dma_wait3A_27] : memref<10240x128xf32, #tpu.memory_space<hbm>> -> memref<10240x128xf32, #tpu.memory_space<hbm>>
      tpu.wait_indirect_dma semaphore(%arg11 : memref<!tpu.dma_semaphore, #tpu.memory_space<semaphore_mem>>) src(%dma_wait3A_28 : memref<10240x128xf32, #tpu.memory_space<hbm>>) dst(%arg9 : memref<128x128xf32, #tpu.memory_space<vmem>>)
      "tpu.region"() ({
        %run_scoped3A = tpu.sem_alloc : memref<!tpu.dma_semaphore, #tpu.memory_space<semaphore_mem>>
        %dma_start3A_29 = arith.constant 0 : i32
        %dma_start3A_30 = arith.constant 0 : i32
        %dma_start3A_31 = tpu.memref_slice %arg10[%dma_start3A_29, %dma_start3A_30] : memref<10240x128xf32, #tpu.memory_space<vmem_shared>> -> memref<10240x128xf32, #tpu.memory_space<vmem_shared>>
        tpu.enqueue_indirect_dma source(%arg9 : memref<128x128xf32, #tpu.memory_space<vmem>>) target(%dma_start3A_31 : memref<10240x128xf32, #tpu.memory_space<vmem_shared>>) offsets(%arg8 : memref<128xi32, #tpu.memory_space<vmem>>) semaphore(%run_scoped3A : memref<!tpu.dma_semaphore, #tpu.memory_space<semaphore_mem>>) {add = true}
        %dma_wait3A_32 = arith.constant 0 : i32
        %dma_wait3A_33 = arith.constant 0 : i32
        %dma_wait3A_34 = tpu.memref_slice %arg10[%dma_wait3A_32, %dma_wait3A_33] : memref<10240x128xf32, #tpu.memory_space<vmem_shared>> -> memref<10240x128xf32, #tpu.memory_space<vmem_shared>>
        tpu.wait_indirect_dma semaphore(%run_scoped3A : memref<!tpu.dma_semaphore, #tpu.memory_space<semaphore_mem>>) src(%arg9 : memref<128x128xf32, #tpu.memory_space<vmem>>) dst(%dma_wait3A_34 : memref<10240x128xf32, #tpu.memory_space<vmem_shared>>)
        tpu.yield
      }) : () -> ()
    }
    %while3A_19 = arith.constant 1 : i32
    scf.for %while3A_21 = %while3A_17 to %while3A_13 step %while3A_19  : i32 {
      %mul3A_22 = arith.constant 128 : i32
      %mul3A_23 = arith.muli %while3A_21, %mul3A_22 : i32
      %add3A_24 = arith.addi %select_n3A_10, %mul3A_23 : i32
      "tpu.region"() ({
        %run_scoped3A = tpu.sem_alloc : memref<!tpu.dma_semaphore, #tpu.memory_space<semaphore_mem>>
        %dma_start3A_29 = tpu.memref_slice %arg3[%add3A_24] : memref<323584xi32, #tpu.memory_space<hbm>> -> memref<128xi32, #tpu.memory_space<hbm>>
        %dma_start3A_30 = tpu.memref_slice %arg3[%add3A_24] : memref<323584xi32, #tpu.memory_space<hbm>> -> memref<128xi32, #tpu.memory_space<hbm>>
        tpu.enqueue_dma source(%dma_start3A_30 : memref<128xi32, #tpu.memory_space<hbm>>) target(%arg7 : memref<128xi32, #tpu.memory_space<vmem>>) target_semaphore(%run_scoped3A : memref<!tpu.dma_semaphore, #tpu.memory_space<semaphore_mem>>)
        %dma_wait3A_31 = tpu.memref_slice %arg3[%add3A_24] : memref<323584xi32, #tpu.memory_space<hbm>> -> memref<128xi32, #tpu.memory_space<hbm>>
        %dma_wait3A_32 = tpu.memref_slice %arg3[%add3A_24] : memref<323584xi32, #tpu.memory_space<hbm>> -> memref<128xi32, #tpu.memory_space<hbm>>
        tpu.wait_dma2 semaphore(%run_scoped3A : memref<!tpu.dma_semaphore, #tpu.memory_space<semaphore_mem>>) src(%dma_wait3A_32 : memref<128xi32, #tpu.memory_space<hbm>>) dst(%arg7 : memref<128xi32, #tpu.memory_space<vmem>>)
        tpu.yield
      }) : () -> ()
      "tpu.region"() ({
        %run_scoped3A = tpu.sem_alloc : memref<!tpu.dma_semaphore, #tpu.memory_space<semaphore_mem>>
        %dma_start3A_29 = tpu.memref_slice %arg4[%add3A_24] : memref<323584xi32, #tpu.memory_space<hbm>> -> memref<128xi32, #tpu.memory_space<hbm>>
        %dma_start3A_30 = tpu.memref_slice %arg4[%add3A_24] : memref<323584xi32, #tpu.memory_space<hbm>> -> memref<128xi32, #tpu.memory_space<hbm>>
        tpu.enqueue_dma source(%dma_start3A_30 : memref<128xi32, #tpu.memory_space<hbm>>) target(%arg8 : memref<128xi32, #tpu.memory_space<vmem>>) target_semaphore(%run_scoped3A : memref<!tpu.dma_semaphore, #tpu.memory_space<semaphore_mem>>)
        %dma_wait3A_31 = tpu.memref_slice %arg4[%add3A_24] : memref<323584xi32, #tpu.memory_space<hbm>> -> memref<128xi32, #tpu.memory_space<hbm>>
        %dma_wait3A_32 = tpu.memref_slice %arg4[%add3A_24] : memref<323584xi32, #tpu.memory_space<hbm>> -> memref<128xi32, #tpu.memory_space<hbm>>
        tpu.wait_dma2 semaphore(%run_scoped3A : memref<!tpu.dma_semaphore, #tpu.memory_space<semaphore_mem>>) src(%dma_wait3A_32 : memref<128xi32, #tpu.memory_space<hbm>>) dst(%arg8 : memref<128xi32, #tpu.memory_space<vmem>>)
        tpu.yield
      }) : () -> ()
      %dma_start3A = arith.constant 0 : i32
      %dma_start3A_25 = arith.constant 0 : i32
      %dma_start3A_26 = tpu.memref_slice %arg2[%dma_start3A, %dma_start3A_25] : memref<10240x128xf32, #tpu.memory_space<hbm>> -> memref<10240x128xf32, #tpu.memory_space<hbm>>
      tpu.enqueue_indirect_dma source(%dma_start3A_26 : memref<10240x128xf32, #tpu.memory_space<hbm>>) target(%arg9 : memref<128x128xf32, #tpu.memory_space<vmem>>) offsets(%arg7 : memref<128xi32, #tpu.memory_space<vmem>>) semaphore(%arg11 : memref<!tpu.dma_semaphore, #tpu.memory_space<semaphore_mem>>)
      %dma_wait3A = arith.constant 0 : i32
      %dma_wait3A_27 = arith.constant 0 : i32
      %dma_wait3A_28 = tpu.memref_slice %arg2[%dma_wait3A, %dma_wait3A_27] : memref<10240x128xf32, #tpu.memory_space<hbm>> -> memref<10240x128xf32, #tpu.memory_space<hbm>>
      tpu.wait_indirect_dma semaphore(%arg11 : memref<!tpu.dma_semaphore, #tpu.memory_space<semaphore_mem>>) src(%dma_wait3A_28 : memref<10240x128xf32, #tpu.memory_space<hbm>>) dst(%arg9 : memref<128x128xf32, #tpu.memory_space<vmem>>)
      "tpu.region"() ({
        %run_scoped3A = tpu.sem_alloc : memref<!tpu.dma_semaphore, #tpu.memory_space<semaphore_mem>>
        %dma_start3A_29 = arith.constant 0 : i32
        %dma_start3A_30 = arith.constant 0 : i32
        %dma_start3A_31 = tpu.memref_slice %arg10[%dma_start3A_29, %dma_start3A_30] : memref<10240x128xf32, #tpu.memory_space<vmem_shared>> -> memref<10240x128xf32, #tpu.memory_space<vmem_shared>>
        tpu.enqueue_indirect_dma source(%arg9 : memref<128x128xf32, #tpu.memory_space<vmem>>) target(%dma_start3A_31 : memref<10240x128xf32, #tpu.memory_space<vmem_shared>>) offsets(%arg8 : memref<128xi32, #tpu.memory_space<vmem>>) semaphore(%run_scoped3A : memref<!tpu.dma_semaphore, #tpu.memory_space<semaphore_mem>>) {add = true}
        %dma_wait3A_32 = arith.constant 0 : i32
        %dma_wait3A_33 = arith.constant 0 : i32
        %dma_wait3A_34 = tpu.memref_slice %arg10[%dma_wait3A_32, %dma_wait3A_33] : memref<10240x128xf32, #tpu.memory_space<vmem_shared>> -> memref<10240x128xf32, #tpu.memory_space<vmem_shared>>
        tpu.wait_indirect_dma semaphore(%run_scoped3A : memref<!tpu.dma_semaphore, #tpu.memory_space<semaphore_mem>>) src(%arg9 : memref<128x128xf32, #tpu.memory_space<vmem>>) dst(%dma_wait3A_34 : memref<10240x128xf32, #tpu.memory_space<vmem_shared>>)
        tpu.yield
      }) : () -> ()
    }
    %barrier3A_20 = arith.constant 0 : index
    tpu.barrier barrier_id(%barrier3A_20)
    "tpu.region"() ({
      %run_scoped3A = tpu.sem_alloc : memref<!tpu.dma_semaphore, #tpu.memory_space<semaphore_mem>>
      %dma_start3A = arith.constant 0 : i32
      %dma_start3A_21 = tpu.memref_slice %arg6[%arg0, %mul3A_0, %dma_start3A] : memref<2x10240x128xf32, #tpu.memory_space<hbm>> -> memref<1x640x128xf32, #tpu.memory_space<hbm>>
      %dma_start3A_22 = tpu.memref_squeeze %dma_start3A_21 : memref<1x640x128xf32, #tpu.memory_space<hbm>> -> memref<640x128xf32, #tpu.memory_space<hbm>>
      %dma_start3A_23 = arith.constant 0 : i32
      %dma_start3A_24 = tpu.memref_slice %arg10[%mul3A_0, %dma_start3A_23] : memref<10240x128xf32, #tpu.memory_space<vmem_shared>> -> memref<640x128xf32, #tpu.memory_space<vmem_shared>>
      tpu.enqueue_dma source(%dma_start3A_24 : memref<640x128xf32, #tpu.memory_space<vmem_shared>>) target(%dma_start3A_22 : memref<640x128xf32, #tpu.memory_space<hbm>>) target_semaphore(%run_scoped3A : memref<!tpu.dma_semaphore, #tpu.memory_space<semaphore_mem>>)
      %dma_wait3A = arith.constant 0 : i32
      %dma_wait3A_25 = tpu.memref_slice %arg6[%arg0, %mul3A_0, %dma_wait3A] : memref<2x10240x128xf32, #tpu.memory_space<hbm>> -> memref<1x640x128xf32, #tpu.memory_space<hbm>>
      %dma_wait3A_26 = tpu.memref_squeeze %dma_wait3A_25 : memref<1x640x128xf32, #tpu.memory_space<hbm>> -> memref<640x128xf32, #tpu.memory_space<hbm>>
      %dma_wait3A_27 = arith.constant 0 : i32
      %dma_wait3A_28 = tpu.memref_slice %arg10[%mul3A_0, %dma_wait3A_27] : memref<10240x128xf32, #tpu.memory_space<vmem_shared>> -> memref<640x128xf32, #tpu.memory_space<vmem_shared>>
      tpu.wait_dma2 semaphore(%run_scoped3A : memref<!tpu.dma_semaphore, #tpu.memory_space<semaphore_mem>>) src(%dma_wait3A_28 : memref<640x128xf32, #tpu.memory_space<vmem_shared>>) dst(%dma_wait3A_26 : memref<640x128xf32, #tpu.memory_space<hbm>>)
      tpu.yield
    }) : () -> ()
    return
  }
}

module attributes {stable_mosaic.version = 14 : i64} {
  func.func @_stem_body(%arg0: i32, %arg1: memref<1024x128xf32, #tpu.memory_space<vmem>>, %arg2: memref<1024x128xf32, #tpu.memory_space<vmem>>, %arg3: memref<1024x128xf32, #tpu.memory_space<vmem>>, %arg4: memref<128x128xf32, #tpu.memory_space<vmem>>, %arg5: memref<128xf32, #tpu.memory_space<vmem>>, %arg6: memref<128x128xf32, #tpu.memory_space<vmem>>, %arg7: memref<128xf32, #tpu.memory_space<vmem>>, %arg8: memref<128x128xf32, #tpu.memory_space<vmem>>, %arg9: memref<1024x128xf32, #tpu.memory_space<vmem>>, %arg10: memref<1024x128xf32, #tpu.memory_space<vmem>>, %arg11: memref<1024x128xf32, #tpu.memory_space<vmem>>) attributes {dimension_semantics = [#tpu.dimension_semantics<arbitrary>], iteration_bounds = array<i64: 10>, scalar_prefetch = 0 : i64, scratch_operands = 0 : i64, tpu.core_type = #tpu.core_type<tc>, window_params = [{transform_indices = @transform_0, window_bounds = array<i64: 1024, 128>}, {transform_indices = @transform_1, window_bounds = array<i64: 1024, 128>}, {transform_indices = @transform_2, window_bounds = array<i64: 1024, 128>}, {pipeline_mode = #tpu.pipeline_mode<synchronous>, transform_indices = @transform_3, window_bounds = array<i64: 128, 128>}, {pipeline_mode = #tpu.pipeline_mode<synchronous>, transform_indices = @transform_4, window_bounds = array<i64: 128>}, {pipeline_mode = #tpu.pipeline_mode<synchronous>, transform_indices = @transform_5, window_bounds = array<i64: 128, 128>}, {pipeline_mode = #tpu.pipeline_mode<synchronous>, transform_indices = @transform_6, window_bounds = array<i64: 128>}, {pipeline_mode = #tpu.pipeline_mode<synchronous>, transform_indices = @transform_7, window_bounds = array<i64: 128, 128>}, {transform_indices = @transform_8, window_bounds = array<i64: 1024, 128>}, {transform_indices = @transform_9, window_bounds = array<i64: 1024, 128>}, {transform_indices = @transform_10, window_bounds = array<i64: 1024, 128>}]} {
    %get3A = arith.constant 0 : index
    %get3A_0 = arith.constant 0 : index
    %get3A_1 = vector.load %arg1[%get3A, %get3A_0] : memref<1024x128xf32, #tpu.memory_space<vmem>>, vector<1024x128xf32>
    %get3A_2 = arith.constant 0 : index
    %get3A_3 = arith.constant 0 : index
    %get3A_4 = vector.load %arg4[%get3A_2, %get3A_3] : memref<128x128xf32, #tpu.memory_space<vmem>>, vector<128x128xf32>
    %dot_general3A = arith.constant dense<0.000000e+00> : vector<1024x128xf32>
    %dot_general3A_5 = tpu.matmul %get3A_1, %get3A_4, %dot_general3A {dimension_numbers = #tpu.dot_dimension_numbers<[1], [0], [0], [1], [0, 0, 1, 1], [], []>, transpose_lhs_hint = false} : vector<1024x128xf32>, vector<128x128xf32>, vector<1024x128xf32> -> vector<1024x128xf32>
    %get3A_6 = arith.constant 0 : index
    %get3A_7 = vector.load %arg5[%get3A_6] : memref<128xf32, #tpu.memory_space<vmem>>, vector<128xf32>
    %broadcast_in_dim3A = vector.shape_cast %get3A_7 : vector<128xf32> to vector<1x128xf32>
    %add3A = vector.broadcast %broadcast_in_dim3A : vector<1x128xf32> to vector<1024x128xf32>
    %add3A_8 = arith.addf %dot_general3A_5, %add3A : vector<1024x128xf32>
    %max3A = arith.constant 0.000000e+00 : f32
    %max3A_9 = vector.broadcast %max3A : f32 to vector<1024x128xf32>
    %max3A_10 = arith.maximumf %add3A_8, %max3A_9 : vector<1024x128xf32>
    %get3A_11 = arith.constant 0 : index
    %get3A_12 = arith.constant 0 : index
    %get3A_13 = vector.load %arg6[%get3A_11, %get3A_12] : memref<128x128xf32, #tpu.memory_space<vmem>>, vector<128x128xf32>
    %dot_general3A_14 = arith.constant dense<0.000000e+00> : vector<1024x128xf32>
    %dot_general3A_15 = tpu.matmul %max3A_10, %get3A_13, %dot_general3A_14 {dimension_numbers = #tpu.dot_dimension_numbers<[1], [0], [0], [1], [0, 0, 1, 1], [], []>, transpose_lhs_hint = false} : vector<1024x128xf32>, vector<128x128xf32>, vector<1024x128xf32> -> vector<1024x128xf32>
    %get3A_16 = arith.constant 0 : index
    %get3A_17 = vector.load %arg7[%get3A_16] : memref<128xf32, #tpu.memory_space<vmem>>, vector<128xf32>
    %broadcast_in_dim3A_18 = vector.shape_cast %get3A_17 : vector<128xf32> to vector<1x128xf32>
    %add3A_19 = vector.broadcast %broadcast_in_dim3A_18 : vector<1x128xf32> to vector<1024x128xf32>
    %add3A_20 = arith.addf %dot_general3A_15, %add3A_19 : vector<1024x128xf32>
    %max3A_21 = arith.constant 0.000000e+00 : f32
    %max3A_22 = vector.broadcast %max3A_21 : f32 to vector<1024x128xf32>
    %max3A_23 = arith.maximumf %add3A_20, %max3A_22 : vector<1024x128xf32>
    %swap3A = arith.constant 0 : index
    %swap3A_24 = arith.constant 0 : index
    %swap3A_25 = vector.load %arg9[%swap3A, %swap3A_24] : memref<1024x128xf32, #tpu.memory_space<vmem>>, vector<1024x128xf32>
    tpu.vector_store %arg9[%swap3A, %swap3A_24], %max3A_23 {strides = array<i32>} : memref<1024x128xf32, #tpu.memory_space<vmem>>, vector<1024x128xf32>,
    %get3A_26 = arith.constant 0 : index
    %get3A_27 = arith.constant 0 : index
    %get3A_28 = vector.load %arg2[%get3A_26, %get3A_27] : memref<1024x128xf32, #tpu.memory_space<vmem>>, vector<1024x128xf32>
    %mul3A = arith.mulf %max3A_23, %get3A_28 : vector<1024x128xf32>
    %swap3A_29 = arith.constant 0 : index
    %swap3A_30 = arith.constant 0 : index
    %swap3A_31 = vector.load %arg10[%swap3A_29, %swap3A_30] : memref<1024x128xf32, #tpu.memory_space<vmem>>, vector<1024x128xf32>
    tpu.vector_store %arg10[%swap3A_29, %swap3A_30], %mul3A {strides = array<i32>} : memref<1024x128xf32, #tpu.memory_space<vmem>>, vector<1024x128xf32>,
    %get3A_32 = arith.constant 0 : index
    %get3A_33 = arith.constant 0 : index
    %get3A_34 = vector.load %arg3[%get3A_32, %get3A_33] : memref<1024x128xf32, #tpu.memory_space<vmem>>, vector<1024x128xf32>
    %mul3A_35 = arith.mulf %get3A_1, %get3A_34 : vector<1024x128xf32>
    %get3A_36 = arith.constant 0 : index
    %get3A_37 = arith.constant 0 : index
    %get3A_38 = vector.load %arg8[%get3A_36, %get3A_37] : memref<128x128xf32, #tpu.memory_space<vmem>>, vector<128x128xf32>
    %dot_general3A_39 = arith.constant dense<0.000000e+00> : vector<1024x128xf32>
    %dot_general3A_40 = tpu.matmul %mul3A_35, %get3A_38, %dot_general3A_39 {dimension_numbers = #tpu.dot_dimension_numbers<[1], [0], [0], [1], [0, 0, 1, 1], [], []>, transpose_lhs_hint = false} : vector<1024x128xf32>, vector<128x128xf32>, vector<1024x128xf32> -> vector<1024x128xf32>
    %swap3A_41 = arith.constant 0 : index
    %swap3A_42 = arith.constant 0 : index
    %swap3A_43 = vector.load %arg11[%swap3A_41, %swap3A_42] : memref<1024x128xf32, #tpu.memory_space<vmem>>, vector<1024x128xf32>
    tpu.vector_store %arg11[%swap3A_41, %swap3A_42], %dot_general3A_40 {strides = array<i32>} : memref<1024x128xf32, #tpu.memory_space<vmem>>, vector<1024x128xf32>,
    return
  }
  func.func @transform_0(%arg0: i32) -> (i32, i32) {
    %c0_i32 = arith.constant 0 : i32
    %c0_i32_0 = arith.constant 0 : i32
    return %arg0, %c0_i32 : i32, i32
  }
  func.func @transform_1(%arg0: i32) -> (i32, i32) {
    %c0_i32 = arith.constant 0 : i32
    %c0_i32_0 = arith.constant 0 : i32
    return %arg0, %c0_i32 : i32, i32
  }
  func.func @transform_2(%arg0: i32) -> (i32, i32) {
    %c0_i32 = arith.constant 0 : i32
    %c0_i32_0 = arith.constant 0 : i32
    return %arg0, %c0_i32 : i32, i32
  }
  func.func @transform_3(%arg0: i32) -> (i32, i32) {
    %c0_i32 = arith.constant 0 : i32
    %c0_i32_0 = arith.constant 0 : i32
    %c0_i32_1 = arith.constant 0 : i32
    return %c0_i32, %c0_i32_0 : i32, i32
  }
  func.func @transform_4(%arg0: i32) -> i32 {
    %c0_i32 = arith.constant 0 : i32
    %c0_i32_0 = arith.constant 0 : i32
    return %c0_i32 : i32
  }
  func.func @transform_5(%arg0: i32) -> (i32, i32) {
    %c0_i32 = arith.constant 0 : i32
    %c0_i32_0 = arith.constant 0 : i32
    %c0_i32_1 = arith.constant 0 : i32
    return %c0_i32, %c0_i32_0 : i32, i32
  }
  func.func @transform_6(%arg0: i32) -> i32 {
    %c0_i32 = arith.constant 0 : i32
    %c0_i32_0 = arith.constant 0 : i32
    return %c0_i32 : i32
  }
  func.func @transform_7(%arg0: i32) -> (i32, i32) {
    %c0_i32 = arith.constant 0 : i32
    %c0_i32_0 = arith.constant 0 : i32
    %c0_i32_1 = arith.constant 0 : i32
    return %c0_i32, %c0_i32_0 : i32, i32
  }
  func.func @transform_8(%arg0: i32) -> (i32, i32) {
    %c0_i32 = arith.constant 0 : i32
    %c0_i32_0 = arith.constant 0 : i32
    return %arg0, %c0_i32 : i32, i32
  }
  func.func @transform_9(%arg0: i32) -> (i32, i32) {
    %c0_i32 = arith.constant 0 : i32
    %c0_i32_0 = arith.constant 0 : i32
    return %arg0, %c0_i32 : i32, i32
  }
  func.func @transform_10(%arg0: i32) -> (i32, i32) {
    %c0_i32 = arith.constant 0 : i32
    %c0_i32_0 = arith.constant 0 : i32
    return %arg0, %c0_i32 : i32, i32
  }
}

module attributes {stable_mosaic.version = 14 : i64} {
  func.func @_gmid_body(%arg0: i32, %arg1: memref<2x1024x128xf32, #tpu.memory_space<vmem>>, %arg2: memref<1024x128xf32, #tpu.memory_space<vmem>>, %arg3: memref<1024x128xf32, #tpu.memory_space<vmem>>, %arg4: memref<128xf32, #tpu.memory_space<vmem>>, %arg5: memref<128x128xf32, #tpu.memory_space<vmem>>, %arg6: memref<1024x128xf32, #tpu.memory_space<vmem>>) attributes {dimension_semantics = [#tpu.dimension_semantics<arbitrary>], iteration_bounds = array<i64: 10>, scalar_prefetch = 0 : i64, scratch_operands = 0 : i64, tpu.core_type = #tpu.core_type<tc>, window_params = [{transform_indices = @transform_0, window_bounds = array<i64: 2, 1024, 128>}, {transform_indices = @transform_1, window_bounds = array<i64: 1024, 128>}, {transform_indices = @transform_2, window_bounds = array<i64: 1024, 128>}, {pipeline_mode = #tpu.pipeline_mode<synchronous>, transform_indices = @transform_3, window_bounds = array<i64: 128>}, {pipeline_mode = #tpu.pipeline_mode<synchronous>, transform_indices = @transform_4, window_bounds = array<i64: 128, 128>}, {transform_indices = @transform_5, window_bounds = array<i64: 1024, 128>}]} {
    %get3A = arith.constant 0 : index
    %get3A_0 = arith.constant 0 : index
    %get3A_1 = arith.constant 0 : index
    %get3A_2 = vector.load %arg1[%get3A, %get3A_0, %get3A_1] : memref<2x1024x128xf32, #tpu.memory_space<vmem>>, vector<1x1024x128xf32>
    %get3A_3 = vector.shape_cast %get3A_2 : vector<1x1024x128xf32> to vector<1024x128xf32>
    %get3A_4 = arith.constant 1 : index
    %get3A_5 = arith.constant 0 : index
    %get3A_6 = arith.constant 0 : index
    %get3A_7 = vector.load %arg1[%get3A_4, %get3A_5, %get3A_6] : memref<2x1024x128xf32, #tpu.memory_space<vmem>>, vector<1x1024x128xf32>
    %get3A_8 = vector.shape_cast %get3A_7 : vector<1x1024x128xf32> to vector<1024x128xf32>
    %add3A = arith.addf %get3A_3, %get3A_8 : vector<1024x128xf32>
    %get3A_9 = arith.constant 0 : index
    %get3A_10 = arith.constant 0 : index
    %get3A_11 = vector.load %arg2[%get3A_9, %get3A_10] : memref<1024x128xf32, #tpu.memory_space<vmem>>, vector<1024x128xf32>
    %mul3A = arith.mulf %add3A, %get3A_11 : vector<1024x128xf32>
    %get3A_12 = arith.constant 0 : index
    %get3A_13 = vector.load %arg4[%get3A_12] : memref<128xf32, #tpu.memory_space<vmem>>, vector<128xf32>
    %broadcast_in_dim3A = vector.shape_cast %get3A_13 : vector<128xf32> to vector<1x128xf32>
    %add3A_14 = vector.broadcast %broadcast_in_dim3A : vector<1x128xf32> to vector<1024x128xf32>
    %add3A_15 = arith.addf %mul3A, %add3A_14 : vector<1024x128xf32>
    %max3A = arith.constant 0.000000e+00 : f32
    %max3A_16 = vector.broadcast %max3A : f32 to vector<1024x128xf32>
    %max3A_17 = arith.maximumf %add3A_15, %max3A_16 : vector<1024x128xf32>
    %get3A_18 = arith.constant 0 : index
    %get3A_19 = arith.constant 0 : index
    %get3A_20 = vector.load %arg3[%get3A_18, %get3A_19] : memref<1024x128xf32, #tpu.memory_space<vmem>>, vector<1024x128xf32>
    %mul3A_21 = arith.mulf %max3A_17, %get3A_20 : vector<1024x128xf32>
    %get3A_22 = arith.constant 0 : index
    %get3A_23 = arith.constant 0 : index
    %get3A_24 = vector.load %arg5[%get3A_22, %get3A_23] : memref<128x128xf32, #tpu.memory_space<vmem>>, vector<128x128xf32>
    %dot_general3A = arith.constant dense<0.000000e+00> : vector<1024x128xf32>
    %dot_general3A_25 = tpu.matmul %mul3A_21, %get3A_24, %dot_general3A {dimension_numbers = #tpu.dot_dimension_numbers<[1], [0], [0], [1], [0, 0, 1, 1], [], []>, transpose_lhs_hint = false} : vector<1024x128xf32>, vector<128x128xf32>, vector<1024x128xf32> -> vector<1024x128xf32>
    %swap3A = arith.constant 0 : index
    %swap3A_26 = arith.constant 0 : index
    %swap3A_27 = vector.load %arg6[%swap3A, %swap3A_26] : memref<1024x128xf32, #tpu.memory_space<vmem>>, vector<1024x128xf32>
    tpu.vector_store %arg6[%swap3A, %swap3A_26], %dot_general3A_25 {strides = array<i32>} : memref<1024x128xf32, #tpu.memory_space<vmem>>, vector<1024x128xf32>,
    return
  }
  func.func @transform_0(%arg0: i32) -> (i32, i32, i32) {
    %c0_i32 = arith.constant 0 : i32
    %c0_i32_0 = arith.constant 0 : i32
    %c0_i32_1 = arith.constant 0 : i32
    return %c0_i32, %arg0, %c0_i32_0 : i32, i32, i32
  }
  func.func @transform_1(%arg0: i32) -> (i32, i32) {
    %c0_i32 = arith.constant 0 : i32
    %c0_i32_0 = arith.constant 0 : i32
    return %arg0, %c0_i32 : i32, i32
  }
  func.func @transform_2(%arg0: i32) -> (i32, i32) {
    %c0_i32 = arith.constant 0 : i32
    %c0_i32_0 = arith.constant 0 : i32
    return %arg0, %c0_i32 : i32, i32
  }
  func.func @transform_3(%arg0: i32) -> i32 {
    %c0_i32 = arith.constant 0 : i32
    %c0_i32_0 = arith.constant 0 : i32
    return %c0_i32 : i32
  }
  func.func @transform_4(%arg0: i32) -> (i32, i32) {
    %c0_i32 = arith.constant 0 : i32
    %c0_i32_0 = arith.constant 0 : i32
    %c0_i32_1 = arith.constant 0 : i32
    return %c0_i32, %c0_i32_0 : i32, i32
  }
  func.func @transform_5(%arg0: i32) -> (i32, i32) {
    %c0_i32 = arith.constant 0 : i32
    %c0_i32_0 = arith.constant 0 : i32
    return %arg0, %c0_i32 : i32, i32
  }
}

module attributes {stable_mosaic.version = 14 : i64} {
  func.func @_mid1_body(%arg0: i32, %arg1: memref<1024x128xf32, #tpu.memory_space<vmem>>, %arg2: memref<2x1024x128xf32, #tpu.memory_space<vmem>>, %arg3: memref<1024x128xf32, #tpu.memory_space<vmem>>, %arg4: memref<1024x128xf32, #tpu.memory_space<vmem>>, %arg5: memref<1024x128xf32, #tpu.memory_space<vmem>>) attributes {dimension_semantics = [#tpu.dimension_semantics<arbitrary>], iteration_bounds = array<i64: 10>, scalar_prefetch = 0 : i64, scratch_operands = 0 : i64, tpu.core_type = #tpu.core_type<tc>, window_params = [{transform_indices = @transform_0, window_bounds = array<i64: 1024, 128>}, {transform_indices = @transform_1, window_bounds = array<i64: 2, 1024, 128>}, {transform_indices = @transform_2, window_bounds = array<i64: 1024, 128>}, {transform_indices = @transform_3, window_bounds = array<i64: 1024, 128>}, {transform_indices = @transform_4, window_bounds = array<i64: 1024, 128>}]} {
    %get3A = arith.constant 0 : index
    %get3A_0 = arith.constant 0 : index
    %get3A_1 = vector.load %arg3[%get3A, %get3A_0] : memref<1024x128xf32, #tpu.memory_space<vmem>>, vector<1024x128xf32>
    %get3A_2 = arith.constant 0 : index
    %get3A_3 = arith.constant 0 : index
    %get3A_4 = vector.load %arg1[%get3A_2, %get3A_3] : memref<1024x128xf32, #tpu.memory_space<vmem>>, vector<1024x128xf32>
    %get3A_5 = arith.constant 0 : index
    %get3A_6 = arith.constant 0 : index
    %get3A_7 = arith.constant 0 : index
    %get3A_8 = vector.load %arg2[%get3A_5, %get3A_6, %get3A_7] : memref<2x1024x128xf32, #tpu.memory_space<vmem>>, vector<1x1024x128xf32>
    %get3A_9 = vector.shape_cast %get3A_8 : vector<1x1024x128xf32> to vector<1024x128xf32>
    %get3A_10 = arith.constant 1 : index
    %get3A_11 = arith.constant 0 : index
    %get3A_12 = arith.constant 0 : index
    %get3A_13 = vector.load %arg2[%get3A_10, %get3A_11, %get3A_12] : memref<2x1024x128xf32, #tpu.memory_space<vmem>>, vector<1x1024x128xf32>
    %get3A_14 = vector.shape_cast %get3A_13 : vector<1x1024x128xf32> to vector<1024x128xf32>
    %add3A = arith.addf %get3A_9, %get3A_14 : vector<1024x128xf32>
    %mul3A = arith.mulf %add3A, %get3A_1 : vector<1024x128xf32>
    %sub3A = arith.subf %get3A_4, %mul3A : vector<1024x128xf32>
    %swap3A = arith.constant 0 : index
    %swap3A_15 = arith.constant 0 : index
    %swap3A_16 = vector.load %arg4[%swap3A, %swap3A_15] : memref<1024x128xf32, #tpu.memory_space<vmem>>, vector<1024x128xf32>
    tpu.vector_store %arg4[%swap3A, %swap3A_15], %sub3A {strides = array<i32>} : memref<1024x128xf32, #tpu.memory_space<vmem>>, vector<1024x128xf32>,
    %mul3A_17 = arith.mulf %sub3A, %get3A_1 : vector<1024x128xf32>
    %swap3A_18 = arith.constant 0 : index
    %swap3A_19 = arith.constant 0 : index
    %swap3A_20 = vector.load %arg5[%swap3A_18, %swap3A_19] : memref<1024x128xf32, #tpu.memory_space<vmem>>, vector<1024x128xf32>
    tpu.vector_store %arg5[%swap3A_18, %swap3A_19], %mul3A_17 {strides = array<i32>} : memref<1024x128xf32, #tpu.memory_space<vmem>>, vector<1024x128xf32>,
    return
  }
  func.func @transform_0(%arg0: i32) -> (i32, i32) {
    %c0_i32 = arith.constant 0 : i32
    %c0_i32_0 = arith.constant 0 : i32
    return %arg0, %c0_i32 : i32, i32
  }
  func.func @transform_1(%arg0: i32) -> (i32, i32, i32) {
    %c0_i32 = arith.constant 0 : i32
    %c0_i32_0 = arith.constant 0 : i32
    %c0_i32_1 = arith.constant 0 : i32
    return %c0_i32, %arg0, %c0_i32_0 : i32, i32, i32
  }
  func.func @transform_2(%arg0: i32) -> (i32, i32) {
    %c0_i32 = arith.constant 0 : i32
    %c0_i32_0 = arith.constant 0 : i32
    return %arg0, %c0_i32 : i32, i32
  }
  func.func @transform_3(%arg0: i32) -> (i32, i32) {
    %c0_i32 = arith.constant 0 : i32
    %c0_i32_0 = arith.constant 0 : i32
    return %arg0, %c0_i32 : i32, i32
  }
  func.func @transform_4(%arg0: i32) -> (i32, i32) {
    %c0_i32 = arith.constant 0 : i32
    %c0_i32_0 = arith.constant 0 : i32
    return %arg0, %c0_i32 : i32, i32
  }
}

module attributes {stable_mosaic.version = 14 : i64} {
  func.func @_gout_body(%arg0: i32, %arg1: memref<2x1024x128xf32, #tpu.memory_space<vmem>>, %arg2: memref<1024x128xf32, #tpu.memory_space<vmem>>, %arg3: memref<128xf32, #tpu.memory_space<vmem>>, %arg4: memref<1024x128xf32, #tpu.memory_space<vmem>>) attributes {dimension_semantics = [#tpu.dimension_semantics<arbitrary>], iteration_bounds = array<i64: 10>, scalar_prefetch = 0 : i64, scratch_operands = 0 : i64, tpu.core_type = #tpu.core_type<tc>, window_params = [{transform_indices = @transform_0, window_bounds = array<i64: 2, 1024, 128>}, {transform_indices = @transform_1, window_bounds = array<i64: 1024, 128>}, {pipeline_mode = #tpu.pipeline_mode<synchronous>, transform_indices = @transform_2, window_bounds = array<i64: 128>}, {transform_indices = @transform_3, window_bounds = array<i64: 1024, 128>}]} {
    %get3A = arith.constant 0 : index
    %get3A_0 = arith.constant 0 : index
    %get3A_1 = arith.constant 0 : index
    %get3A_2 = vector.load %arg1[%get3A, %get3A_0, %get3A_1] : memref<2x1024x128xf32, #tpu.memory_space<vmem>>, vector<1x1024x128xf32>
    %get3A_3 = vector.shape_cast %get3A_2 : vector<1x1024x128xf32> to vector<1024x128xf32>
    %get3A_4 = arith.constant 1 : index
    %get3A_5 = arith.constant 0 : index
    %get3A_6 = arith.constant 0 : index
    %get3A_7 = vector.load %arg1[%get3A_4, %get3A_5, %get3A_6] : memref<2x1024x128xf32, #tpu.memory_space<vmem>>, vector<1x1024x128xf32>
    %get3A_8 = vector.shape_cast %get3A_7 : vector<1x1024x128xf32> to vector<1024x128xf32>
    %add3A = arith.addf %get3A_3, %get3A_8 : vector<1024x128xf32>
    %get3A_9 = arith.constant 0 : index
    %get3A_10 = arith.constant 0 : index
    %get3A_11 = vector.load %arg2[%get3A_9, %get3A_10] : memref<1024x128xf32, #tpu.memory_space<vmem>>, vector<1024x128xf32>
    %mul3A = arith.mulf %add3A, %get3A_11 : vector<1024x128xf32>
    %get3A_12 = arith.constant 0 : index
    %get3A_13 = vector.load %arg3[%get3A_12] : memref<128xf32, #tpu.memory_space<vmem>>, vector<128xf32>
    %broadcast_in_dim3A = vector.shape_cast %get3A_13 : vector<128xf32> to vector<1x128xf32>
    %add3A_14 = vector.broadcast %broadcast_in_dim3A : vector<1x128xf32> to vector<1024x128xf32>
    %add3A_15 = arith.addf %mul3A, %add3A_14 : vector<1024x128xf32>
    %swap3A = arith.constant 0 : index
    %swap3A_16 = arith.constant 0 : index
    %swap3A_17 = vector.load %arg4[%swap3A, %swap3A_16] : memref<1024x128xf32, #tpu.memory_space<vmem>>, vector<1024x128xf32>
    tpu.vector_store %arg4[%swap3A, %swap3A_16], %add3A_15 {strides = array<i32>} : memref<1024x128xf32, #tpu.memory_space<vmem>>, vector<1024x128xf32>,
    return
  }
  func.func @transform_0(%arg0: i32) -> (i32, i32, i32) {
    %c0_i32 = arith.constant 0 : i32
    %c0_i32_0 = arith.constant 0 : i32
    %c0_i32_1 = arith.constant 0 : i32
    return %c0_i32, %arg0, %c0_i32_0 : i32, i32, i32
  }
  func.func @transform_1(%arg0: i32) -> (i32, i32) {
    %c0_i32 = arith.constant 0 : i32
    %c0_i32_0 = arith.constant 0 : i32
    return %arg0, %c0_i32 : i32, i32
  }
  func.func @transform_2(%arg0: i32) -> i32 {
    %c0_i32 = arith.constant 0 : i32
    %c0_i32_0 = arith.constant 0 : i32
    return %c0_i32 : i32
  }
  func.func @transform_3(%arg0: i32) -> (i32, i32) {
    %c0_i32 = arith.constant 0 : i32
    %c0_i32_0 = arith.constant 0 : i32
    return %arg0, %c0_i32 : i32, i32
  }
}

module attributes {stable_mosaic.version = 14 : i64} {
  func.func @_band_body(%arg0: i32, %arg1: memref<1024x128xf32, #tpu.memory_space<vmem>>, %arg2: memref<1024x128xf32, #tpu.memory_space<vmem>>, %arg3: memref<2x1024x128xf32, #tpu.memory_space<vmem>>, %arg4: memref<1024x128xf32, #tpu.memory_space<vmem>>, %arg5: memref<640x128xf32, #tpu.memory_space<vmem>>, %arg6: memref<128xf32, #tpu.memory_space<vmem>>, %arg7: memref<128x128xf32, #tpu.memory_space<vmem>>, %arg8: memref<128xf32, #tpu.memory_space<vmem>>, %arg9: memref<1024x128xf32, #tpu.memory_space<vmem>>) attributes {dimension_semantics = [#tpu.dimension_semantics<arbitrary>], iteration_bounds = array<i64: 10>, scalar_prefetch = 0 : i64, scratch_operands = 0 : i64, tpu.core_type = #tpu.core_type<tc>, window_params = [{transform_indices = @transform_0, window_bounds = array<i64: 1024, 128>}, {transform_indices = @transform_1, window_bounds = array<i64: 1024, 128>}, {transform_indices = @transform_2, window_bounds = array<i64: 2, 1024, 128>}, {transform_indices = @transform_3, window_bounds = array<i64: 1024, 128>}, {pipeline_mode = #tpu.pipeline_mode<synchronous>, transform_indices = @transform_4, window_bounds = array<i64: 640, 128>}, {pipeline_mode = #tpu.pipeline_mode<synchronous>, transform_indices = @transform_5, window_bounds = array<i64: 128>}, {pipeline_mode = #tpu.pipeline_mode<synchronous>, transform_indices = @transform_6, window_bounds = array<i64: 128, 128>}, {pipeline_mode = #tpu.pipeline_mode<synchronous>, transform_indices = @transform_7, window_bounds = array<i64: 128>}, {transform_indices = @transform_8, window_bounds = array<i64: 1024, 128>}]} {
    %get3A = arith.constant 0 : index
    %get3A_0 = arith.constant 0 : index
    %get3A_1 = vector.load %arg2[%get3A, %get3A_0] : memref<1024x128xf32, #tpu.memory_space<vmem>>, vector<1024x128xf32>
    %get3A_2 = arith.constant 0 : index
    %get3A_3 = arith.constant 0 : index
    %get3A_4 = arith.constant 0 : index
    %get3A_5 = vector.load %arg3[%get3A_2, %get3A_3, %get3A_4] : memref<2x1024x128xf32, #tpu.memory_space<vmem>>, vector<1x1024x128xf32>
    %get3A_6 = vector.shape_cast %get3A_5 : vector<1x1024x128xf32> to vector<1024x128xf32>
    %get3A_7 = arith.constant 1 : index
    %get3A_8 = arith.constant 0 : index
    %get3A_9 = arith.constant 0 : index
    %get3A_10 = vector.load %arg3[%get3A_7, %get3A_8, %get3A_9] : memref<2x1024x128xf32, #tpu.memory_space<vmem>>, vector<1x1024x128xf32>
    %get3A_11 = vector.shape_cast %get3A_10 : vector<1x1024x128xf32> to vector<1024x128xf32>
    %add3A = arith.addf %get3A_6, %get3A_11 : vector<1024x128xf32>
    %get3A_12 = arith.constant 0 : index
    %get3A_13 = arith.constant 0 : index
    %get3A_14 = vector.load %arg4[%get3A_12, %get3A_13] : memref<1024x128xf32, #tpu.memory_space<vmem>>, vector<1024x128xf32>
    %mul3A = arith.mulf %add3A, %get3A_14 : vector<1024x128xf32>
    %sub3A = arith.subf %get3A_1, %mul3A : vector<1024x128xf32>
    %get3A_15 = arith.constant 0 : index
    %get3A_16 = arith.constant 0 : index
    %get3A_17 = vector.load %arg5[%get3A_15, %get3A_16] : memref<640x128xf32, #tpu.memory_space<vmem>>, vector<640x128xf32>
    %slice3A = vector.extract_strided_slice %get3A_17 {offsets = [0, 0], sizes = [128, 128], strides = [1, 1]} : vector<640x128xf32> to vector<128x128xf32>
    %mul3A_18 = arith.constant 3.000000e+00 : f32
    %mul3A_19 = vector.broadcast %mul3A_18 : f32 to vector<128x128xf32>
    %mul3A_20 = arith.mulf %mul3A_19, %slice3A : vector<128x128xf32>
    %slice3A_21 = vector.extract_strided_slice %get3A_17 {offsets = [0, 0], sizes = [128, 128], strides = [1, 1]} : vector<640x128xf32> to vector<128x128xf32>
    %mul3A_22 = arith.constant -3.000000e+00 : f32
    %mul3A_23 = vector.broadcast %mul3A_22 : f32 to vector<128x128xf32>
    %mul3A_24 = arith.mulf %mul3A_23, %slice3A_21 : vector<128x128xf32>
    %slice3A_25 = vector.extract_strided_slice %get3A_17 {offsets = [128, 0], sizes = [128, 128], strides = [1, 1]} : vector<640x128xf32> to vector<128x128xf32>
    %mul3A_26 = arith.constant 3.000000e+00 : f32
    %mul3A_27 = vector.broadcast %mul3A_26 : f32 to vector<128x128xf32>
    %mul3A_28 = arith.mulf %mul3A_27, %slice3A_25 : vector<128x128xf32>
    %add3A_29 = arith.addf %mul3A_24, %mul3A_28 : vector<128x128xf32>
    %slice3A_30 = vector.extract_strided_slice %get3A_17 {offsets = [384, 0], sizes = [128, 128], strides = [1, 1]} : vector<640x128xf32> to vector<128x128xf32>
    %add3A_31 = arith.addf %add3A_29, %slice3A_30 : vector<128x128xf32>
    %slice3A_32 = vector.extract_strided_slice %get3A_17 {offsets = [0, 0], sizes = [128, 128], strides = [1, 1]} : vector<640x128xf32> to vector<128x128xf32>
    %mul3A_33 = arith.constant 7.500000e-01 : f32
    %mul3A_34 = vector.broadcast %mul3A_33 : f32 to vector<128x128xf32>
    %mul3A_35 = arith.mulf %mul3A_34, %slice3A_32 : vector<128x128xf32>
    %slice3A_36 = vector.extract_strided_slice %get3A_17 {offsets = [128, 0], sizes = [128, 128], strides = [1, 1]} : vector<640x128xf32> to vector<128x128xf32>
    %mul3A_37 = arith.constant 1.500000e+00 : f32
    %mul3A_38 = vector.broadcast %mul3A_37 : f32 to vector<128x128xf32>
    %mul3A_39 = arith.mulf %mul3A_38, %slice3A_36 : vector<128x128xf32>
    %sub3A_40 = arith.subf %mul3A_35, %mul3A_39 : vector<128x128xf32>
    %slice3A_41 = vector.extract_strided_slice %get3A_17 {offsets = [256, 0], sizes = [128, 128], strides = [1, 1]} : vector<640x128xf32> to vector<128x128xf32>
    %mul3A_42 = arith.constant 7.500000e-01 : f32
    %mul3A_43 = vector.broadcast %mul3A_42 : f32 to vector<128x128xf32>
    %mul3A_44 = arith.mulf %mul3A_43, %slice3A_41 : vector<128x128xf32>
    %add3A_45 = arith.addf %sub3A_40, %mul3A_44 : vector<128x128xf32>
    %slice3A_46 = vector.extract_strided_slice %get3A_17 {offsets = [512, 0], sizes = [128, 128], strides = [1, 1]} : vector<640x128xf32> to vector<128x128xf32>
    %add3A_47 = arith.addf %add3A_45, %slice3A_46 : vector<128x128xf32>
    %get3A_48 = arith.constant 0 : index
    %get3A_49 = arith.constant 0 : index
    %get3A_50 = vector.load %arg1[%get3A_48, %get3A_49] : memref<1024x128xf32, #tpu.memory_space<vmem>>, vector<1024x128xf32>
    %dot_general3A = arith.constant dense<0.000000e+00> : vector<1024x128xf32>
    %dot_general3A_51 = tpu.matmul %get3A_50, %mul3A_20, %dot_general3A {dimension_numbers = #tpu.dot_dimension_numbers<[1], [0], [0], [1], [0, 0, 1, 1], [], []>, transpose_lhs_hint = false} : vector<1024x128xf32>, vector<128x128xf32>, vector<1024x128xf32> -> vector<1024x128xf32>
    %dot_general3A_52 = arith.constant dense<0.000000e+00> : vector<1024x128xf32>
    %dot_general3A_53 = tpu.matmul %get3A_1, %add3A_31, %dot_general3A_52 {dimension_numbers = #tpu.dot_dimension_numbers<[1], [0], [0], [1], [0, 0, 1, 1], [], []>, transpose_lhs_hint = false} : vector<1024x128xf32>, vector<128x128xf32>, vector<1024x128xf32> -> vector<1024x128xf32>
    %add3A_54 = arith.addf %dot_general3A_51, %dot_general3A_53 : vector<1024x128xf32>
    %dot_general3A_55 = arith.constant dense<0.000000e+00> : vector<1024x128xf32>
    %dot_general3A_56 = tpu.matmul %sub3A, %add3A_47, %dot_general3A_55 {dimension_numbers = #tpu.dot_dimension_numbers<[1], [0], [0], [1], [0, 0, 1, 1], [], []>, transpose_lhs_hint = false} : vector<1024x128xf32>, vector<128x128xf32>, vector<1024x128xf32> -> vector<1024x128xf32>
    %add3A_57 = arith.addf %add3A_54, %dot_general3A_56 : vector<1024x128xf32>
    %get3A_58 = arith.constant 0 : index
    %get3A_59 = vector.load %arg6[%get3A_58] : memref<128xf32, #tpu.memory_space<vmem>>, vector<128xf32>
    %broadcast_in_dim3A = vector.shape_cast %get3A_59 : vector<128xf32> to vector<1x128xf32>
    %add3A_60 = vector.broadcast %broadcast_in_dim3A : vector<1x128xf32> to vector<1024x128xf32>
    %add3A_61 = arith.addf %add3A_57, %add3A_60 : vector<1024x128xf32>
    %max3A = arith.constant 0.000000e+00 : f32
    %max3A_62 = vector.broadcast %max3A : f32 to vector<1024x128xf32>
    %max3A_63 = arith.maximumf %add3A_61, %max3A_62 : vector<1024x128xf32>
    %get3A_64 = arith.constant 0 : index
    %get3A_65 = arith.constant 0 : index
    %get3A_66 = vector.load %arg7[%get3A_64, %get3A_65] : memref<128x128xf32, #tpu.memory_space<vmem>>, vector<128x128xf32>
    %dot_general3A_67 = arith.constant dense<0.000000e+00> : vector<1024x128xf32>
    %dot_general3A_68 = tpu.matmul %max3A_63, %get3A_66, %dot_general3A_67 {dimension_numbers = #tpu.dot_dimension_numbers<[1], [0], [0], [1], [0, 0, 1, 1], [], []>, transpose_lhs_hint = false} : vector<1024x128xf32>, vector<128x128xf32>, vector<1024x128xf32> -> vector<1024x128xf32>
    %get3A_69 = arith.constant 0 : index
    %get3A_70 = vector.load %arg8[%get3A_69] : memref<128xf32, #tpu.memory_space<vmem>>, vector<128xf32>
    %broadcast_in_dim3A_71 = vector.shape_cast %get3A_70 : vector<128xf32> to vector<1x128xf32>
    %add3A_72 = vector.broadcast %broadcast_in_dim3A_71 : vector<1x128xf32> to vector<1024x128xf32>
    %add3A_73 = arith.addf %dot_general3A_68, %add3A_72 : vector<1024x128xf32>
    %swap3A = arith.constant 0 : index
    %swap3A_74 = arith.constant 0 : index
    %swap3A_75 = vector.load %arg9[%swap3A, %swap3A_74] : memref<1024x128xf32, #tpu.memory_space<vmem>>, vector<1024x128xf32>
    tpu.vector_store %arg9[%swap3A, %swap3A_74], %add3A_73 {strides = array<i32>} : memref<1024x128xf32, #tpu.memory_space<vmem>>, vector<1024x128xf32>,
    return
  }
  func.func @transform_0(%arg0: i32) -> (i32, i32) {
    %c0_i32 = arith.constant 0 : i32
    %c0_i32_0 = arith.constant 0 : i32
    return %arg0, %c0_i32 : i32, i32
  }
  func.func @transform_1(%arg0: i32) -> (i32, i32) {
    %c0_i32 = arith.constant 0 : i32
    %c0_i32_0 = arith.constant 0 : i32
    return %arg0, %c0_i32 : i32, i32
  }
  func.func @transform_2(%arg0: i32) -> (i32, i32, i32) {
    %c0_i32 = arith.constant 0 : i32
    %c0_i32_0 = arith.constant 0 : i32
    %c0_i32_1 = arith.constant 0 : i32
    return %c0_i32, %arg0, %c0_i32_0 : i32, i32, i32
  }
  func.func @transform_3(%arg0: i32) -> (i32, i32) {
    %c0_i32 = arith.constant 0 : i32
    %c0_i32_0 = arith.constant 0 : i32
    return %arg0, %c0_i32 : i32, i32
  }
  func.func @transform_4(%arg0: i32) -> (i32, i32) {
    %c0_i32 = arith.constant 0 : i32
    %c0_i32_0 = arith.constant 0 : i32
    %c0_i32_1 = arith.constant 0 : i32
    return %c0_i32, %c0_i32_0 : i32, i32
  }
  func.func @transform_5(%arg0: i32) -> i32 {
    %c0_i32 = arith.constant 0 : i32
    %c0_i32_0 = arith.constant 0 : i32
    return %c0_i32 : i32
  }
  func.func @transform_6(%arg0: i32) -> (i32, i32) {
    %c0_i32 = arith.constant 0 : i32
    %c0_i32_0 = arith.constant 0 : i32
    %c0_i32_1 = arith.constant 0 : i32
    return %c0_i32, %c0_i32_0 : i32, i32
  }
  func.func @transform_7(%arg0: i32) -> i32 {
    %c0_i32 = arith.constant 0 : i32
    %c0_i32_0 = arith.constant 0 : i32
    return %c0_i32 : i32
  }
  func.func @transform_8(%arg0: i32) -> (i32, i32) {
    %c0_i32 = arith.constant 0 : i32
    %c0_i32_0 = arith.constant 0 : i32
    return %arg0, %c0_i32 : i32, i32
  }
}

</mosaic_0001>

<sc_bundles>
// kernel: kernel.12.cloned.1.call-start
scs
__scs_entry_jumppad:
0x0: {  	(pc) =	sbr.rel $0x88, $3  }
0x1: {  	(tag) =	ssettag $0x0;
	lr =	simm.s32 $0x1  }
0x2: {  	[smem:$0x3F93] =	sst lr;
	_ =	strace $0xD0000000  }
0x3: {  	_ = 	snop  }
0x4: {  	_ = 	snop  }
0x5: {  	_ = 	snop  }
0x6: {  	_ = 	snop  }
0x7: {  	_ = 	snop  }
__scs_overlays_trampoline_lowered:
0x8: {  	[smem:$0x3FA2] =	sst s0  }
0x9: {  	[smem:$0x3FA3] =	sst s1  }
0xa: {  	[smem:$0x3FA4] =	sst s2  }
0xb: {  	[smem:$0x3FA5] =	sst s3  }
0xc: {  	[smem:$0x3FA6] =	sst s4  }
0xd: {  	[smem:$0x3FA7] =	sst s5  }
0xe: {  	[smem:$0x3FA8] =	sst s6  }
0xf: {  	[smem:$0x3FA9] =	sst s7  }
0x10: {  	[smem:$0x3FAA] =	sst s8  }
0x11: {  	[smem:$0x3FAB] =	sst s9;
	s0 =	simm.s32 @!p0 $0x0  }
0x12: {  	s1 =	sld [smem:$0x3F91];
	s0 =	simm.s32 @p0 $0x1  }
0x13: {  	[smem:$0x3FAC] =	sst s0;
	s0 =	simm.s32 @!p1 $0x0  }
0x14: {  	s2 =	sld [smem:$0x3F90];
	s0 =	simm.s32 @p1 $0x1  }
0x15: {  	[smem:$0x3FAD] =	sst s0;
	s0 =	simm.s32 @!p2 $0x0  }
0x16: {  	s3 =	sld [smem:$0x3FDB];
	s0 =	simm.s32 @p2 $0x1  }
0x17: {  	s4 =	simm.s32 $0x1BF5;
	[smem:$0x3FAF] =	sst s0  }
0x18: {  	s0 =	sld [smem:$0x3F92];
	_ =	swait.ge [sflag:s4], $0x0  }
0x19: {  	s7 =	sld [smem:$0x3F93]  }
0x1a: {  	s8 =	sadd.s32 $0xFFFFE003, lr  }
0x1b: {  	s9 =	sadd.s32 $0xFFFFFEF7, lr;
	s5 =	simm.s32 $0xFFFFFFFF;
	p2 =	slt.u32 s8, $0xFFFFF086  }
0x1c: {  	p1 =	slt.u32 s9, $0xF7A;
	s5 =	simm.s32 @!p2 $0x0  }
0x1d: {  	s5 =	simm.s32 @p1 $0x1;
	p0 =	seq.s32 s7, s2  }
0x1e: {  	s7 =	smul.u32 @!p0 $0xF7A, s2;
	p2 =	seq.s32 @!p0 s5, $0x0  }
0x1f: {  	s9 =	smul.u32 $0xF7A, s1;
	s8 =	simm.s32 @!p0 $0x1BF5;
	p2 =	por !p2, p0  }
0x20: {  	[sflag:s8] =	ssyncset.s32 @!p0 $0xFFFFF086;
	s6 =	sadd.s32 @!p0 s3, s7;
	s7 =	simm.s32 @!p0 $0x108  }
0x21: {  	s3 =	sadd.s32 s3, s9;
	s6 =	sadd.s32 @!p0 $0x88, s6;
	s7 =	simm.s32 @p2 $0x1082  }
0x22: {  	[simem:s7], [sflag:s8] =	dma.local @!p0 [hbm:s6], $0xF7A  }
0x23: {  	s9 =	sor.u32 $0xD0000000, s2;
	s6 =	simm.s32 $0x108;
	_ =	swait.ge @!p0 [sflag:s8], $0x0  }
0x24: {  	s3 =	sadd.s32 $0x88, s3;
	s6 =	simm.s32 @!p1 $0x1082;
	[sflag:s4] =	ssyncset.s32 $0xFFFFF086  }
0x25: {  	[simem:s6], [sflag:s4] =	dma.local [hbm:s3], $0xF7A  }
0x26: {  	[smem:$0x3F93] =	sst s1;
	(tag) =	ssettag s2;
	_ =	strace s9  }
0x27: {  	s1 =	sld [smem:$0x3FA3]  }
0x28: {  	s2 =	sld [smem:$0x3FA4]  }
0x29: {  	s4 =	sld [smem:$0x3FA6]  }
0x2a: {  	p0 =	seq.s32 s5, $0x0;
	s5 =	sld [smem:$0x3FA7]  }
0x2b: {  	s6 =	sld [smem:$0x3FA8]  }
0x2c: {  	s7 =	sld [smem:$0x3FA9]  }
0x2d: {  	s3 =	simm.s32 $0x108;
	s8 =	sld [smem:$0x3FAA]  }
0x2e: {  	s3 =	simm.s32 @!p0 $0x1082;
	s9 =	sld [smem:$0x3FAB]  }
0x2f: {  	lr =	sadd.s32 s0, s3;
	s0 =	sld [smem:$0x3FA2]  }
0x30: {  	s3 =	sld [smem:$0x3FA5]  }
0x31: {  	[smem:$0x3FAE] =	sst s10  }
0x32: {  	s10 =	sld [smem:$0x3FAC];
	_ =	sdelay $0x3  }
0x33: {  	p0 =	seq.s32 s10, $0x1;
	s10 =	sld [smem:$0x3FAE];
	_ =	sdelay $0x3  }
0x34: {  	[smem:$0x3FAE] =	sst s10  }
0x35: {  	s10 =	sld [smem:$0x3FAD];
	_ =	sdelay $0x3  }
0x36: {  	p1 =	seq.s32 s10, $0x1;
	s10 =	sld [smem:$0x3FAE];
	_ =	sdelay $0x3  }
0x37: {  	[smem:$0x3FAE] =	sst s10  }
0x38: {  	s10 =	sld [smem:$0x3FAF]  }
0x39: {  	_ = 	snop;
	(pc) =	sbr.ind lr, $3  }
0x3a: {  	_ = 	snop  }
0x3b: {  	_ = 	snop  }
0x3c: {  	p2 =	seq.s32 s10, $0x1;
	s10 =	sld [smem:$0x3FAE]  }
0x3d: {  	_ =	shalt  }
0x3e: {  	_ =	shalt  }
0x3f: {  	_ =	shalt  }
0x40: {  	_ =	shalt  }
0x41: {  	_ =	shalt  }
0x42: {  	_ =	shalt  }
0x43: {  	_ =	shalt  }
0x44: {  	_ =	shalt  }
0x45: {  	_ =	shalt  }
0x46: {  	_ =	shalt  }
0x47: {  	_ =	shalt  }
0x48: {  	_ =	shalt  }
0x49: {  	_ =	shalt  }
0x4a: {  	_ =	shalt  }
0x4b: {  	_ =	shalt  }
0x4c: {  	_ =	shalt  }
0x4d: {  	_ =	shalt  }
0x4e: {  	_ =	shalt  }
0x4f: {  	_ =	shalt  }
0x50: {  	_ =	shalt  }
0x51: {  	_ =	shalt  }
0x52: {  	_ =	shalt  }
0x53: {  	_ =	shalt  }
0x54: {  	_ =	shalt  }
0x55: {  	_ =	shalt  }
0x56: {  	_ =	shalt  }
0x57: {  	_ =	shalt  }
0x58: {  	_ =	shalt  }
0x59: {  	_ =	shalt  }
0x5a: {  	_ =	shalt  }
0x5b: {  	_ =	shalt  }
0x5c: {  	_ =	shalt  }
0x5d: {  	_ =	shalt  }
0x5e: {  	_ =	shalt  }
0x5f: {  	_ =	shalt  }
0x60: {  	_ =	shalt  }
0x61: {  	_ =	shalt  }
0x62: {  	_ =	shalt  }
0x63: {  	_ =	shalt  }
0x64: {  	_ =	shalt  }
0x65: {  	_ =	shalt  }
0x66: {  	_ =	shalt  }
0x67: {  	_ =	shalt  }
0x68: {  	_ =	shalt  }
0x69: {  	_ =	shalt  }
0x6a: {  	_ =	shalt  }
0x6b: {  	_ =	shalt  }
0x6c: {  	_ =	shalt  }
0x6d: {  	_ =	shalt  }
0x6e: {  	_ =	shalt  }
0x6f: {  	_ =	shalt  }
0x70: {  	_ =	shalt  }
0x71: {  	_ =	shalt  }
0x72: {  	_ =	shalt  }
0x73: {  	_ =	shalt  }
0x74: {  	_ =	shalt  }
0x75: {  	_ =	shalt  }
0x76: {  	_ =	shalt  }
0x77: {  	_ =	shalt  }
0x78: {  	_ =	shalt  }
0x79: {  	_ =	shalt  }
0x7a: {  	_ =	shalt  }
0x7b: {  	_ =	shalt  }
0x7c: {  	_ =	shalt  }
0x7d: {  	_ =	shalt  }
0x7e: {  	_ =	shalt  }
0x7f: {  	_ =	shalt  }
0x80: {  	_ =	shalt  }
0x81: {  	_ =	shalt  }
0x82: {  	_ =	shalt  }
0x83: {  	_ =	shalt  }
0x84: {  	_ =	shalt  }
0x85: {  	_ =	shalt  }
0x86: {  	_ =	shalt  }
0x87: {  	_ =	shalt  }
.Lfunc_end0:
.L_simem_size_0:
called_computation_lowered:
.L_overlay_start_0:
0x88: {  	s2 =	sld [smem:$0x3FD9]  }
0x89: {  	s3 =	sld [smem:$0x3FFE];
	_ =	sdelay $0x1  }
0x8a: {  	s1 =	srdreg.scid  }
0x8b: {  	s0 =	sand.u32 $0x1, s1  }
0x8c: {  	s14 =	sshll.u32 s0, $0xA;
	s2 =	sadd.s32 s3, s2  }
0x8d: {  	s2 =	sadd.s32 s2, s14  }
0x8e: {  	[smem:$0x3FBA] =	sst s2  }
0x8f: {  	_ = 	snop  }
0x90: {  	s2 =	sld [smem:$0x3FD0];
	_ =	sdelay $0x2  }
0x91: {  	s15 =	simm.s32 $0xB;
	s4 =	simm.s32 $0x10  }
0x92: {  	[smem:s4], [sflag:s15] =	dma.local [hbm:s2], $0x1  }
0x93: {  	_ =	swait.eq [sflag:s15], $0x1  }
0x94: {  	[sflag:s15] =	ssyncset.done $0x0  }
0x95: {  	s16 =	sld [smem:$0x10];
	[sflag:s15] =	ssyncadd.s32 $0xFFFFFFFF  }
0x96: {  	s17 =	sld [smem:$0x11];
	(tm) =	ssettm $0x1  }
0x97: {  	s18 =	sld [smem:$0x3FFB];
	_ =	sdelay $0x3  }
0x98: {  	_ =	strace s18  }
0x99: {  	s4 =	sld [smem:$0x3FFC];
	_ =	sdelay $0x3  }
0x9a: {  	_ =	strace s4  }
0x9b: {  	s4 =	sld [smem:$0x3FFD];
	_ =	sdelay $0x3  }
0x9c: {  	_ =	strace s4  }
0x9d: {  	_ =	strace $0x8FFFFFFF  }
0x9e: {  	s19 =	sld [smem:$0x3FDB];
	_ =	sdelay $0x1  }
0x9f: {  	s5 =	simm.s32 $_scs_section_size  }
0xa0: {  	s6 =	simm.s32 $_size__tile_overlayer_lowered;
	s7 =	simm.s32 $_tile_overlayer_lowered  }
0xa1: {  	s22 =	simm.s32 $0x1BFF;
	s21 =	sshll.u32 s7, $0x1;
	s4 =	sadd.s32 s5, s19  }
0xa2: {  	s8 =	simm.s32 $0x0;
	s20 =	sshll.u32 s6, $0x1;
	s6 =	sadd.s32 s21, s4  }
0xa3: {  	[timem:s8], [sflag:s22] =	dma.local [hbm:s6], s20  }
0xa4: {  	_ =	swait.ge [sflag:s22], s20  }
0xa5: {  	s5 =	ssub.s32 $0x0, s20;
	[sflag:s22] =	ssyncset.done $0x0  }
0xa6: {  	[sflag:s22] =	ssyncadd.s32 s5;
	_ =	sdelay $0x1  }
0xa7: {  	s23 =	simm.s32 $0x1B8B  }
0xa8: {  	_ =	swait.ge [sflag:s23], $0x1  }
0xa9: {  	[sflag:s23] =	ssyncset.done $0x0  }
0xaa: {  	s25 =	simm.s32 $0x1B8E;
	s24 =	sld [smem:$0x3FFE];
	[sflag:s23] =	ssyncadd.s32 $0xFFFFFFFF  }
0xab: {  	s26 =	simm.s32 $execute0_lowered;
	[smem:$0x3FD2] =	sst s25  }
0xac: {  	s6 =	sshll.u32 s26, $0x1;
	_ =	strace $0x80000046;
	[dreg:$0x1] =	wrdreg $0xFFFFFFFF  }
0xad: {  	s28 =	simm.s32 $_size_execute0_lowered;
	s4 =	sadd.s32 s4, s6;
	[dreg:$0x0] =	wrdreg $0x0  }
0xae: {  	s6 =	sshll.u32 s28, $0x1;
	[dreg:$0x2] =	wrdreg s4  }
0xaf: {  	[dreg:$0x3] =	wrdreg s6  }
0xb0: {  	[dreg:$0x4] =	wrdreg $0xC0  }
0xb1: {  	_ =	task [dreg:s8], $0x5FFFF  }
0xb2: {  	[dreg:$0x1] =	wrdreg $0xFFFFFFFF  }
0xb3: {  	[dreg:$0x0] =	wrdreg $0x60  }
0xb4: {  	[dreg:$0x2] =	wrdreg s24  }
0xb5: {  	[dreg:$0x3] =	wrdreg s16  }
0xb6: {  	[dreg:$0x4] =	wrdreg s17  }
0xb7: {  	[dreg:$0x5] =	wrdreg $0xA4000  }
0xb8: {  	[dreg:$0x6] =	wrdreg $0xCC000  }
0xb9: {  	[dreg:$0x7] =	wrdreg $0xF4000  }
0xba: {  	[dreg:$0x8] =	wrdreg $0x9  }
0xbb: {  	_ =	task.clear_ibuf [dreg:s8], $0x9FFFF;
	_ =	strace $0x90000046  }
0xbc: {  	s29 =	simm.s32 $0x9;
	_ =	strace $0x80000048  }
0xbd: {  	_ =	swait.ge [sflag:s29], $0x1  }
0xbe: {  	[sflag:s29] =	ssyncadd.s32 $0xFFFFFFFF  }
0xbf: {  	_ =	strace $0x90000048  }
0xc0: {  	_ =	sfence  }
0xc1: {  	s30 =	sld [smem:$0x0];
	_ =	sdelay $0x2  }
0xc2: {  	s31 =	sshll.u32 s1, $0xD;
	s1 =	sshrl.u32 s1, $0x2  }
0xc3: {  	s3 =	sand.u32 $0x4000, s31;
	s1 =	sadd.s32 s1, s30  }
0xc4: {  	s0 =	sor.u32 s3, s0;
	s1 =	sshll.u32 s1, $0x11  }
0xc5: {  	s0 =	sor.u32 s1, s0  }
0xc6: {  	s0 =	sadd.s32 $0x8F2B, s0  }
0xc7: {  	[sflag:s0] =	ssyncadd.remote.s32 $0x1  }
0xc8: {  	_ =	sfence.sel $0xFFFF  }
0xc9: {  	[dreg:$0x0] =	wrdreg $0xFFFFFFFF;
	(pc) =	sbr.abs _section_cstart, $3  }
0xca: {  	[dreg:$0x1] =	wrdreg $0xFFFFFFFF  }
0xcb: {  	_ =	task.clear_ibuf [dreg:s8], $0x2FFFF;
	_ =	strace $0x9FFFFFFF  }
0xcc: {  	(tm) =	ssettm $0x7FFFFFFF  }
0xcd: {  	_ =	shalt  }
tec
execute0_lowered:
.L_overlay_start_1:
0x0: {  	(tag) =	ssettag $0x1  }
0x1: {  	s22 =	stileid.u32  }
0x2: {  	s5 =	rddreg [dreg:$0x3];
	s8 =	smul.u32 $0x2800, s22  }
0x3: {  	s0 =	srdreg.scid;
	s6 =	rddreg [dreg:$0x4]  }
0x4: {  	s3 =	rddreg [dreg:$0x5];
	s1 =	sand.u32 $0x1, s0;
	s13 =	sadd.s32 s8, s5  }
0x5: {  	s4 =	smul.u32 $0x280, s22;
	s14 =	sadd.s32 s8, s6;
	[dreg:$0x7] =	wrdreg s13  }
0x6: {  	s0 =	smul.u32 $0x7800, s1;
	s15 =	sadd.s32 s8, s3;
	[dreg:$0x8] =	wrdreg s14  }
0x7: {  	s16 =	sadd.s32 s4, s5;
	s8 =	sadd.s32 $0x5000, s4;
	[dreg:$0x9] =	wrdreg s15  }
0x8: {  	s9 =	sadd.s32 $0x7800, s4;
	[dreg:$0xa] =	wrdreg s16;
	s10 =	sadd.s32 s8, s5  }
0x9: {  	s7 =	ssub.s32 $0x2, s1;
	s18 =	sadd.s32 s9, s5;
	[dreg:$0xc] =	wrdreg s10  }
0xa: {  	s12 =	sshrl.u32 s7, $0x1;
	s25 =	sadd.s32 s8, s6;
	[dreg:$0xd] =	wrdreg s18  }
0xb: {  	s2 =	sadd.s32 s4, s0;
	s26 =	sadd.s32 s9, s6;
	[dreg:$0x1c] =	wrdreg s25  }
0xc: {  	s0 =	ssub.s32 s7, s12;
	s8 =	sadd.s32 s8, s3;
	[dreg:$0x1d] =	wrdreg s26  }
0xd: {  	s7 =	sadd.s32 $0x2800, s4;
	s9 =	sadd.s32 s9, s3;
	[smem:$0x7EC] =	sst s8  }
0xe: {  	s12 =	sadd.s32 $0xF000, s4;
	s17 =	sadd.s32 s7, s5;
	[smem:$0x7ED] =	sst s9  }
0xf: {  	s15 =	sadd.s32 $0x16800, s4;
	s19 =	sadd.s32 s12, s5;
	[dreg:$0xb] =	wrdreg s17  }
0x10: {  	s20 =	sadd.s32 s15, s5;
	[dreg:$0x10] =	wrdreg s19  }
0x11: {  	s24 =	sadd.s32 s7, s6;
	[dreg:$0x13] =	wrdreg s20  }
0x12: {  	s10 =	sadd.s32 $0xA000, s4;
	s7 =	sadd.s32 s7, s3;
	[dreg:$0x1b] =	wrdreg s24  }
0x13: {  	s18 =	sadd.s32 $0x1E000, s4;
	s11 =	sadd.s32 s10, s5;
	[smem:$0x7EB] =	sst s7  }
0x14: {  	s21 =	sadd.s32 s18, s5;
	[dreg:$0xe] =	wrdreg s11  }
0x15: {  	s28 =	sadd.s32 s10, s6;
	[dreg:$0x16] =	wrdreg s21  }
0x16: {  	s24 =	sadd.s32 s12, s6;
	[dreg:$0x1e] =	wrdreg s28  }
0x17: {  	s10 =	sadd.s32 s10, s3;
	[smem:$0x7E0] =	sst s24  }
0x18: {  	s12 =	sadd.s32 s12, s3;
	[smem:$0x7EE] =	sst s10  }
0x19: {  	s11 =	sadd.s32 $0xC800, s4;
	s28 =	sadd.s32 s15, s6;
	[smem:$0x7F0] =	sst s12  }
0x1a: {  	s13 =	sadd.s32 s11, s5;
	[smem:$0x7E3] =	sst s28  }
0x1b: {  	s15 =	sadd.s32 s15, s3;
	[dreg:$0xf] =	wrdreg s13;
	s13 =	sadd.s32 $0x11800, s4  }
0x1c: {  	[smem:$0x7F3] =	sst s15;
	s14 =	sadd.s32 s13, s5  }
0x1d: {  	s25 =	sadd.s32 s13, s6;
	[dreg:$0x11] =	wrdreg s14  }
0x1e: {  	s13 =	sadd.s32 s13, s3;
	[smem:$0x7E1] =	sst s25  }
0x1f: {  	s25 =	sadd.s32 s18, s6;
	[smem:$0x7F1] =	sst s13  }
0x20: {  	s14 =	sor.u32 $0x14000, s4;
	s18 =	sadd.s32 s18, s3;
	[smem:$0x7E6] =	sst s25  }
0x21: {  	s16 =	sadd.s32 s14, s5;
	[smem:$0x7F6] =	sst s18  }
0x22: {  	s26 =	sadd.s32 s14, s6;
	[dreg:$0x12] =	wrdreg s16;
	s16 =	sadd.s32 $0x19000, s4  }
0x23: {  	[smem:$0x7E2] =	sst s26;
	s17 =	sadd.s32 s16, s5  }
0x24: {  	s14 =	sadd.s32 s14, s3;
	[dreg:$0x14] =	wrdreg s17;
	s17 =	sadd.s32 $0x1B800, s4  }
0x25: {  	[smem:$0x7F2] =	sst s14;
	s19 =	sadd.s32 s17, s5  }
0x26: {  	s24 =	sadd.s32 s17, s6;
	[dreg:$0x15] =	wrdreg s19  }
0x27: {  	s17 =	sadd.s32 s17, s3;
	[smem:$0x7E5] =	sst s24  }
0x28: {  	s19 =	sadd.s32 $0x20800, s4;
	[smem:$0x7F5] =	sst s17  }
0x29: {  	s24 =	smul.u32 $0x4F0, s22;
	s22 =	rddreg [dreg:$0x1];
	s20 =	sadd.s32 s19, s5  }
0x2a: {  	s31 =	simm.s32 $0x180;
	s26 =	sadd.s32 s19, s6;
	[dreg:$0x17] =	wrdreg s20  }
0x2b: {  	s1 =	smul.u32 $0x4F00, s1;
	s19 =	sadd.s32 s19, s3;
	[smem:$0x7E7] =	sst s26  }
0x2c: {  	s20 =	sadd.s32 $0x23000, s4;
	[smem:$0x7F7] =	sst s19;
	s19 =	simm.s32 $0x0  }
0x2d: {  	s21 =	sadd.s32 $0x25800, s4;
	s23 =	sadd.s32 s20, s5;
	[smem:$0x7FF] =	sst s19  }
0x2e: {  	s2 =	sshrl.u32 s2, $0x3;
	s5 =	sadd.s32 s21, s5;
	[dreg:$0x18] =	wrdreg s23  }
0x2f: {  	s0 =	smax.u32 s0, $0x1;
	s28 =	sadd.s32 s20, s6;
	[dreg:$0x19] =	wrdreg s5  }
0x30: {  	s8 =	simm.s32 $0x8380;
	s20 =	sadd.s32 s20, s3;
	[smem:$0x7E8] =	sst s28  }
0x31: {  	s9 =	simm.s32 $0x8600;
	s23 =	sadd.s32 s4, s6;
	[smem:$0x7F8] =	sst s20  }
0x32: {  	s7 =	simm.s32 $0x8100;
	s4 =	sadd.s32 s4, s3;
	[dreg:$0x1a] =	wrdreg s23  }
0x33: {  	s10 =	simm.s32 $0x8880;
	s23 =	sadd.s32 s11, s6;
	[smem:$0x7EA] =	sst s4  }
0x34: {  	s12 =	simm.s32 $0x8D80;
	s11 =	sadd.s32 s11, s3;
	[dreg:$0x1f] =	wrdreg s23  }
0x35: {  	s23 =	sadd.s32 s16, s6;
	s6 =	sadd.s32 s21, s6;
	[smem:$0x7EF] =	sst s11  }
0x36: {  	s16 =	sadd.s32 s16, s3;
	s3 =	sadd.s32 s21, s3;
	s21 =	rddreg [dreg:$0x0]  }
0x37: {  	s15 =	simm.s32 $0x9500;
	s13 =	simm.s32 $0x9000;
	[smem:$0x7E4] =	sst s23  }
0x38: {  	s18 =	simm.s32 $0x9C80;
	s14 =	simm.s32 $0x9280;
	[smem:$0x7E9] =	sst s6  }
0x39: {  	s17 =	simm.s32 $0x9A00;
	s5 =	simm.s32 $0x7C00;
	[smem:$0x7F4] =	sst s16  }
0x3a: {  	s20 =	simm.s32 $0x9F00;
	s4 =	simm.s32 $0x100;
	[smem:$0x7F9] =	sst s3  }
0x3b: {  	s11 =	simm.s32 $0x8B00;
	s2 =	sadd.s32 s2, s21;
	s23 =	rddreg [dreg:$0x2]  }
0x3c: {  	s3 =	sadd.s32 s1, s21;
	s6 =	simm.s32 $0x7E80;
	s16 =	simm.s32 $0x9780  }
0x3d: {  	s21 =	simm.s32 $0x0;
	s1 =	sadd.s32 s1, s23;
	s25 =	sadd.s32 s24, s3  }
0x3e: {  	_ =	strace $0x80000047;
	s26 =	sadd.s32 $0x19200, s2;
	[smem:$0x7FD] =	sst s0  }
0x3f: {  	s28 =	sadd.s32 $0x19700, s2;
	s2 =	sadd.s32 $0x19C00, s2;
	[smem:$0x7FA] =	sst s26  }
0x40: {  	s0 =	simm.s32 $0x1;
	s3 =	simm.s32 $0x80;
	[smem:$0x7FB] =	sst s28  }
0x41: {  	s23 =	sadd.s32 s24, s1;
	[smem:$0x7FC] =	sst s2;
	s29 =	sadd.s32 $0xF400, s25  }
0x42: {  	v0 =	vimm.f32 $1.000000000e+00;
	s30 =	sadd.s32 $0x5600, s25;
	s1 =	simm.s32 $0x2980;
	s2 =	simm.s32 $0x5180  }
.LBB2_1:
0x43: {  	[tilespmem:s31], [sflag:$0x1] =	stream.linear.gather [hbm4b:s22+s19], $0x2800, $0x38;
	[tilespmem:$0x11C00] =	vst v63  }
0x44: {  	_ =	swait.ge [sflag:s0], $0x2800  }
0x45: {  	[sflag:s0] =	ssyncset.done $0x0  }
0x46: {  	[sflag:s0] =	ssyncadd.s32 $0xFFFFD800  }
0x47: {  	[tilespmem:s1], [sflag:$0x1] =	stream.linear.gather [hbm4b:s22+s19], $0x2800, $0x38;
	[tilespmem:$0x11C00] =	vst v63  }
0x48: {  	_ =	swait.ge [sflag:s0], $0x2800  }
0x49: {  	[sflag:s0] =	ssyncset.done $0x0  }
0x4a: {  	[sflag:s0] =	ssyncadd.s32 $0xFFFFD800  }
0x4b: {  	[tilespmem:s2], [sflag:$0x1] =	stream.linear.gather [hbm4b:s22+s19], $0x2800, $0x38;
	[tilespmem:$0x11C00] =	vst v63  }
0x4c: {  	_ =	swait.ge [sflag:s0], $0x2800  }
0x4d: {  	[sflag:s0] =	ssyncset.done $0x0  }
0x4e: {  	s24 =	simm.s32 $0x0;
	[sflag:s0] =	ssyncadd.s32 $0xFFFFD800  }
.LBB2_2:
0x4f: {  	s25 =	sadd.s32 s24, s30  }
0x50: {  	[tilespmem:s19], [sflag:$0x1] =	stream.linear.gather [hbm4b:s25+s19], $0x80, $0x38;
	[tilespmem:$0x11C00] =	vst v63  }
0x51: {  	_ =	swait.ge [sflag:s0], $0x80  }
0x52: {  	[sflag:s0] =	ssyncset.done $0x0  }
0x53: {  	s26 =	sadd.s32 s24, s29;
	[sflag:s0] =	ssyncadd.s32 $0xFFFFFF80  }
0x54: {  	[tilespmem:s3], [sflag:$0x1] =	stream.linear.gather [hbm4b:s26+s19], $0x80, $0x38;
	[tilespmem:$0x11C00] =	vst v63  }
0x55: {  	_ =	swait.ge [sflag:s0], $0x80  }
0x56: {  	[sflag:s0] =	ssyncset.done $0x0  }
0x57: {  	[sflag:s0] =	ssyncadd.s32 $0xFFFFFF80  }
0x58: {  	v1 =	vld [tilespmem:$0x0]  }
0x59: {  	v2 =	vld [tilespmem:$0x80];
	_ =	sdelay $0x4  }
0x5a: {  	vm0 =	veq.s32 v1, v2  }
0x5b: {  	v1 =	vsel vm0, $0x2710, v1  }
0x5c: {  	v3 =	vsel vm0, $0x2710, v2;
	_ =	sdelay $0x1  }
0x5d: {  	[tilespmem:$0x100] =	vst v3  }
0x5e: {  	[tilespmem:v2+s31+$0x0] =	vst.idx.add.f32.msk $0xffff, v0  }
0x5f: {  	[tilespmem:v1+s1+$0x0] =	vst.idx.add.f32.msk $0xffff, v0  }
0x60: {  	[tilespmem:v3+s2+$0x0] =	vst.idx.add.f32.msk $0xffff, v0  }
0x61: {  	v1 =	vld [tilespmem:$0x10]  }
0x62: {  	v2 =	vld [tilespmem:$0x90];
	_ =	sdelay $0x4  }
0x63: {  	vm9 =	veq.s32 v1, v2  }
0x64: {  	v1 =	vsel vm9, $0x2710, v1  }
0x65: {  	v3 =	vsel vm9, $0x2710, v2;
	_ =	sdelay $0x1  }
0x66: {  	[tilespmem:$0x110] =	vst v3  }
0x67: {  	[tilespmem:v2+s31+$0x0] =	vst.idx.add.f32.msk $0xffff, v0  }
0x68: {  	[tilespmem:v1+s1+$0x0] =	vst.idx.add.f32.msk $0xffff, v0  }
0x69: {  	[tilespmem:v3+s2+$0x0] =	vst.idx.add.f32.msk $0xffff, v0  }
0x6a: {  	v1 =	vld [tilespmem:$0x20]  }
0x6b: {  	v2 =	vld [tilespmem:$0xA0];
	_ =	sdelay $0x4  }
0x6c: {  	vm10 =	veq.s32 v1, v2  }
0x6d: {  	v1 =	vsel vm10, $0x2710, v1  }
0x6e: {  	v3 =	vsel vm10, $0x2710, v2;
	_ =	sdelay $0x1  }
0x6f: {  	[tilespmem:$0x120] =	vst v3  }
0x70: {  	[tilespmem:v2+s31+$0x0] =	vst.idx.add.f32.msk $0xffff, v0  }
0x71: {  	[tilespmem:v1+s1+$0x0] =	vst.idx.add.f32.msk $0xffff, v0  }
0x72: {  	[tilespmem:v3+s2+$0x0] =	vst.idx.add.f32.msk $0xffff, v0  }
0x73: {  	v1 =	vld [tilespmem:$0x30]  }
0x74: {  	v2 =	vld [tilespmem:$0xB0];
	_ =	sdelay $0x4  }
0x75: {  	vm11 =	veq.s32 v1, v2  }
0x76: {  	v1 =	vsel vm11, $0x2710, v1  }
0x77: {  	v3 =	vsel vm11, $0x2710, v2;
	_ =	sdelay $0x1  }
0x78: {  	[tilespmem:$0x130] =	vst v3  }
0x79: {  	[tilespmem:v2+s31+$0x0] =	vst.idx.add.f32.msk $0xffff, v0  }
0x7a: {  	[tilespmem:v1+s1+$0x0] =	vst.idx.add.f32.msk $0xffff, v0  }
0x7b: {  	[tilespmem:v3+s2+$0x0] =	vst.idx.add.f32.msk $0xffff, v0  }
0x7c: {  	v1 =	vld [tilespmem:$0x40]  }
0x7d: {  	v2 =	vld [tilespmem:$0xC0];
	_ =	sdelay $0x4  }
0x7e: {  	vm12 =	veq.s32 v1, v2  }
0x7f: {  	v1 =	vsel vm12, $0x2710, v1  }
0x80: {  	v3 =	vsel vm12, $0x2710, v2;
	_ =	sdelay $0x1  }
0x81: {  	[tilespmem:$0x140] =	vst v3  }
0x82: {  	[tilespmem:v2+s31+$0x0] =	vst.idx.add.f32.msk $0xffff, v0  }
0x83: {  	[tilespmem:v1+s1+$0x0] =	vst.idx.add.f32.msk $0xffff, v0  }
0x84: {  	[tilespmem:v3+s2+$0x0] =	vst.idx.add.f32.msk $0xffff, v0  }
0x85: {  	v1 =	vld [tilespmem:$0x50]  }
0x86: {  	v2 =	vld [tilespmem:$0xD0];
	_ =	sdelay $0x4  }
0x87: {  	vm13 =	veq.s32 v1, v2  }
0x88: {  	v1 =	vsel vm13, $0x2710, v1  }
0x89: {  	v3 =	vsel vm13, $0x2710, v2;
	_ =	sdelay $0x1  }
0x8a: {  	[tilespmem:$0x150] =	vst v3  }
0x8b: {  	[tilespmem:v2+s31+$0x0] =	vst.idx.add.f32.msk $0xffff, v0  }
0x8c: {  	[tilespmem:v1+s1+$0x0] =	vst.idx.add.f32.msk $0xffff, v0  }
0x8d: {  	[tilespmem:v3+s2+$0x0] =	vst.idx.add.f32.msk $0xffff, v0  }
0x8e: {  	v1 =	vld [tilespmem:$0x60]  }
0x8f: {  	v2 =	vld [tilespmem:$0xE0];
	_ =	sdelay $0x4  }
0x90: {  	vm14 =	veq.s32 v1, v2  }
0x91: {  	v1 =	vsel vm14, $0x2710, v1  }
0x92: {  	v3 =	vsel vm14, $0x2710, v2;
	_ =	sdelay $0x1  }
0x93: {  	[tilespmem:$0x160] =	vst v3  }
0x94: {  	[tilespmem:v2+s31+$0x0] =	vst.idx.add.f32.msk $0xffff, v0  }
0x95: {  	[tilespmem:v1+s1+$0x0] =	vst.idx.add.f32.msk $0xffff, v0  }
0x96: {  	[tilespmem:v3+s2+$0x0] =	vst.idx.add.f32.msk $0xffff, v0  }
0x97: {  	v1 =	vld [tilespmem:$0x70]  }
0x98: {  	v2 =	vld [tilespmem:$0xF0];
	_ =	sdelay $0x4  }
0x99: {  	vm15 =	veq.s32 v1, v2  }
0x9a: {  	v1 =	vsel vm15, $0x2710, v1  }
0x9b: {  	v3 =	vsel vm15, $0x2710, v2;
	_ =	sdelay $0x1  }
0x9c: {  	[tilespmem:$0x170] =	vst v3  }
0x9d: {  	[tilespmem:v2+s31+$0x0] =	vst.idx.add.f32.msk $0xffff, v0  }
0x9e: {  	p0 =	sne.s32 s24, $0x4E0;
	[tilespmem:v1+s1+$0x0] =	vst.idx.add.f32.msk $0xffff, v0  }
.Ltmp0:
0x9f: {  	s28 =	sadd.s32 s24, s23;
	[tilespmem:v3+s2+$0x0] =	vst.idx.add.f32.msk $0xffff, v0;
	(pc) =	sbr.rel @p0 .LBB2_2-.Ltmp0, $4  }
0xa0: {  	[hbm4b:s28+s19] =	stream.linear.scatter [tilespmem:s4], [sflag:$0x1], $0x80, $0x38;
	[tilespmem:$0x11C00] =	vst v63  }
0xa1: {  	_ =	swait.ge [sflag:s0], $0x80  }
0xa2: {  	[sflag:s0] =	ssyncset.done $0x0  }
0xa3: {  	s24 =	sadd.s32 $0x10, s24;
	[sflag:s0] =	ssyncadd.s32 $0xFFFFFF80  }
0xa4: {  	s24 =	rddreg [dreg:$0x7]  }
0xa5: {  	[spmem:s24] =	stream.linear.scatter [tilespmem:s31], [sflag:$0x1], $0x2800, $0x38;
	[tilespmem:$0x11C00] =	vst v63  }
0xa6: {  	_ =	swait.ge [sflag:s0], $0x2800  }
0xa7: {  	[sflag:s0] =	ssyncset.done $0x0  }
0xa8: {  	s26 =	rddreg [dreg:$0x8];
	[sflag:s0] =	ssyncadd.s32 $0xFFFFD800  }
0xa9: {  	[spmem:s26] =	stream.linear.scatter [tilespmem:s1], [sflag:$0x1], $0x2800, $0x38;
	[tilespmem:$0x11C00] =	vst v63  }
0xaa: {  	_ =	swait.ge [sflag:s0], $0x2800  }
0xab: {  	[sflag:s0] =	ssyncset.done $0x0  }
0xac: {  	s25 =	rddreg [dreg:$0x9];
	[sflag:s0] =	ssyncadd.s32 $0xFFFFD800  }
0xad: {  	[spmem:s25] =	stream.linear.scatter [tilespmem:s2], [sflag:$0x1], $0x2800, $0x38;
	[tilespmem:$0x11C00] =	vst v63  }
0xae: {  	_ =	swait.ge [sflag:s0], $0x2800  }
0xaf: {  	[sflag:s0] =	ssyncset.done $0x0  }
0xb0: {  	[sflag:s0] =	ssyncadd.s32 $0xFFFFD800  }
0xb1: {  	[bflag:$0x0] =	sbarrier.arrive $0xFFFF  }
0xb2: {  	s24 =	simm.s32 $0x7980;
	s25 =	rddreg [dreg:$0xa]  }
0xb3: {  	[tilespmem:s24], [sflag:$0x1] =	stream.linear.gather [spmem:s25], $0x280, $0x38;
	[tilespmem:$0x11C00] =	vst v63  }
0xb4: {  	_ =	swait.ge [sflag:s0], $0x280  }
0xb5: {  	[sflag:s0] =	ssyncset.done $0x0  }
0xb6: {  	s26 =	rddreg [dreg:$0xb];
	[sflag:s0] =	ssyncadd.s32 $0xFFFFFD80  }
0xb7: {  	[tilespmem:s5], [sflag:$0x1] =	stream.linear.gather [spmem:s26], $0x280, $0x38;
	[tilespmem:$0x11C00] =	vst v63  }
0xb8: {  	_ =	swait.ge [sflag:s0], $0x280  }
0xb9: {  	[sflag:s0] =	ssyncset.done $0x0  }
0xba: {  	s26 =	rddreg [dreg:$0xc];
	[sflag:s0] =	ssyncadd.s32 $0xFFFFFD80  }
0xbb: {  	[tilespmem:s6], [sflag:$0x1] =	stream.linear.gather [spmem:s26], $0x280, $0x38;
	[tilespmem:$0x11C00] =	vst v63  }
0xbc: {  	_ =	swait.ge [sflag:s0], $0x280  }
0xbd: {  	[sflag:s0] =	ssyncset.done $0x0  }
0xbe: {  	s26 =	rddreg [dreg:$0xd];
	[sflag:s0] =	ssyncadd.s32 $0xFFFFFD80  }
0xbf: {  	[tilespmem:s7], [sflag:$0x1] =	stream.linear.gather [spmem:s26], $0x280, $0x38;
	[tilespmem:$0x11C00] =	vst v63  }
0xc0: {  	_ =	swait.ge [sflag:s0], $0x280  }
0xc1: {  	[sflag:s0] =	ssyncset.done $0x0  }
0xc2: {  	s26 =	rddreg [dreg:$0xe];
	[sflag:s0] =	ssyncadd.s32 $0xFFFFFD80  }
0xc3: {  	[tilespmem:s8], [sflag:$0x1] =	stream.linear.gather [spmem:s26], $0x280, $0x38;
	[tilespmem:$0x11C00] =	vst v63  }
0xc4: {  	_ =	swait.ge [sflag:s0], $0x280  }
0xc5: {  	[sflag:s0] =	ssyncset.done $0x0  }
0xc6: {  	s26 =	rddreg [dreg:$0xf];
	[sflag:s0] =	ssyncadd.s32 $0xFFFFFD80  }
0xc7: {  	[tilespmem:s9], [sflag:$0x1] =	stream.linear.gather [spmem:s26], $0x280, $0x38;
	[tilespmem:$0x11C00] =	vst v63  }
0xc8: {  	_ =	swait.ge [sflag:s0], $0x280  }
0xc9: {  	[sflag:s0] =	ssyncset.done $0x0  }
0xca: {  	s26 =	rddreg [dreg:$0x10];
	[sflag:s0] =	ssyncadd.s32 $0xFFFFFD80  }
0xcb: {  	[tilespmem:s10], [sflag:$0x1] =	stream.linear.gather [spmem:s26], $0x280, $0x38;
	[tilespmem:$0x11C00] =	vst v63  }
0xcc: {  	_ =	swait.ge [sflag:s0], $0x280  }
0xcd: {  	[sflag:s0] =	ssyncset.done $0x0  }
0xce: {  	s26 =	rddreg [dreg:$0x11];
	[sflag:s0] =	ssyncadd.s32 $0xFFFFFD80  }
0xcf: {  	[tilespmem:s11], [sflag:$0x1] =	stream.linear.gather [spmem:s26], $0x280, $0x38;
	[tilespmem:$0x11C00] =	vst v63  }
0xd0: {  	_ =	swait.ge [sflag:s0], $0x280  }
0xd1: {  	[sflag:s0] =	ssyncset.done $0x0  }
0xd2: {  	s26 =	rddreg [dreg:$0x12];
	[sflag:s0] =	ssyncadd.s32 $0xFFFFFD80  }
0xd3: {  	[tilespmem:s12], [sflag:$0x1] =	stream.linear.gather [spmem:s26], $0x280, $0x38;
	[tilespmem:$0x11C00] =	vst v63  }
0xd4: {  	_ =	swait.ge [sflag:s0], $0x280  }
0xd5: {  	[sflag:s0] =	ssyncset.done $0x0  }
0xd6: {  	s26 =	rddreg [dreg:$0x13];
	[sflag:s0] =	ssyncadd.s32 $0xFFFFFD80  }
0xd7: {  	[tilespmem:s13], [sflag:$0x1] =	stream.linear.gather [spmem:s26], $0x280, $0x38;
	[tilespmem:$0x11C00] =	vst v63  }
0xd8: {  	_ =	swait.ge [sflag:s0], $0x280  }
0xd9: {  	[sflag:s0] =	ssyncset.done $0x0  }
0xda: {  	s26 =	rddreg [dreg:$0x14];
	[sflag:s0] =	ssyncadd.s32 $0xFFFFFD80  }
0xdb: {  	[tilespmem:s14], [sflag:$0x1] =	stream.linear.gather [spmem:s26], $0x280, $0x38;
	[tilespmem:$0x11C00] =	vst v63  }
0xdc: {  	_ =	swait.ge [sflag:s0], $0x280  }
0xdd: {  	[sflag:s0] =	ssyncset.done $0x0  }
0xde: {  	s26 =	rddreg [dreg:$0x15];
	[sflag:s0] =	ssyncadd.s32 $0xFFFFFD80  }
0xdf: {  	[tilespmem:s15], [sflag:$0x1] =	stream.linear.gather [spmem:s26], $0x280, $0x38;
	[tilespmem:$0x11C00] =	vst v63  }
0xe0: {  	_ =	swait.ge [sflag:s0], $0x280  }
0xe1: {  	[sflag:s0] =	ssyncset.done $0x0  }
0xe2: {  	s26 =	rddreg [dreg:$0x16];
	[sflag:s0] =	ssyncadd.s32 $0xFFFFFD80  }
0xe3: {  	[tilespmem:s16], [sflag:$0x1] =	stream.linear.gather [spmem:s26], $0x280, $0x38;
	[tilespmem:$0x11C00] =	vst v63  }
0xe4: {  	_ =	swait.ge [sflag:s0], $0x280  }
0xe5: {  	[sflag:s0] =	ssyncset.done $0x0  }
0xe6: {  	s26 =	rddreg [dreg:$0x17];
	[sflag:s0] =	ssyncadd.s32 $0xFFFFFD80  }
0xe7: {  	[tilespmem:s17], [sflag:$0x1] =	stream.linear.gather [spmem:s26], $0x280, $0x38;
	[tilespmem:$0x11C00] =	vst v63  }
0xe8: {  	_ =	swait.ge [sflag:s0], $0x280  }
0xe9: {  	[sflag:s0] =	ssyncset.done $0x0  }
0xea: {  	s26 =	rddreg [dreg:$0x18];
	[sflag:s0] =	ssyncadd.s32 $0xFFFFFD80  }
0xeb: {  	[tilespmem:s18], [sflag:$0x1] =	stream.linear.gather [spmem:s26], $0x280, $0x38;
	[tilespmem:$0x11C00] =	vst v63  }
0xec: {  	_ =	swait.ge [sflag:s0], $0x280  }
0xed: {  	[sflag:s0] =	ssyncset.done $0x0  }
0xee: {  	s26 =	rddreg [dreg:$0x19];
	[sflag:s0] =	ssyncadd.s32 $0xFFFFFD80  }
0xef: {  	[tilespmem:s20], [sflag:$0x1] =	stream.linear.gather [spmem:s26], $0x280, $0x38;
	[tilespmem:$0x11C00] =	vst v63  }
0xf0: {  	_ =	swait.ge [sflag:s0], $0x280  }
0xf1: {  	s26 =	simm.s32 $0x0;
	[sflag:s0] =	ssyncset.done $0x0  }
0xf2: {  	s25 =	sand.u32 $0x3F0, s26;
	[sflag:s0] =	ssyncadd.s32 $0xFFFFFD80  }
0xf3: {  	v1 =	vld [tilespmem:s25+$0x7C00]  }
0xf4: {  	v2 =	vld [tilespmem:s24+$0x0];
	_ =	sdelay $0x1  }
0xf5: {  	v3 =	vld [tilespmem:s25+$0x7E80];
	_ =	sdelay $0x1  }
0xf6: {  	v4 =	vld [tilespmem:s25+$0x8100]  }
0xf7: {  	v1 =	vadd.f32 v1, v2  }
0xf8: {  	v2 =	vld [tilespmem:s25+$0x8380]  }
0xf9: {  	v1 =	vadd.f32 v3, v1  }
0xfa: {  	v3 =	vld [tilespmem:s25+$0x8600]  }
0xfb: {  	v1 =	vadd.f32 v4, v1  }
0xfc: {  	v60 =	vld [tilespmem:s25+$0x8880]  }
0xfd: {  	v1 =	vadd.f32 v2, v1  }
0xfe: {  	v2 =	vld [tilespmem:s25+$0x8B00]  }
0xff: {  	v1 =	vadd.f32 v3, v1  }
0x100: {  	v3 =	vld [tilespmem:s25+$0x8D80]  }
0x101: {  	v1 =	vadd.f32 v60, v1  }
0x102: {  	v61 =	vld [tilespmem:s25+$0x9000]  }
0x103: {  	v1 =	vadd.f32 v2, v1  }
0x104: {  	v2 =	vld [tilespmem:s25+$0x9280]  }
0x105: {  	v1 =	vadd.f32 v3, v1  }
0x106: {  	v3 =	vld [tilespmem:s25+$0x9500]  }
0x107: {  	v1 =	vadd.f32 v61, v1  }
0x108: {  	v62 =	vld [tilespmem:s25+$0x9780]  }
0x109: {  	v1 =	vadd.f32 v2, v1  }
0x10a: {  	v2 =	vld [tilespmem:s25+$0x9A00]  }
0x10b: {  	v1 =	vadd.f32 v3, v1  }
0x10c: {  	v3 =	vld [tilespmem:s25+$0x9C80]  }
0x10d: {  	v1 =	vadd.f32 v62, v1  }
0x10e: {  	v63 =	vld [tilespmem:s25+$0x9F00]  }
0x10f: {  	v1 =	vadd.f32 v2, v1;
	_ =	sdelay $0x1  }
0x110: {  	v1 =	vadd.f32 v3, v1;
	_ =	sdelay $0x1  }
0x111: {  	v1 =	vadd.f32 v63, v1  }
0x112: {  	s26 =	simm.s32 $0x10;
	s24 =	simm.s32 $0xA180  }
0x113: {  	s25 =	sand.u32 $0x3F0, s26;
	[tilespmem:s24+$0x0] =	vst v1  }
0x114: {  	s28 =	simm.s32 $0x20;
	s26 =	simm.s32 $0x7990;
	v1 =	vld [tilespmem:s25+$0x7C00]  }
.LBB2_4:
0x115: {  	p0 =	sne.s32 s28, $0x270;
	v2 =	vld [tilespmem:s26+$0x0];
	_ =	sdelay $0x1  }
0x116: {  	v3 =	vld [tilespmem:s25+$0x7E80];
	_ =	sdelay $0x1  }
0x117: {  	v4 =	vld [tilespmem:s25+$0x8100]  }
0x118: {  	v1 =	vadd.f32 v1, v2  }
0x119: {  	v2 =	vld [tilespmem:s25+$0x8380]  }
0x11a: {  	v1 =	vadd.f32 v3, v1  }
0x11b: {  	v3 =	vld [tilespmem:s25+$0x8600]  }
0x11c: {  	v1 =	vadd.f32 v4, v1  }
0x11d: {  	v4 =	vld [tilespmem:s25+$0x8880]  }
0x11e: {  	v1 =	vadd.f32 v2, v1  }
0x11f: {  	v2 =	vld [tilespmem:s25+$0x8B00]  }
0x120: {  	v1 =	vadd.f32 v3, v1  }
0x121: {  	v3 =	vld [tilespmem:s25+$0x8D80]  }
0x122: {  	v1 =	vadd.f32 v4, v1  }
0x123: {  	v4 =	vld [tilespmem:s25+$0x9000]  }
0x124: {  	v1 =	vadd.f32 v2, v1  }
0x125: {  	v2 =	vld [tilespmem:s25+$0x9280]  }
0x126: {  	v1 =	vadd.f32 v3, v1  }
0x127: {  	v3 =	vld [tilespmem:s25+$0x9500]  }
0x128: {  	v1 =	vadd.f32 v4, v1  }
0x129: {  	v4 =	vld [tilespmem:s25+$0x9780]  }
0x12a: {  	v1 =	vadd.f32 v2, v1  }
0x12b: {  	v2 =	vld [tilespmem:s25+$0x9A00]  }
0x12c: {  	v1 =	vadd.f32 v3, v1  }
0x12d: {  	v3 =	vld [tilespmem:s25+$0x9C80]  }
0x12e: {  	v1 =	vadd.f32 v4, v1  }
0x12f: {  	v4 =	vld [tilespmem:s25+$0x9F00]  }
0x130: {  	v1 =	vadd.f32 v2, v1;
	_ =	sdelay $0x1  }
0x131: {  	v1 =	vadd.f32 v3, v1  }
.Ltmp1:
0x132: {  	(pc) =	sbr.rel @p0 .LBB2_4-.Ltmp1, $4  }
0x133: {  	v1 =	vadd.f32 v4, v1  }
0x134: {  	s24 =	sadd.s32 $0x10, s24  }
0x135: {  	s25 =	sand.u32 $0x3F0, s28;
	[tilespmem:s24+$0x0] =	vst v1  }
0x136: {  	s26 =	sadd.s32 $0x10, s26;
	s28 =	sadd.s32 $0x10, s28;
	v1 =	vld [tilespmem:s25+$0x7C00]  }
0x137: {  	v2 =	vld [tilespmem:s26+$0x0];
	_ =	sdelay $0x1  }
0x138: {  	v3 =	vld [tilespmem:s25+$0x7E80];
	_ =	sdelay $0x1  }
0x139: {  	v4 =	vld [tilespmem:s25+$0x8100]  }
0x13a: {  	v1 =	vadd.f32 v1, v2  }
0x13b: {  	v2 =	vld [tilespmem:s25+$0x8380]  }
0x13c: {  	v1 =	vadd.f32 v3, v1  }
0x13d: {  	v3 =	vld [tilespmem:s25+$0x8600]  }
0x13e: {  	v1 =	vadd.f32 v4, v1  }
0x13f: {  	v55 =	vld [tilespmem:s25+$0x8880]  }
0x140: {  	v1 =	vadd.f32 v2, v1  }
0x141: {  	v2 =	vld [tilespmem:s25+$0x8B00]  }
0x142: {  	v1 =	vadd.f32 v3, v1  }
0x143: {  	v3 =	vld [tilespmem:s25+$0x8D80]  }
0x144: {  	v1 =	vadd.f32 v55, v1  }
0x145: {  	v56 =	vld [tilespmem:s25+$0x9000]  }
0x146: {  	v1 =	vadd.f32 v2, v1  }
0x147: {  	v2 =	vld [tilespmem:s25+$0x9280]  }
0x148: {  	v1 =	vadd.f32 v3, v1  }
0x149: {  	v3 =	vld [tilespmem:s25+$0x9500]  }
0x14a: {  	v1 =	vadd.f32 v56, v1  }
0x14b: {  	v57 =	vld [tilespmem:s25+$0x9780]  }
0x14c: {  	v1 =	vadd.f32 v2, v1  }
0x14d: {  	v2 =	vld [tilespmem:s25+$0x9A00]  }
0x14e: {  	v1 =	vadd.f32 v3, v1  }
0x14f: {  	v3 =	vld [tilespmem:s25+$0x9C80]  }
0x150: {  	v1 =	vadd.f32 v57, v1  }
0x151: {  	v58 =	vld [tilespmem:s25+$0x9F00]  }
0x152: {  	v1 =	vadd.f32 v2, v1;
	_ =	sdelay $0x1  }
0x153: {  	v1 =	vadd.f32 v3, v1;
	_ =	sdelay $0x1  }
0x154: {  	s26 =	sld [smem:$0x7FA];
	v1 =	vadd.f32 v58, v1  }
0x155: {  	s24 =	sadd.s32 $0x10, s24  }
0x156: {  	s25 =	simm.s32 $0x0;
	[tilespmem:s24+$0x0] =	vst v1;
	s24 =	simm.s32 $0xA180  }
0x157: {  	[hbm4b:s26+s25] =	stream.linear.scatter [tilespmem:s24], [sflag:$0x1], $0x280, $0x38;
	[tilespmem:$0x11C00] =	vst v63  }
0x158: {  	_ =	swait.ge [sflag:s0], $0x280  }
0x159: {  	[sflag:s0] =	ssyncset.done $0x0  }
0x15a: {  	s26 =	simm.s32 $0x7980;
	s28 =	rddreg [dreg:$0x1a];
	[sflag:s0] =	ssyncadd.s32 $0xFFFFFD80  }
0x15b: {  	[tilespmem:s26], [sflag:$0x1] =	stream.linear.gather [spmem:s28], $0x280, $0x38;
	[tilespmem:$0x11C00] =	vst v63  }
0x15c: {  	_ =	swait.ge [sflag:s0], $0x280  }
0x15d: {  	[sflag:s0] =	ssyncset.done $0x0  }
0x15e: {  	s28 =	rddreg [dreg:$0x1b];
	[sflag:s0] =	ssyncadd.s32 $0xFFFFFD80  }
0x15f: {  	[tilespmem:s5], [sflag:$0x1] =	stream.linear.gather [spmem:s28], $0x280, $0x38;
	[tilespmem:$0x11C00] =	vst v63  }
0x160: {  	_ =	swait.ge [sflag:s0], $0x280  }
0x161: {  	[sflag:s0] =	ssyncset.done $0x0  }
0x162: {  	s28 =	rddreg [dreg:$0x1c];
	[sflag:s0] =	ssyncadd.s32 $0xFFFFFD80  }
0x163: {  	[tilespmem:s6], [sflag:$0x1] =	stream.linear.gather [spmem:s28], $0x280, $0x38;
	[tilespmem:$0x11C00] =	vst v63  }
0x164: {  	_ =	swait.ge [sflag:s0], $0x280  }
0x165: {  	[sflag:s0] =	ssyncset.done $0x0  }
0x166: {  	s28 =	rddreg [dreg:$0x1d];
	[sflag:s0] =	ssyncadd.s32 $0xFFFFFD80  }
0x167: {  	[tilespmem:s7], [sflag:$0x1] =	stream.linear.gather [spmem:s28], $0x280, $0x38;
	[tilespmem:$0x11C00] =	vst v63  }
0x168: {  	_ =	swait.ge [sflag:s0], $0x280  }
0x169: {  	[sflag:s0] =	ssyncset.done $0x0  }
0x16a: {  	s28 =	rddreg [dreg:$0x1e];
	[sflag:s0] =	ssyncadd.s32 $0xFFFFFD80  }
0x16b: {  	[tilespmem:s8], [sflag:$0x1] =	stream.linear.gather [spmem:s28], $0x280, $0x38;
	[tilespmem:$0x11C00] =	vst v63  }
0x16c: {  	_ =	swait.ge [sflag:s0], $0x280  }
0x16d: {  	[sflag:s0] =	ssyncset.done $0x0  }
0x16e: {  	s28 =	rddreg [dreg:$0x1f];
	[sflag:s0] =	ssyncadd.s32 $0xFFFFFD80  }
0x16f: {  	[tilespmem:s9], [sflag:$0x1] =	stream.linear.gather [spmem:s28], $0x280, $0x38;
	[tilespmem:$0x11C00] =	vst v63  }
0x170: {  	_ =	swait.ge [sflag:s0], $0x280  }
0x171: {  	s28 =	sld [smem:$0x7E0]  }
0x172: {  	[sflag:s0] =	ssyncset.done $0x0  }
0x173: {  	[sflag:s0] =	ssyncadd.s32 $0xFFFFFD80  }
0x174: {  	[tilespmem:s10], [sflag:$0x1] =	stream.linear.gather [spmem:s28], $0x280, $0x38;
	[tilespmem:$0x11C00] =	vst v63  }
0x175: {  	_ =	swait.ge [sflag:s0], $0x280  }
0x176: {  	s28 =	sld [smem:$0x7E1]  }
0x177: {  	[sflag:s0] =	ssyncset.done $0x0  }
0x178: {  	[sflag:s0] =	ssyncadd.s32 $0xFFFFFD80  }
0x179: {  	[tilespmem:s11], [sflag:$0x1] =	stream.linear.gather [spmem:s28], $0x280, $0x38;
	[tilespmem:$0x11C00] =	vst v63  }
0x17a: {  	_ =	swait.ge [sflag:s0], $0x280  }
0x17b: {  	s28 =	sld [smem:$0x7E2]  }
0x17c: {  	[sflag:s0] =	ssyncset.done $0x0  }
0x17d: {  	[sflag:s0] =	ssyncadd.s32 $0xFFFFFD80  }
0x17e: {  	[tilespmem:s12], [sflag:$0x1] =	stream.linear.gather [spmem:s28], $0x280, $0x38;
	[tilespmem:$0x11C00] =	vst v63  }
0x17f: {  	_ =	swait.ge [sflag:s0], $0x280  }
0x180: {  	s28 =	sld [smem:$0x7E3]  }
0x181: {  	[sflag:s0] =	ssyncset.done $0x0  }
0x182: {  	[sflag:s0] =	ssyncadd.s32 $0xFFFFFD80  }
0x183: {  	[tilespmem:s13], [sflag:$0x1] =	stream.linear.gather [spmem:s28], $0x280, $0x38;
	[tilespmem:$0x11C00] =	vst v63  }
0x184: {  	_ =	swait.ge [sflag:s0], $0x280  }
0x185: {  	s28 =	sld [smem:$0x7E4]  }
0x186: {  	[sflag:s0] =	ssyncset.done $0x0  }
0x187: {  	[sflag:s0] =	ssyncadd.s32 $0xFFFFFD80  }
0x188: {  	[tilespmem:s14], [sflag:$0x1] =	stream.linear.gather [spmem:s28], $0x280, $0x38;
	[tilespmem:$0x11C00] =	vst v63  }
0x189: {  	_ =	swait.ge [sflag:s0], $0x280  }
0x18a: {  	s28 =	sld [smem:$0x7E5]  }
0x18b: {  	[sflag:s0] =	ssyncset.done $0x0  }
0x18c: {  	[sflag:s0] =	ssyncadd.s32 $0xFFFFFD80  }
0x18d: {  	[tilespmem:s15], [sflag:$0x1] =	stream.linear.gather [spmem:s28], $0x280, $0x38;
	[tilespmem:$0x11C00] =	vst v63  }
0x18e: {  	_ =	swait.ge [sflag:s0], $0x280  }
0x18f: {  	s28 =	sld [smem:$0x7E6]  }
0x190: {  	[sflag:s0] =	ssyncset.done $0x0  }
0x191: {  	[sflag:s0] =	ssyncadd.s32 $0xFFFFFD80  }
0x192: {  	[tilespmem:s16], [sflag:$0x1] =	stream.linear.gather [spmem:s28], $0x280, $0x38;
	[tilespmem:$0x11C00] =	vst v63  }
0x193: {  	_ =	swait.ge [sflag:s0], $0x280  }
0x194: {  	s28 =	sld [smem:$0x7E7]  }
0x195: {  	[sflag:s0] =	ssyncset.done $0x0  }
0x196: {  	[sflag:s0] =	ssyncadd.s32 $0xFFFFFD80  }
0x197: {  	[tilespmem:s17], [sflag:$0x1] =	stream.linear.gather [spmem:s28], $0x280, $0x38;
	[tilespmem:$0x11C00] =	vst v63  }
0x198: {  	_ =	swait.ge [sflag:s0], $0x280  }
0x199: {  	s28 =	sld [smem:$0x7E8]  }
0x19a: {  	[sflag:s0] =	ssyncset.done $0x0  }
0x19b: {  	[sflag:s0] =	ssyncadd.s32 $0xFFFFFD80  }
0x19c: {  	[tilespmem:s18], [sflag:$0x1] =	stream.linear.gather [spmem:s28], $0x280, $0x38;
	[tilespmem:$0x11C00] =	vst v63  }
0x19d: {  	_ =	swait.ge [sflag:s0], $0x280  }
0x19e: {  	s28 =	sld [smem:$0x7E9]  }
0x19f: {  	[sflag:s0] =	ssyncset.done $0x0  }
0x1a0: {  	[sflag:s0] =	ssyncadd.s32 $0xFFFFFD80  }
0x1a1: {  	[tilespmem:s20], [sflag:$0x1] =	stream.linear.gather [spmem:s28], $0x280, $0x38;
	[tilespmem:$0x11C00] =	vst v63  }
0x1a2: {  	_ =	swait.ge [sflag:s0], $0x280  }
0x1a3: {  	[sflag:s0] =	ssyncset.done $0x0  }
0x1a4: {  	s25 =	sand.u32 $0x3F0, s25;
	[sflag:s0] =	ssyncadd.s32 $0xFFFFFD80  }
0x1a5: {  	v1 =	vld [tilespmem:s25+$0x7C00]  }
0x1a6: {  	v2 =	vld [tilespmem:s26+$0x0];
	_ =	sdelay $0x1  }
0x1a7: {  	v3 =	vld [tilespmem:s25+$0x7E80];
	_ =	sdelay $0x1  }
0x1a8: {  	v59 =	vld [tilespmem:s25+$0x8100]  }
0x1a9: {  	v1 =	vadd.f32 v1, v2  }
0x1aa: {  	v2 =	vld [tilespmem:s25+$0x8380]  }
0x1ab: {  	v1 =	vadd.f32 v3, v1  }
0x1ac: {  	v3 =	vld [tilespmem:s25+$0x8600]  }
0x1ad: {  	v1 =	vadd.f32 v59, v1  }
0x1ae: {  	v60 =	vld [tilespmem:s25+$0x8880]  }
0x1af: {  	v1 =	vadd.f32 v2, v1  }
0x1b0: {  	v2 =	vld [tilespmem:s25+$0x8B00]  }
0x1b1: {  	v1 =	vadd.f32 v3, v1  }
0x1b2: {  	v3 =	vld [tilespmem:s25+$0x8D80]  }
0x1b3: {  	v1 =	vadd.f32 v60, v1  }
0x1b4: {  	v61 =	vld [tilespmem:s25+$0x9000]  }
0x1b5: {  	v1 =	vadd.f32 v2, v1  }
0x1b6: {  	v2 =	vld [tilespmem:s25+$0x9280]  }
0x1b7: {  	v1 =	vadd.f32 v3, v1  }
0x1b8: {  	v3 =	vld [tilespmem:s25+$0x9500]  }
0x1b9: {  	v1 =	vadd.f32 v61, v1  }
0x1ba: {  	v62 =	vld [tilespmem:s25+$0x9780]  }
0x1bb: {  	v1 =	vadd.f32 v2, v1  }
0x1bc: {  	v2 =	vld [tilespmem:s25+$0x9A00]  }
0x1bd: {  	v1 =	vadd.f32 v3, v1  }
0x1be: {  	v3 =	vld [tilespmem:s25+$0x9C80]  }
0x1bf: {  	v1 =	vadd.f32 v62, v1  }
0x1c0: {  	v63 =	vld [tilespmem:s25+$0x9F00]  }
0x1c1: {  	v1 =	vadd.f32 v2, v1;
	_ =	sdelay $0x1  }
0x1c2: {  	v1 =	vadd.f32 v3, v1;
	_ =	sdelay $0x1  }
0x1c3: {  	v1 =	vadd.f32 v63, v1  }
0x1c4: {  	s26 =	simm.s32 $0x10  }
0x1c5: {  	s25 =	sand.u32 $0x3F0, s26;
	[tilespmem:s24+$0x0] =	vst v1  }
0x1c6: {  	s28 =	simm.s32 $0x20;
	s26 =	simm.s32 $0x7990;
	v1 =	vld [tilespmem:s25+$0x7C00]  }
.LBB2_6:
0x1c7: {  	p0 =	sne.s32 s28, $0x270;
	v2 =	vld [tilespmem:s26+$0x0];
	_ =	sdelay $0x1  }
0x1c8: {  	v3 =	vld [tilespmem:s25+$0x7E80];
	_ =	sdelay $0x1  }
0x1c9: {  	v4 =	vld [tilespmem:s25+$0x8100]  }
0x1ca: {  	v1 =	vadd.f32 v1, v2  }
0x1cb: {  	v2 =	vld [tilespmem:s25+$0x8380]  }
0x1cc: {  	v1 =	vadd.f32 v3, v1  }
0x1cd: {  	v3 =	vld [tilespmem:s25+$0x8600]  }
0x1ce: {  	v1 =	vadd.f32 v4, v1  }
0x1cf: {  	v4 =	vld [tilespmem:s25+$0x8880]  }
0x1d0: {  	v1 =	vadd.f32 v2, v1  }
0x1d1: {  	v2 =	vld [tilespmem:s25+$0x8B00]  }
0x1d2: {  	v1 =	vadd.f32 v3, v1  }
0x1d3: {  	v3 =	vld [tilespmem:s25+$0x8D80]  }
0x1d4: {  	v1 =	vadd.f32 v4, v1  }
0x1d5: {  	v4 =	vld [tilespmem:s25+$0x9000]  }
0x1d6: {  	v1 =	vadd.f32 v2, v1  }
0x1d7: {  	v2 =	vld [tilespmem:s25+$0x9280]  }
0x1d8: {  	v1 =	vadd.f32 v3, v1  }
0x1d9: {  	v3 =	vld [tilespmem:s25+$0x9500]  }
0x1da: {  	v1 =	vadd.f32 v4, v1  }
0x1db: {  	v4 =	vld [tilespmem:s25+$0x9780]  }
0x1dc: {  	v1 =	vadd.f32 v2, v1  }
0x1dd: {  	v2 =	vld [tilespmem:s25+$0x9A00]  }
0x1de: {  	v1 =	vadd.f32 v3, v1  }
0x1df: {  	v3 =	vld [tilespmem:s25+$0x9C80]  }
0x1e0: {  	v1 =	vadd.f32 v4, v1  }
0x1e1: {  	v4 =	vld [tilespmem:s25+$0x9F00]  }
0x1e2: {  	v1 =	vadd.f32 v2, v1;
	_ =	sdelay $0x1  }
0x1e3: {  	v1 =	vadd.f32 v3, v1  }
.Ltmp2:
0x1e4: {  	(pc) =	sbr.rel @p0 .LBB2_6-.Ltmp2, $4  }
0x1e5: {  	v1 =	vadd.f32 v4, v1  }
0x1e6: {  	s24 =	sadd.s32 $0x10, s24  }
0x1e7: {  	s25 =	sand.u32 $0x3F0, s28;
	[tilespmem:s24+$0x0] =	vst v1  }
0x1e8: {  	s26 =	sadd.s32 $0x10, s26;
	s28 =	sadd.s32 $0x10, s28;
	v1 =	vld [tilespmem:s25+$0x7C00]  }
0x1e9: {  	v2 =	vld [tilespmem:s26+$0x0];
	_ =	sdelay $0x1  }
0x1ea: {  	v3 =	vld [tilespmem:s25+$0x7E80];
	_ =	sdelay $0x1  }
0x1eb: {  	v4 =	vld [tilespmem:s25+$0x8100]  }
0x1ec: {  	v1 =	vadd.f32 v1, v2  }
0x1ed: {  	v2 =	vld [tilespmem:s25+$0x8380]  }
0x1ee: {  	v1 =	vadd.f32 v3, v1  }
0x1ef: {  	v3 =	vld [tilespmem:s25+$0x8600]  }
0x1f0: {  	v1 =	vadd.f32 v4, v1  }
0x1f1: {  	v55 =	vld [tilespmem:s25+$0x8880]  }
0x1f2: {  	v1 =	vadd.f32 v2, v1  }
0x1f3: {  	v2 =	vld [tilespmem:s25+$0x8B00]  }
0x1f4: {  	v1 =	vadd.f32 v3, v1  }
0x1f5: {  	v3 =	vld [tilespmem:s25+$0x8D80]  }
0x1f6: {  	v1 =	vadd.f32 v55, v1  }
0x1f7: {  	v56 =	vld [tilespmem:s25+$0x9000]  }
0x1f8: {  	v1 =	vadd.f32 v2, v1  }
0x1f9: {  	v2 =	vld [tilespmem:s25+$0x9280]  }
0x1fa: {  	v1 =	vadd.f32 v3, v1  }
0x1fb: {  	v3 =	vld [tilespmem:s25+$0x9500]  }
0x1fc: {  	v1 =	vadd.f32 v56, v1  }
0x1fd: {  	v57 =	vld [tilespmem:s25+$0x9780]  }
0x1fe: {  	v1 =	vadd.f32 v2, v1  }
0x1ff: {  	v2 =	vld [tilespmem:s25+$0x9A00]  }
0x200: {  	v1 =	vadd.f32 v3, v1  }
0x201: {  	v3 =	vld [tilespmem:s25+$0x9C80]  }
0x202: {  	v1 =	vadd.f32 v57, v1  }
0x203: {  	v58 =	vld [tilespmem:s25+$0x9F00]  }
0x204: {  	v1 =	vadd.f32 v2, v1;
	_ =	sdelay $0x1  }
0x205: {  	v1 =	vadd.f32 v3, v1;
	_ =	sdelay $0x1  }
0x206: {  	s26 =	sld [smem:$0x7FB];
	v1 =	vadd.f32 v58, v1  }
0x207: {  	s24 =	sadd.s32 $0x10, s24  }
0x208: {  	s25 =	simm.s32 $0x0;
	[tilespmem:s24+$0x0] =	vst v1;
	s24 =	simm.s32 $0xA180  }
0x209: {  	[hbm4b:s26+s25] =	stream.linear.scatter [tilespmem:s24], [sflag:$0x1], $0x280, $0x38;
	[tilespmem:$0x11C00] =	vst v63  }
0x20a: {  	_ =	swait.ge [sflag:s0], $0x280  }
0x20b: {  	s28 =	sld [smem:$0x7EA]  }
0x20c: {  	[sflag:s0] =	ssyncset.done $0x0  }
0x20d: {  	s26 =	simm.s32 $0x7980;
	[sflag:s0] =	ssyncadd.s32 $0xFFFFFD80  }
0x20e: {  	[tilespmem:s26], [sflag:$0x1] =	stream.linear.gather [spmem:s28], $0x280, $0x38;
	[tilespmem:$0x11C00] =	vst v63  }
0x20f: {  	_ =	swait.ge [sflag:s0], $0x280  }
0x210: {  	s28 =	sld [smem:$0x7EB]  }
0x211: {  	[sflag:s0] =	ssyncset.done $0x0  }
0x212: {  	[sflag:s0] =	ssyncadd.s32 $0xFFFFFD80  }
0x213: {  	[tilespmem:s5], [sflag:$0x1] =	stream.linear.gather [spmem:s28], $0x280, $0x38;
	[tilespmem:$0x11C00] =	vst v63  }
0x214: {  	_ =	swait.ge [sflag:s0], $0x280  }
0x215: {  	s28 =	sld [smem:$0x7EC]  }
0x216: {  	[sflag:s0] =	ssyncset.done $0x0  }
0x217: {  	[sflag:s0] =	ssyncadd.s32 $0xFFFFFD80  }
0x218: {  	[tilespmem:s6], [sflag:$0x1] =	stream.linear.gather [spmem:s28], $0x280, $0x38;
	[tilespmem:$0x11C00] =	vst v63  }
0x219: {  	_ =	swait.ge [sflag:s0], $0x280  }
0x21a: {  	s28 =	sld [smem:$0x7ED]  }
0x21b: {  	[sflag:s0] =	ssyncset.done $0x0  }
0x21c: {  	[sflag:s0] =	ssyncadd.s32 $0xFFFFFD80  }
0x21d: {  	[tilespmem:s7], [sflag:$0x1] =	stream.linear.gather [spmem:s28], $0x280, $0x38;
	[tilespmem:$0x11C00] =	vst v63  }
0x21e: {  	_ =	swait.ge [sflag:s0], $0x280  }
0x21f: {  	s28 =	sld [smem:$0x7EE]  }
0x220: {  	[sflag:s0] =	ssyncset.done $0x0  }
0x221: {  	[sflag:s0] =	ssyncadd.s32 $0xFFFFFD80  }
0x222: {  	[tilespmem:s8], [sflag:$0x1] =	stream.linear.gather [spmem:s28], $0x280, $0x38;
	[tilespmem:$0x11C00] =	vst v63  }
0x223: {  	_ =	swait.ge [sflag:s0], $0x280  }
0x224: {  	s28 =	sld [smem:$0x7EF]  }
0x225: {  	[sflag:s0] =	ssyncset.done $0x0  }
0x226: {  	[sflag:s0] =	ssyncadd.s32 $0xFFFFFD80  }
0x227: {  	[tilespmem:s9], [sflag:$0x1] =	stream.linear.gather [spmem:s28], $0x280, $0x38;
	[tilespmem:$0x11C00] =	vst v63  }
0x228: {  	_ =	swait.ge [sflag:s0], $0x280  }
0x229: {  	s28 =	sld [smem:$0x7F0]  }
0x22a: {  	[sflag:s0] =	ssyncset.done $0x0  }
0x22b: {  	[sflag:s0] =	ssyncadd.s32 $0xFFFFFD80  }
0x22c: {  	[tilespmem:s10], [sflag:$0x1] =	stream.linear.gather [spmem:s28], $0x280, $0x38;
	[tilespmem:$0x11C00] =	vst v63  }
0x22d: {  	_ =	swait.ge [sflag:s0], $0x280  }
0x22e: {  	s28 =	sld [smem:$0x7F1]  }
0x22f: {  	[sflag:s0] =	ssyncset.done $0x0  }
0x230: {  	[sflag:s0] =	ssyncadd.s32 $0xFFFFFD80  }
0x231: {  	[tilespmem:s11], [sflag:$0x1] =	stream.linear.gather [spmem:s28], $0x280, $0x38;
	[tilespmem:$0x11C00] =	vst v63  }
0x232: {  	_ =	swait.ge [sflag:s0], $0x280  }
0x233: {  	s28 =	sld [smem:$0x7F2]  }
0x234: {  	[sflag:s0] =	ssyncset.done $0x0  }
0x235: {  	[sflag:s0] =	ssyncadd.s32 $0xFFFFFD80  }
0x236: {  	[tilespmem:s12], [sflag:$0x1] =	stream.linear.gather [spmem:s28], $0x280, $0x38;
	[tilespmem:$0x11C00] =	vst v63  }
0x237: {  	_ =	swait.ge [sflag:s0], $0x280  }
0x238: {  	s28 =	sld [smem:$0x7F3]  }
0x239: {  	[sflag:s0] =	ssyncset.done $0x0  }
0x23a: {  	[sflag:s0] =	ssyncadd.s32 $0xFFFFFD80  }
0x23b: {  	[tilespmem:s13], [sflag:$0x1] =	stream.linear.gather [spmem:s28], $0x280, $0x38;
	[tilespmem:$0x11C00] =	vst v63  }
0x23c: {  	_ =	swait.ge [sflag:s0], $0x280  }
0x23d: {  	s28 =	sld [smem:$0x7F4]  }
0x23e: {  	[sflag:s0] =	ssyncset.done $0x0  }
0x23f: {  	[sflag:s0] =	ssyncadd.s32 $0xFFFFFD80  }
0x240: {  	[tilespmem:s14], [sflag:$0x1] =	stream.linear.gather [spmem:s28], $0x280, $0x38;
	[tilespmem:$0x11C00] =	vst v63  }
0x241: {  	_ =	swait.ge [sflag:s0], $0x280  }
0x242: {  	s28 =	sld [smem:$0x7F5]  }
0x243: {  	[sflag:s0] =	ssyncset.done $0x0  }
0x244: {  	[sflag:s0] =	ssyncadd.s32 $0xFFFFFD80  }
0x245: {  	[tilespmem:s15], [sflag:$0x1] =	stream.linear.gather [spmem:s28], $0x280, $0x38;
	[tilespmem:$0x11C00] =	vst v63  }
0x246: {  	_ =	swait.ge [sflag:s0], $0x280  }
0x247: {  	s28 =	sld [smem:$0x7F6]  }
0x248: {  	[sflag:s0] =	ssyncset.done $0x0  }
0x249: {  	[sflag:s0] =	ssyncadd.s32 $0xFFFFFD80  }
0x24a: {  	[tilespmem:s16], [sflag:$0x1] =	stream.linear.gather [spmem:s28], $0x280, $0x38;
	[tilespmem:$0x11C00] =	vst v63  }
0x24b: {  	_ =	swait.ge [sflag:s0], $0x280  }
0x24c: {  	s28 =	sld [smem:$0x7F7]  }
0x24d: {  	[sflag:s0] =	ssyncset.done $0x0  }
0x24e: {  	[sflag:s0] =	ssyncadd.s32 $0xFFFFFD80  }
0x24f: {  	[tilespmem:s17], [sflag:$0x1] =	stream.linear.gather [spmem:s28], $0x280, $0x38;
	[tilespmem:$0x11C00] =	vst v63  }
0x250: {  	_ =	swait.ge [sflag:s0], $0x280  }
0x251: {  	s28 =	sld [smem:$0x7F8]  }
0x252: {  	[sflag:s0] =	ssyncset.done $0x0  }
0x253: {  	[sflag:s0] =	ssyncadd.s32 $0xFFFFFD80  }
0x254: {  	[tilespmem:s18], [sflag:$0x1] =	stream.linear.gather [spmem:s28], $0x280, $0x38;
	[tilespmem:$0x11C00] =	vst v63  }
0x255: {  	_ =	swait.ge [sflag:s0], $0x280  }
0x256: {  	s28 =	sld [smem:$0x7F9]  }
0x257: {  	[sflag:s0] =	ssyncset.done $0x0  }
0x258: {  	[sflag:s0] =	ssyncadd.s32 $0xFFFFFD80  }
0x259: {  	[tilespmem:s20], [sflag:$0x1] =	stream.linear.gather [spmem:s28], $0x280, $0x38;
	[tilespmem:$0x11C00] =	vst v63  }
0x25a: {  	_ =	swait.ge [sflag:s0], $0x280  }
0x25b: {  	[sflag:s0] =	ssyncset.done $0x0  }
0x25c: {  	s25 =	sand.u32 $0x3F0, s25;
	[sflag:s0] =	ssyncadd.s32 $0xFFFFFD80  }
0x25d: {  	v1 =	vld [tilespmem:s25+$0x7C00]  }
0x25e: {  	v2 =	vld [tilespmem:s26+$0x0];
	_ =	sdelay $0x1  }
0x25f: {  	v3 =	vld [tilespmem:s25+$0x7E80];
	_ =	sdelay $0x1  }
0x260: {  	v59 =	vld [tilespmem:s25+$0x8100]  }
0x261: {  	v1 =	vadd.f32 v1, v2  }
0x262: {  	v2 =	vld [tilespmem:s25+$0x8380]  }
0x263: {  	v1 =	vadd.f32 v3, v1  }
0x264: {  	v3 =	vld [tilespmem:s25+$0x8600]  }
0x265: {  	v1 =	vadd.f32 v59, v1  }
0x266: {  	v60 =	vld [tilespmem:s25+$0x8880]  }
0x267: {  	v1 =	vadd.f32 v2, v1  }
0x268: {  	v2 =	vld [tilespmem:s25+$0x8B00]  }
0x269: {  	v1 =	vadd.f32 v3, v1  }
0x26a: {  	v3 =	vld [tilespmem:s25+$0x8D80]  }
0x26b: {  	v1 =	vadd.f32 v60, v1  }
0x26c: {  	v61 =	vld [tilespmem:s25+$0x9000]  }
0x26d: {  	v1 =	vadd.f32 v2, v1  }
0x26e: {  	v2 =	vld [tilespmem:s25+$0x9280]  }
0x26f: {  	v1 =	vadd.f32 v3, v1  }
0x270: {  	v3 =	vld [tilespmem:s25+$0x9500]  }
0x271: {  	v1 =	vadd.f32 v61, v1  }
0x272: {  	v62 =	vld [tilespmem:s25+$0x9780]  }
0x273: {  	v1 =	vadd.f32 v2, v1  }
0x274: {  	v2 =	vld [tilespmem:s25+$0x9A00]  }
0x275: {  	v1 =	vadd.f32 v3, v1  }
0x276: {  	v3 =	vld [tilespmem:s25+$0x9C80]  }
0x277: {  	v1 =	vadd.f32 v62, v1  }
0x278: {  	v63 =	vld [tilespmem:s25+$0x9F00]  }
0x279: {  	v1 =	vadd.f32 v2, v1;
	_ =	sdelay $0x1  }
0x27a: {  	v1 =	vadd.f32 v3, v1;
	_ =	sdelay $0x1  }
0x27b: {  	v1 =	vadd.f32 v63, v1  }
0x27c: {  	s26 =	simm.s32 $0x10  }
0x27d: {  	s25 =	sand.u32 $0x3F0, s26;
	[tilespmem:s24+$0x0] =	vst v1  }
0x27e: {  	s28 =	simm.s32 $0x20;
	s26 =	simm.s32 $0x7990;
	v1 =	vld [tilespmem:s25+$0x7C00]  }
.LBB2_8:
0x27f: {  	p0 =	sne.s32 s28, $0x270;
	v2 =	vld [tilespmem:s26+$0x0];
	_ =	sdelay $0x1  }
0x280: {  	v3 =	vld [tilespmem:s25+$0x7E80];
	_ =	sdelay $0x1  }
0x281: {  	v4 =	vld [tilespmem:s25+$0x8100]  }
0x282: {  	v1 =	vadd.f32 v1, v2  }
0x283: {  	v2 =	vld [tilespmem:s25+$0x8380]  }
0x284: {  	v1 =	vadd.f32 v3, v1  }
0x285: {  	v3 =	vld [tilespmem:s25+$0x8600]  }
0x286: {  	v1 =	vadd.f32 v4, v1  }
0x287: {  	v4 =	vld [tilespmem:s25+$0x8880]  }
0x288: {  	v1 =	vadd.f32 v2, v1  }
0x289: {  	v2 =	vld [tilespmem:s25+$0x8B00]  }
0x28a: {  	v1 =	vadd.f32 v3, v1  }
0x28b: {  	v3 =	vld [tilespmem:s25+$0x8D80]  }
0x28c: {  	v1 =	vadd.f32 v4, v1  }
0x28d: {  	v4 =	vld [tilespmem:s25+$0x9000]  }
0x28e: {  	v1 =	vadd.f32 v2, v1  }
0x28f: {  	v2 =	vld [tilespmem:s25+$0x9280]  }
0x290: {  	v1 =	vadd.f32 v3, v1  }
0x291: {  	v3 =	vld [tilespmem:s25+$0x9500]  }
0x292: {  	v1 =	vadd.f32 v4, v1  }
0x293: {  	v4 =	vld [tilespmem:s25+$0x9780]  }
0x294: {  	v1 =	vadd.f32 v2, v1  }
0x295: {  	v2 =	vld [tilespmem:s25+$0x9A00]  }
0x296: {  	v1 =	vadd.f32 v3, v1  }
0x297: {  	v3 =	vld [tilespmem:s25+$0x9C80]  }
0x298: {  	v1 =	vadd.f32 v4, v1  }
0x299: {  	v4 =	vld [tilespmem:s25+$0x9F00]  }
0x29a: {  	v1 =	vadd.f32 v2, v1;
	_ =	sdelay $0x1  }
0x29b: {  	v1 =	vadd.f32 v3, v1  }
.Ltmp3:
0x29c: {  	(pc) =	sbr.rel @p0 .LBB2_8-.Ltmp3, $4  }
0x29d: {  	v1 =	vadd.f32 v4, v1  }
0x29e: {  	s24 =	sadd.s32 $0x10, s24  }
0x29f: {  	s25 =	sand.u32 $0x3F0, s28;
	[tilespmem:s24+$0x0] =	vst v1  }
0x2a0: {  	s26 =	sadd.s32 $0x10, s26;
	s28 =	sadd.s32 $0x10, s28;
	v1 =	vld [tilespmem:s25+$0x7C00]  }
0x2a1: {  	v2 =	vld [tilespmem:s26+$0x0];
	_ =	sdelay $0x1  }
0x2a2: {  	v3 =	vld [tilespmem:s25+$0x7E80];
	_ =	sdelay $0x1  }
0x2a3: {  	v4 =	vld [tilespmem:s25+$0x8100]  }
0x2a4: {  	v1 =	vadd.f32 v1, v2  }
0x2a5: {  	v2 =	vld [tilespmem:s25+$0x8380]  }
0x2a6: {  	v1 =	vadd.f32 v3, v1  }
0x2a7: {  	v3 =	vld [tilespmem:s25+$0x8600]  }
0x2a8: {  	v1 =	vadd.f32 v4, v1  }
0x2a9: {  	v60 =	vld [tilespmem:s25+$0x8880]  }
0x2aa: {  	v1 =	vadd.f32 v2, v1  }
0x2ab: {  	v2 =	vld [tilespmem:s25+$0x8B00]  }
0x2ac: {  	v1 =	vadd.f32 v3, v1  }
0x2ad: {  	v3 =	vld [tilespmem:s25+$0x8D80]  }
0x2ae: {  	v1 =	vadd.f32 v60, v1  }
0x2af: {  	v61 =	vld [tilespmem:s25+$0x9000]  }
0x2b0: {  	v1 =	vadd.f32 v2, v1  }
0x2b1: {  	v2 =	vld [tilespmem:s25+$0x9280]  }
0x2b2: {  	v1 =	vadd.f32 v3, v1  }
0x2b3: {  	v3 =	vld [tilespmem:s25+$0x9500]  }
0x2b4: {  	v1 =	vadd.f32 v61, v1  }
0x2b5: {  	v62 =	vld [tilespmem:s25+$0x9780]  }
0x2b6: {  	v1 =	vadd.f32 v2, v1  }
0x2b7: {  	v2 =	vld [tilespmem:s25+$0x9A00]  }
0x2b8: {  	v1 =	vadd.f32 v3, v1  }
0x2b9: {  	v3 =	vld [tilespmem:s25+$0x9C80]  }
0x2ba: {  	v1 =	vadd.f32 v62, v1  }
0x2bb: {  	v63 =	vld [tilespmem:s25+$0x9F00]  }
0x2bc: {  	v1 =	vadd.f32 v2, v1;
	_ =	sdelay $0x1  }
0x2bd: {  	v1 =	vadd.f32 v3, v1;
	_ =	sdelay $0x1  }
0x2be: {  	s25 =	sld [smem:$0x7FC];
	v1 =	vadd.f32 v63, v1  }
0x2bf: {  	s24 =	sadd.s32 $0x10, s24  }
0x2c0: {  	s26 =	simm.s32 $0xA180;
	[tilespmem:s24+$0x0] =	vst v1  }
0x2c1: {  	[hbm4b:s25+s19] =	stream.linear.scatter [tilespmem:s26], [sflag:$0x1], $0x280, $0x38;
	[tilespmem:$0x11C00] =	vst v63  }
0x2c2: {  	_ =	swait.ge [sflag:s0], $0x280  }
0x2c3: {  	s28 =	sld [smem:$0x7FD];
	_ =	sdelay $0x1  }
0x2c4: {  	s21 =	sadd.s32 $0x1, s21  }
0x2c5: {  	p0 =	sne.s32 s21, s28  }
.Ltmp4:
0x2c6: {  	_ = 	snop;
	(pc) =	sbr.rel @p0 .LBB2_1-.Ltmp4, $3  }
0x2c7: {  	_ =	sdelay $0x1  }
0x2c8: {  	[sflag:s0] =	ssyncset.done $0x0  }
0x2c9: {  	[sflag:s0] =	ssyncadd.s32 $0xFFFFFD80  }
0x2ca: {  	_ =	sfence.sel $0x180000  }
0x2cb: {  	[bflag:$0x0] =	sbarrier.arrive $0xFFFF  }
0x2cc: {  	_ =	strace $0x90000047  }
0x2cd: {  	s0 =	stileid.u32;
	[bflag:$0x2] =	sbarrier.arrive $0xFFFF  }
0x2ce: {  	p0 =	sne.s32 s0, $0x0;
	s0 =	rddreg [dreg:$0x6]  }
0x2cf: {  	s0 =	sadd.s32 @!p0 $0x100000, s0  }
0x2d0: {  	[sflag:s0] =	ssyncadd.tile.s32 @!p0 $0x1;
	_ =	shalt  }
.Lfunc_end2:
_tile_overlayer_lowered:
.L_overlay_start_2:
0x2d1: {  	(tag) =	ssettag $0x2  }
0x2d2: {  	s0 =	rddreg [dreg:$0x0];
	s2 =	stileid.u32  }
0x2d3: {  	s1 =	rddreg [dreg:$0x1];
	p0 =	sne.s32 s2, $0x0  }
0x2d4: {  	s3 =	rddreg [dreg:$0x2];
	[bflag:$0x3] =	sbarrier.arrive $0xFFFF;
	s2 =	simm.s32 @!p0 $0x1C01  }
0x2d5: {  	[timem:s3], [sflag:s2] =	dma.local @!p0 [hbm:s0], s1  }
0x2d6: {  	s0 =	simm.s32 @!p0 $0x1  }
0x2d7: {  	_ =	swait.ge @!p0 [sflag:s0], s1  }
0x2d8: {  	s1 =	ssub.s32 @!p0 $0x0, s1;
	[sflag:s0] =	ssyncset.done @!p0 $0x0  }
0x2d9: {  	[sflag:s0] =	ssyncadd.s32 @!p0 s1  }
0x2da: {  	[bflag:$0x3] =	sbarrier.arrive $0xFFFF  }
0x2db: {  	_ =	shalt  }

// kernel: kernel.15.cloned.1.call-start
scs
__scs_entry_jumppad:
0x0: {  	(pc) =	sbr.rel $0x88, $3  }
0x1: {  	(tag) =	ssettag $0x0;
	lr =	simm.s32 $0x1  }
0x2: {  	[smem:$0x3F93] =	sst lr;
	_ =	strace $0xD0000000  }
0x3: {  	_ = 	snop  }
0x4: {  	_ = 	snop  }
0x5: {  	_ = 	snop  }
0x6: {  	_ = 	snop  }
0x7: {  	_ = 	snop  }
__scs_overlays_trampoline_lowered:
0x8: {  	[smem:$0x3FA2] =	sst s0  }
0x9: {  	[smem:$0x3FA3] =	sst s1  }
0xa: {  	[smem:$0x3FA4] =	sst s2  }
0xb: {  	[smem:$0x3FA5] =	sst s3  }
0xc: {  	[smem:$0x3FA6] =	sst s4  }
0xd: {  	[smem:$0x3FA7] =	sst s5  }
0xe: {  	[smem:$0x3FA8] =	sst s6  }
0xf: {  	[smem:$0x3FA9] =	sst s7  }
0x10: {  	[smem:$0x3FAA] =	sst s8  }
0x11: {  	[smem:$0x3FAB] =	sst s9;
	s0 =	simm.s32 @!p0 $0x0  }
0x12: {  	s1 =	sld [smem:$0x3F91];
	s0 =	simm.s32 @p0 $0x1  }
0x13: {  	[smem:$0x3FAC] =	sst s0;
	s0 =	simm.s32 @!p1 $0x0  }
0x14: {  	s2 =	sld [smem:$0x3F90];
	s0 =	simm.s32 @p1 $0x1  }
0x15: {  	[smem:$0x3FAD] =	sst s0;
	s0 =	simm.s32 @!p2 $0x0  }
0x16: {  	s3 =	sld [smem:$0x3FDB];
	s0 =	simm.s32 @p2 $0x1  }
0x17: {  	s4 =	simm.s32 $0x1BF5;
	[smem:$0x3FAF] =	sst s0  }
0x18: {  	s0 =	sld [smem:$0x3F92];
	_ =	swait.ge [sflag:s4], $0x0  }
0x19: {  	s7 =	sld [smem:$0x3F93]  }
0x1a: {  	s8 =	sadd.s32 $0xFFFFE003, lr  }
0x1b: {  	s9 =	sadd.s32 $0xFFFFFEF7, lr;
	s5 =	simm.s32 $0xFFFFFFFF;
	p2 =	slt.u32 s8, $0xFFFFF086  }
0x1c: {  	p1 =	slt.u32 s9, $0xF7A;
	s5 =	simm.s32 @!p2 $0x0  }
0x1d: {  	s5 =	simm.s32 @p1 $0x1;
	p0 =	seq.s32 s7, s2  }
0x1e: {  	s7 =	smul.u32 @!p0 $0xF7A, s2;
	p2 =	seq.s32 @!p0 s5, $0x0  }
0x1f: {  	s9 =	smul.u32 $0xF7A, s1;
	s8 =	simm.s32 @!p0 $0x1BF5;
	p2 =	por !p2, p0  }
0x20: {  	[sflag:s8] =	ssyncset.s32 @!p0 $0xFFFFF086;
	s6 =	sadd.s32 @!p0 s3, s7;
	s7 =	simm.s32 @!p0 $0x108  }
0x21: {  	s3 =	sadd.s32 s3, s9;
	s6 =	sadd.s32 @!p0 $0x88, s6;
	s7 =	simm.s32 @p2 $0x1082  }
0x22: {  	[simem:s7], [sflag:s8] =	dma.local @!p0 [hbm:s6], $0xF7A  }
0x23: {  	s9 =	sor.u32 $0xD0000000, s2;
	s6 =	simm.s32 $0x108;
	_ =	swait.ge @!p0 [sflag:s8], $0x0  }
0x24: {  	s3 =	sadd.s32 $0x88, s3;
	s6 =	simm.s32 @!p1 $0x1082;
	[sflag:s4] =	ssyncset.s32 $0xFFFFF086  }
0x25: {  	[simem:s6], [sflag:s4] =	dma.local [hbm:s3], $0xF7A  }
0x26: {  	[smem:$0x3F93] =	sst s1;
	(tag) =	ssettag s2;
	_ =	strace s9  }
0x27: {  	s1 =	sld [smem:$0x3FA3]  }
0x28: {  	s2 =	sld [smem:$0x3FA4]  }
0x29: {  	s4 =	sld [smem:$0x3FA6]  }
0x2a: {  	p0 =	seq.s32 s5, $0x0;
	s5 =	sld [smem:$0x3FA7]  }
0x2b: {  	s6 =	sld [smem:$0x3FA8]  }
0x2c: {  	s7 =	sld [smem:$0x3FA9]  }
0x2d: {  	s3 =	simm.s32 $0x108;
	s8 =	sld [smem:$0x3FAA]  }
0x2e: {  	s3 =	simm.s32 @!p0 $0x1082;
	s9 =	sld [smem:$0x3FAB]  }
0x2f: {  	lr =	sadd.s32 s0, s3;
	s0 =	sld [smem:$0x3FA2]  }
0x30: {  	s3 =	sld [smem:$0x3FA5]  }
0x31: {  	[smem:$0x3FAE] =	sst s10  }
0x32: {  	s10 =	sld [smem:$0x3FAC];
	_ =	sdelay $0x3  }
0x33: {  	p0 =	seq.s32 s10, $0x1;
	s10 =	sld [smem:$0x3FAE];
	_ =	sdelay $0x3  }
0x34: {  	[smem:$0x3FAE] =	sst s10  }
0x35: {  	s10 =	sld [smem:$0x3FAD];
	_ =	sdelay $0x3  }
0x36: {  	p1 =	seq.s32 s10, $0x1;
	s10 =	sld [smem:$0x3FAE];
	_ =	sdelay $0x3  }
0x37: {  	[smem:$0x3FAE] =	sst s10  }
0x38: {  	s10 =	sld [smem:$0x3FAF]  }
0x39: {  	_ = 	snop;
	(pc) =	sbr.ind lr, $3  }
0x3a: {  	_ = 	snop  }
0x3b: {  	_ = 	snop  }
0x3c: {  	p2 =	seq.s32 s10, $0x1;
	s10 =	sld [smem:$0x3FAE]  }
0x3d: {  	_ =	shalt  }
0x3e: {  	_ =	shalt  }
0x3f: {  	_ =	shalt  }
0x40: {  	_ =	shalt  }
0x41: {  	_ =	shalt  }
0x42: {  	_ =	shalt  }
0x43: {  	_ =	shalt  }
0x44: {  	_ =	shalt  }
0x45: {  	_ =	shalt  }
0x46: {  	_ =	shalt  }
0x47: {  	_ =	shalt  }
0x48: {  	_ =	shalt  }
0x49: {  	_ =	shalt  }
0x4a: {  	_ =	shalt  }
0x4b: {  	_ =	shalt  }
0x4c: {  	_ =	shalt  }
0x4d: {  	_ =	shalt  }
0x4e: {  	_ =	shalt  }
0x4f: {  	_ =	shalt  }
0x50: {  	_ =	shalt  }
0x51: {  	_ =	shalt  }
0x52: {  	_ =	shalt  }
0x53: {  	_ =	shalt  }
0x54: {  	_ =	shalt  }
0x55: {  	_ =	shalt  }
0x56: {  	_ =	shalt  }
0x57: {  	_ =	shalt  }
0x58: {  	_ =	shalt  }
0x59: {  	_ =	shalt  }
0x5a: {  	_ =	shalt  }
0x5b: {  	_ =	shalt  }
0x5c: {  	_ =	shalt  }
0x5d: {  	_ =	shalt  }
0x5e: {  	_ =	shalt  }
0x5f: {  	_ =	shalt  }
0x60: {  	_ =	shalt  }
0x61: {  	_ =	shalt  }
0x62: {  	_ =	shalt  }
0x63: {  	_ =	shalt  }
0x64: {  	_ =	shalt  }
0x65: {  	_ =	shalt  }
0x66: {  	_ =	shalt  }
0x67: {  	_ =	shalt  }
0x68: {  	_ =	shalt  }
0x69: {  	_ =	shalt  }
0x6a: {  	_ =	shalt  }
0x6b: {  	_ =	shalt  }
0x6c: {  	_ =	shalt  }
0x6d: {  	_ =	shalt  }
0x6e: {  	_ =	shalt  }
0x6f: {  	_ =	shalt  }
0x70: {  	_ =	shalt  }
0x71: {  	_ =	shalt  }
0x72: {  	_ =	shalt  }
0x73: {  	_ =	shalt  }
0x74: {  	_ =	shalt  }
0x75: {  	_ =	shalt  }
0x76: {  	_ =	shalt  }
0x77: {  	_ =	shalt  }
0x78: {  	_ =	shalt  }
0x79: {  	_ =	shalt  }
0x7a: {  	_ =	shalt  }
0x7b: {  	_ =	shalt  }
0x7c: {  	_ =	shalt  }
0x7d: {  	_ =	shalt  }
0x7e: {  	_ =	shalt  }
0x7f: {  	_ =	shalt  }
0x80: {  	_ =	shalt  }
0x81: {  	_ =	shalt  }
0x82: {  	_ =	shalt  }
0x83: {  	_ =	shalt  }
0x84: {  	_ =	shalt  }
0x85: {  	_ =	shalt  }
0x86: {  	_ =	shalt  }
0x87: {  	_ =	shalt  }
.Lfunc_end0:
.L_simem_size_0:
called_computation.1_lowered:
.L_overlay_start_0:
0x88: {  	s2 =	sld [smem:$0x3FD9]  }
0x89: {  	s3 =	sld [smem:$0x3FFE];
	_ =	sdelay $0x1  }
0x8a: {  	s1 =	srdreg.scid  }
0x8b: {  	s0 =	sand.u32 $0x1, s1  }
0x8c: {  	s17 =	sshll.u32 s0, $0xA;
	s2 =	sadd.s32 s3, s2  }
0x8d: {  	s2 =	sadd.s32 s2, s17  }
0x8e: {  	[smem:$0x3FBA] =	sst s2  }
0x8f: {  	_ = 	snop  }
0x90: {  	(tm) =	ssettm $0x1  }
0x91: {  	s18 =	sld [smem:$0x3FFB];
	_ =	sdelay $0x3  }
0x92: {  	_ =	strace s18  }
0x93: {  	s2 =	sld [smem:$0x3FFC];
	_ =	sdelay $0x3  }
0x94: {  	_ =	strace s2  }
0x95: {  	s2 =	sld [smem:$0x3FFD];
	_ =	sdelay $0x3  }
0x96: {  	_ =	strace s2  }
0x97: {  	_ =	strace $0x8FFFFFFF  }
0x98: {  	s19 =	sld [smem:$0x3FDB];
	_ =	sdelay $0x1  }
0x99: {  	s20 =	simm.s32 $_scs_section_size  }
0x9a: {  	s4 =	simm.s32 $_size__tile_overlayer_lowered;
	s5 =	simm.s32 $_tile_overlayer_lowered  }
0x9b: {  	s6 =	simm.s32 $0x1BFF;
	s21 =	sshll.u32 s5, $0x1;
	s3 =	sadd.s32 s20, s19  }
0x9c: {  	s22 =	simm.s32 $0x0;
	s4 =	sshll.u32 s4, $0x1;
	s5 =	sadd.s32 s21, s3  }
0x9d: {  	[timem:s22], [sflag:s6] =	dma.local [hbm:s5], s4  }
0x9e: {  	_ =	swait.ge [sflag:s6], s4  }
0x9f: {  	s4 =	ssub.s32 $0x0, s4;
	[sflag:s6] =	ssyncset.done $0x0  }
0xa0: {  	[sflag:s6] =	ssyncadd.s32 s4;
	_ =	sdelay $0x1  }
0xa1: {  	s23 =	simm.s32 $0x1B8B  }
0xa2: {  	_ =	swait.ge [sflag:s23], $0x1  }
0xa3: {  	[sflag:s23] =	ssyncset.done $0x0  }
0xa4: {  	[sflag:s23] =	ssyncadd.s32 $0xFFFFFFFF  }
0xa5: {  	s4 =	sld [smem:$0x0]  }
0xa6: {  	s5 =	sand.u32 $0xFFFFFFFE, s1  }
0xa7: {  	p0 =	sne.s32 s1, s5  }
0xa8: {  	s5 =	sshll.u32 @p0 s5, $0xE  }
0xa9: {  	s5 =	sadd.s32 @p0 $0x11B8D, s5;
	s6 =	sshll.u32 @p0 s4, $0x11  }
0xaa: {  	s5 =	sor.u32 @p0 s6, s5  }
0xab: {  	[sflag:s5] =	ssyncadd.remote.s32 @p0 $0x1;
	_ =	sdelay $0x1  }
0xac: {  	s5 =	simm.s32 @p0 $0x1B8D  }
0xad: {  	_ =	swait.eq @p0 [sflag:s5], $0x1  }
0xae: {  	[sflag:s5] =	ssyncadd.s32 @p0 $0xFFFFFFFF  }
0xaf: {  	s6 =	sshll.u32 @!p0 s1, $0xE  }
0xb0: {  	s6 =	sor.u32 @!p0 $0x4000, s6;
	s5 =	simm.s32 @!p0 $0x1B8D  }
0xb1: {  	s4 =	sshll.u32 @!p0 s4, $0x11;
	s6 =	sadd.s32 @!p0 $0x11B8D, s6;
	_ =	swait.eq @!p0 [sflag:s5], $0x1  }
0xb2: {  	s4 =	sor.u32 @!p0 s4, s6;
	[sflag:s5] =	ssyncadd.s32 @!p0 $0xFFFFFFFF  }
0xb3: {  	s25 =	simm.s32 $0x1B8E;
	s24 =	sld [smem:$0x3FFE];
	[sflag:s4] =	ssyncadd.remote.s32 @!p0 $0x1  }
0xb4: {  	s26 =	simm.s32 $execute0_lowered;
	[smem:$0x3FD2] =	sst s25  }
0xb5: {  	s5 =	sshll.u32 s26, $0x1;
	_ =	strace $0x8000004C;
	[dreg:$0x1] =	wrdreg $0xFFFFFFFF  }
0xb6: {  	s28 =	simm.s32 $_size_execute0_lowered;
	s3 =	sadd.s32 s3, s5;
	[dreg:$0x0] =	wrdreg $0x0  }
0xb7: {  	s5 =	sshll.u32 s28, $0x1;
	[dreg:$0x2] =	wrdreg s3  }
0xb8: {  	[dreg:$0x3] =	wrdreg s5  }
0xb9: {  	[dreg:$0x4] =	wrdreg $0xC0  }
0xba: {  	_ =	task [dreg:s22], $0x5FFFF  }
0xbb: {  	[dreg:$0x1] =	wrdreg $0xFFFFFFFF  }
0xbc: {  	[dreg:$0x0] =	wrdreg $0x60  }
0xbd: {  	[dreg:$0x2] =	wrdreg s24  }
0xbe: {  	[dreg:$0x3] =	wrdreg $0x41000  }
0xbf: {  	[dreg:$0x4] =	wrdreg $0x9  }
0xc0: {  	_ =	task.clear_ibuf [dreg:s22], $0x5FFFF;
	_ =	strace $0x9000004C  }
0xc1: {  	s29 =	simm.s32 $0x9;
	_ =	strace $0x8000004E  }
0xc2: {  	_ =	swait.ge [sflag:s29], $0x1  }
0xc3: {  	[sflag:s29] =	ssyncadd.s32 $0xFFFFFFFF  }
0xc4: {  	_ =	strace $0x9000004E  }
0xc5: {  	_ =	sfence  }
0xc6: {  	s30 =	sld [smem:$0x0];
	_ =	sdelay $0x2  }
0xc7: {  	s31 =	sshll.u32 s1, $0xD;
	s1 =	sshrl.u32 s1, $0x2  }
0xc8: {  	s4 =	sand.u32 $0x4000, s31;
	s1 =	sadd.s32 s1, s30  }
0xc9: {  	s0 =	sor.u32 s4, s0;
	s1 =	sshll.u32 s1, $0x11  }
0xca: {  	s0 =	sor.u32 s1, s0  }
0xcb: {  	s0 =	sadd.s32 $0x8F2B, s0  }
0xcc: {  	[sflag:s0] =	ssyncadd.remote.s32 $0x1  }
0xcd: {  	_ =	sfence.sel $0xFFFF  }
0xce: {  	[dreg:$0x0] =	wrdreg $0xFFFFFFFF;
	(pc) =	sbr.abs _section_cstart, $3  }
0xcf: {  	[dreg:$0x1] =	wrdreg $0xFFFFFFFF  }
0xd0: {  	_ =	task.clear_ibuf [dreg:s22], $0x2FFFF;
	_ =	strace $0x9FFFFFFF  }
0xd1: {  	(tm) =	ssettm $0x7FFFFFFF  }
tec
execute0_lowered:
.L_overlay_start_1:
0x0: {  	(tag) =	ssettag $0x1  }
0x1: {  	s5 =	rddreg [dreg:$0x0]  }
0x2: {  	s2 =	rddreg [dreg:$0x1]  }
0x3: {  	s0 =	rddreg [dreg:$0x2]  }
0x4: {  	s1 =	stileid.u32;
	s3 =	simm.s32 $0x0;
	s4 =	srdreg.scid  }
0x5: {  	s13 =	simm.s32 $0x2;
	s14 =	simm.s32 $0x80;
	s6 =	smul.u32 $0x1F80, s1  }
0x6: {  	s15 =	simm.s32 $0x100;
	s7 =	sand.u32 $0x1, s4;
	s4 =	smul.u32 $0x2F80, s1  }
0x7: {  	s16 =	simm.s32 $0x1;
	s17 =	simm.s32 $0x0;
	s8 =	smul.u32 $0x14000, s1  }
0x8: {  	[smem:$0x7FF] =	sst s3;
	s28 =	smul.u32 $0x50000, s1;
	s31 =	sshll.u32 s1, $0x6  }
0x9: {  	p0 =	seq.s32 s7, $0x0;
	s9 =	smul.u32 $0x140000, s7;
	_ =	strace $0x8000004D  }
0xa: {  	s7 =	ssub.s32 $0x2, s7;
	s6 =	sadd.s32 $0x2F800, s6;
	s26 =	sshrl.u32 s8, $0x3  }
0xb: {  	s29 =	sshrl.u32 s7, $0x1;
	s30 =	sshrl.u32 s28, $0x2;
	s6 =	smov.u32 @p0 s4  }
0xc: {  	s4 =	sadd.s32 $0x91200, s5;
	s8 =	sadd.s32 s8, s9;
	s10 =	ssub.s32 s7, s29  }
0xd: {  	s12 =	sadd.s32 s30, s2;
	s7 =	sor.u32 $0x1C02, s31;
	s6 =	sshrl.u32 s6, $0x3  }
0xe: {  	s8 =	sshrl.u32 s8, $0x3;
	s9 =	smax.u32 s10, $0x1;
	s11 =	sadd.s32 s6, s5  }
0xf: {  	s6 =	sadd.s32 s26, s5;
	s8 =	sadd.s32 s8, s5;
	s5 =	simm.s32 $0x5F  }
0x10: {  	s12 =	sshrl.u32 s12, $0x3;
	s5 =	simm.s32 @!p0 $0x3F;
	s6 =	sadd.s32 $0xE1200, s6  }
0x11: {  	s8 =	sadd.s32 $0x159200, s8;
	s10 =	sadd.s32 $0xF400, s11;
	s11 =	sadd.s32 $0x5600, s11  }
.LBB2_1:
0x12: {  	[spmem:s12], [sflag:s7] =	dma.local [hbm:s6], $0x2800  }
0x13: {  	_ =	swait.ge [sflag:s13], $0x2800  }
0x14: {  	[sflag:s13] =	ssyncset.done $0x0  }
0x15: {  	[sflag:s13] =	ssyncadd.s32 $0xFFFFD800  }
0x16: {  	[bflag:$0x0] =	sbarrier.arrive $0xFFFF  }
0x17: {  	[tilespmem:s3], [sflag:$0x2] =	stream.linear.gather [hbm4b:s11+s3], $0x80, $0x38;
	[tilespmem:$0x18100] =	vst v63  }
0x18: {  	_ =	swait.ge [sflag:s13], $0x80  }
0x19: {  	[sflag:s13] =	ssyncset.done $0x0  }
0x1a: {  	[sflag:s13] =	ssyncadd.s32 $0xFFFFFF80  }
0x1b: {  	[tilespmem:s14], [sflag:$0x2] =	stream.linear.gather [hbm4b:s10+s3], $0x80, $0x38;
	[tilespmem:$0x18100] =	vst v63  }
0x1c: {  	_ =	swait.ge [sflag:s13], $0x80  }
0x1d: {  	[sflag:s13] =	ssyncset.done $0x0  }
0x1e: {  	[sflag:s13] =	ssyncadd.s32 $0xFFFFFF80  }
0x1f: {  	[tilespmem:s15], [sflag:$0x1] =	stream.indirect.gather [hbm4b:s4+s14], $0x80, s3, s14, $0xb8;
	[tilespmem:$0x18100] =	vst v63  }
0x20: {  	p0 =	sne.s32 s5, $0x1;
	_ =	swait.ge [sflag:s16], $0x4000  }
.Ltmp0:
0x21: {  	[sflag:s16] =	ssyncset.done $0x0;
	(pc) =	sbr.rel @!p0 .LBB2_3-.Ltmp0, $4  }
0x22: {  	[sflag:s16] =	ssyncadd.s32 $0xFFFFC000  }
0x23: {  	[spmem:s2] =	stream.indirect.scatter.add.f32 [tilespmem:s15], [sflag:$0x2], $0x80, s14, s14, $0xb8;
	[tilespmem:$0x18100] =	vst v63  }
0x24: {  	s18 =	sadd.s32 $0xFFFFFFFF, s5;
	_ =	swait.ge [sflag:s13], $0x4000  }
0x25: {  	s19 =	smov.u32 s10;
	s20 =	smov.u32 s11;
	[sflag:s13] =	ssyncset.done $0x0  }
.LBB2_2:
0x26: {  	[sflag:s13] =	ssyncadd.s32 $0xFFFFC000;
	s19 =	sadd.s32 $0x10, s19;
	s20 =	sadd.s32 $0x10, s20  }
0x27: {  	[tilespmem:s3], [sflag:$0x2] =	stream.linear.gather [hbm4b:s20+s3], $0x80, $0x38;
	[tilespmem:$0x18100] =	vst v63  }
0x28: {  	p0 =	sne.s32 s18, $0x1;
	s18 =	sadd.s32 $0xFFFFFFFF, s18;
	_ =	swait.ge [sflag:s13], $0x80  }
0x29: {  	[sflag:s13] =	ssyncset.done $0x0  }
0x2a: {  	[sflag:s13] =	ssyncadd.s32 $0xFFFFFF80  }
0x2b: {  	[tilespmem:s14], [sflag:$0x2] =	stream.linear.gather [hbm4b:s19+s3], $0x80, $0x38;
	[tilespmem:$0x18100] =	vst v63  }
0x2c: {  	_ =	swait.ge [sflag:s13], $0x80  }
0x2d: {  	[sflag:s13] =	ssyncset.done $0x0  }
0x2e: {  	[sflag:s13] =	ssyncadd.s32 $0xFFFFFF80  }
0x2f: {  	[tilespmem:s15], [sflag:$0x1] =	stream.indirect.gather [hbm4b:s4+s14], $0x80, s3, s14, $0xb8;
	[tilespmem:$0x18100] =	vst v63  }
0x30: {  	_ =	swait.ge [sflag:s16], $0x4000  }
.Ltmp1:
0x31: {  	[sflag:s16] =	ssyncset.done $0x0;
	(pc) =	sbr.rel @p0 .LBB2_2-.Ltmp1, $4  }
0x32: {  	[sflag:s16] =	ssyncadd.s32 $0xFFFFC000  }
0x33: {  	[spmem:s2] =	stream.indirect.scatter.add.f32 [tilespmem:s15], [sflag:$0x2], $0x80, s14, s14, $0xb8;
	[tilespmem:$0x18100] =	vst v63  }
0x34: {  	_ =	swait.ge [sflag:s13], $0x4000  }
0x35: {  	[sflag:s13] =	ssyncset.done $0x0  }
.LBB2_3:
0x36: {  	s17 =	sadd.s32 $0x1, s17  }
0x37: {  	[sflag:s13] =	ssyncadd.s32 $0xFFFFC000;
	p0 =	sne.s32 s17, s9  }
.Ltmp2:
0x38: {  	[bflag:$0x0] =	sbarrier.arrive $0xFFFF;
	(pc) =	sbr.rel @p0 .LBB2_1-.Ltmp2, $4  }
0x39: {  	[hbm:s8], [sflag:s7] =	dma.local [spmem:s12], $0x2800  }
0x3a: {  	_ =	swait.ge [sflag:s13], $0x2800  }
0x3b: {  	[sflag:s13] =	ssyncset.done $0x0  }
0x3c: {  	[sflag:s13] =	ssyncadd.s32 $0xFFFFD800  }
0x3d: {  	_ =	sfence.sel $0x180000  }
0x3e: {  	[bflag:$0x0] =	sbarrier.arrive $0xFFFF  }
0x3f: {  	p0 =	sne.s32 s1, $0x0;
	_ =	strace $0x9000004D  }
0x40: {  	s0 =	sadd.s32 @!p0 $0x100000, s0;
	[bflag:$0x2] =	sbarrier.arrive $0xFFFF  }
0x41: {  	[sflag:s0] =	ssyncadd.tile.s32 @!p0 $0x1;
	_ =	shalt  }
.Lfunc_end2:
_tile_overlayer_lowered:
.L_overlay_start_2:
0x42: {  	(tag) =	ssettag $0x2  }
0x43: {  	s0 =	rddreg [dreg:$0x0];
	s2 =	stileid.u32  }
0x44: {  	s1 =	rddreg [dreg:$0x1];
	p0 =	sne.s32 s2, $0x0  }
0x45: {  	s3 =	rddreg [dreg:$0x2];
	[bflag:$0x3] =	sbarrier.arrive $0xFFFF;
	s2 =	simm.s32 @!p0 $0x1C02  }
0x46: {  	[timem:s3], [sflag:s2] =	dma.local @!p0 [hbm:s0], s1  }
0x47: {  	s0 =	simm.s32 @!p0 $0x2  }
0x48: {  	_ =	swait.ge @!p0 [sflag:s0], s1  }
0x49: {  	s1 =	ssub.s32 @!p0 $0x0, s1;
	[sflag:s0] =	ssyncset.done @!p0 $0x0  }
0x4a: {  	[sflag:s0] =	ssyncadd.s32 @!p0 s1  }
0x4b: {  	[bflag:$0x3] =	sbarrier.arrive $0xFFFF  }
0x4c: {  	_ =	shalt  }

// kernel: kernel.18.cloned.1.call-start
scs
__scs_entry_jumppad:
0x0: {  	(pc) =	sbr.rel $0x88, $3  }
0x1: {  	(tag) =	ssettag $0x0;
	lr =	simm.s32 $0x1  }
0x2: {  	[smem:$0x3F93] =	sst lr;
	_ =	strace $0xD0000000  }
0x3: {  	_ = 	snop  }
0x4: {  	_ = 	snop  }
0x5: {  	_ = 	snop  }
0x6: {  	_ = 	snop  }
0x7: {  	_ = 	snop  }
__scs_overlays_trampoline_lowered:
0x8: {  	[smem:$0x3FA2] =	sst s0  }
0x9: {  	[smem:$0x3FA3] =	sst s1  }
0xa: {  	[smem:$0x3FA4] =	sst s2  }
0xb: {  	[smem:$0x3FA5] =	sst s3  }
0xc: {  	[smem:$0x3FA6] =	sst s4  }
0xd: {  	[smem:$0x3FA7] =	sst s5  }
0xe: {  	[smem:$0x3FA8] =	sst s6  }
0xf: {  	[smem:$0x3FA9] =	sst s7  }
0x10: {  	[smem:$0x3FAA] =	sst s8  }
0x11: {  	[smem:$0x3FAB] =	sst s9;
	s0 =	simm.s32 @!p0 $0x0  }
0x12: {  	s1 =	sld [smem:$0x3F91];
	s0 =	simm.s32 @p0 $0x1  }
0x13: {  	[smem:$0x3FAC] =	sst s0;
	s0 =	simm.s32 @!p1 $0x0  }
0x14: {  	s2 =	sld [smem:$0x3F90];
	s0 =	simm.s32 @p1 $0x1  }
0x15: {  	[smem:$0x3FAD] =	sst s0;
	s0 =	simm.s32 @!p2 $0x0  }
0x16: {  	s3 =	sld [smem:$0x3FDB];
	s0 =	simm.s32 @p2 $0x1  }
0x17: {  	s4 =	simm.s32 $0x1BF5;
	[smem:$0x3FAF] =	sst s0  }
0x18: {  	s0 =	sld [smem:$0x3F92];
	_ =	swait.ge [sflag:s4], $0x0  }
0x19: {  	s7 =	sld [smem:$0x3F93]  }
0x1a: {  	s8 =	sadd.s32 $0xFFFFE003, lr  }
0x1b: {  	s9 =	sadd.s32 $0xFFFFFEF7, lr;
	s5 =	simm.s32 $0xFFFFFFFF;
	p2 =	slt.u32 s8, $0xFFFFF086  }
0x1c: {  	p1 =	slt.u32 s9, $0xF7A;
	s5 =	simm.s32 @!p2 $0x0  }
0x1d: {  	s5 =	simm.s32 @p1 $0x1;
	p0 =	seq.s32 s7, s2  }
0x1e: {  	s7 =	smul.u32 @!p0 $0xF7A, s2;
	p2 =	seq.s32 @!p0 s5, $0x0  }
0x1f: {  	s9 =	smul.u32 $0xF7A, s1;
	s8 =	simm.s32 @!p0 $0x1BF5;
	p2 =	por !p2, p0  }
0x20: {  	[sflag:s8] =	ssyncset.s32 @!p0 $0xFFFFF086;
	s6 =	sadd.s32 @!p0 s3, s7;
	s7 =	simm.s32 @!p0 $0x108  }
0x21: {  	s3 =	sadd.s32 s3, s9;
	s6 =	sadd.s32 @!p0 $0x88, s6;
	s7 =	simm.s32 @p2 $0x1082  }
0x22: {  	[simem:s7], [sflag:s8] =	dma.local @!p0 [hbm:s6], $0xF7A  }
0x23: {  	s9 =	sor.u32 $0xD0000000, s2;
	s6 =	simm.s32 $0x108;
	_ =	swait.ge @!p0 [sflag:s8], $0x0  }
0x24: {  	s3 =	sadd.s32 $0x88, s3;
	s6 =	simm.s32 @!p1 $0x1082;
	[sflag:s4] =	ssyncset.s32 $0xFFFFF086  }
0x25: {  	[simem:s6], [sflag:s4] =	dma.local [hbm:s3], $0xF7A  }
0x26: {  	[smem:$0x3F93] =	sst s1;
	(tag) =	ssettag s2;
	_ =	strace s9  }
0x27: {  	s1 =	sld [smem:$0x3FA3]  }
0x28: {  	s2 =	sld [smem:$0x3FA4]  }
0x29: {  	s4 =	sld [smem:$0x3FA6]  }
0x2a: {  	p0 =	seq.s32 s5, $0x0;
	s5 =	sld [smem:$0x3FA7]  }
0x2b: {  	s6 =	sld [smem:$0x3FA8]  }
0x2c: {  	s7 =	sld [smem:$0x3FA9]  }
0x2d: {  	s3 =	simm.s32 $0x108;
	s8 =	sld [smem:$0x3FAA]  }
0x2e: {  	s3 =	simm.s32 @!p0 $0x1082;
	s9 =	sld [smem:$0x3FAB]  }
0x2f: {  	lr =	sadd.s32 s0, s3;
	s0 =	sld [smem:$0x3FA2]  }
0x30: {  	s3 =	sld [smem:$0x3FA5]  }
0x31: {  	[smem:$0x3FAE] =	sst s10  }
0x32: {  	s10 =	sld [smem:$0x3FAC];
	_ =	sdelay $0x3  }
0x33: {  	p0 =	seq.s32 s10, $0x1;
	s10 =	sld [smem:$0x3FAE];
	_ =	sdelay $0x3  }
0x34: {  	[smem:$0x3FAE] =	sst s10  }
0x35: {  	s10 =	sld [smem:$0x3FAD];
	_ =	sdelay $0x3  }
0x36: {  	p1 =	seq.s32 s10, $0x1;
	s10 =	sld [smem:$0x3FAE];
	_ =	sdelay $0x3  }
0x37: {  	[smem:$0x3FAE] =	sst s10  }
0x38: {  	s10 =	sld [smem:$0x3FAF]  }
0x39: {  	_ = 	snop;
	(pc) =	sbr.ind lr, $3  }
0x3a: {  	_ = 	snop  }
0x3b: {  	_ = 	snop  }
0x3c: {  	p2 =	seq.s32 s10, $0x1;
	s10 =	sld [smem:$0x3FAE]  }
0x3d: {  	_ =	shalt  }
0x3e: {  	_ =	shalt  }
0x3f: {  	_ =	shalt  }
0x40: {  	_ =	shalt  }
0x41: {  	_ =	shalt  }
0x42: {  	_ =	shalt  }
0x43: {  	_ =	shalt  }
0x44: {  	_ =	shalt  }
0x45: {  	_ =	shalt  }
0x46: {  	_ =	shalt  }
0x47: {  	_ =	shalt  }
0x48: {  	_ =	shalt  }
0x49: {  	_ =	shalt  }
0x4a: {  	_ =	shalt  }
0x4b: {  	_ =	shalt  }
0x4c: {  	_ =	shalt  }
0x4d: {  	_ =	shalt  }
0x4e: {  	_ =	shalt  }
0x4f: {  	_ =	shalt  }
0x50: {  	_ =	shalt  }
0x51: {  	_ =	shalt  }
0x52: {  	_ =	shalt  }
0x53: {  	_ =	shalt  }
0x54: {  	_ =	shalt  }
0x55: {  	_ =	shalt  }
0x56: {  	_ =	shalt  }
0x57: {  	_ =	shalt  }
0x58: {  	_ =	shalt  }
0x59: {  	_ =	shalt  }
0x5a: {  	_ =	shalt  }
0x5b: {  	_ =	shalt  }
0x5c: {  	_ =	shalt  }
0x5d: {  	_ =	shalt  }
0x5e: {  	_ =	shalt  }
0x5f: {  	_ =	shalt  }
0x60: {  	_ =	shalt  }
0x61: {  	_ =	shalt  }
0x62: {  	_ =	shalt  }
0x63: {  	_ =	shalt  }
0x64: {  	_ =	shalt  }
0x65: {  	_ =	shalt  }
0x66: {  	_ =	shalt  }
0x67: {  	_ =	shalt  }
0x68: {  	_ =	shalt  }
0x69: {  	_ =	shalt  }
0x6a: {  	_ =	shalt  }
0x6b: {  	_ =	shalt  }
0x6c: {  	_ =	shalt  }
0x6d: {  	_ =	shalt  }
0x6e: {  	_ =	shalt  }
0x6f: {  	_ =	shalt  }
0x70: {  	_ =	shalt  }
0x71: {  	_ =	shalt  }
0x72: {  	_ =	shalt  }
0x73: {  	_ =	shalt  }
0x74: {  	_ =	shalt  }
0x75: {  	_ =	shalt  }
0x76: {  	_ =	shalt  }
0x77: {  	_ =	shalt  }
0x78: {  	_ =	shalt  }
0x79: {  	_ =	shalt  }
0x7a: {  	_ =	shalt  }
0x7b: {  	_ =	shalt  }
0x7c: {  	_ =	shalt  }
0x7d: {  	_ =	shalt  }
0x7e: {  	_ =	shalt  }
0x7f: {  	_ =	shalt  }
0x80: {  	_ =	shalt  }
0x81: {  	_ =	shalt  }
0x82: {  	_ =	shalt  }
0x83: {  	_ =	shalt  }
0x84: {  	_ =	shalt  }
0x85: {  	_ =	shalt  }
0x86: {  	_ =	shalt  }
0x87: {  	_ =	shalt  }
.Lfunc_end0:
.L_simem_size_0:
called_computation.2_lowered:
.L_overlay_start_0:
0x88: {  	s2 =	sld [smem:$0x3FD9]  }
0x89: {  	s3 =	sld [smem:$0x3FFE];
	_ =	sdelay $0x1  }
0x8a: {  	s1 =	srdreg.scid  }
0x8b: {  	s0 =	sand.u32 $0x1, s1  }
0x8c: {  	s17 =	sshll.u32 s0, $0xA;
	s2 =	sadd.s32 s3, s2  }
0x8d: {  	s2 =	sadd.s32 s2, s17  }
0x8e: {  	[smem:$0x3FBA] =	sst s2  }
0x8f: {  	_ = 	snop  }
0x90: {  	(tm) =	ssettm $0x1  }
0x91: {  	s18 =	sld [smem:$0x3FFB];
	_ =	sdelay $0x3  }
0x92: {  	_ =	strace s18  }
0x93: {  	s2 =	sld [smem:$0x3FFC];
	_ =	sdelay $0x3  }
0x94: {  	_ =	strace s2  }
0x95: {  	s2 =	sld [smem:$0x3FFD];
	_ =	sdelay $0x3  }
0x96: {  	_ =	strace s2  }
0x97: {  	_ =	strace $0x8FFFFFFF  }
0x98: {  	s19 =	sld [smem:$0x3FDB];
	_ =	sdelay $0x1  }
0x99: {  	s20 =	simm.s32 $_scs_section_size  }
0x9a: {  	s4 =	simm.s32 $_size__tile_overlayer_lowered;
	s5 =	simm.s32 $_tile_overlayer_lowered  }
0x9b: {  	s6 =	simm.s32 $0x1BFF;
	s21 =	sshll.u32 s5, $0x1;
	s3 =	sadd.s32 s20, s19  }
0x9c: {  	s22 =	simm.s32 $0x0;
	s4 =	sshll.u32 s4, $0x1;
	s5 =	sadd.s32 s21, s3  }
0x9d: {  	[timem:s22], [sflag:s6] =	dma.local [hbm:s5], s4  }
0x9e: {  	_ =	swait.ge [sflag:s6], s4  }
0x9f: {  	s4 =	ssub.s32 $0x0, s4;
	[sflag:s6] =	ssyncset.done $0x0  }
0xa0: {  	[sflag:s6] =	ssyncadd.s32 s4;
	_ =	sdelay $0x1  }
0xa1: {  	s23 =	simm.s32 $0x1B8B  }
0xa2: {  	_ =	swait.ge [sflag:s23], $0x1  }
0xa3: {  	[sflag:s23] =	ssyncset.done $0x0  }
0xa4: {  	[sflag:s23] =	ssyncadd.s32 $0xFFFFFFFF  }
0xa5: {  	s4 =	sld [smem:$0x0]  }
0xa6: {  	s5 =	sand.u32 $0xFFFFFFFE, s1  }
0xa7: {  	p0 =	sne.s32 s1, s5  }
0xa8: {  	s5 =	sshll.u32 @p0 s5, $0xE  }
0xa9: {  	s5 =	sadd.s32 @p0 $0x11B8D, s5;
	s6 =	sshll.u32 @p0 s4, $0x11  }
0xaa: {  	s5 =	sor.u32 @p0 s6, s5  }
0xab: {  	[sflag:s5] =	ssyncadd.remote.s32 @p0 $0x1;
	_ =	sdelay $0x1  }
0xac: {  	s5 =	simm.s32 @p0 $0x1B8D  }
0xad: {  	_ =	swait.eq @p0 [sflag:s5], $0x1  }
0xae: {  	[sflag:s5] =	ssyncadd.s32 @p0 $0xFFFFFFFF  }
0xaf: {  	s6 =	sshll.u32 @!p0 s1, $0xE  }
0xb0: {  	s6 =	sor.u32 @!p0 $0x4000, s6;
	s5 =	simm.s32 @!p0 $0x1B8D  }
0xb1: {  	s4 =	sshll.u32 @!p0 s4, $0x11;
	s6 =	sadd.s32 @!p0 $0x11B8D, s6;
	_ =	swait.eq @!p0 [sflag:s5], $0x1  }
0xb2: {  	s4 =	sor.u32 @!p0 s4, s6;
	[sflag:s5] =	ssyncadd.s32 @!p0 $0xFFFFFFFF  }
0xb3: {  	s25 =	simm.s32 $0x1B8E;
	s24 =	sld [smem:$0x3FFE];
	[sflag:s4] =	ssyncadd.remote.s32 @!p0 $0x1  }
0xb4: {  	s26 =	simm.s32 $execute0_lowered;
	[smem:$0x3FD2] =	sst s25  }
0xb5: {  	s5 =	sshll.u32 s26, $0x1;
	_ =	strace $0x80000052;
	[dreg:$0x1] =	wrdreg $0xFFFFFFFF  }
0xb6: {  	s28 =	simm.s32 $_size_execute0_lowered;
	s3 =	sadd.s32 s3, s5;
	[dreg:$0x0] =	wrdreg $0x0  }
0xb7: {  	s5 =	sshll.u32 s28, $0x1;
	[dreg:$0x2] =	wrdreg s3  }
0xb8: {  	[dreg:$0x3] =	wrdreg s5  }
0xb9: {  	[dreg:$0x4] =	wrdreg $0xC0  }
0xba: {  	_ =	task [dreg:s22], $0x5FFFF  }
0xbb: {  	[dreg:$0x1] =	wrdreg $0xFFFFFFFF  }
0xbc: {  	[dreg:$0x0] =	wrdreg $0x60  }
0xbd: {  	[dreg:$0x2] =	wrdreg s24  }
0xbe: {  	[dreg:$0x3] =	wrdreg $0x41000  }
0xbf: {  	[dreg:$0x4] =	wrdreg $0x9  }
0xc0: {  	_ =	task.clear_ibuf [dreg:s22], $0x5FFFF;
	_ =	strace $0x90000052  }
0xc1: {  	s29 =	simm.s32 $0x9;
	_ =	strace $0x80000054  }
0xc2: {  	_ =	swait.ge [sflag:s29], $0x1  }
0xc3: {  	[sflag:s29] =	ssyncadd.s32 $0xFFFFFFFF  }
0xc4: {  	_ =	strace $0x90000054  }
0xc5: {  	_ =	sfence  }
0xc6: {  	s30 =	sld [smem:$0x0];
	_ =	sdelay $0x2  }
0xc7: {  	s31 =	sshll.u32 s1, $0xD;
	s1 =	sshrl.u32 s1, $0x2  }
0xc8: {  	s4 =	sand.u32 $0x4000, s31;
	s1 =	sadd.s32 s1, s30  }
0xc9: {  	s0 =	sor.u32 s4, s0;
	s1 =	sshll.u32 s1, $0x11  }
0xca: {  	s0 =	sor.u32 s1, s0  }
0xcb: {  	s0 =	sadd.s32 $0x8F2B, s0  }
0xcc: {  	[sflag:s0] =	ssyncadd.remote.s32 $0x1  }
0xcd: {  	_ =	sfence.sel $0xFFFF  }
0xce: {  	[dreg:$0x0] =	wrdreg $0xFFFFFFFF;
	(pc) =	sbr.abs _section_cstart, $3  }
0xcf: {  	[dreg:$0x1] =	wrdreg $0xFFFFFFFF  }
0xd0: {  	_ =	task.clear_ibuf [dreg:s22], $0x2FFFF;
	_ =	strace $0x9FFFFFFF  }
0xd1: {  	(tm) =	ssettm $0x7FFFFFFF  }
tec
execute0_lowered:
.L_overlay_start_1:
0x0: {  	(tag) =	ssettag $0x1  }
0x1: {  	s5 =	rddreg [dreg:$0x0]  }
0x2: {  	s2 =	rddreg [dreg:$0x1]  }
0x3: {  	s0 =	rddreg [dreg:$0x2]  }
0x4: {  	s1 =	stileid.u32;
	s3 =	simm.s32 $0x0;
	s4 =	srdreg.scid  }
0x5: {  	s13 =	simm.s32 $0x2;
	s14 =	simm.s32 $0x80;
	s6 =	smul.u32 $0x1F80, s1  }
0x6: {  	s15 =	simm.s32 $0x100;
	s7 =	sand.u32 $0x1, s4;
	s4 =	smul.u32 $0x2F80, s1  }
0x7: {  	s16 =	simm.s32 $0x1;
	s17 =	simm.s32 $0x0;
	s8 =	smul.u32 $0x14000, s1  }
0x8: {  	[smem:$0x7FF] =	sst s3;
	s28 =	smul.u32 $0x50000, s1;
	s31 =	sshll.u32 s1, $0x6  }
0x9: {  	p0 =	seq.s32 s7, $0x0;
	s9 =	smul.u32 $0x140000, s7;
	_ =	strace $0x80000053  }
0xa: {  	s7 =	ssub.s32 $0x2, s7;
	s6 =	sadd.s32 $0x2F800, s6;
	s26 =	sshrl.u32 s8, $0x3  }
0xb: {  	s29 =	sshrl.u32 s7, $0x1;
	s30 =	sshrl.u32 s28, $0x2;
	s6 =	smov.u32 @p0 s4  }
0xc: {  	s4 =	sadd.s32 $0x19200, s5;
	s8 =	sadd.s32 s8, s9;
	s10 =	ssub.s32 s7, s29  }
0xd: {  	s12 =	sadd.s32 s30, s2;
	s7 =	sor.u32 $0x1C02, s31;
	s6 =	sshrl.u32 s6, $0x3  }
0xe: {  	s8 =	sshrl.u32 s8, $0x3;
	s9 =	smax.u32 s10, $0x1;
	s11 =	sadd.s32 s6, s5  }
0xf: {  	s6 =	sadd.s32 s26, s5;
	s8 =	sadd.s32 s8, s5;
	s5 =	simm.s32 $0x5F  }
0x10: {  	s12 =	sshrl.u32 s12, $0x3;
	s5 =	simm.s32 @!p0 $0x3F;
	s6 =	sadd.s32 $0xE1200, s6  }
0x11: {  	s8 =	sadd.s32 $0x69200, s8;
	s10 =	sadd.s32 $0xF400, s11;
	s11 =	sadd.s32 $0x5600, s11  }
.LBB2_1:
0x12: {  	[spmem:s12], [sflag:s7] =	dma.local [hbm:s6], $0x2800  }
0x13: {  	_ =	swait.ge [sflag:s13], $0x2800  }
0x14: {  	[sflag:s13] =	ssyncset.done $0x0  }
0x15: {  	[sflag:s13] =	ssyncadd.s32 $0xFFFFD800  }
0x16: {  	[bflag:$0x0] =	sbarrier.arrive $0xFFFF  }
0x17: {  	[tilespmem:s3], [sflag:$0x2] =	stream.linear.gather [hbm4b:s11+s3], $0x80, $0x38;
	[tilespmem:$0x18100] =	vst v63  }
0x18: {  	_ =	swait.ge [sflag:s13], $0x80  }
0x19: {  	[sflag:s13] =	ssyncset.done $0x0  }
0x1a: {  	[sflag:s13] =	ssyncadd.s32 $0xFFFFFF80  }
0x1b: {  	[tilespmem:s14], [sflag:$0x2] =	stream.linear.gather [hbm4b:s10+s3], $0x80, $0x38;
	[tilespmem:$0x18100] =	vst v63  }
0x1c: {  	_ =	swait.ge [sflag:s13], $0x80  }
0x1d: {  	[sflag:s13] =	ssyncset.done $0x0  }
0x1e: {  	[sflag:s13] =	ssyncadd.s32 $0xFFFFFF80  }
0x1f: {  	[tilespmem:s15], [sflag:$0x1] =	stream.indirect.gather [hbm4b:s4+s14], $0x80, s3, s14, $0xb8;
	[tilespmem:$0x18100] =	vst v63  }
0x20: {  	p0 =	sne.s32 s5, $0x1;
	_ =	swait.ge [sflag:s16], $0x4000  }
.Ltmp0:
0x21: {  	[sflag:s16] =	ssyncset.done $0x0;
	(pc) =	sbr.rel @!p0 .LBB2_3-.Ltmp0, $4  }
0x22: {  	[sflag:s16] =	ssyncadd.s32 $0xFFFFC000  }
0x23: {  	[spmem:s2] =	stream.indirect.scatter.add.f32 [tilespmem:s15], [sflag:$0x2], $0x80, s14, s14, $0xb8;
	[tilespmem:$0x18100] =	vst v63  }
0x24: {  	s18 =	sadd.s32 $0xFFFFFFFF, s5;
	_ =	swait.ge [sflag:s13], $0x4000  }
0x25: {  	s19 =	smov.u32 s10;
	s20 =	smov.u32 s11;
	[sflag:s13] =	ssyncset.done $0x0  }
.LBB2_2:
0x26: {  	[sflag:s13] =	ssyncadd.s32 $0xFFFFC000;
	s19 =	sadd.s32 $0x10, s19;
	s20 =	sadd.s32 $0x10, s20  }
0x27: {  	[tilespmem:s3], [sflag:$0x2] =	stream.linear.gather [hbm4b:s20+s3], $0x80, $0x38;
	[tilespmem:$0x18100] =	vst v63  }
0x28: {  	p0 =	sne.s32 s18, $0x1;
	s18 =	sadd.s32 $0xFFFFFFFF, s18;
	_ =	swait.ge [sflag:s13], $0x80  }
0x29: {  	[sflag:s13] =	ssyncset.done $0x0  }
0x2a: {  	[sflag:s13] =	ssyncadd.s32 $0xFFFFFF80  }
0x2b: {  	[tilespmem:s14], [sflag:$0x2] =	stream.linear.gather [hbm4b:s19+s3], $0x80, $0x38;
	[tilespmem:$0x18100] =	vst v63  }
0x2c: {  	_ =	swait.ge [sflag:s13], $0x80  }
0x2d: {  	[sflag:s13] =	ssyncset.done $0x0  }
0x2e: {  	[sflag:s13] =	ssyncadd.s32 $0xFFFFFF80  }
0x2f: {  	[tilespmem:s15], [sflag:$0x1] =	stream.indirect.gather [hbm4b:s4+s14], $0x80, s3, s14, $0xb8;
	[tilespmem:$0x18100] =	vst v63  }
0x30: {  	_ =	swait.ge [sflag:s16], $0x4000  }
.Ltmp1:
0x31: {  	[sflag:s16] =	ssyncset.done $0x0;
	(pc) =	sbr.rel @p0 .LBB2_2-.Ltmp1, $4  }
0x32: {  	[sflag:s16] =	ssyncadd.s32 $0xFFFFC000  }
0x33: {  	[spmem:s2] =	stream.indirect.scatter.add.f32 [tilespmem:s15], [sflag:$0x2], $0x80, s14, s14, $0xb8;
	[tilespmem:$0x18100] =	vst v63  }
0x34: {  	_ =	swait.ge [sflag:s13], $0x4000  }
0x35: {  	[sflag:s13] =	ssyncset.done $0x0  }
.LBB2_3:
0x36: {  	s17 =	sadd.s32 $0x1, s17  }
0x37: {  	[sflag:s13] =	ssyncadd.s32 $0xFFFFC000;
	p0 =	sne.s32 s17, s9  }
.Ltmp2:
0x38: {  	[bflag:$0x0] =	sbarrier.arrive $0xFFFF;
	(pc) =	sbr.rel @p0 .LBB2_1-.Ltmp2, $4  }
0x39: {  	[hbm:s8], [sflag:s7] =	dma.local [spmem:s12], $0x2800  }
0x3a: {  	_ =	swait.ge [sflag:s13], $0x2800  }
0x3b: {  	[sflag:s13] =	ssyncset.done $0x0  }
0x3c: {  	[sflag:s13] =	ssyncadd.s32 $0xFFFFD800  }
0x3d: {  	_ =	sfence.sel $0x180000  }
0x3e: {  	[bflag:$0x0] =	sbarrier.arrive $0xFFFF  }
0x3f: {  	p0 =	sne.s32 s1, $0x0;
	_ =	strace $0x90000053  }
0x40: {  	s0 =	sadd.s32 @!p0 $0x100000, s0;
	[bflag:$0x2] =	sbarrier.arrive $0xFFFF  }
0x41: {  	[sflag:s0] =	ssyncadd.tile.s32 @!p0 $0x1;
	_ =	shalt  }
.Lfunc_end2:
_tile_overlayer_lowered:
.L_overlay_start_2:
0x42: {  	(tag) =	ssettag $0x2  }
0x43: {  	s0 =	rddreg [dreg:$0x0];
	s2 =	stileid.u32  }
0x44: {  	s1 =	rddreg [dreg:$0x1];
	p0 =	sne.s32 s2, $0x0  }
0x45: {  	s3 =	rddreg [dreg:$0x2];
	[bflag:$0x3] =	sbarrier.arrive $0xFFFF;
	s2 =	simm.s32 @!p0 $0x1C02  }
0x46: {  	[timem:s3], [sflag:s2] =	dma.local @!p0 [hbm:s0], s1  }
0x47: {  	s0 =	simm.s32 @!p0 $0x2  }
0x48: {  	_ =	swait.ge @!p0 [sflag:s0], s1  }
0x49: {  	s1 =	ssub.s32 @!p0 $0x0, s1;
	[sflag:s0] =	ssyncset.done @!p0 $0x0  }
0x4a: {  	[sflag:s0] =	ssyncadd.s32 @!p0 s1  }
0x4b: {  	[bflag:$0x3] =	sbarrier.arrive $0xFFFF  }
0x4c: {  	_ =	shalt  }

// kernel: kernel.21.cloned.1.call-start
scs
__scs_entry_jumppad:
0x0: {  	(pc) =	sbr.rel $0x88, $3  }
0x1: {  	(tag) =	ssettag $0x0;
	lr =	simm.s32 $0x1  }
0x2: {  	[smem:$0x3F93] =	sst lr;
	_ =	strace $0xD0000000  }
0x3: {  	_ = 	snop  }
0x4: {  	_ = 	snop  }
0x5: {  	_ = 	snop  }
0x6: {  	_ = 	snop  }
0x7: {  	_ = 	snop  }
__scs_overlays_trampoline_lowered:
0x8: {  	[smem:$0x3FA2] =	sst s0  }
0x9: {  	[smem:$0x3FA3] =	sst s1  }
0xa: {  	[smem:$0x3FA4] =	sst s2  }
0xb: {  	[smem:$0x3FA5] =	sst s3  }
0xc: {  	[smem:$0x3FA6] =	sst s4  }
0xd: {  	[smem:$0x3FA7] =	sst s5  }
0xe: {  	[smem:$0x3FA8] =	sst s6  }
0xf: {  	[smem:$0x3FA9] =	sst s7  }
0x10: {  	[smem:$0x3FAA] =	sst s8  }
0x11: {  	[smem:$0x3FAB] =	sst s9;
	s0 =	simm.s32 @!p0 $0x0  }
0x12: {  	s1 =	sld [smem:$0x3F91];
	s0 =	simm.s32 @p0 $0x1  }
0x13: {  	[smem:$0x3FAC] =	sst s0;
	s0 =	simm.s32 @!p1 $0x0  }
0x14: {  	s2 =	sld [smem:$0x3F90];
	s0 =	simm.s32 @p1 $0x1  }
0x15: {  	[smem:$0x3FAD] =	sst s0;
	s0 =	simm.s32 @!p2 $0x0  }
0x16: {  	s3 =	sld [smem:$0x3FDB];
	s0 =	simm.s32 @p2 $0x1  }
0x17: {  	s4 =	simm.s32 $0x1BF5;
	[smem:$0x3FAF] =	sst s0  }
0x18: {  	s0 =	sld [smem:$0x3F92];
	_ =	swait.ge [sflag:s4], $0x0  }
0x19: {  	s7 =	sld [smem:$0x3F93]  }
0x1a: {  	s8 =	sadd.s32 $0xFFFFE003, lr  }
0x1b: {  	s9 =	sadd.s32 $0xFFFFFEF7, lr;
	s5 =	simm.s32 $0xFFFFFFFF;
	p2 =	slt.u32 s8, $0xFFFFF086  }
0x1c: {  	p1 =	slt.u32 s9, $0xF7A;
	s5 =	simm.s32 @!p2 $0x0  }
0x1d: {  	s5 =	simm.s32 @p1 $0x1;
	p0 =	seq.s32 s7, s2  }
0x1e: {  	s7 =	smul.u32 @!p0 $0xF7A, s2;
	p2 =	seq.s32 @!p0 s5, $0x0  }
0x1f: {  	s9 =	smul.u32 $0xF7A, s1;
	s8 =	simm.s32 @!p0 $0x1BF5;
	p2 =	por !p2, p0  }
0x20: {  	[sflag:s8] =	ssyncset.s32 @!p0 $0xFFFFF086;
	s6 =	sadd.s32 @!p0 s3, s7;
	s7 =	simm.s32 @!p0 $0x108  }
0x21: {  	s3 =	sadd.s32 s3, s9;
	s6 =	sadd.s32 @!p0 $0x88, s6;
	s7 =	simm.s32 @p2 $0x1082  }
0x22: {  	[simem:s7], [sflag:s8] =	dma.local @!p0 [hbm:s6], $0xF7A  }
0x23: {  	s9 =	sor.u32 $0xD0000000, s2;
	s6 =	simm.s32 $0x108;
	_ =	swait.ge @!p0 [sflag:s8], $0x0  }
0x24: {  	s3 =	sadd.s32 $0x88, s3;
	s6 =	simm.s32 @!p1 $0x1082;
	[sflag:s4] =	ssyncset.s32 $0xFFFFF086  }
0x25: {  	[simem:s6], [sflag:s4] =	dma.local [hbm:s3], $0xF7A  }
0x26: {  	[smem:$0x3F93] =	sst s1;
	(tag) =	ssettag s2;
	_ =	strace s9  }
0x27: {  	s1 =	sld [smem:$0x3FA3]  }
0x28: {  	s2 =	sld [smem:$0x3FA4]  }
0x29: {  	s4 =	sld [smem:$0x3FA6]  }
0x2a: {  	p0 =	seq.s32 s5, $0x0;
	s5 =	sld [smem:$0x3FA7]  }
0x2b: {  	s6 =	sld [smem:$0x3FA8]  }
0x2c: {  	s7 =	sld [smem:$0x3FA9]  }
0x2d: {  	s3 =	simm.s32 $0x108;
	s8 =	sld [smem:$0x3FAA]  }
0x2e: {  	s3 =	simm.s32 @!p0 $0x1082;
	s9 =	sld [smem:$0x3FAB]  }
0x2f: {  	lr =	sadd.s32 s0, s3;
	s0 =	sld [smem:$0x3FA2]  }
0x30: {  	s3 =	sld [smem:$0x3FA5]  }
0x31: {  	[smem:$0x3FAE] =	sst s10  }
0x32: {  	s10 =	sld [smem:$0x3FAC];
	_ =	sdelay $0x3  }
0x33: {  	p0 =	seq.s32 s10, $0x1;
	s10 =	sld [smem:$0x3FAE];
	_ =	sdelay $0x3  }
0x34: {  	[smem:$0x3FAE] =	sst s10  }
0x35: {  	s10 =	sld [smem:$0x3FAD];
	_ =	sdelay $0x3  }
0x36: {  	p1 =	seq.s32 s10, $0x1;
	s10 =	sld [smem:$0x3FAE];
	_ =	sdelay $0x3  }
0x37: {  	[smem:$0x3FAE] =	sst s10  }
0x38: {  	s10 =	sld [smem:$0x3FAF]  }
0x39: {  	_ = 	snop;
	(pc) =	sbr.ind lr, $3  }
0x3a: {  	_ = 	snop  }
0x3b: {  	_ = 	snop  }
0x3c: {  	p2 =	seq.s32 s10, $0x1;
	s10 =	sld [smem:$0x3FAE]  }
0x3d: {  	_ =	shalt  }
0x3e: {  	_ =	shalt  }
0x3f: {  	_ =	shalt  }
0x40: {  	_ =	shalt  }
0x41: {  	_ =	shalt  }
0x42: {  	_ =	shalt  }
0x43: {  	_ =	shalt  }
0x44: {  	_ =	shalt  }
0x45: {  	_ =	shalt  }
0x46: {  	_ =	shalt  }
0x47: {  	_ =	shalt  }
0x48: {  	_ =	shalt  }
0x49: {  	_ =	shalt  }
0x4a: {  	_ =	shalt  }
0x4b: {  	_ =	shalt  }
0x4c: {  	_ =	shalt  }
0x4d: {  	_ =	shalt  }
0x4e: {  	_ =	shalt  }
0x4f: {  	_ =	shalt  }
0x50: {  	_ =	shalt  }
0x51: {  	_ =	shalt  }
0x52: {  	_ =	shalt  }
0x53: {  	_ =	shalt  }
0x54: {  	_ =	shalt  }
0x55: {  	_ =	shalt  }
0x56: {  	_ =	shalt  }
0x57: {  	_ =	shalt  }
0x58: {  	_ =	shalt  }
0x59: {  	_ =	shalt  }
0x5a: {  	_ =	shalt  }
0x5b: {  	_ =	shalt  }
0x5c: {  	_ =	shalt  }
0x5d: {  	_ =	shalt  }
0x5e: {  	_ =	shalt  }
0x5f: {  	_ =	shalt  }
0x60: {  	_ =	shalt  }
0x61: {  	_ =	shalt  }
0x62: {  	_ =	shalt  }
0x63: {  	_ =	shalt  }
0x64: {  	_ =	shalt  }
0x65: {  	_ =	shalt  }
0x66: {  	_ =	shalt  }
0x67: {  	_ =	shalt  }
0x68: {  	_ =	shalt  }
0x69: {  	_ =	shalt  }
0x6a: {  	_ =	shalt  }
0x6b: {  	_ =	shalt  }
0x6c: {  	_ =	shalt  }
0x6d: {  	_ =	shalt  }
0x6e: {  	_ =	shalt  }
0x6f: {  	_ =	shalt  }
0x70: {  	_ =	shalt  }
0x71: {  	_ =	shalt  }
0x72: {  	_ =	shalt  }
0x73: {  	_ =	shalt  }
0x74: {  	_ =	shalt  }
0x75: {  	_ =	shalt  }
0x76: {  	_ =	shalt  }
0x77: {  	_ =	shalt  }
0x78: {  	_ =	shalt  }
0x79: {  	_ =	shalt  }
0x7a: {  	_ =	shalt  }
0x7b: {  	_ =	shalt  }
0x7c: {  	_ =	shalt  }
0x7d: {  	_ =	shalt  }
0x7e: {  	_ =	shalt  }
0x7f: {  	_ =	shalt  }
0x80: {  	_ =	shalt  }
0x81: {  	_ =	shalt  }
0x82: {  	_ =	shalt  }
0x83: {  	_ =	shalt  }
0x84: {  	_ =	shalt  }
0x85: {  	_ =	shalt  }
0x86: {  	_ =	shalt  }
0x87: {  	_ =	shalt  }
.Lfunc_end0:
.L_simem_size_0:
called_computation.3_lowered:
.L_overlay_start_0:
0x88: {  	s2 =	sld [smem:$0x3FD9]  }
0x89: {  	s3 =	sld [smem:$0x3FFE];
	_ =	sdelay $0x1  }
0x8a: {  	s1 =	srdreg.scid  }
0x8b: {  	s0 =	sand.u32 $0x1, s1  }
0x8c: {  	s14 =	sshll.u32 s0, $0xA;
	s2 =	sadd.s32 s3, s2  }
0x8d: {  	s2 =	sadd.s32 s2, s14  }
0x8e: {  	[smem:$0x3FBA] =	sst s2  }
0x8f: {  	_ = 	snop  }
0x90: {  	s2 =	sld [smem:$0x3FD0];
	_ =	sdelay $0x2  }
0x91: {  	s15 =	simm.s32 $0xB;
	s4 =	simm.s32 $0x10  }
0x92: {  	[smem:s4], [sflag:s15] =	dma.local [hbm:s2], $0x1  }
0x93: {  	_ =	swait.eq [sflag:s15], $0x1  }
0x94: {  	[sflag:s15] =	ssyncset.done $0x0  }
0x95: {  	[sflag:s15] =	ssyncadd.s32 $0xFFFFFFFF  }
0x96: {  	s16 =	sld [smem:$0x11];
	(tm) =	ssettm $0x1  }
0x97: {  	s17 =	sld [smem:$0x3FFB];
	_ =	sdelay $0x3  }
0x98: {  	_ =	strace s17  }
0x99: {  	s3 =	sld [smem:$0x3FFC];
	_ =	sdelay $0x3  }
0x9a: {  	_ =	strace s3  }
0x9b: {  	s3 =	sld [smem:$0x3FFD];
	_ =	sdelay $0x3  }
0x9c: {  	_ =	strace s3  }
0x9d: {  	_ =	strace $0x8FFFFFFF  }
0x9e: {  	s18 =	sld [smem:$0x3FDB];
	_ =	sdelay $0x1  }
0x9f: {  	s19 =	simm.s32 $_scs_section_size  }
0xa0: {  	s5 =	simm.s32 $_size__tile_overlayer_lowered;
	s6 =	simm.s32 $_tile_overlayer_lowered  }
0xa1: {  	s22 =	simm.s32 $0x1BFF;
	s21 =	sshll.u32 s6, $0x1;
	s3 =	sadd.s32 s19, s18  }
0xa2: {  	s7 =	simm.s32 $0x0;
	s20 =	sshll.u32 s5, $0x1;
	s5 =	sadd.s32 s21, s3  }
0xa3: {  	[timem:s7], [sflag:s22] =	dma.local [hbm:s5], s20  }
0xa4: {  	_ =	swait.ge [sflag:s22], s20  }
0xa5: {  	s4 =	ssub.s32 $0x0, s20;
	[sflag:s22] =	ssyncset.done $0x0  }
0xa6: {  	[sflag:s22] =	ssyncadd.s32 s4;
	_ =	sdelay $0x1  }
0xa7: {  	s23 =	simm.s32 $0x1B8B  }
0xa8: {  	_ =	swait.ge [sflag:s23], $0x1  }
0xa9: {  	[sflag:s23] =	ssyncset.done $0x0  }
0xaa: {  	s25 =	simm.s32 $0x1B8E;
	s24 =	sld [smem:$0x3FFE];
	[sflag:s23] =	ssyncadd.s32 $0xFFFFFFFF  }
0xab: {  	s26 =	simm.s32 $execute0_lowered;
	[smem:$0x3FD2] =	sst s25  }
0xac: {  	s5 =	sshll.u32 s26, $0x1;
	_ =	strace $0x80000049;
	[dreg:$0x1] =	wrdreg $0xFFFFFFFF  }
0xad: {  	s28 =	simm.s32 $_size_execute0_lowered;
	s3 =	sadd.s32 s3, s5;
	[dreg:$0x0] =	wrdreg $0x0  }
0xae: {  	s5 =	sshll.u32 s28, $0x1;
	[dreg:$0x2] =	wrdreg s3  }
0xaf: {  	[dreg:$0x3] =	wrdreg s5  }
0xb0: {  	[dreg:$0x4] =	wrdreg $0xC0  }
0xb1: {  	_ =	task [dreg:s7], $0x5FFFF  }
0xb2: {  	[dreg:$0x1] =	wrdreg $0xFFFFFFFF  }
0xb3: {  	[dreg:$0x0] =	wrdreg $0x60  }
0xb4: {  	[dreg:$0x2] =	wrdreg s24  }
0xb5: {  	[dreg:$0x3] =	wrdreg s16  }
0xb6: {  	[dreg:$0x4] =	wrdreg $0x41000  }
0xb7: {  	[dreg:$0x5] =	wrdreg $0xA  }
0xb8: {  	_ =	task.clear_ibuf [dreg:s7], $0x6FFFF;
	_ =	strace $0x90000049  }
0xb9: {  	s29 =	simm.s32 $0xA;
	_ =	strace $0x8000004B  }
0xba: {  	_ =	swait.ge [sflag:s29], $0x1  }
0xbb: {  	[sflag:s29] =	ssyncadd.s32 $0xFFFFFFFF  }
0xbc: {  	_ =	strace $0x9000004B  }
0xbd: {  	_ =	sfence  }
0xbe: {  	s30 =	sld [smem:$0x0];
	_ =	sdelay $0x2  }
0xbf: {  	s31 =	sshll.u32 s1, $0xD;
	s1 =	sshrl.u32 s1, $0x2  }
0xc0: {  	s3 =	sand.u32 $0x4000, s31;
	s1 =	sadd.s32 s1, s30  }
0xc1: {  	s0 =	sor.u32 s3, s0;
	s1 =	sshll.u32 s1, $0x11  }
0xc2: {  	s0 =	sor.u32 s1, s0  }
0xc3: {  	s0 =	sadd.s32 $0x8F2B, s0  }
0xc4: {  	[sflag:s0] =	ssyncadd.remote.s32 $0x1  }
0xc5: {  	_ =	sfence.sel $0xFFFF  }
0xc6: {  	[dreg:$0x0] =	wrdreg $0xFFFFFFFF;
	(pc) =	sbr.abs _section_cstart, $3  }
0xc7: {  	[dreg:$0x1] =	wrdreg $0xFFFFFFFF  }
0xc8: {  	_ =	task.clear_ibuf [dreg:s7], $0x2FFFF;
	_ =	strace $0x9FFFFFFF  }
0xc9: {  	(tm) =	ssettm $0x7FFFFFFF  }
tec
execute0_lowered:
.L_overlay_start_1:
0x0: {  	(tag) =	ssettag $0x1  }
0x1: {  	s5 =	rddreg [dreg:$0x0]  }
0x2: {  	s10 =	rddreg [dreg:$0x1]  }
0x3: {  	s2 =	rddreg [dreg:$0x2]  }
0x4: {  	s0 =	rddreg [dreg:$0x3];
	s1 =	stileid.u32  }
0x5: {  	s4 =	srdreg.scid;
	s6 =	smul.u32 $0x1F80, s1  }
0x6: {  	s3 =	simm.s32 $0x0;
	s7 =	sand.u32 $0x1, s4;
	s4 =	smul.u32 $0x2F80, s1  }
0x7: {  	s15 =	simm.s32 $0x100;
	s16 =	simm.s32 $0x1;
	s8 =	smul.u32 $0x14000, s1  }
0x8: {  	s17 =	simm.s32 $0x0;
	[smem:$0x7FF] =	sst s3;
	s28 =	smul.u32 $0x50000, s1  }
0x9: {  	s31 =	sshll.u32 s1, $0x6;
	p0 =	seq.s32 s7, $0x0;
	s9 =	smul.u32 $0x140000, s7  }
0xa: {  	_ =	strace $0x8000004A;
	s7 =	ssub.s32 $0x2, s7;
	s6 =	sadd.s32 $0x2F800, s6  }
0xb: {  	s26 =	sshrl.u32 s8, $0x3;
	s29 =	sshrl.u32 s7, $0x1;
	s30 =	sshrl.u32 s28, $0x2  }
0xc: {  	s6 =	smov.u32 @p0 s4;
	s4 =	sadd.s32 $0x69200, s5;
	s8 =	sadd.s32 s8, s9  }
0xd: {  	s13 =	ssub.s32 s7, s29;
	s14 =	sadd.s32 s30, s2;
	s7 =	sor.u32 $0x1C02, s31  }
0xe: {  	s11 =	sshrl.u32 s6, $0x3;
	s8 =	sshrl.u32 s8, $0x3;
	s6 =	sadd.s32 s26, s5  }
0xf: {  	s9 =	smax.u32 s13, $0x1;
	s13 =	simm.s32 $0x2;
	s12 =	sadd.s32 s11, s5  }
0x10: {  	s8 =	sadd.s32 s8, s5;
	s5 =	simm.s32 $0x5F;
	s6 =	sadd.s32 $0xE1200, s6  }
0x11: {  	s10 =	sadd.s32 s11, s10;
	s5 =	simm.s32 @!p0 $0x3F;
	s8 =	sadd.s32 $0x109200, s8  }
0x12: {  	s11 =	sadd.s32 $0x5600, s12;
	s12 =	sshrl.u32 s14, $0x3;
	s14 =	simm.s32 $0x80  }
.LBB2_1:
0x13: {  	[spmem:s12], [sflag:s7] =	dma.local [hbm:s6], $0x2800  }
0x14: {  	_ =	swait.ge [sflag:s13], $0x2800  }
0x15: {  	[sflag:s13] =	ssyncset.done $0x0  }
0x16: {  	[sflag:s13] =	ssyncadd.s32 $0xFFFFD800  }
0x17: {  	[bflag:$0x0] =	sbarrier.arrive $0xFFFF  }
0x18: {  	[tilespmem:s3], [sflag:$0x2] =	stream.linear.gather [hbm4b:s11+s3], $0x80, $0x38;
	[tilespmem:$0x18100] =	vst v63  }
0x19: {  	_ =	swait.ge [sflag:s13], $0x80  }
0x1a: {  	[sflag:s13] =	ssyncset.done $0x0  }
0x1b: {  	[sflag:s13] =	ssyncadd.s32 $0xFFFFFF80  }
0x1c: {  	[tilespmem:s14], [sflag:$0x2] =	stream.linear.gather [hbm4b:s10+s3], $0x80, $0x38;
	[tilespmem:$0x18100] =	vst v63  }
0x1d: {  	_ =	swait.ge [sflag:s13], $0x80  }
0x1e: {  	[sflag:s13] =	ssyncset.done $0x0  }
0x1f: {  	[sflag:s13] =	ssyncadd.s32 $0xFFFFFF80  }
0x20: {  	[tilespmem:s15], [sflag:$0x1] =	stream.indirect.gather [hbm4b:s4+s14], $0x80, s3, s14, $0xb8;
	[tilespmem:$0x18100] =	vst v63  }
0x21: {  	p0 =	sne.s32 s5, $0x1;
	_ =	swait.ge [sflag:s16], $0x4000  }
.Ltmp0:
0x22: {  	[sflag:s16] =	ssyncset.done $0x0;
	(pc) =	sbr.rel @!p0 .LBB2_3-.Ltmp0, $4  }
0x23: {  	[sflag:s16] =	ssyncadd.s32 $0xFFFFC000  }
0x24: {  	[spmem:s2] =	stream.indirect.scatter.add.f32 [tilespmem:s15], [sflag:$0x2], $0x80, s14, s14, $0xb8;
	[tilespmem:$0x18100] =	vst v63  }
0x25: {  	s18 =	sadd.s32 $0xFFFFFFFF, s5;
	_ =	swait.ge [sflag:s13], $0x4000  }
0x26: {  	s19 =	smov.u32 s10;
	s20 =	smov.u32 s11;
	[sflag:s13] =	ssyncset.done $0x0  }
.LBB2_2:
0x27: {  	[sflag:s13] =	ssyncadd.s32 $0xFFFFC000;
	s19 =	sadd.s32 $0x10, s19;
	s20 =	sadd.s32 $0x10, s20  }
0x28: {  	[tilespmem:s3], [sflag:$0x2] =	stream.linear.gather [hbm4b:s20+s3], $0x80, $0x38;
	[tilespmem:$0x18100] =	vst v63  }
0x29: {  	p0 =	sne.s32 s18, $0x1;
	s18 =	sadd.s32 $0xFFFFFFFF, s18;
	_ =	swait.ge [sflag:s13], $0x80  }
0x2a: {  	[sflag:s13] =	ssyncset.done $0x0  }
0x2b: {  	[sflag:s13] =	ssyncadd.s32 $0xFFFFFF80  }
0x2c: {  	[tilespmem:s14], [sflag:$0x2] =	stream.linear.gather [hbm4b:s19+s3], $0x80, $0x38;
	[tilespmem:$0x18100] =	vst v63  }
0x2d: {  	_ =	swait.ge [sflag:s13], $0x80  }
0x2e: {  	[sflag:s13] =	ssyncset.done $0x0  }
0x2f: {  	[sflag:s13] =	ssyncadd.s32 $0xFFFFFF80  }
0x30: {  	[tilespmem:s15], [sflag:$0x1] =	stream.indirect.gather [hbm4b:s4+s14], $0x80, s3, s14, $0xb8;
	[tilespmem:$0x18100] =	vst v63  }
0x31: {  	_ =	swait.ge [sflag:s16], $0x4000  }
.Ltmp1:
0x32: {  	[sflag:s16] =	ssyncset.done $0x0;
	(pc) =	sbr.rel @p0 .LBB2_2-.Ltmp1, $4  }
0x33: {  	[sflag:s16] =	ssyncadd.s32 $0xFFFFC000  }
0x34: {  	[spmem:s2] =	stream.indirect.scatter.add.f32 [tilespmem:s15], [sflag:$0x2], $0x80, s14, s14, $0xb8;
	[tilespmem:$0x18100] =	vst v63  }
0x35: {  	_ =	swait.ge [sflag:s13], $0x4000  }
0x36: {  	[sflag:s13] =	ssyncset.done $0x0  }
.LBB2_3:
0x37: {  	s17 =	sadd.s32 $0x1, s17  }
0x38: {  	[sflag:s13] =	ssyncadd.s32 $0xFFFFC000;
	p0 =	sne.s32 s17, s9  }
.Ltmp2:
0x39: {  	[bflag:$0x0] =	sbarrier.arrive $0xFFFF;
	(pc) =	sbr.rel @p0 .LBB2_1-.Ltmp2, $4  }
0x3a: {  	[hbm:s8], [sflag:s7] =	dma.local [spmem:s12], $0x2800  }
0x3b: {  	_ =	swait.ge [sflag:s13], $0x2800  }
0x3c: {  	[sflag:s13] =	ssyncset.done $0x0  }
0x3d: {  	[sflag:s13] =	ssyncadd.s32 $0xFFFFD800  }
0x3e: {  	_ =	sfence.sel $0x180000  }
0x3f: {  	[bflag:$0x0] =	sbarrier.arrive $0xFFFF  }
0x40: {  	p0 =	sne.s32 s1, $0x0;
	_ =	strace $0x9000004A  }
0x41: {  	s0 =	sadd.s32 @!p0 $0x100000, s0;
	[bflag:$0x2] =	sbarrier.arrive $0xFFFF  }
0x42: {  	[sflag:s0] =	ssyncadd.tile.s32 @!p0 $0x1;
	_ =	shalt  }
.Lfunc_end2:
_tile_overlayer_lowered:
.L_overlay_start_2:
0x43: {  	(tag) =	ssettag $0x2  }
0x44: {  	s0 =	rddreg [dreg:$0x0];
	s2 =	stileid.u32  }
0x45: {  	s1 =	rddreg [dreg:$0x1];
	p0 =	sne.s32 s2, $0x0  }
0x46: {  	s3 =	rddreg [dreg:$0x2];
	[bflag:$0x3] =	sbarrier.arrive $0xFFFF;
	s2 =	simm.s32 @!p0 $0x1C02  }
0x47: {  	[timem:s3], [sflag:s2] =	dma.local @!p0 [hbm:s0], s1  }
0x48: {  	s0 =	simm.s32 @!p0 $0x2  }
0x49: {  	_ =	swait.ge @!p0 [sflag:s0], s1  }
0x4a: {  	s1 =	ssub.s32 @!p0 $0x0, s1;
	[sflag:s0] =	ssyncset.done @!p0 $0x0  }
0x4b: {  	[sflag:s0] =	ssyncadd.s32 @!p0 s1  }
0x4c: {  	[bflag:$0x3] =	sbarrier.arrive $0xFFFF  }
0x4d: {  	_ =	shalt  }

// kernel: kernel.24.cloned.1.call-start
scs
__scs_entry_jumppad:
0x0: {  	(pc) =	sbr.rel $0x88, $3  }
0x1: {  	(tag) =	ssettag $0x0;
	lr =	simm.s32 $0x1  }
0x2: {  	[smem:$0x3F93] =	sst lr;
	_ =	strace $0xD0000000  }
0x3: {  	_ = 	snop  }
0x4: {  	_ = 	snop  }
0x5: {  	_ = 	snop  }
0x6: {  	_ = 	snop  }
0x7: {  	_ = 	snop  }
__scs_overlays_trampoline_lowered:
0x8: {  	[smem:$0x3FA2] =	sst s0  }
0x9: {  	[smem:$0x3FA3] =	sst s1  }
0xa: {  	[smem:$0x3FA4] =	sst s2  }
0xb: {  	[smem:$0x3FA5] =	sst s3  }
0xc: {  	[smem:$0x3FA6] =	sst s4  }
0xd: {  	[smem:$0x3FA7] =	sst s5  }
0xe: {  	[smem:$0x3FA8] =	sst s6  }
0xf: {  	[smem:$0x3FA9] =	sst s7  }
0x10: {  	[smem:$0x3FAA] =	sst s8  }
0x11: {  	[smem:$0x3FAB] =	sst s9;
	s0 =	simm.s32 @!p0 $0x0  }
0x12: {  	s1 =	sld [smem:$0x3F91];
	s0 =	simm.s32 @p0 $0x1  }
0x13: {  	[smem:$0x3FAC] =	sst s0;
	s0 =	simm.s32 @!p1 $0x0  }
0x14: {  	s2 =	sld [smem:$0x3F90];
	s0 =	simm.s32 @p1 $0x1  }
0x15: {  	[smem:$0x3FAD] =	sst s0;
	s0 =	simm.s32 @!p2 $0x0  }
0x16: {  	s3 =	sld [smem:$0x3FDB];
	s0 =	simm.s32 @p2 $0x1  }
0x17: {  	s4 =	simm.s32 $0x1BF5;
	[smem:$0x3FAF] =	sst s0  }
0x18: {  	s0 =	sld [smem:$0x3F92];
	_ =	swait.ge [sflag:s4], $0x0  }
0x19: {  	s7 =	sld [smem:$0x3F93]  }
0x1a: {  	s8 =	sadd.s32 $0xFFFFE003, lr  }
0x1b: {  	s9 =	sadd.s32 $0xFFFFFEF7, lr;
	s5 =	simm.s32 $0xFFFFFFFF;
	p2 =	slt.u32 s8, $0xFFFFF086  }
0x1c: {  	p1 =	slt.u32 s9, $0xF7A;
	s5 =	simm.s32 @!p2 $0x0  }
0x1d: {  	s5 =	simm.s32 @p1 $0x1;
	p0 =	seq.s32 s7, s2  }
0x1e: {  	s7 =	smul.u32 @!p0 $0xF7A, s2;
	p2 =	seq.s32 @!p0 s5, $0x0  }
0x1f: {  	s9 =	smul.u32 $0xF7A, s1;
	s8 =	simm.s32 @!p0 $0x1BF5;
	p2 =	por !p2, p0  }
0x20: {  	[sflag:s8] =	ssyncset.s32 @!p0 $0xFFFFF086;
	s6 =	sadd.s32 @!p0 s3, s7;
	s7 =	simm.s32 @!p0 $0x108  }
0x21: {  	s3 =	sadd.s32 s3, s9;
	s6 =	sadd.s32 @!p0 $0x88, s6;
	s7 =	simm.s32 @p2 $0x1082  }
0x22: {  	[simem:s7], [sflag:s8] =	dma.local @!p0 [hbm:s6], $0xF7A  }
0x23: {  	s9 =	sor.u32 $0xD0000000, s2;
	s6 =	simm.s32 $0x108;
	_ =	swait.ge @!p0 [sflag:s8], $0x0  }
0x24: {  	s3 =	sadd.s32 $0x88, s3;
	s6 =	simm.s32 @!p1 $0x1082;
	[sflag:s4] =	ssyncset.s32 $0xFFFFF086  }
0x25: {  	[simem:s6], [sflag:s4] =	dma.local [hbm:s3], $0xF7A  }
0x26: {  	[smem:$0x3F93] =	sst s1;
	(tag) =	ssettag s2;
	_ =	strace s9  }
0x27: {  	s1 =	sld [smem:$0x3FA3]  }
0x28: {  	s2 =	sld [smem:$0x3FA4]  }
0x29: {  	s4 =	sld [smem:$0x3FA6]  }
0x2a: {  	p0 =	seq.s32 s5, $0x0;
	s5 =	sld [smem:$0x3FA7]  }
0x2b: {  	s6 =	sld [smem:$0x3FA8]  }
0x2c: {  	s7 =	sld [smem:$0x3FA9]  }
0x2d: {  	s3 =	simm.s32 $0x108;
	s8 =	sld [smem:$0x3FAA]  }
0x2e: {  	s3 =	simm.s32 @!p0 $0x1082;
	s9 =	sld [smem:$0x3FAB]  }
0x2f: {  	lr =	sadd.s32 s0, s3;
	s0 =	sld [smem:$0x3FA2]  }
0x30: {  	s3 =	sld [smem:$0x3FA5]  }
0x31: {  	[smem:$0x3FAE] =	sst s10  }
0x32: {  	s10 =	sld [smem:$0x3FAC];
	_ =	sdelay $0x3  }
0x33: {  	p0 =	seq.s32 s10, $0x1;
	s10 =	sld [smem:$0x3FAE];
	_ =	sdelay $0x3  }
0x34: {  	[smem:$0x3FAE] =	sst s10  }
0x35: {  	s10 =	sld [smem:$0x3FAD];
	_ =	sdelay $0x3  }
0x36: {  	p1 =	seq.s32 s10, $0x1;
	s10 =	sld [smem:$0x3FAE];
	_ =	sdelay $0x3  }
0x37: {  	[smem:$0x3FAE] =	sst s10  }
0x38: {  	s10 =	sld [smem:$0x3FAF]  }
0x39: {  	_ = 	snop;
	(pc) =	sbr.ind lr, $3  }
0x3a: {  	_ = 	snop  }
0x3b: {  	_ = 	snop  }
0x3c: {  	p2 =	seq.s32 s10, $0x1;
	s10 =	sld [smem:$0x3FAE]  }
0x3d: {  	_ =	shalt  }
0x3e: {  	_ =	shalt  }
0x3f: {  	_ =	shalt  }
0x40: {  	_ =	shalt  }
0x41: {  	_ =	shalt  }
0x42: {  	_ =	shalt  }
0x43: {  	_ =	shalt  }
0x44: {  	_ =	shalt  }
0x45: {  	_ =	shalt  }
0x46: {  	_ =	shalt  }
0x47: {  	_ =	shalt  }
0x48: {  	_ =	shalt  }
0x49: {  	_ =	shalt  }
0x4a: {  	_ =	shalt  }
0x4b: {  	_ =	shalt  }
0x4c: {  	_ =	shalt  }
0x4d: {  	_ =	shalt  }
0x4e: {  	_ =	shalt  }
0x4f: {  	_ =	shalt  }
0x50: {  	_ =	shalt  }
0x51: {  	_ =	shalt  }
0x52: {  	_ =	shalt  }
0x53: {  	_ =	shalt  }
0x54: {  	_ =	shalt  }
0x55: {  	_ =	shalt  }
0x56: {  	_ =	shalt  }
0x57: {  	_ =	shalt  }
0x58: {  	_ =	shalt  }
0x59: {  	_ =	shalt  }
0x5a: {  	_ =	shalt  }
0x5b: {  	_ =	shalt  }
0x5c: {  	_ =	shalt  }
0x5d: {  	_ =	shalt  }
0x5e: {  	_ =	shalt  }
0x5f: {  	_ =	shalt  }
0x60: {  	_ =	shalt  }
0x61: {  	_ =	shalt  }
0x62: {  	_ =	shalt  }
0x63: {  	_ =	shalt  }
0x64: {  	_ =	shalt  }
0x65: {  	_ =	shalt  }
0x66: {  	_ =	shalt  }
0x67: {  	_ =	shalt  }
0x68: {  	_ =	shalt  }
0x69: {  	_ =	shalt  }
0x6a: {  	_ =	shalt  }
0x6b: {  	_ =	shalt  }
0x6c: {  	_ =	shalt  }
0x6d: {  	_ =	shalt  }
0x6e: {  	_ =	shalt  }
0x6f: {  	_ =	shalt  }
0x70: {  	_ =	shalt  }
0x71: {  	_ =	shalt  }
0x72: {  	_ =	shalt  }
0x73: {  	_ =	shalt  }
0x74: {  	_ =	shalt  }
0x75: {  	_ =	shalt  }
0x76: {  	_ =	shalt  }
0x77: {  	_ =	shalt  }
0x78: {  	_ =	shalt  }
0x79: {  	_ =	shalt  }
0x7a: {  	_ =	shalt  }
0x7b: {  	_ =	shalt  }
0x7c: {  	_ =	shalt  }
0x7d: {  	_ =	shalt  }
0x7e: {  	_ =	shalt  }
0x7f: {  	_ =	shalt  }
0x80: {  	_ =	shalt  }
0x81: {  	_ =	shalt  }
0x82: {  	_ =	shalt  }
0x83: {  	_ =	shalt  }
0x84: {  	_ =	shalt  }
0x85: {  	_ =	shalt  }
0x86: {  	_ =	shalt  }
0x87: {  	_ =	shalt  }
.Lfunc_end0:
.L_simem_size_0:
called_computation.4_lowered:
.L_overlay_start_0:
0x88: {  	s2 =	sld [smem:$0x3FD9]  }
0x89: {  	s3 =	sld [smem:$0x3FFE];
	_ =	sdelay $0x1  }
0x8a: {  	s1 =	srdreg.scid  }
0x8b: {  	s0 =	sand.u32 $0x1, s1  }
0x8c: {  	s15 =	sshll.u32 s0, $0xA;
	s2 =	sadd.s32 s3, s2  }
0x8d: {  	s2 =	sadd.s32 s2, s15  }
0x8e: {  	[smem:$0x3FBA] =	sst s2  }
0x8f: {  	_ = 	snop  }
0x90: {  	s2 =	sld [smem:$0x3FD0];
	_ =	sdelay $0x2  }
0x91: {  	s16 =	simm.s32 $0xB;
	s4 =	simm.s32 $0x10  }
0x92: {  	[smem:s4], [sflag:s16] =	dma.local [hbm:s2], $0x1  }
0x93: {  	_ =	swait.eq [sflag:s16], $0x1  }
0x94: {  	[sflag:s16] =	ssyncset.done $0x0  }
0x95: {  	[sflag:s16] =	ssyncadd.s32 $0xFFFFFFFF  }
0x96: {  	s17 =	sld [smem:$0x11];
	(tm) =	ssettm $0x1  }
0x97: {  	s18 =	sld [smem:$0x3FFB];
	_ =	sdelay $0x3  }
0x98: {  	_ =	strace s18  }
0x99: {  	s2 =	sld [smem:$0x3FFC];
	_ =	sdelay $0x3  }
0x9a: {  	_ =	strace s2  }
0x9b: {  	s2 =	sld [smem:$0x3FFD];
	_ =	sdelay $0x3  }
0x9c: {  	_ =	strace s2  }
0x9d: {  	_ =	strace $0x8FFFFFFF  }
0x9e: {  	s19 =	sld [smem:$0x3FDB];
	_ =	sdelay $0x1  }
0x9f: {  	s20 =	simm.s32 $_scs_section_size  }
0xa0: {  	s5 =	simm.s32 $_size__tile_overlayer_lowered;
	s6 =	simm.s32 $_tile_overlayer_lowered  }
0xa1: {  	s7 =	simm.s32 $0x1BFF;
	s21 =	sshll.u32 s6, $0x1;
	s4 =	sadd.s32 s20, s19  }
0xa2: {  	s22 =	simm.s32 $0x0;
	s5 =	sshll.u32 s5, $0x1;
	s6 =	sadd.s32 s21, s4  }
0xa3: {  	[timem:s22], [sflag:s7] =	dma.local [hbm:s6], s5  }
0xa4: {  	_ =	swait.ge [sflag:s7], s5  }
0xa5: {  	s5 =	ssub.s32 $0x0, s5;
	[sflag:s7] =	ssyncset.done $0x0  }
0xa6: {  	[sflag:s7] =	ssyncadd.s32 s5;
	_ =	sdelay $0x1  }
0xa7: {  	s23 =	simm.s32 $0x1B8B  }
0xa8: {  	_ =	swait.ge [sflag:s23], $0x1  }
0xa9: {  	[sflag:s23] =	ssyncset.done $0x0  }
0xaa: {  	[sflag:s23] =	ssyncadd.s32 $0xFFFFFFFF  }
0xab: {  	s5 =	sld [smem:$0x0]  }
0xac: {  	s6 =	sand.u32 $0xFFFFFFFE, s1  }
0xad: {  	p0 =	sne.s32 s1, s6  }
0xae: {  	s6 =	sshll.u32 @p0 s6, $0xE  }
0xaf: {  	s6 =	sadd.s32 @p0 $0x11B8D, s6;
	s7 =	sshll.u32 @p0 s5, $0x11  }
0xb0: {  	s6 =	sor.u32 @p0 s7, s6  }
0xb1: {  	[sflag:s6] =	ssyncadd.remote.s32 @p0 $0x1;
	_ =	sdelay $0x1  }
0xb2: {  	s6 =	simm.s32 @p0 $0x1B8D  }
0xb3: {  	_ =	swait.eq @p0 [sflag:s6], $0x1  }
0xb4: {  	[sflag:s6] =	ssyncadd.s32 @p0 $0xFFFFFFFF  }
0xb5: {  	s7 =	sshll.u32 @!p0 s1, $0xE  }
0xb6: {  	s7 =	sor.u32 @!p0 $0x4000, s7;
	s6 =	simm.s32 @!p0 $0x1B8D  }
0xb7: {  	s5 =	sshll.u32 @!p0 s5, $0x11;
	s7 =	sadd.s32 @!p0 $0x11B8D, s7;
	_ =	swait.eq @!p0 [sflag:s6], $0x1  }
0xb8: {  	s5 =	sor.u32 @!p0 s5, s7;
	[sflag:s6] =	ssyncadd.s32 @!p0 $0xFFFFFFFF  }
0xb9: {  	s25 =	simm.s32 $0x1B8E;
	s24 =	sld [smem:$0x3FFE];
	[sflag:s5] =	ssyncadd.remote.s32 @!p0 $0x1  }
0xba: {  	s26 =	simm.s32 $execute0_lowered;
	[smem:$0x3FD2] =	sst s25  }
0xbb: {  	s6 =	sshll.u32 s26, $0x1;
	_ =	strace $0x8000004F;
	[dreg:$0x1] =	wrdreg $0xFFFFFFFF  }
0xbc: {  	s28 =	simm.s32 $_size_execute0_lowered;
	s4 =	sadd.s32 s4, s6;
	[dreg:$0x0] =	wrdreg $0x0  }
0xbd: {  	s6 =	sshll.u32 s28, $0x1;
	[dreg:$0x2] =	wrdreg s4  }
0xbe: {  	[dreg:$0x3] =	wrdreg s6  }
0xbf: {  	[dreg:$0x4] =	wrdreg $0xC0  }
0xc0: {  	_ =	task [dreg:s22], $0x5FFFF  }
0xc1: {  	[dreg:$0x1] =	wrdreg $0xFFFFFFFF  }
0xc2: {  	[dreg:$0x0] =	wrdreg $0x60  }
0xc3: {  	[dreg:$0x2] =	wrdreg s24  }
0xc4: {  	[dreg:$0x3] =	wrdreg s17  }
0xc5: {  	[dreg:$0x4] =	wrdreg $0x41000  }
0xc6: {  	[dreg:$0x5] =	wrdreg $0xA  }
0xc7: {  	_ =	task.clear_ibuf [dreg:s22], $0x6FFFF;
	_ =	strace $0x9000004F  }
0xc8: {  	s29 =	simm.s32 $0xA;
	_ =	strace $0x80000051  }
0xc9: {  	_ =	swait.ge [sflag:s29], $0x1  }
0xca: {  	[sflag:s29] =	ssyncadd.s32 $0xFFFFFFFF  }
0xcb: {  	_ =	strace $0x90000051  }
0xcc: {  	_ =	sfence  }
0xcd: {  	s30 =	sld [smem:$0x0];
	_ =	sdelay $0x2  }
0xce: {  	s31 =	sshll.u32 s1, $0xD;
	s1 =	sshrl.u32 s1, $0x2  }
0xcf: {  	s4 =	sand.u32 $0x4000, s31;
	s1 =	sadd.s32 s1, s30  }
0xd0: {  	s0 =	sor.u32 s4, s0;
	s1 =	sshll.u32 s1, $0x11  }
0xd1: {  	s0 =	sor.u32 s1, s0  }
0xd2: {  	s0 =	sadd.s32 $0x8F2B, s0  }
0xd3: {  	[sflag:s0] =	ssyncadd.remote.s32 $0x1  }
0xd4: {  	_ =	sfence.sel $0xFFFF  }
0xd5: {  	[dreg:$0x0] =	wrdreg $0xFFFFFFFF;
	(pc) =	sbr.abs _section_cstart, $3  }
0xd6: {  	[dreg:$0x1] =	wrdreg $0xFFFFFFFF  }
0xd7: {  	_ =	task.clear_ibuf [dreg:s22], $0x2FFFF;
	_ =	strace $0x9FFFFFFF  }
0xd8: {  	(tm) =	ssettm $0x7FFFFFFF  }
0xd9: {  	_ =	shalt  }
tec
execute0_lowered:
.L_overlay_start_1:
0x0: {  	(tag) =	ssettag $0x1  }
0x1: {  	s5 =	rddreg [dreg:$0x0]  }
0x2: {  	s10 =	rddreg [dreg:$0x1]  }
0x3: {  	s2 =	rddreg [dreg:$0x2]  }
0x4: {  	s0 =	rddreg [dreg:$0x3];
	s1 =	stileid.u32  }
0x5: {  	s4 =	srdreg.scid;
	s6 =	smul.u32 $0x1F80, s1  }
0x6: {  	s3 =	simm.s32 $0x0;
	s7 =	sand.u32 $0x1, s4;
	s4 =	smul.u32 $0x2F80, s1  }
0x7: {  	s15 =	simm.s32 $0x100;
	s16 =	simm.s32 $0x1;
	s8 =	smul.u32 $0x14000, s1  }
0x8: {  	s17 =	simm.s32 $0x0;
	[smem:$0x7FF] =	sst s3;
	s28 =	smul.u32 $0x50000, s1  }
0x9: {  	s31 =	sshll.u32 s1, $0x6;
	p0 =	seq.s32 s7, $0x0;
	s9 =	smul.u32 $0x140000, s7  }
0xa: {  	_ =	strace $0x80000050;
	s7 =	ssub.s32 $0x2, s7;
	s6 =	sadd.s32 $0x2F800, s6  }
0xb: {  	s26 =	sshrl.u32 s8, $0x3;
	s29 =	sshrl.u32 s7, $0x1;
	s30 =	sshrl.u32 s28, $0x2  }
0xc: {  	s6 =	smov.u32 @p0 s4;
	s4 =	sadd.s32 $0x41200, s5;
	s8 =	sadd.s32 s8, s9  }
0xd: {  	s13 =	ssub.s32 s7, s29;
	s14 =	sadd.s32 s30, s2;
	s7 =	sor.u32 $0x1C02, s31  }
0xe: {  	s11 =	sshrl.u32 s6, $0x3;
	s8 =	sshrl.u32 s8, $0x3;
	s6 =	sadd.s32 s26, s5  }
0xf: {  	s9 =	smax.u32 s13, $0x1;
	s13 =	simm.s32 $0x2;
	s12 =	sadd.s32 s11, s5  }
0x10: {  	s8 =	sadd.s32 s8, s5;
	s5 =	simm.s32 $0x5F;
	s6 =	sadd.s32 $0xE1200, s6  }
0x11: {  	s10 =	sadd.s32 s11, s10;
	s5 =	simm.s32 @!p0 $0x3F;
	s8 =	sadd.s32 $0x109200, s8  }
0x12: {  	s11 =	sadd.s32 $0x5600, s12;
	s12 =	sshrl.u32 s14, $0x3;
	s14 =	simm.s32 $0x80  }
.LBB2_1:
0x13: {  	[spmem:s12], [sflag:s7] =	dma.local [hbm:s6], $0x2800  }
0x14: {  	_ =	swait.ge [sflag:s13], $0x2800  }
0x15: {  	[sflag:s13] =	ssyncset.done $0x0  }
0x16: {  	[sflag:s13] =	ssyncadd.s32 $0xFFFFD800  }
0x17: {  	[bflag:$0x0] =	sbarrier.arrive $0xFFFF  }
0x18: {  	[tilespmem:s3], [sflag:$0x2] =	stream.linear.gather [hbm4b:s11+s3], $0x80, $0x38;
	[tilespmem:$0x18100] =	vst v63  }
0x19: {  	_ =	swait.ge [sflag:s13], $0x80  }
0x1a: {  	[sflag:s13] =	ssyncset.done $0x0  }
0x1b: {  	[sflag:s13] =	ssyncadd.s32 $0xFFFFFF80  }
0x1c: {  	[tilespmem:s14], [sflag:$0x2] =	stream.linear.gather [hbm4b:s10+s3], $0x80, $0x38;
	[tilespmem:$0x18100] =	vst v63  }
0x1d: {  	_ =	swait.ge [sflag:s13], $0x80  }
0x1e: {  	[sflag:s13] =	ssyncset.done $0x0  }
0x1f: {  	[sflag:s13] =	ssyncadd.s32 $0xFFFFFF80  }
0x20: {  	[tilespmem:s15], [sflag:$0x1] =	stream.indirect.gather [hbm4b:s4+s14], $0x80, s3, s14, $0xb8;
	[tilespmem:$0x18100] =	vst v63  }
0x21: {  	p0 =	sne.s32 s5, $0x1;
	_ =	swait.ge [sflag:s16], $0x4000  }
.Ltmp0:
0x22: {  	[sflag:s16] =	ssyncset.done $0x0;
	(pc) =	sbr.rel @!p0 .LBB2_3-.Ltmp0, $4  }
0x23: {  	[sflag:s16] =	ssyncadd.s32 $0xFFFFC000  }
0x24: {  	[spmem:s2] =	stream.indirect.scatter.add.f32 [tilespmem:s15], [sflag:$0x2], $0x80, s14, s14, $0xb8;
	[tilespmem:$0x18100] =	vst v63  }
0x25: {  	s18 =	sadd.s32 $0xFFFFFFFF, s5;
	_ =	swait.ge [sflag:s13], $0x4000  }
0x26: {  	s19 =	smov.u32 s10;
	s20 =	smov.u32 s11;
	[sflag:s13] =	ssyncset.done $0x0  }
.LBB2_2:
0x27: {  	[sflag:s13] =	ssyncadd.s32 $0xFFFFC000;
	s19 =	sadd.s32 $0x10, s19;
	s20 =	sadd.s32 $0x10, s20  }
0x28: {  	[tilespmem:s3], [sflag:$0x2] =	stream.linear.gather [hbm4b:s20+s3], $0x80, $0x38;
	[tilespmem:$0x18100] =	vst v63  }
0x29: {  	p0 =	sne.s32 s18, $0x1;
	s18 =	sadd.s32 $0xFFFFFFFF, s18;
	_ =	swait.ge [sflag:s13], $0x80  }
0x2a: {  	[sflag:s13] =	ssyncset.done $0x0  }
0x2b: {  	[sflag:s13] =	ssyncadd.s32 $0xFFFFFF80  }
0x2c: {  	[tilespmem:s14], [sflag:$0x2] =	stream.linear.gather [hbm4b:s19+s3], $0x80, $0x38;
	[tilespmem:$0x18100] =	vst v63  }
0x2d: {  	_ =	swait.ge [sflag:s13], $0x80  }
0x2e: {  	[sflag:s13] =	ssyncset.done $0x0  }
0x2f: {  	[sflag:s13] =	ssyncadd.s32 $0xFFFFFF80  }
0x30: {  	[tilespmem:s15], [sflag:$0x1] =	stream.indirect.gather [hbm4b:s4+s14], $0x80, s3, s14, $0xb8;
	[tilespmem:$0x18100] =	vst v63  }
0x31: {  	_ =	swait.ge [sflag:s16], $0x4000  }
.Ltmp1:
0x32: {  	[sflag:s16] =	ssyncset.done $0x0;
	(pc) =	sbr.rel @p0 .LBB2_2-.Ltmp1, $4  }
0x33: {  	[sflag:s16] =	ssyncadd.s32 $0xFFFFC000  }
0x34: {  	[spmem:s2] =	stream.indirect.scatter.add.f32 [tilespmem:s15], [sflag:$0x2], $0x80, s14, s14, $0xb8;
	[tilespmem:$0x18100] =	vst v63  }
0x35: {  	_ =	swait.ge [sflag:s13], $0x4000  }
0x36: {  	[sflag:s13] =	ssyncset.done $0x0  }
.LBB2_3:
0x37: {  	s17 =	sadd.s32 $0x1, s17  }
0x38: {  	[sflag:s13] =	ssyncadd.s32 $0xFFFFC000;
	p0 =	sne.s32 s17, s9  }
.Ltmp2:
0x39: {  	[bflag:$0x0] =	sbarrier.arrive $0xFFFF;
	(pc) =	sbr.rel @p0 .LBB2_1-.Ltmp2, $4  }
0x3a: {  	[hbm:s8], [sflag:s7] =	dma.local [spmem:s12], $0x2800  }
0x3b: {  	_ =	swait.ge [sflag:s13], $0x2800  }
0x3c: {  	[sflag:s13] =	ssyncset.done $0x0  }
0x3d: {  	[sflag:s13] =	ssyncadd.s32 $0xFFFFD800  }
0x3e: {  	_ =	sfence.sel $0x180000  }
0x3f: {  	[bflag:$0x0] =	sbarrier.arrive $0xFFFF  }
0x40: {  	p0 =	sne.s32 s1, $0x0;
	_ =	strace $0x90000050  }
0x41: {  	s0 =	sadd.s32 @!p0 $0x100000, s0;
	[bflag:$0x2] =	sbarrier.arrive $0xFFFF  }
0x42: {  	[sflag:s0] =	ssyncadd.tile.s32 @!p0 $0x1;
	_ =	shalt  }
.Lfunc_end2:
_tile_overlayer_lowered:
.L_overlay_start_2:
0x43: {  	(tag) =	ssettag $0x2  }
0x44: {  	s0 =	rddreg [dreg:$0x0];
	s2 =	stileid.u32  }
0x45: {  	s1 =	rddreg [dreg:$0x1];
	p0 =	sne.s32 s2, $0x0  }
0x46: {  	s3 =	rddreg [dreg:$0x2];
	[bflag:$0x3] =	sbarrier.arrive $0xFFFF;
	s2 =	simm.s32 @!p0 $0x1C02  }
0x47: {  	[timem:s3], [sflag:s2] =	dma.local @!p0 [hbm:s0], s1  }
0x48: {  	s0 =	simm.s32 @!p0 $0x2  }
0x49: {  	_ =	swait.ge @!p0 [sflag:s0], s1  }
0x4a: {  	s1 =	ssub.s32 @!p0 $0x0, s1;
	[sflag:s0] =	ssyncset.done @!p0 $0x0  }
0x4b: {  	[sflag:s0] =	ssyncadd.s32 @!p0 s1  }
0x4c: {  	[bflag:$0x3] =	sbarrier.arrive $0xFFFF  }
0x4d: {  	_ =	shalt  }

</sc_bundles>
